<compile_context>
chip_gen: v7x
topology: tpu7x:2x2x1
jax: 0.10.2.dev20260603
libtpu: 0.0.44.dev20260713+nightly
codegen_flags: <defaults>
</compile_context>

<pallas_src>
import functools

import jax
import jax.numpy as jnp
from jax import lax
from jax.experimental import pallas as pl
from jax.experimental.pallas import tpu as pltpu
from jax.experimental.pallas import tpu_sc as plsc

N = 10000
E = 320000
F = 128
R = 16
R4F = 512
NT = 4

NC, NS, L = 2, 16, 16
CH = 40
NROWS_ALL = E // CH
RPT = NROWS_ALL // NS
NROW = 640
N_PAD = NROW * NS
ZR = 20
NROW_LAST = N - NROW * (NS - 1)

BN = 2000
BE = 6400
KA = 32



def _node_tc_body(s_ref, v_ref, w1t_ref, b1_ref, w2t_ref, b2_ref, g_ref):
    t = pl.program_id(0)
    h = jnp.dot(s_ref[...], w1t_ref[...], preferred_element_type=jnp.float32)
    h = h + b1_ref[...]
    h = h * jax.nn.sigmoid(h)
    g = jnp.dot(h, w2t_ref[...], preferred_element_type=jnp.float32) + b2_ref[...]
    g_ref[...] = jnp.where(t == 1, g * v_ref[...], g)


def _edge_tc_body(r1t_ref, r2t_ref, fcu_ref, wrt_ref, w_ref):
    fc1 = fcu_ref[0:1, :]
    fc2 = fcu_ref[1:2, :]
    u1 = fcu_ref[2:3, :]
    u2 = fcu_ref[3:4, :]
    a = fc1 * r1t_ref[...] + fc2 * r2t_ref[...]
    lhs = jnp.concatenate(
        [a, fc1 + fc2, jnp.zeros((KA - R - 1, a.shape[1]), jnp.float32)],
        axis=0)
    dn = (((0,), (0,)), ((), ()))
    for t, fac in ((0, None), (1, None), (2, u1), (3, u2)):
        lhs_t = lhs if fac is None else lhs * fac
        w_ref[t] = lax.dot_general(
            lhs_t, wrt_ref[:, t * F:(t + 1) * F], dn,
            preferred_element_type=jnp.float32)


def _combine_tc_body(s_ref, v_ref, p_ref, os_ref, ov_ref):
    os_ref[...] = s_ref[...] + p_ref[0]
    ov_ref[...] = v_ref[...] + (p_ref[1] + p_ref[2] + p_ref[3])



_sc_mesh = plsc.VectorSubcoreMesh(core_axis_name="c", subcore_axis_name="s")

@functools.partial(
    pl.kernel,
    out_type=jax.ShapeDtypeStruct((NT, N, F), jnp.float32),
    mesh=_sc_mesh,
    scratch_types=[
        [pltpu.VMEM((CH,), jnp.int32)] * 4,
        [pltpu.VMEM((CH,), jnp.int32)] * 4,
        [pltpu.VMEM((CH, F), jnp.float32)] * 2,
        [pltpu.VMEM((CH, F), jnp.float32)] * 2,
        [pltpu.VMEM((CH, F), jnp.float32)] * 2,
        pltpu.VMEM((ZR, F), jnp.float32),
        pltpu.VMEM_SHARED((N_PAD, F), jnp.float32),
        [pltpu.SemaphoreType.DMA] * 2,
        [pltpu.SemaphoreType.DMA] * 2,
        [pltpu.SemaphoreType.DMA] * 2,
        [pltpu.SemaphoreType.DMA] * 4,
        [pltpu.SemaphoreType.DMA] * 4,
    ],
)
def _sc_scatter4(g_hbm, w_hbm, idxj_hbm, idxi_hbm, out_hbm,
                 rj, ri, g_b, w_b, m_b, z_v, acc,
                 sem_g, sem_w, sem_s, sem_j, sem_i):
    cid = lax.axis_index("c")
    sid = lax.axis_index("s")
    nbase = pl.multiple_of(sid * NROW, 8)

    zero = jnp.zeros((L,), jnp.float32)

    def zrow(rr, carry):
        for k in range(F // L):
            z_v[rr, pl.ds(k * L, L)] = zero
        return carry

    lax.fori_loop(0, ZR, zrow, 0)

    def zero_acc():
        for q in range(NROW // ZR):
            pltpu.sync_copy(z_v, acc.at[pl.ds(nbase + q * ZR, ZR)])

    def compute(g_v, w_v, m_v):
        def edge(c, icarry):
            for k in range(F // L):
                m_v[c, pl.ds(k * L, L)] = (
                    g_v[c, pl.ds(k * L, L)] * w_v[c, pl.ds(k * L, L)])
            return icarry

        lax.fori_loop(0, CH, edge, 0)

    def run_task(tid):
        rbase = sid * RPT

        def issue_idx(r, sl):
            e0 = pl.multiple_of((rbase + r) * CH, 8)
            pltpu.async_copy(idxj_hbm.at[pl.ds(tid * E + e0, CH)],
                             rj[sl], sem_j[sl])
            pltpu.async_copy(idxi_hbm.at[pl.ds(e0, CH)], ri[sl], sem_i[sl])

        def wait_j(sl):
            pltpu.make_async_copy(idxi_hbm.at[pl.ds(0, CH)], rj[sl],
                                  sem_j[sl]).wait()

        def wait_i(sl):
            pltpu.make_async_copy(idxi_hbm.at[pl.ds(0, CH)], ri[sl],
                                  sem_i[sl]).wait()

        def issue_gw(r, p, sl):
            pltpu.async_copy(g_hbm.at[rj[sl]], g_b[p], sem_g[p])
            e0 = pl.multiple_of((rbase + r) * CH, 8)
            pltpu.async_copy(w_hbm.at[tid, pl.ds(e0, CH)], w_b[p], sem_w[p])

        def wait_in(p):
            pltpu.make_async_copy(g_hbm.at[pl.ds(0, CH)], g_b[p], sem_g[p]).wait()
            pltpu.make_async_copy(w_hbm.at[0, pl.ds(0, CH)], w_b[p],
                                  sem_w[p]).wait()

        def wait_scatter(p):
            pltpu.make_async_copy(m_b[p], acc.at[pl.ds(0, CH)], sem_s[p]).wait()

        issue_idx(0, 0)
        issue_idx(1, 1)
        wait_j(0)
        issue_gw(0, 0, 0)

        def quad(q, icarry):
            for jj in range(4):
                r = 4 * q + jj
                p = jj % 2
                sl1 = (jj + 1) % 4
                sl2 = (jj + 2) % 4

                @pl.when(r >= 2)
                def _ws():
                    wait_scatter(p)

                @pl.when(r + 1 < RPT)
                def _next_gw():
                    wait_j(sl1)
                    issue_gw(r + 1, 1 - p, sl1)

                @pl.when(r + 2 < RPT)
                def _next_idx():
                    issue_idx(r + 2, sl2)

                wait_in(p)
                compute(g_b[p], w_b[p], m_b[p])
                wait_i(jj)
                pltpu.async_copy(m_b[p], acc.at[ri[jj]], sem_s[p], add=True)
            return icarry

        lax.fori_loop(0, RPT // 4, quad, 0)
        wait_scatter(0)
        wait_scatter(1)

    def copy_out(tid):
        @pl.when(sid != NS - 1)
        def _copy_full():
            pltpu.sync_copy(acc.at[pl.ds(nbase, NROW)],
                            out_hbm.at[tid, pl.ds(nbase, NROW)])

        @pl.when(sid == NS - 1)
        def _copy_tail():
            pltpu.sync_copy(acc.at[pl.ds(nbase, NROW_LAST)],
                            out_hbm.at[tid, pl.ds(nbase, NROW_LAST)])

    for q in range(NT // NC):
        tid = cid * (NT // NC) + q
        zero_acc()
        plsc.subcore_barrier()
        run_task(tid)
        plsc.subcore_barrier()
        copy_out(tid)



def kernel(s, v, radial_embeddings_1, radial_embeddings_2, f_cut_1, f_cut_2,
           unit_vectors_1, unit_vectors_2, edge_index, W1, b1, W2, b2, Wr, br):
    idx_i = edge_index[0].astype(jnp.int32)
    idx_j = edge_index[1].astype(jnp.int32)
    idxj4 = (idx_j[None, :]
             + (jnp.arange(NT, dtype=jnp.int32) * N)[:, None]).reshape(NT * E)
    r1t = radial_embeddings_1.T
    r2t = radial_embeddings_2.T
    fcu = jnp.concatenate(
        [jnp.stack([f_cut_1, f_cut_2, unit_vectors_1, unit_vectors_2]),
         jnp.zeros((4, E), jnp.float32)], axis=0)
    wrt_aug = jnp.concatenate(
        [Wr.T, br[None, :], jnp.zeros((KA - R - 1, R4F), jnp.float32)],
        axis=0)

    g4 = pl.pallas_call(
        _node_tc_body,
        grid=(NT, N // BN),
        in_specs=[
            pl.BlockSpec((BN, F), lambda t, i: (i, 0)),
            pl.BlockSpec((BN, F), lambda t, i: (i, 0)),
            pl.BlockSpec((F, F), lambda t, i: (0, 0)),
            pl.BlockSpec((1, F), lambda t, i: (0, 0)),
            pl.BlockSpec((F, F), lambda t, i: (0, t)),
            pl.BlockSpec((1, F), lambda t, i: (0, t)),
        ],
        out_specs=pl.BlockSpec((BN, F), lambda t, i: (t * (N // BN) + i, 0)),
        out_shape=jax.ShapeDtypeStruct((NT * N, F), jnp.float32),
    )(s, v, W1.T, b1.reshape(1, F), W2.T, b2.reshape(1, R4F))

    w4 = pl.pallas_call(
        _edge_tc_body,
        grid=(E // BE,),
        in_specs=[
            pl.BlockSpec((R, BE), lambda i: (0, i)),
            pl.BlockSpec((R, BE), lambda i: (0, i)),
            pl.BlockSpec((8, BE), lambda i: (0, i)),
            pl.BlockSpec((KA, R4F), lambda i: (0, 0)),
        ],
        out_specs=pl.BlockSpec((NT, BE, F), lambda i: (0, i, 0)),
        out_shape=jax.ShapeDtypeStruct((NT, E, F), jnp.float32),
    )(r1t, r2t, fcu, wrt_aug)

    p4 = _sc_scatter4(g4, w4, idxj4, idx_i)

    out_s, out_v = pl.pallas_call(
        _combine_tc_body,
        grid=(N // BN,),
        in_specs=[
            pl.BlockSpec((BN, F), lambda i: (i, 0)),
            pl.BlockSpec((BN, F), lambda i: (i, 0)),
            pl.BlockSpec((NT, BN, F), lambda i: (0, i, 0)),
        ],
        out_specs=[
            pl.BlockSpec((BN, F), lambda i: (i, 0)),
            pl.BlockSpec((BN, F), lambda i: (i, 0)),
        ],
        out_shape=[
            jax.ShapeDtypeStruct((N, F), jnp.float32),
            jax.ShapeDtypeStruct((N, F), jnp.float32),
        ],
    )(s, v, p4)

    return out_s, out_v

# --- scband reference (transcript-rebuilt; emitter-appended) ---
"""Pipeline reference for scband-dual-message-block-40475771797588 (READ-ONLY COPY).

The authoritative reference and input builder live on the scoring server;
editing this copy changes nothing except your own understanding.
"""

import jax, jax.numpy as jnp
import numpy as np

N_NODES = 10000
N_EDGES = 320000
F = 128
R = 16

def setup_inputs(seed: int = 0) -> dict:
    key = jax.random.key(seed)
    ks = jax.random.split(key, 16)
    inp = {}
    inp['s'] = jax.random.normal(ks[0], (N_NODES, F), dtype=jnp.float32)
    inp['v'] = jax.random.normal(ks[1], (N_NODES, F), dtype=jnp.float32)
    inp['radial_embeddings_1'] = jax.random.normal(ks[2], (N_EDGES, R), dtype=jnp.float32)
    inp['radial_embeddings_2'] = jax.random.normal(ks[3], (N_EDGES, R), dtype=jnp.float32)
    inp['f_cut_1'] = jax.random.uniform(ks[4], (N_EDGES,), dtype=jnp.float32)
    inp['f_cut_2'] = jax.random.uniform(ks[5], (N_EDGES,), dtype=jnp.float32)
    inp['unit_vectors_1'] = jax.random.normal(ks[6], (N_EDGES,), dtype=jnp.float32)
    inp['unit_vectors_2'] = jax.random.normal(ks[7], (N_EDGES,), dtype=jnp.float32)
    inp['edge_index'] = jax.random.randint(ks[8], (2, N_EDGES), 0, N_NODES, dtype=jnp.int64 if jax.config.jax_enable_x64 else jnp.int32)
    # learned params: mlp_phi = Linear(F,F) -> SiLU -> Linear(F,4F); linear_W = Linear(R,4F)
    inp['W1'] = jax.random.normal(ks[9], (F, F), dtype=jnp.float32) / np.sqrt(F)
    inp['b1'] = jnp.zeros((F,), dtype=jnp.float32)
    inp['W2'] = jax.random.normal(ks[10], (4 * F, F), dtype=jnp.float32) / np.sqrt(F)
    inp['b2'] = jnp.zeros((4 * F,), dtype=jnp.float32)
    inp['Wr'] = jax.random.normal(ks[11], (4 * F, R), dtype=jnp.float32) / np.sqrt(R)
    inp['br'] = jnp.zeros((4 * F,), dtype=jnp.float32)
    return inp

def reference(s, v, radial_embeddings_1, radial_embeddings_2, f_cut_1, f_cut_2, unit_vectors_1, unit_vectors_2, edge_index, W1, b1, W2, b2, Wr, br):
    idx_i, idx_j = edge_index[0], edge_index[1]
    n_nodes = s.shape[0]
    num_features = W1.shape[0]
    # mlp_phi
    h = jax.nn.silu(s @ W1.T + b1)
    phi = h @ W2.T + b2  # [N, 4F]
    # linear_W applied to both radial embeddings, weighted by cutoffs
    W = (radial_embeddings_1 @ Wr.T + br) * f_cut_1[..., None] + (radial_embeddings_2 @ Wr.T + br) * f_cut_2[..., None]  # [E, 4F]
    x = jnp.take(phi, idx_j, axis=0) * W  # gather + elementwise, [E, 4F]
    x_s, x_vv, x_vs_1, x_vs_2 = jnp.split(x, 4, axis=-1)
    ds = jax.ops.segment_sum(x_s, idx_i, num_segments=n_nodes)  # scatter-add
    x_v = jnp.take(v, idx_j, axis=0) * x_vv + x_vs_1 * unit_vectors_1[..., None] + x_vs_2 * unit_vectors_2[..., None]
    dv = jax.ops.segment_sum(x_v, idx_i, num_segments=n_nodes)
    return (s + ds, v + dv)

if __name__ == "__main__":
    import jax
    _d = setup_inputs()
    print(jax.jit(kernel)(*tuple(_d.values())))

</pallas_src>

<mosaic_0001>
#map = affine_map<(d0, d1) -> (0, 0)>
#map1 = affine_map<(d0, d1) -> (0, 0, 0)>
#map2 = affine_map<(d0, d1) -> (0)>
module attributes {stable_mosaic.version = 14 : i64} {
  func.func @_sc_scatter4(%arg0: i32, %arg1: i32, %arg2: memref<40000x128xf32, #tpu.memory_space<hbm>>, %arg3: memref<4x320000x128xf32, #tpu.memory_space<hbm>>, %arg4: memref<1280000xi32, #tpu.memory_space<hbm>>, %arg5: memref<320000xi32, #tpu.memory_space<hbm>>, %arg6: memref<4x10000x128xf32, #tpu.memory_space<hbm>>, %arg7: memref<40xi32, #tpu.memory_space<vmem>>, %arg8: memref<40xi32, #tpu.memory_space<vmem>>, %arg9: memref<40xi32, #tpu.memory_space<vmem>>, %arg10: memref<40xi32, #tpu.memory_space<vmem>>, %arg11: memref<40xi32, #tpu.memory_space<vmem>>, %arg12: memref<40xi32, #tpu.memory_space<vmem>>, %arg13: memref<40xi32, #tpu.memory_space<vmem>>, %arg14: memref<40xi32, #tpu.memory_space<vmem>>, %arg15: memref<40x128xf32, #tpu.memory_space<vmem>>, %arg16: memref<40x128xf32, #tpu.memory_space<vmem>>, %arg17: memref<40x128xf32, #tpu.memory_space<vmem>>, %arg18: memref<40x128xf32, #tpu.memory_space<vmem>>, %arg19: memref<40x128xf32, #tpu.memory_space<vmem>>, %arg20: memref<40x128xf32, #tpu.memory_space<vmem>>, %arg21: memref<20x128xf32, #tpu.memory_space<vmem>>, %arg22: memref<10240x128xf32, #tpu.memory_space<vmem_shared>>, %arg23: memref<!tpu.dma_semaphore, #tpu.memory_space<semaphore_mem>>, %arg24: memref<!tpu.dma_semaphore, #tpu.memory_space<semaphore_mem>>, %arg25: memref<!tpu.dma_semaphore, #tpu.memory_space<semaphore_mem>>, %arg26: memref<!tpu.dma_semaphore, #tpu.memory_space<semaphore_mem>>, %arg27: memref<!tpu.dma_semaphore, #tpu.memory_space<semaphore_mem>>, %arg28: memref<!tpu.dma_semaphore, #tpu.memory_space<semaphore_mem>>, %arg29: memref<!tpu.dma_semaphore, #tpu.memory_space<semaphore_mem>>, %arg30: memref<!tpu.dma_semaphore, #tpu.memory_space<semaphore_mem>>, %arg31: memref<!tpu.dma_semaphore, #tpu.memory_space<semaphore_mem>>, %arg32: memref<!tpu.dma_semaphore, #tpu.memory_space<semaphore_mem>>, %arg33: memref<!tpu.dma_semaphore, #tpu.memory_space<semaphore_mem>>, %arg34: memref<!tpu.dma_semaphore, #tpu.memory_space<semaphore_mem>>, %arg35: memref<!tpu.dma_semaphore, #tpu.memory_space<semaphore_mem>>, %arg36: memref<!tpu.dma_semaphore, #tpu.memory_space<semaphore_mem>>) attributes {dimension_semantics = [#tpu.dimension_semantics<core_parallel>, #tpu.dimension_semantics<subcore_parallel>], iteration_bounds = array<i64: 2, 16>, scalar_prefetch = 0 : i64, scratch_operands = 30 : i64, tpu.core_type = #tpu.core_type<sc_vector_subcore>, window_params = [{transform_indices = #map}, {transform_indices = #map1}, {transform_indices = #map2}, {transform_indices = #map2}, {transform_indices = #map1}]} {
    %mul3A = arith.constant 640 : i32
    %mul3A_0 = arith.muli %arg1, %mul3A : i32
    %multiple_of3A = tpu.assume_multiple %mul3A_0, 8 : i32
    %broadcast_in_dim3A = arith.constant 0.000000e+00 : f32
    %broadcast_in_dim3A_1 = vector.broadcast %broadcast_in_dim3A : f32 to vector<16xf32>
    %scan3A = arith.constant 0 : i32
    %scan3A_2 = arith.constant 0 : i32
    %scan3A_3 = arith.constant 20 : i32
    %scan3A_4 = arith.addi %scan3A_2, %scan3A_3 : i32
    %scan3A_5 = arith.constant 1 : i32
    scf.for %scan3A_283 = %scan3A_2 to %scan3A_4 step %scan3A_5  : i32 {
      %swap3A = arith.index_cast %scan3A_283 : i32 to index
      %swap3A_284 = arith.constant 0 : index
      %swap3A_285 = tpu.vector_load %arg21[%swap3A, %swap3A_284] {strides = array<i32>} : memref<20x128xf32, #tpu.memory_space<vmem>>, vector<1x16xf32>,
      %swap3A_286 = vector.shape_cast %swap3A_285 : vector<1x16xf32> to vector<16xf32>
      %swap3A_287 = vector.shape_cast %broadcast_in_dim3A_1 : vector<16xf32> to vector<1x16xf32>
      tpu.vector_store %arg21[%swap3A, %swap3A_284], %swap3A_287 {strides = array<i32>} : memref<20x128xf32, #tpu.memory_space<vmem>>, vector<1x16xf32>,
      %swap3A_288 = arith.index_cast %scan3A_283 : i32 to index
      %swap3A_289 = arith.constant 16 : index
      %swap3A_290 = tpu.vector_load %arg21[%swap3A_288, %swap3A_289] {strides = array<i32>} : memref<20x128xf32, #tpu.memory_space<vmem>>, vector<1x16xf32>,
      %swap3A_291 = vector.shape_cast %swap3A_290 : vector<1x16xf32> to vector<16xf32>
      %swap3A_292 = vector.shape_cast %broadcast_in_dim3A_1 : vector<16xf32> to vector<1x16xf32>
      tpu.vector_store %arg21[%swap3A_288, %swap3A_289], %swap3A_292 {strides = array<i32>} : memref<20x128xf32, #tpu.memory_space<vmem>>, vector<1x16xf32>,
      %swap3A_293 = arith.index_cast %scan3A_283 : i32 to index
      %swap3A_294 = arith.constant 32 : index
      %swap3A_295 = tpu.vector_load %arg21[%swap3A_293, %swap3A_294] {strides = array<i32>} : memref<20x128xf32, #tpu.memory_space<vmem>>, vector<1x16xf32>,
      %swap3A_296 = vector.shape_cast %swap3A_295 : vector<1x16xf32> to vector<16xf32>
      %swap3A_297 = vector.shape_cast %broadcast_in_dim3A_1 : vector<16xf32> to vector<1x16xf32>
      tpu.vector_store %arg21[%swap3A_293, %swap3A_294], %swap3A_297 {strides = array<i32>} : memref<20x128xf32, #tpu.memory_space<vmem>>, vector<1x16xf32>,
      %swap3A_298 = arith.index_cast %scan3A_283 : i32 to index
      %swap3A_299 = arith.constant 48 : index
      %swap3A_300 = tpu.vector_load %arg21[%swap3A_298, %swap3A_299] {strides = array<i32>} : memref<20x128xf32, #tpu.memory_space<vmem>>, vector<1x16xf32>,
      %swap3A_301 = vector.shape_cast %swap3A_300 : vector<1x16xf32> to vector<16xf32>
      %swap3A_302 = vector.shape_cast %broadcast_in_dim3A_1 : vector<16xf32> to vector<1x16xf32>
      tpu.vector_store %arg21[%swap3A_298, %swap3A_299], %swap3A_302 {strides = array<i32>} : memref<20x128xf32, #tpu.memory_space<vmem>>, vector<1x16xf32>,
      %swap3A_303 = arith.index_cast %scan3A_283 : i32 to index
      %swap3A_304 = arith.constant 64 : index
      %swap3A_305 = tpu.vector_load %arg21[%swap3A_303, %swap3A_304] {strides = array<i32>} : memref<20x128xf32, #tpu.memory_space<vmem>>, vector<1x16xf32>,
      %swap3A_306 = vector.shape_cast %swap3A_305 : vector<1x16xf32> to vector<16xf32>
      %swap3A_307 = vector.shape_cast %broadcast_in_dim3A_1 : vector<16xf32> to vector<1x16xf32>
      tpu.vector_store %arg21[%swap3A_303, %swap3A_304], %swap3A_307 {strides = array<i32>} : memref<20x128xf32, #tpu.memory_space<vmem>>, vector<1x16xf32>,
      %swap3A_308 = arith.index_cast %scan3A_283 : i32 to index
      %swap3A_309 = arith.constant 80 : index
      %swap3A_310 = tpu.vector_load %arg21[%swap3A_308, %swap3A_309] {strides = array<i32>} : memref<20x128xf32, #tpu.memory_space<vmem>>, vector<1x16xf32>,
      %swap3A_311 = vector.shape_cast %swap3A_310 : vector<1x16xf32> to vector<16xf32>
      %swap3A_312 = vector.shape_cast %broadcast_in_dim3A_1 : vector<16xf32> to vector<1x16xf32>
      tpu.vector_store %arg21[%swap3A_308, %swap3A_309], %swap3A_312 {strides = array<i32>} : memref<20x128xf32, #tpu.memory_space<vmem>>, vector<1x16xf32>,
      %swap3A_313 = arith.index_cast %scan3A_283 : i32 to index
      %swap3A_314 = arith.constant 96 : index
      %swap3A_315 = tpu.vector_load %arg21[%swap3A_313, %swap3A_314] {strides = array<i32>} : memref<20x128xf32, #tpu.memory_space<vmem>>, vector<1x16xf32>,
      %swap3A_316 = vector.shape_cast %swap3A_315 : vector<1x16xf32> to vector<16xf32>
      %swap3A_317 = vector.shape_cast %broadcast_in_dim3A_1 : vector<16xf32> to vector<1x16xf32>
      tpu.vector_store %arg21[%swap3A_313, %swap3A_314], %swap3A_317 {strides = array<i32>} : memref<20x128xf32, #tpu.memory_space<vmem>>, vector<1x16xf32>,
      %swap3A_318 = arith.index_cast %scan3A_283 : i32 to index
      %swap3A_319 = arith.constant 112 : index
      %swap3A_320 = tpu.vector_load %arg21[%swap3A_318, %swap3A_319] {strides = array<i32>} : memref<20x128xf32, #tpu.memory_space<vmem>>, vector<1x16xf32>,
      %swap3A_321 = vector.shape_cast %swap3A_320 : vector<1x16xf32> to vector<16xf32>
      %swap3A_322 = vector.shape_cast %broadcast_in_dim3A_1 : vector<16xf32> to vector<1x16xf32>
      tpu.vector_store %arg21[%swap3A_318, %swap3A_319], %swap3A_322 {strides = array<i32>} : memref<20x128xf32, #tpu.memory_space<vmem>>, vector<1x16xf32>,
    }
    %scan3A_6 = arith.constant 20 : i32
    %mul3A_7 = arith.constant 2 : i32
    %mul3A_8 = arith.muli %arg0, %mul3A_7 : i32
    %add3A = arith.constant 0 : i32
    %add3A_9 = arith.addi %mul3A_8, %add3A : i32
    %add3A_10 = arith.constant 0 : i32
    %add3A_11 = arith.addi %multiple_of3A, %add3A_10 : i32
    "tpu.region"() ({
      %run_scoped3A = tpu.sem_alloc : memref<!tpu.dma_semaphore, #tpu.memory_space<semaphore_mem>>
      %dma_start3A_283 = arith.constant 0 : i32
      %dma_start3A_284 = tpu.memref_slice %arg22[%add3A_11, %dma_start3A_283] : memref<10240x128xf32, #tpu.memory_space<vmem_shared>> -> memref<20x128xf32, #tpu.memory_space<vmem_shared>>
      %dma_start3A_285 = arith.constant 0 : i32
      %dma_start3A_286 = tpu.memref_slice %arg22[%add3A_11, %dma_start3A_285] : memref<10240x128xf32, #tpu.memory_space<vmem_shared>> -> memref<20x128xf32, #tpu.memory_space<vmem_shared>>
      tpu.enqueue_dma source(%arg21 : memref<20x128xf32, #tpu.memory_space<vmem>>) target(%dma_start3A_286 : memref<20x128xf32, #tpu.memory_space<vmem_shared>>) target_semaphore(%run_scoped3A : memref<!tpu.dma_semaphore, #tpu.memory_space<semaphore_mem>>)
      %dma_wait3A_287 = arith.constant 0 : i32
      %dma_wait3A_288 = tpu.memref_slice %arg22[%add3A_11, %dma_wait3A_287] : memref<10240x128xf32, #tpu.memory_space<vmem_shared>> -> memref<20x128xf32, #tpu.memory_space<vmem_shared>>
      %dma_wait3A_289 = arith.constant 0 : i32
      %dma_wait3A_290 = tpu.memref_slice %arg22[%add3A_11, %dma_wait3A_289] : memref<10240x128xf32, #tpu.memory_space<vmem_shared>> -> memref<20x128xf32, #tpu.memory_space<vmem_shared>>
      tpu.wait_dma2 semaphore(%run_scoped3A : memref<!tpu.dma_semaphore, #tpu.memory_space<semaphore_mem>>) src(%arg21 : memref<20x128xf32, #tpu.memory_space<vmem>>) dst(%dma_wait3A_290 : memref<20x128xf32, #tpu.memory_space<vmem_shared>>)
      tpu.yield
    }) : () -> ()
    %add3A_12 = arith.constant 20 : i32
    %add3A_13 = arith.addi %multiple_of3A, %add3A_12 : i32
    "tpu.region"() ({
      %run_scoped3A = tpu.sem_alloc : memref<!tpu.dma_semaphore, #tpu.memory_space<semaphore_mem>>
      %dma_start3A_283 = arith.constant 0 : i32
      %dma_start3A_284 = tpu.memref_slice %arg22[%add3A_13, %dma_start3A_283] : memref<10240x128xf32, #tpu.memory_space<vmem_shared>> -> memref<20x128xf32, #tpu.memory_space<vmem_shared>>
      %dma_start3A_285 = arith.constant 0 : i32
      %dma_start3A_286 = tpu.memref_slice %arg22[%add3A_13, %dma_start3A_285] : memref<10240x128xf32, #tpu.memory_space<vmem_shared>> -> memref<20x128xf32, #tpu.memory_space<vmem_shared>>
      tpu.enqueue_dma source(%arg21 : memref<20x128xf32, #tpu.memory_space<vmem>>) target(%dma_start3A_286 : memref<20x128xf32, #tpu.memory_space<vmem_shared>>) target_semaphore(%run_scoped3A : memref<!tpu.dma_semaphore, #tpu.memory_space<semaphore_mem>>)
      %dma_wait3A_287 = arith.constant 0 : i32
      %dma_wait3A_288 = tpu.memref_slice %arg22[%add3A_13, %dma_wait3A_287] : memref<10240x128xf32, #tpu.memory_space<vmem_shared>> -> memref<20x128xf32, #tpu.memory_space<vmem_shared>>
      %dma_wait3A_289 = arith.constant 0 : i32
      %dma_wait3A_290 = tpu.memref_slice %arg22[%add3A_13, %dma_wait3A_289] : memref<10240x128xf32, #tpu.memory_space<vmem_shared>> -> memref<20x128xf32, #tpu.memory_space<vmem_shared>>
      tpu.wait_dma2 semaphore(%run_scoped3A : memref<!tpu.dma_semaphore, #tpu.memory_space<semaphore_mem>>) src(%arg21 : memref<20x128xf32, #tpu.memory_space<vmem>>) dst(%dma_wait3A_290 : memref<20x128xf32, #tpu.memory_space<vmem_shared>>)
      tpu.yield
    }) : () -> ()
    %add3A_14 = arith.constant 40 : i32
    %add3A_15 = arith.addi %multiple_of3A, %add3A_14 : i32
    "tpu.region"() ({
      %run_scoped3A = tpu.sem_alloc : memref<!tpu.dma_semaphore, #tpu.memory_space<semaphore_mem>>
      %dma_start3A_283 = arith.constant 0 : i32
      %dma_start3A_284 = tpu.memref_slice %arg22[%add3A_15, %dma_start3A_283] : memref<10240x128xf32, #tpu.memory_space<vmem_shared>> -> memref<20x128xf32, #tpu.memory_space<vmem_shared>>
      %dma_start3A_285 = arith.constant 0 : i32
      %dma_start3A_286 = tpu.memref_slice %arg22[%add3A_15, %dma_start3A_285] : memref<10240x128xf32, #tpu.memory_space<vmem_shared>> -> memref<20x128xf32, #tpu.memory_space<vmem_shared>>
      tpu.enqueue_dma source(%arg21 : memref<20x128xf32, #tpu.memory_space<vmem>>) target(%dma_start3A_286 : memref<20x128xf32, #tpu.memory_space<vmem_shared>>) target_semaphore(%run_scoped3A : memref<!tpu.dma_semaphore, #tpu.memory_space<semaphore_mem>>)
      %dma_wait3A_287 = arith.constant 0 : i32
      %dma_wait3A_288 = tpu.memref_slice %arg22[%add3A_15, %dma_wait3A_287] : memref<10240x128xf32, #tpu.memory_space<vmem_shared>> -> memref<20x128xf32, #tpu.memory_space<vmem_shared>>
      %dma_wait3A_289 = arith.constant 0 : i32
      %dma_wait3A_290 = tpu.memref_slice %arg22[%add3A_15, %dma_wait3A_289] : memref<10240x128xf32, #tpu.memory_space<vmem_shared>> -> memref<20x128xf32, #tpu.memory_space<vmem_shared>>
      tpu.wait_dma2 semaphore(%run_scoped3A : memref<!tpu.dma_semaphore, #tpu.memory_space<semaphore_mem>>) src(%arg21 : memref<20x128xf32, #tpu.memory_space<vmem>>) dst(%dma_wait3A_290 : memref<20x128xf32, #tpu.memory_space<vmem_shared>>)
      tpu.yield
    }) : () -> ()
    %add3A_16 = arith.constant 60 : i32
    %add3A_17 = arith.addi %multiple_of3A, %add3A_16 : i32
    "tpu.region"() ({
      %run_scoped3A = tpu.sem_alloc : memref<!tpu.dma_semaphore, #tpu.memory_space<semaphore_mem>>
      %dma_start3A_283 = arith.constant 0 : i32
      %dma_start3A_284 = tpu.memref_slice %arg22[%add3A_17, %dma_start3A_283] : memref<10240x128xf32, #tpu.memory_space<vmem_shared>> -> memref<20x128xf32, #tpu.memory_space<vmem_shared>>
      %dma_start3A_285 = arith.constant 0 : i32
      %dma_start3A_286 = tpu.memref_slice %arg22[%add3A_17, %dma_start3A_285] : memref<10240x128xf32, #tpu.memory_space<vmem_shared>> -> memref<20x128xf32, #tpu.memory_space<vmem_shared>>
      tpu.enqueue_dma source(%arg21 : memref<20x128xf32, #tpu.memory_space<vmem>>) target(%dma_start3A_286 : memref<20x128xf32, #tpu.memory_space<vmem_shared>>) target_semaphore(%run_scoped3A : memref<!tpu.dma_semaphore, #tpu.memory_space<semaphore_mem>>)
      %dma_wait3A_287 = arith.constant 0 : i32
      %dma_wait3A_288 = tpu.memref_slice %arg22[%add3A_17, %dma_wait3A_287] : memref<10240x128xf32, #tpu.memory_space<vmem_shared>> -> memref<20x128xf32, #tpu.memory_space<vmem_shared>>
      %dma_wait3A_289 = arith.constant 0 : i32
      %dma_wait3A_290 = tpu.memref_slice %arg22[%add3A_17, %dma_wait3A_289] : memref<10240x128xf32, #tpu.memory_space<vmem_shared>> -> memref<20x128xf32, #tpu.memory_space<vmem_shared>>
      tpu.wait_dma2 semaphore(%run_scoped3A : memref<!tpu.dma_semaphore, #tpu.memory_space<semaphore_mem>>) src(%arg21 : memref<20x128xf32, #tpu.memory_space<vmem>>) dst(%dma_wait3A_290 : memref<20x128xf32, #tpu.memory_space<vmem_shared>>)
      tpu.yield
    }) : () -> ()
    %add3A_18 = arith.constant 80 : i32
    %add3A_19 = arith.addi %multiple_of3A, %add3A_18 : i32
    "tpu.region"() ({
      %run_scoped3A = tpu.sem_alloc : memref<!tpu.dma_semaphore, #tpu.memory_space<semaphore_mem>>
      %dma_start3A_283 = arith.constant 0 : i32
      %dma_start3A_284 = tpu.memref_slice %arg22[%add3A_19, %dma_start3A_283] : memref<10240x128xf32, #tpu.memory_space<vmem_shared>> -> memref<20x128xf32, #tpu.memory_space<vmem_shared>>
      %dma_start3A_285 = arith.constant 0 : i32
      %dma_start3A_286 = tpu.memref_slice %arg22[%add3A_19, %dma_start3A_285] : memref<10240x128xf32, #tpu.memory_space<vmem_shared>> -> memref<20x128xf32, #tpu.memory_space<vmem_shared>>
      tpu.enqueue_dma source(%arg21 : memref<20x128xf32, #tpu.memory_space<vmem>>) target(%dma_start3A_286 : memref<20x128xf32, #tpu.memory_space<vmem_shared>>) target_semaphore(%run_scoped3A : memref<!tpu.dma_semaphore, #tpu.memory_space<semaphore_mem>>)
      %dma_wait3A_287 = arith.constant 0 : i32
      %dma_wait3A_288 = tpu.memref_slice %arg22[%add3A_19, %dma_wait3A_287] : memref<10240x128xf32, #tpu.memory_space<vmem_shared>> -> memref<20x128xf32, #tpu.memory_space<vmem_shared>>
      %dma_wait3A_289 = arith.constant 0 : i32
      %dma_wait3A_290 = tpu.memref_slice %arg22[%add3A_19, %dma_wait3A_289] : memref<10240x128xf32, #tpu.memory_space<vmem_shared>> -> memref<20x128xf32, #tpu.memory_space<vmem_shared>>
      tpu.wait_dma2 semaphore(%run_scoped3A : memref<!tpu.dma_semaphore, #tpu.memory_space<semaphore_mem>>) src(%arg21 : memref<20x128xf32, #tpu.memory_space<vmem>>) dst(%dma_wait3A_290 : memref<20x128xf32, #tpu.memory_space<vmem_shared>>)
      tpu.yield
    }) : () -> ()
    %add3A_20 = arith.constant 100 : i32
    %add3A_21 = arith.addi %multiple_of3A, %add3A_20 : i32
    "tpu.region"() ({
      %run_scoped3A = tpu.sem_alloc : memref<!tpu.dma_semaphore, #tpu.memory_space<semaphore_mem>>
      %dma_start3A_283 = arith.constant 0 : i32
      %dma_start3A_284 = tpu.memref_slice %arg22[%add3A_21, %dma_start3A_283] : memref<10240x128xf32, #tpu.memory_space<vmem_shared>> -> memref<20x128xf32, #tpu.memory_space<vmem_shared>>
      %dma_start3A_285 = arith.constant 0 : i32
      %dma_start3A_286 = tpu.memref_slice %arg22[%add3A_21, %dma_start3A_285] : memref<10240x128xf32, #tpu.memory_space<vmem_shared>> -> memref<20x128xf32, #tpu.memory_space<vmem_shared>>
      tpu.enqueue_dma source(%arg21 : memref<20x128xf32, #tpu.memory_space<vmem>>) target(%dma_start3A_286 : memref<20x128xf32, #tpu.memory_space<vmem_shared>>) target_semaphore(%run_scoped3A : memref<!tpu.dma_semaphore, #tpu.memory_space<semaphore_mem>>)
      %dma_wait3A_287 = arith.constant 0 : i32
      %dma_wait3A_288 = tpu.memref_slice %arg22[%add3A_21, %dma_wait3A_287] : memref<10240x128xf32, #tpu.memory_space<vmem_shared>> -> memref<20x128xf32, #tpu.memory_space<vmem_shared>>
      %dma_wait3A_289 = arith.constant 0 : i32
      %dma_wait3A_290 = tpu.memref_slice %arg22[%add3A_21, %dma_wait3A_289] : memref<10240x128xf32, #tpu.memory_space<vmem_shared>> -> memref<20x128xf32, #tpu.memory_space<vmem_shared>>
      tpu.wait_dma2 semaphore(%run_scoped3A : memref<!tpu.dma_semaphore, #tpu.memory_space<semaphore_mem>>) src(%arg21 : memref<20x128xf32, #tpu.memory_space<vmem>>) dst(%dma_wait3A_290 : memref<20x128xf32, #tpu.memory_space<vmem_shared>>)
      tpu.yield
    }) : () -> ()
    %add3A_22 = arith.constant 120 : i32
    %add3A_23 = arith.addi %multiple_of3A, %add3A_22 : i32
    "tpu.region"() ({
      %run_scoped3A = tpu.sem_alloc : memref<!tpu.dma_semaphore, #tpu.memory_space<semaphore_mem>>
      %dma_start3A_283 = arith.constant 0 : i32
      %dma_start3A_284 = tpu.memref_slice %arg22[%add3A_23, %dma_start3A_283] : memref<10240x128xf32, #tpu.memory_space<vmem_shared>> -> memref<20x128xf32, #tpu.memory_space<vmem_shared>>
      %dma_start3A_285 = arith.constant 0 : i32
      %dma_start3A_286 = tpu.memref_slice %arg22[%add3A_23, %dma_start3A_285] : memref<10240x128xf32, #tpu.memory_space<vmem_shared>> -> memref<20x128xf32, #tpu.memory_space<vmem_shared>>
      tpu.enqueue_dma source(%arg21 : memref<20x128xf32, #tpu.memory_space<vmem>>) target(%dma_start3A_286 : memref<20x128xf32, #tpu.memory_space<vmem_shared>>) target_semaphore(%run_scoped3A : memref<!tpu.dma_semaphore, #tpu.memory_space<semaphore_mem>>)
      %dma_wait3A_287 = arith.constant 0 : i32
      %dma_wait3A_288 = tpu.memref_slice %arg22[%add3A_23, %dma_wait3A_287] : memref<10240x128xf32, #tpu.memory_space<vmem_shared>> -> memref<20x128xf32, #tpu.memory_space<vmem_shared>>
      %dma_wait3A_289 = arith.constant 0 : i32
      %dma_wait3A_290 = tpu.memref_slice %arg22[%add3A_23, %dma_wait3A_289] : memref<10240x128xf32, #tpu.memory_space<vmem_shared>> -> memref<20x128xf32, #tpu.memory_space<vmem_shared>>
      tpu.wait_dma2 semaphore(%run_scoped3A : memref<!tpu.dma_semaphore, #tpu.memory_space<semaphore_mem>>) src(%arg21 : memref<20x128xf32, #tpu.memory_space<vmem>>) dst(%dma_wait3A_290 : memref<20x128xf32, #tpu.memory_space<vmem_shared>>)
      tpu.yield
    }) : () -> ()
    %add3A_24 = arith.constant 140 : i32
    %add3A_25 = arith.addi %multiple_of3A, %add3A_24 : i32
    "tpu.region"() ({
      %run_scoped3A = tpu.sem_alloc : memref<!tpu.dma_semaphore, #tpu.memory_space<semaphore_mem>>
      %dma_start3A_283 = arith.constant 0 : i32
      %dma_start3A_284 = tpu.memref_slice %arg22[%add3A_25, %dma_start3A_283] : memref<10240x128xf32, #tpu.memory_space<vmem_shared>> -> memref<20x128xf32, #tpu.memory_space<vmem_shared>>
      %dma_start3A_285 = arith.constant 0 : i32
      %dma_start3A_286 = tpu.memref_slice %arg22[%add3A_25, %dma_start3A_285] : memref<10240x128xf32, #tpu.memory_space<vmem_shared>> -> memref<20x128xf32, #tpu.memory_space<vmem_shared>>
      tpu.enqueue_dma source(%arg21 : memref<20x128xf32, #tpu.memory_space<vmem>>) target(%dma_start3A_286 : memref<20x128xf32, #tpu.memory_space<vmem_shared>>) target_semaphore(%run_scoped3A : memref<!tpu.dma_semaphore, #tpu.memory_space<semaphore_mem>>)
      %dma_wait3A_287 = arith.constant 0 : i32
      %dma_wait3A_288 = tpu.memref_slice %arg22[%add3A_25, %dma_wait3A_287] : memref<10240x128xf32, #tpu.memory_space<vmem_shared>> -> memref<20x128xf32, #tpu.memory_space<vmem_shared>>
      %dma_wait3A_289 = arith.constant 0 : i32
      %dma_wait3A_290 = tpu.memref_slice %arg22[%add3A_25, %dma_wait3A_289] : memref<10240x128xf32, #tpu.memory_space<vmem_shared>> -> memref<20x128xf32, #tpu.memory_space<vmem_shared>>
      tpu.wait_dma2 semaphore(%run_scoped3A : memref<!tpu.dma_semaphore, #tpu.memory_space<semaphore_mem>>) src(%arg21 : memref<20x128xf32, #tpu.memory_space<vmem>>) dst(%dma_wait3A_290 : memref<20x128xf32, #tpu.memory_space<vmem_shared>>)
      tpu.yield
    }) : () -> ()
    %add3A_26 = arith.constant 160 : i32
    %add3A_27 = arith.addi %multiple_of3A, %add3A_26 : i32
    "tpu.region"() ({
      %run_scoped3A = tpu.sem_alloc : memref<!tpu.dma_semaphore, #tpu.memory_space<semaphore_mem>>
      %dma_start3A_283 = arith.constant 0 : i32
      %dma_start3A_284 = tpu.memref_slice %arg22[%add3A_27, %dma_start3A_283] : memref<10240x128xf32, #tpu.memory_space<vmem_shared>> -> memref<20x128xf32, #tpu.memory_space<vmem_shared>>
      %dma_start3A_285 = arith.constant 0 : i32
      %dma_start3A_286 = tpu.memref_slice %arg22[%add3A_27, %dma_start3A_285] : memref<10240x128xf32, #tpu.memory_space<vmem_shared>> -> memref<20x128xf32, #tpu.memory_space<vmem_shared>>
      tpu.enqueue_dma source(%arg21 : memref<20x128xf32, #tpu.memory_space<vmem>>) target(%dma_start3A_286 : memref<20x128xf32, #tpu.memory_space<vmem_shared>>) target_semaphore(%run_scoped3A : memref<!tpu.dma_semaphore, #tpu.memory_space<semaphore_mem>>)
      %dma_wait3A_287 = arith.constant 0 : i32
      %dma_wait3A_288 = tpu.memref_slice %arg22[%add3A_27, %dma_wait3A_287] : memref<10240x128xf32, #tpu.memory_space<vmem_shared>> -> memref<20x128xf32, #tpu.memory_space<vmem_shared>>
      %dma_wait3A_289 = arith.constant 0 : i32
      %dma_wait3A_290 = tpu.memref_slice %arg22[%add3A_27, %dma_wait3A_289] : memref<10240x128xf32, #tpu.memory_space<vmem_shared>> -> memref<20x128xf32, #tpu.memory_space<vmem_shared>>
      tpu.wait_dma2 semaphore(%run_scoped3A : memref<!tpu.dma_semaphore, #tpu.memory_space<semaphore_mem>>) src(%arg21 : memref<20x128xf32, #tpu.memory_space<vmem>>) dst(%dma_wait3A_290 : memref<20x128xf32, #tpu.memory_space<vmem_shared>>)
      tpu.yield
    }) : () -> ()
    %add3A_28 = arith.constant 180 : i32
    %add3A_29 = arith.addi %multiple_of3A, %add3A_28 : i32
    "tpu.region"() ({
      %run_scoped3A = tpu.sem_alloc : memref<!tpu.dma_semaphore, #tpu.memory_space<semaphore_mem>>
      %dma_start3A_283 = arith.constant 0 : i32
      %dma_start3A_284 = tpu.memref_slice %arg22[%add3A_29, %dma_start3A_283] : memref<10240x128xf32, #tpu.memory_space<vmem_shared>> -> memref<20x128xf32, #tpu.memory_space<vmem_shared>>
      %dma_start3A_285 = arith.constant 0 : i32
      %dma_start3A_286 = tpu.memref_slice %arg22[%add3A_29, %dma_start3A_285] : memref<10240x128xf32, #tpu.memory_space<vmem_shared>> -> memref<20x128xf32, #tpu.memory_space<vmem_shared>>
      tpu.enqueue_dma source(%arg21 : memref<20x128xf32, #tpu.memory_space<vmem>>) target(%dma_start3A_286 : memref<20x128xf32, #tpu.memory_space<vmem_shared>>) target_semaphore(%run_scoped3A : memref<!tpu.dma_semaphore, #tpu.memory_space<semaphore_mem>>)
      %dma_wait3A_287 = arith.constant 0 : i32
      %dma_wait3A_288 = tpu.memref_slice %arg22[%add3A_29, %dma_wait3A_287] : memref<10240x128xf32, #tpu.memory_space<vmem_shared>> -> memref<20x128xf32, #tpu.memory_space<vmem_shared>>
      %dma_wait3A_289 = arith.constant 0 : i32
      %dma_wait3A_290 = tpu.memref_slice %arg22[%add3A_29, %dma_wait3A_289] : memref<10240x128xf32, #tpu.memory_space<vmem_shared>> -> memref<20x128xf32, #tpu.memory_space<vmem_shared>>
      tpu.wait_dma2 semaphore(%run_scoped3A : memref<!tpu.dma_semaphore, #tpu.memory_space<semaphore_mem>>) src(%arg21 : memref<20x128xf32, #tpu.memory_space<vmem>>) dst(%dma_wait3A_290 : memref<20x128xf32, #tpu.memory_space<vmem_shared>>)
      tpu.yield
    }) : () -> ()
    %add3A_30 = arith.constant 200 : i32
    %add3A_31 = arith.addi %multiple_of3A, %add3A_30 : i32
    "tpu.region"() ({
      %run_scoped3A = tpu.sem_alloc : memref<!tpu.dma_semaphore, #tpu.memory_space<semaphore_mem>>
      %dma_start3A_283 = arith.constant 0 : i32
      %dma_start3A_284 = tpu.memref_slice %arg22[%add3A_31, %dma_start3A_283] : memref<10240x128xf32, #tpu.memory_space<vmem_shared>> -> memref<20x128xf32, #tpu.memory_space<vmem_shared>>
      %dma_start3A_285 = arith.constant 0 : i32
      %dma_start3A_286 = tpu.memref_slice %arg22[%add3A_31, %dma_start3A_285] : memref<10240x128xf32, #tpu.memory_space<vmem_shared>> -> memref<20x128xf32, #tpu.memory_space<vmem_shared>>
      tpu.enqueue_dma source(%arg21 : memref<20x128xf32, #tpu.memory_space<vmem>>) target(%dma_start3A_286 : memref<20x128xf32, #tpu.memory_space<vmem_shared>>) target_semaphore(%run_scoped3A : memref<!tpu.dma_semaphore, #tpu.memory_space<semaphore_mem>>)
      %dma_wait3A_287 = arith.constant 0 : i32
      %dma_wait3A_288 = tpu.memref_slice %arg22[%add3A_31, %dma_wait3A_287] : memref<10240x128xf32, #tpu.memory_space<vmem_shared>> -> memref<20x128xf32, #tpu.memory_space<vmem_shared>>
      %dma_wait3A_289 = arith.constant 0 : i32
      %dma_wait3A_290 = tpu.memref_slice %arg22[%add3A_31, %dma_wait3A_289] : memref<10240x128xf32, #tpu.memory_space<vmem_shared>> -> memref<20x128xf32, #tpu.memory_space<vmem_shared>>
      tpu.wait_dma2 semaphore(%run_scoped3A : memref<!tpu.dma_semaphore, #tpu.memory_space<semaphore_mem>>) src(%arg21 : memref<20x128xf32, #tpu.memory_space<vmem>>) dst(%dma_wait3A_290 : memref<20x128xf32, #tpu.memory_space<vmem_shared>>)
      tpu.yield
    }) : () -> ()
    %add3A_32 = arith.constant 220 : i32
    %add3A_33 = arith.addi %multiple_of3A, %add3A_32 : i32
    "tpu.region"() ({
      %run_scoped3A = tpu.sem_alloc : memref<!tpu.dma_semaphore, #tpu.memory_space<semaphore_mem>>
      %dma_start3A_283 = arith.constant 0 : i32
      %dma_start3A_284 = tpu.memref_slice %arg22[%add3A_33, %dma_start3A_283] : memref<10240x128xf32, #tpu.memory_space<vmem_shared>> -> memref<20x128xf32, #tpu.memory_space<vmem_shared>>
      %dma_start3A_285 = arith.constant 0 : i32
      %dma_start3A_286 = tpu.memref_slice %arg22[%add3A_33, %dma_start3A_285] : memref<10240x128xf32, #tpu.memory_space<vmem_shared>> -> memref<20x128xf32, #tpu.memory_space<vmem_shared>>
      tpu.enqueue_dma source(%arg21 : memref<20x128xf32, #tpu.memory_space<vmem>>) target(%dma_start3A_286 : memref<20x128xf32, #tpu.memory_space<vmem_shared>>) target_semaphore(%run_scoped3A : memref<!tpu.dma_semaphore, #tpu.memory_space<semaphore_mem>>)
      %dma_wait3A_287 = arith.constant 0 : i32
      %dma_wait3A_288 = tpu.memref_slice %arg22[%add3A_33, %dma_wait3A_287] : memref<10240x128xf32, #tpu.memory_space<vmem_shared>> -> memref<20x128xf32, #tpu.memory_space<vmem_shared>>
      %dma_wait3A_289 = arith.constant 0 : i32
      %dma_wait3A_290 = tpu.memref_slice %arg22[%add3A_33, %dma_wait3A_289] : memref<10240x128xf32, #tpu.memory_space<vmem_shared>> -> memref<20x128xf32, #tpu.memory_space<vmem_shared>>
      tpu.wait_dma2 semaphore(%run_scoped3A : memref<!tpu.dma_semaphore, #tpu.memory_space<semaphore_mem>>) src(%arg21 : memref<20x128xf32, #tpu.memory_space<vmem>>) dst(%dma_wait3A_290 : memref<20x128xf32, #tpu.memory_space<vmem_shared>>)
      tpu.yield
    }) : () -> ()
    %add3A_34 = arith.constant 240 : i32
    %add3A_35 = arith.addi %multiple_of3A, %add3A_34 : i32
    "tpu.region"() ({
      %run_scoped3A = tpu.sem_alloc : memref<!tpu.dma_semaphore, #tpu.memory_space<semaphore_mem>>
      %dma_start3A_283 = arith.constant 0 : i32
      %dma_start3A_284 = tpu.memref_slice %arg22[%add3A_35, %dma_start3A_283] : memref<10240x128xf32, #tpu.memory_space<vmem_shared>> -> memref<20x128xf32, #tpu.memory_space<vmem_shared>>
      %dma_start3A_285 = arith.constant 0 : i32
      %dma_start3A_286 = tpu.memref_slice %arg22[%add3A_35, %dma_start3A_285] : memref<10240x128xf32, #tpu.memory_space<vmem_shared>> -> memref<20x128xf32, #tpu.memory_space<vmem_shared>>
      tpu.enqueue_dma source(%arg21 : memref<20x128xf32, #tpu.memory_space<vmem>>) target(%dma_start3A_286 : memref<20x128xf32, #tpu.memory_space<vmem_shared>>) target_semaphore(%run_scoped3A : memref<!tpu.dma_semaphore, #tpu.memory_space<semaphore_mem>>)
      %dma_wait3A_287 = arith.constant 0 : i32
      %dma_wait3A_288 = tpu.memref_slice %arg22[%add3A_35, %dma_wait3A_287] : memref<10240x128xf32, #tpu.memory_space<vmem_shared>> -> memref<20x128xf32, #tpu.memory_space<vmem_shared>>
      %dma_wait3A_289 = arith.constant 0 : i32
      %dma_wait3A_290 = tpu.memref_slice %arg22[%add3A_35, %dma_wait3A_289] : memref<10240x128xf32, #tpu.memory_space<vmem_shared>> -> memref<20x128xf32, #tpu.memory_space<vmem_shared>>
      tpu.wait_dma2 semaphore(%run_scoped3A : memref<!tpu.dma_semaphore, #tpu.memory_space<semaphore_mem>>) src(%arg21 : memref<20x128xf32, #tpu.memory_space<vmem>>) dst(%dma_wait3A_290 : memref<20x128xf32, #tpu.memory_space<vmem_shared>>)
      tpu.yield
    }) : () -> ()
    %add3A_36 = arith.constant 260 : i32
    %add3A_37 = arith.addi %multiple_of3A, %add3A_36 : i32
    "tpu.region"() ({
      %run_scoped3A = tpu.sem_alloc : memref<!tpu.dma_semaphore, #tpu.memory_space<semaphore_mem>>
      %dma_start3A_283 = arith.constant 0 : i32
      %dma_start3A_284 = tpu.memref_slice %arg22[%add3A_37, %dma_start3A_283] : memref<10240x128xf32, #tpu.memory_space<vmem_shared>> -> memref<20x128xf32, #tpu.memory_space<vmem_shared>>
      %dma_start3A_285 = arith.constant 0 : i32
      %dma_start3A_286 = tpu.memref_slice %arg22[%add3A_37, %dma_start3A_285] : memref<10240x128xf32, #tpu.memory_space<vmem_shared>> -> memref<20x128xf32, #tpu.memory_space<vmem_shared>>
      tpu.enqueue_dma source(%arg21 : memref<20x128xf32, #tpu.memory_space<vmem>>) target(%dma_start3A_286 : memref<20x128xf32, #tpu.memory_space<vmem_shared>>) target_semaphore(%run_scoped3A : memref<!tpu.dma_semaphore, #tpu.memory_space<semaphore_mem>>)
      %dma_wait3A_287 = arith.constant 0 : i32
      %dma_wait3A_288 = tpu.memref_slice %arg22[%add3A_37, %dma_wait3A_287] : memref<10240x128xf32, #tpu.memory_space<vmem_shared>> -> memref<20x128xf32, #tpu.memory_space<vmem_shared>>
      %dma_wait3A_289 = arith.constant 0 : i32
      %dma_wait3A_290 = tpu.memref_slice %arg22[%add3A_37, %dma_wait3A_289] : memref<10240x128xf32, #tpu.memory_space<vmem_shared>> -> memref<20x128xf32, #tpu.memory_space<vmem_shared>>
      tpu.wait_dma2 semaphore(%run_scoped3A : memref<!tpu.dma_semaphore, #tpu.memory_space<semaphore_mem>>) src(%arg21 : memref<20x128xf32, #tpu.memory_space<vmem>>) dst(%dma_wait3A_290 : memref<20x128xf32, #tpu.memory_space<vmem_shared>>)
      tpu.yield
    }) : () -> ()
    %add3A_38 = arith.constant 280 : i32
    %add3A_39 = arith.addi %multiple_of3A, %add3A_38 : i32
    "tpu.region"() ({
      %run_scoped3A = tpu.sem_alloc : memref<!tpu.dma_semaphore, #tpu.memory_space<semaphore_mem>>
      %dma_start3A_283 = arith.constant 0 : i32
      %dma_start3A_284 = tpu.memref_slice %arg22[%add3A_39, %dma_start3A_283] : memref<10240x128xf32, #tpu.memory_space<vmem_shared>> -> memref<20x128xf32, #tpu.memory_space<vmem_shared>>
      %dma_start3A_285 = arith.constant 0 : i32
      %dma_start3A_286 = tpu.memref_slice %arg22[%add3A_39, %dma_start3A_285] : memref<10240x128xf32, #tpu.memory_space<vmem_shared>> -> memref<20x128xf32, #tpu.memory_space<vmem_shared>>
      tpu.enqueue_dma source(%arg21 : memref<20x128xf32, #tpu.memory_space<vmem>>) target(%dma_start3A_286 : memref<20x128xf32, #tpu.memory_space<vmem_shared>>) target_semaphore(%run_scoped3A : memref<!tpu.dma_semaphore, #tpu.memory_space<semaphore_mem>>)
      %dma_wait3A_287 = arith.constant 0 : i32
      %dma_wait3A_288 = tpu.memref_slice %arg22[%add3A_39, %dma_wait3A_287] : memref<10240x128xf32, #tpu.memory_space<vmem_shared>> -> memref<20x128xf32, #tpu.memory_space<vmem_shared>>
      %dma_wait3A_289 = arith.constant 0 : i32
      %dma_wait3A_290 = tpu.memref_slice %arg22[%add3A_39, %dma_wait3A_289] : memref<10240x128xf32, #tpu.memory_space<vmem_shared>> -> memref<20x128xf32, #tpu.memory_space<vmem_shared>>
      tpu.wait_dma2 semaphore(%run_scoped3A : memref<!tpu.dma_semaphore, #tpu.memory_space<semaphore_mem>>) src(%arg21 : memref<20x128xf32, #tpu.memory_space<vmem>>) dst(%dma_wait3A_290 : memref<20x128xf32, #tpu.memory_space<vmem_shared>>)
      tpu.yield
    }) : () -> ()
    %add3A_40 = arith.constant 300 : i32
    %add3A_41 = arith.addi %multiple_of3A, %add3A_40 : i32
    "tpu.region"() ({
      %run_scoped3A = tpu.sem_alloc : memref<!tpu.dma_semaphore, #tpu.memory_space<semaphore_mem>>
      %dma_start3A_283 = arith.constant 0 : i32
      %dma_start3A_284 = tpu.memref_slice %arg22[%add3A_41, %dma_start3A_283] : memref<10240x128xf32, #tpu.memory_space<vmem_shared>> -> memref<20x128xf32, #tpu.memory_space<vmem_shared>>
      %dma_start3A_285 = arith.constant 0 : i32
      %dma_start3A_286 = tpu.memref_slice %arg22[%add3A_41, %dma_start3A_285] : memref<10240x128xf32, #tpu.memory_space<vmem_shared>> -> memref<20x128xf32, #tpu.memory_space<vmem_shared>>
      tpu.enqueue_dma source(%arg21 : memref<20x128xf32, #tpu.memory_space<vmem>>) target(%dma_start3A_286 : memref<20x128xf32, #tpu.memory_space<vmem_shared>>) target_semaphore(%run_scoped3A : memref<!tpu.dma_semaphore, #tpu.memory_space<semaphore_mem>>)
      %dma_wait3A_287 = arith.constant 0 : i32
      %dma_wait3A_288 = tpu.memref_slice %arg22[%add3A_41, %dma_wait3A_287] : memref<10240x128xf32, #tpu.memory_space<vmem_shared>> -> memref<20x128xf32, #tpu.memory_space<vmem_shared>>
      %dma_wait3A_289 = arith.constant 0 : i32
      %dma_wait3A_290 = tpu.memref_slice %arg22[%add3A_41, %dma_wait3A_289] : memref<10240x128xf32, #tpu.memory_space<vmem_shared>> -> memref<20x128xf32, #tpu.memory_space<vmem_shared>>
      tpu.wait_dma2 semaphore(%run_scoped3A : memref<!tpu.dma_semaphore, #tpu.memory_space<semaphore_mem>>) src(%arg21 : memref<20x128xf32, #tpu.memory_space<vmem>>) dst(%dma_wait3A_290 : memref<20x128xf32, #tpu.memory_space<vmem_shared>>)
      tpu.yield
    }) : () -> ()
    %add3A_42 = arith.constant 320 : i32
    %add3A_43 = arith.addi %multiple_of3A, %add3A_42 : i32
    "tpu.region"() ({
      %run_scoped3A = tpu.sem_alloc : memref<!tpu.dma_semaphore, #tpu.memory_space<semaphore_mem>>
      %dma_start3A_283 = arith.constant 0 : i32
      %dma_start3A_284 = tpu.memref_slice %arg22[%add3A_43, %dma_start3A_283] : memref<10240x128xf32, #tpu.memory_space<vmem_shared>> -> memref<20x128xf32, #tpu.memory_space<vmem_shared>>
      %dma_start3A_285 = arith.constant 0 : i32
      %dma_start3A_286 = tpu.memref_slice %arg22[%add3A_43, %dma_start3A_285] : memref<10240x128xf32, #tpu.memory_space<vmem_shared>> -> memref<20x128xf32, #tpu.memory_space<vmem_shared>>
      tpu.enqueue_dma source(%arg21 : memref<20x128xf32, #tpu.memory_space<vmem>>) target(%dma_start3A_286 : memref<20x128xf32, #tpu.memory_space<vmem_shared>>) target_semaphore(%run_scoped3A : memref<!tpu.dma_semaphore, #tpu.memory_space<semaphore_mem>>)
      %dma_wait3A_287 = arith.constant 0 : i32
      %dma_wait3A_288 = tpu.memref_slice %arg22[%add3A_43, %dma_wait3A_287] : memref<10240x128xf32, #tpu.memory_space<vmem_shared>> -> memref<20x128xf32, #tpu.memory_space<vmem_shared>>
      %dma_wait3A_289 = arith.constant 0 : i32
      %dma_wait3A_290 = tpu.memref_slice %arg22[%add3A_43, %dma_wait3A_289] : memref<10240x128xf32, #tpu.memory_space<vmem_shared>> -> memref<20x128xf32, #tpu.memory_space<vmem_shared>>
      tpu.wait_dma2 semaphore(%run_scoped3A : memref<!tpu.dma_semaphore, #tpu.memory_space<semaphore_mem>>) src(%arg21 : memref<20x128xf32, #tpu.memory_space<vmem>>) dst(%dma_wait3A_290 : memref<20x128xf32, #tpu.memory_space<vmem_shared>>)
      tpu.yield
    }) : () -> ()
    %add3A_44 = arith.constant 340 : i32
    %add3A_45 = arith.addi %multiple_of3A, %add3A_44 : i32
    "tpu.region"() ({
      %run_scoped3A = tpu.sem_alloc : memref<!tpu.dma_semaphore, #tpu.memory_space<semaphore_mem>>
      %dma_start3A_283 = arith.constant 0 : i32
      %dma_start3A_284 = tpu.memref_slice %arg22[%add3A_45, %dma_start3A_283] : memref<10240x128xf32, #tpu.memory_space<vmem_shared>> -> memref<20x128xf32, #tpu.memory_space<vmem_shared>>
      %dma_start3A_285 = arith.constant 0 : i32
      %dma_start3A_286 = tpu.memref_slice %arg22[%add3A_45, %dma_start3A_285] : memref<10240x128xf32, #tpu.memory_space<vmem_shared>> -> memref<20x128xf32, #tpu.memory_space<vmem_shared>>
      tpu.enqueue_dma source(%arg21 : memref<20x128xf32, #tpu.memory_space<vmem>>) target(%dma_start3A_286 : memref<20x128xf32, #tpu.memory_space<vmem_shared>>) target_semaphore(%run_scoped3A : memref<!tpu.dma_semaphore, #tpu.memory_space<semaphore_mem>>)
      %dma_wait3A_287 = arith.constant 0 : i32
      %dma_wait3A_288 = tpu.memref_slice %arg22[%add3A_45, %dma_wait3A_287] : memref<10240x128xf32, #tpu.memory_space<vmem_shared>> -> memref<20x128xf32, #tpu.memory_space<vmem_shared>>
      %dma_wait3A_289 = arith.constant 0 : i32
      %dma_wait3A_290 = tpu.memref_slice %arg22[%add3A_45, %dma_wait3A_289] : memref<10240x128xf32, #tpu.memory_space<vmem_shared>> -> memref<20x128xf32, #tpu.memory_space<vmem_shared>>
      tpu.wait_dma2 semaphore(%run_scoped3A : memref<!tpu.dma_semaphore, #tpu.memory_space<semaphore_mem>>) src(%arg21 : memref<20x128xf32, #tpu.memory_space<vmem>>) dst(%dma_wait3A_290 : memref<20x128xf32, #tpu.memory_space<vmem_shared>>)
      tpu.yield
    }) : () -> ()
    %add3A_46 = arith.constant 360 : i32
    %add3A_47 = arith.addi %multiple_of3A, %add3A_46 : i32
    "tpu.region"() ({
      %run_scoped3A = tpu.sem_alloc : memref<!tpu.dma_semaphore, #tpu.memory_space<semaphore_mem>>
      %dma_start3A_283 = arith.constant 0 : i32
      %dma_start3A_284 = tpu.memref_slice %arg22[%add3A_47, %dma_start3A_283] : memref<10240x128xf32, #tpu.memory_space<vmem_shared>> -> memref<20x128xf32, #tpu.memory_space<vmem_shared>>
      %dma_start3A_285 = arith.constant 0 : i32
      %dma_start3A_286 = tpu.memref_slice %arg22[%add3A_47, %dma_start3A_285] : memref<10240x128xf32, #tpu.memory_space<vmem_shared>> -> memref<20x128xf32, #tpu.memory_space<vmem_shared>>
      tpu.enqueue_dma source(%arg21 : memref<20x128xf32, #tpu.memory_space<vmem>>) target(%dma_start3A_286 : memref<20x128xf32, #tpu.memory_space<vmem_shared>>) target_semaphore(%run_scoped3A : memref<!tpu.dma_semaphore, #tpu.memory_space<semaphore_mem>>)
      %dma_wait3A_287 = arith.constant 0 : i32
      %dma_wait3A_288 = tpu.memref_slice %arg22[%add3A_47, %dma_wait3A_287] : memref<10240x128xf32, #tpu.memory_space<vmem_shared>> -> memref<20x128xf32, #tpu.memory_space<vmem_shared>>
      %dma_wait3A_289 = arith.constant 0 : i32
      %dma_wait3A_290 = tpu.memref_slice %arg22[%add3A_47, %dma_wait3A_289] : memref<10240x128xf32, #tpu.memory_space<vmem_shared>> -> memref<20x128xf32, #tpu.memory_space<vmem_shared>>
      tpu.wait_dma2 semaphore(%run_scoped3A : memref<!tpu.dma_semaphore, #tpu.memory_space<semaphore_mem>>) src(%arg21 : memref<20x128xf32, #tpu.memory_space<vmem>>) dst(%dma_wait3A_290 : memref<20x128xf32, #tpu.memory_space<vmem_shared>>)
      tpu.yield
    }) : () -> ()
    %add3A_48 = arith.constant 380 : i32
    %add3A_49 = arith.addi %multiple_of3A, %add3A_48 : i32
    "tpu.region"() ({
      %run_scoped3A = tpu.sem_alloc : memref<!tpu.dma_semaphore, #tpu.memory_space<semaphore_mem>>
      %dma_start3A_283 = arith.constant 0 : i32
      %dma_start3A_284 = tpu.memref_slice %arg22[%add3A_49, %dma_start3A_283] : memref<10240x128xf32, #tpu.memory_space<vmem_shared>> -> memref<20x128xf32, #tpu.memory_space<vmem_shared>>
      %dma_start3A_285 = arith.constant 0 : i32
      %dma_start3A_286 = tpu.memref_slice %arg22[%add3A_49, %dma_start3A_285] : memref<10240x128xf32, #tpu.memory_space<vmem_shared>> -> memref<20x128xf32, #tpu.memory_space<vmem_shared>>
      tpu.enqueue_dma source(%arg21 : memref<20x128xf32, #tpu.memory_space<vmem>>) target(%dma_start3A_286 : memref<20x128xf32, #tpu.memory_space<vmem_shared>>) target_semaphore(%run_scoped3A : memref<!tpu.dma_semaphore, #tpu.memory_space<semaphore_mem>>)
      %dma_wait3A_287 = arith.constant 0 : i32
      %dma_wait3A_288 = tpu.memref_slice %arg22[%add3A_49, %dma_wait3A_287] : memref<10240x128xf32, #tpu.memory_space<vmem_shared>> -> memref<20x128xf32, #tpu.memory_space<vmem_shared>>
      %dma_wait3A_289 = arith.constant 0 : i32
      %dma_wait3A_290 = tpu.memref_slice %arg22[%add3A_49, %dma_wait3A_289] : memref<10240x128xf32, #tpu.memory_space<vmem_shared>> -> memref<20x128xf32, #tpu.memory_space<vmem_shared>>
      tpu.wait_dma2 semaphore(%run_scoped3A : memref<!tpu.dma_semaphore, #tpu.memory_space<semaphore_mem>>) src(%arg21 : memref<20x128xf32, #tpu.memory_space<vmem>>) dst(%dma_wait3A_290 : memref<20x128xf32, #tpu.memory_space<vmem_shared>>)
      tpu.yield
    }) : () -> ()
    %add3A_50 = arith.constant 400 : i32
    %add3A_51 = arith.addi %multiple_of3A, %add3A_50 : i32
    "tpu.region"() ({
      %run_scoped3A = tpu.sem_alloc : memref<!tpu.dma_semaphore, #tpu.memory_space<semaphore_mem>>
      %dma_start3A_283 = arith.constant 0 : i32
      %dma_start3A_284 = tpu.memref_slice %arg22[%add3A_51, %dma_start3A_283] : memref<10240x128xf32, #tpu.memory_space<vmem_shared>> -> memref<20x128xf32, #tpu.memory_space<vmem_shared>>
      %dma_start3A_285 = arith.constant 0 : i32
      %dma_start3A_286 = tpu.memref_slice %arg22[%add3A_51, %dma_start3A_285] : memref<10240x128xf32, #tpu.memory_space<vmem_shared>> -> memref<20x128xf32, #tpu.memory_space<vmem_shared>>
      tpu.enqueue_dma source(%arg21 : memref<20x128xf32, #tpu.memory_space<vmem>>) target(%dma_start3A_286 : memref<20x128xf32, #tpu.memory_space<vmem_shared>>) target_semaphore(%run_scoped3A : memref<!tpu.dma_semaphore, #tpu.memory_space<semaphore_mem>>)
      %dma_wait3A_287 = arith.constant 0 : i32
      %dma_wait3A_288 = tpu.memref_slice %arg22[%add3A_51, %dma_wait3A_287] : memref<10240x128xf32, #tpu.memory_space<vmem_shared>> -> memref<20x128xf32, #tpu.memory_space<vmem_shared>>
      %dma_wait3A_289 = arith.constant 0 : i32
      %dma_wait3A_290 = tpu.memref_slice %arg22[%add3A_51, %dma_wait3A_289] : memref<10240x128xf32, #tpu.memory_space<vmem_shared>> -> memref<20x128xf32, #tpu.memory_space<vmem_shared>>
      tpu.wait_dma2 semaphore(%run_scoped3A : memref<!tpu.dma_semaphore, #tpu.memory_space<semaphore_mem>>) src(%arg21 : memref<20x128xf32, #tpu.memory_space<vmem>>) dst(%dma_wait3A_290 : memref<20x128xf32, #tpu.memory_space<vmem_shared>>)
      tpu.yield
    }) : () -> ()
    %add3A_52 = arith.constant 420 : i32
    %add3A_53 = arith.addi %multiple_of3A, %add3A_52 : i32
    "tpu.region"() ({
      %run_scoped3A = tpu.sem_alloc : memref<!tpu.dma_semaphore, #tpu.memory_space<semaphore_mem>>
      %dma_start3A_283 = arith.constant 0 : i32
      %dma_start3A_284 = tpu.memref_slice %arg22[%add3A_53, %dma_start3A_283] : memref<10240x128xf32, #tpu.memory_space<vmem_shared>> -> memref<20x128xf32, #tpu.memory_space<vmem_shared>>
      %dma_start3A_285 = arith.constant 0 : i32
      %dma_start3A_286 = tpu.memref_slice %arg22[%add3A_53, %dma_start3A_285] : memref<10240x128xf32, #tpu.memory_space<vmem_shared>> -> memref<20x128xf32, #tpu.memory_space<vmem_shared>>
      tpu.enqueue_dma source(%arg21 : memref<20x128xf32, #tpu.memory_space<vmem>>) target(%dma_start3A_286 : memref<20x128xf32, #tpu.memory_space<vmem_shared>>) target_semaphore(%run_scoped3A : memref<!tpu.dma_semaphore, #tpu.memory_space<semaphore_mem>>)
      %dma_wait3A_287 = arith.constant 0 : i32
      %dma_wait3A_288 = tpu.memref_slice %arg22[%add3A_53, %dma_wait3A_287] : memref<10240x128xf32, #tpu.memory_space<vmem_shared>> -> memref<20x128xf32, #tpu.memory_space<vmem_shared>>
      %dma_wait3A_289 = arith.constant 0 : i32
      %dma_wait3A_290 = tpu.memref_slice %arg22[%add3A_53, %dma_wait3A_289] : memref<10240x128xf32, #tpu.memory_space<vmem_shared>> -> memref<20x128xf32, #tpu.memory_space<vmem_shared>>
      tpu.wait_dma2 semaphore(%run_scoped3A : memref<!tpu.dma_semaphore, #tpu.memory_space<semaphore_mem>>) src(%arg21 : memref<20x128xf32, #tpu.memory_space<vmem>>) dst(%dma_wait3A_290 : memref<20x128xf32, #tpu.memory_space<vmem_shared>>)
      tpu.yield
    }) : () -> ()
    %add3A_54 = arith.constant 440 : i32
    %add3A_55 = arith.addi %multiple_of3A, %add3A_54 : i32
    "tpu.region"() ({
      %run_scoped3A = tpu.sem_alloc : memref<!tpu.dma_semaphore, #tpu.memory_space<semaphore_mem>>
      %dma_start3A_283 = arith.constant 0 : i32
      %dma_start3A_284 = tpu.memref_slice %arg22[%add3A_55, %dma_start3A_283] : memref<10240x128xf32, #tpu.memory_space<vmem_shared>> -> memref<20x128xf32, #tpu.memory_space<vmem_shared>>
      %dma_start3A_285 = arith.constant 0 : i32
      %dma_start3A_286 = tpu.memref_slice %arg22[%add3A_55, %dma_start3A_285] : memref<10240x128xf32, #tpu.memory_space<vmem_shared>> -> memref<20x128xf32, #tpu.memory_space<vmem_shared>>
      tpu.enqueue_dma source(%arg21 : memref<20x128xf32, #tpu.memory_space<vmem>>) target(%dma_start3A_286 : memref<20x128xf32, #tpu.memory_space<vmem_shared>>) target_semaphore(%run_scoped3A : memref<!tpu.dma_semaphore, #tpu.memory_space<semaphore_mem>>)
      %dma_wait3A_287 = arith.constant 0 : i32
      %dma_wait3A_288 = tpu.memref_slice %arg22[%add3A_55, %dma_wait3A_287] : memref<10240x128xf32, #tpu.memory_space<vmem_shared>> -> memref<20x128xf32, #tpu.memory_space<vmem_shared>>
      %dma_wait3A_289 = arith.constant 0 : i32
      %dma_wait3A_290 = tpu.memref_slice %arg22[%add3A_55, %dma_wait3A_289] : memref<10240x128xf32, #tpu.memory_space<vmem_shared>> -> memref<20x128xf32, #tpu.memory_space<vmem_shared>>
      tpu.wait_dma2 semaphore(%run_scoped3A : memref<!tpu.dma_semaphore, #tpu.memory_space<semaphore_mem>>) src(%arg21 : memref<20x128xf32, #tpu.memory_space<vmem>>) dst(%dma_wait3A_290 : memref<20x128xf32, #tpu.memory_space<vmem_shared>>)
      tpu.yield
    }) : () -> ()
    %add3A_56 = arith.constant 460 : i32
    %add3A_57 = arith.addi %multiple_of3A, %add3A_56 : i32
    "tpu.region"() ({
      %run_scoped3A = tpu.sem_alloc : memref<!tpu.dma_semaphore, #tpu.memory_space<semaphore_mem>>
      %dma_start3A_283 = arith.constant 0 : i32
      %dma_start3A_284 = tpu.memref_slice %arg22[%add3A_57, %dma_start3A_283] : memref<10240x128xf32, #tpu.memory_space<vmem_shared>> -> memref<20x128xf32, #tpu.memory_space<vmem_shared>>
      %dma_start3A_285 = arith.constant 0 : i32
      %dma_start3A_286 = tpu.memref_slice %arg22[%add3A_57, %dma_start3A_285] : memref<10240x128xf32, #tpu.memory_space<vmem_shared>> -> memref<20x128xf32, #tpu.memory_space<vmem_shared>>
      tpu.enqueue_dma source(%arg21 : memref<20x128xf32, #tpu.memory_space<vmem>>) target(%dma_start3A_286 : memref<20x128xf32, #tpu.memory_space<vmem_shared>>) target_semaphore(%run_scoped3A : memref<!tpu.dma_semaphore, #tpu.memory_space<semaphore_mem>>)
      %dma_wait3A_287 = arith.constant 0 : i32
      %dma_wait3A_288 = tpu.memref_slice %arg22[%add3A_57, %dma_wait3A_287] : memref<10240x128xf32, #tpu.memory_space<vmem_shared>> -> memref<20x128xf32, #tpu.memory_space<vmem_shared>>
      %dma_wait3A_289 = arith.constant 0 : i32
      %dma_wait3A_290 = tpu.memref_slice %arg22[%add3A_57, %dma_wait3A_289] : memref<10240x128xf32, #tpu.memory_space<vmem_shared>> -> memref<20x128xf32, #tpu.memory_space<vmem_shared>>
      tpu.wait_dma2 semaphore(%run_scoped3A : memref<!tpu.dma_semaphore, #tpu.memory_space<semaphore_mem>>) src(%arg21 : memref<20x128xf32, #tpu.memory_space<vmem>>) dst(%dma_wait3A_290 : memref<20x128xf32, #tpu.memory_space<vmem_shared>>)
      tpu.yield
    }) : () -> ()
    %add3A_58 = arith.constant 480 : i32
    %add3A_59 = arith.addi %multiple_of3A, %add3A_58 : i32
    "tpu.region"() ({
      %run_scoped3A = tpu.sem_alloc : memref<!tpu.dma_semaphore, #tpu.memory_space<semaphore_mem>>
      %dma_start3A_283 = arith.constant 0 : i32
      %dma_start3A_284 = tpu.memref_slice %arg22[%add3A_59, %dma_start3A_283] : memref<10240x128xf32, #tpu.memory_space<vmem_shared>> -> memref<20x128xf32, #tpu.memory_space<vmem_shared>>
      %dma_start3A_285 = arith.constant 0 : i32
      %dma_start3A_286 = tpu.memref_slice %arg22[%add3A_59, %dma_start3A_285] : memref<10240x128xf32, #tpu.memory_space<vmem_shared>> -> memref<20x128xf32, #tpu.memory_space<vmem_shared>>
      tpu.enqueue_dma source(%arg21 : memref<20x128xf32, #tpu.memory_space<vmem>>) target(%dma_start3A_286 : memref<20x128xf32, #tpu.memory_space<vmem_shared>>) target_semaphore(%run_scoped3A : memref<!tpu.dma_semaphore, #tpu.memory_space<semaphore_mem>>)
      %dma_wait3A_287 = arith.constant 0 : i32
      %dma_wait3A_288 = tpu.memref_slice %arg22[%add3A_59, %dma_wait3A_287] : memref<10240x128xf32, #tpu.memory_space<vmem_shared>> -> memref<20x128xf32, #tpu.memory_space<vmem_shared>>
      %dma_wait3A_289 = arith.constant 0 : i32
      %dma_wait3A_290 = tpu.memref_slice %arg22[%add3A_59, %dma_wait3A_289] : memref<10240x128xf32, #tpu.memory_space<vmem_shared>> -> memref<20x128xf32, #tpu.memory_space<vmem_shared>>
      tpu.wait_dma2 semaphore(%run_scoped3A : memref<!tpu.dma_semaphore, #tpu.memory_space<semaphore_mem>>) src(%arg21 : memref<20x128xf32, #tpu.memory_space<vmem>>) dst(%dma_wait3A_290 : memref<20x128xf32, #tpu.memory_space<vmem_shared>>)
      tpu.yield
    }) : () -> ()
    %add3A_60 = arith.constant 500 : i32
    %add3A_61 = arith.addi %multiple_of3A, %add3A_60 : i32
    "tpu.region"() ({
      %run_scoped3A = tpu.sem_alloc : memref<!tpu.dma_semaphore, #tpu.memory_space<semaphore_mem>>
      %dma_start3A_283 = arith.constant 0 : i32
      %dma_start3A_284 = tpu.memref_slice %arg22[%add3A_61, %dma_start3A_283] : memref<10240x128xf32, #tpu.memory_space<vmem_shared>> -> memref<20x128xf32, #tpu.memory_space<vmem_shared>>
      %dma_start3A_285 = arith.constant 0 : i32
      %dma_start3A_286 = tpu.memref_slice %arg22[%add3A_61, %dma_start3A_285] : memref<10240x128xf32, #tpu.memory_space<vmem_shared>> -> memref<20x128xf32, #tpu.memory_space<vmem_shared>>
      tpu.enqueue_dma source(%arg21 : memref<20x128xf32, #tpu.memory_space<vmem>>) target(%dma_start3A_286 : memref<20x128xf32, #tpu.memory_space<vmem_shared>>) target_semaphore(%run_scoped3A : memref<!tpu.dma_semaphore, #tpu.memory_space<semaphore_mem>>)
      %dma_wait3A_287 = arith.constant 0 : i32
      %dma_wait3A_288 = tpu.memref_slice %arg22[%add3A_61, %dma_wait3A_287] : memref<10240x128xf32, #tpu.memory_space<vmem_shared>> -> memref<20x128xf32, #tpu.memory_space<vmem_shared>>
      %dma_wait3A_289 = arith.constant 0 : i32
      %dma_wait3A_290 = tpu.memref_slice %arg22[%add3A_61, %dma_wait3A_289] : memref<10240x128xf32, #tpu.memory_space<vmem_shared>> -> memref<20x128xf32, #tpu.memory_space<vmem_shared>>
      tpu.wait_dma2 semaphore(%run_scoped3A : memref<!tpu.dma_semaphore, #tpu.memory_space<semaphore_mem>>) src(%arg21 : memref<20x128xf32, #tpu.memory_space<vmem>>) dst(%dma_wait3A_290 : memref<20x128xf32, #tpu.memory_space<vmem_shared>>)
      tpu.yield
    }) : () -> ()
    %add3A_62 = arith.constant 520 : i32
    %add3A_63 = arith.addi %multiple_of3A, %add3A_62 : i32
    "tpu.region"() ({
      %run_scoped3A = tpu.sem_alloc : memref<!tpu.dma_semaphore, #tpu.memory_space<semaphore_mem>>
      %dma_start3A_283 = arith.constant 0 : i32
      %dma_start3A_284 = tpu.memref_slice %arg22[%add3A_63, %dma_start3A_283] : memref<10240x128xf32, #tpu.memory_space<vmem_shared>> -> memref<20x128xf32, #tpu.memory_space<vmem_shared>>
      %dma_start3A_285 = arith.constant 0 : i32
      %dma_start3A_286 = tpu.memref_slice %arg22[%add3A_63, %dma_start3A_285] : memref<10240x128xf32, #tpu.memory_space<vmem_shared>> -> memref<20x128xf32, #tpu.memory_space<vmem_shared>>
      tpu.enqueue_dma source(%arg21 : memref<20x128xf32, #tpu.memory_space<vmem>>) target(%dma_start3A_286 : memref<20x128xf32, #tpu.memory_space<vmem_shared>>) target_semaphore(%run_scoped3A : memref<!tpu.dma_semaphore, #tpu.memory_space<semaphore_mem>>)
      %dma_wait3A_287 = arith.constant 0 : i32
      %dma_wait3A_288 = tpu.memref_slice %arg22[%add3A_63, %dma_wait3A_287] : memref<10240x128xf32, #tpu.memory_space<vmem_shared>> -> memref<20x128xf32, #tpu.memory_space<vmem_shared>>
      %dma_wait3A_289 = arith.constant 0 : i32
      %dma_wait3A_290 = tpu.memref_slice %arg22[%add3A_63, %dma_wait3A_289] : memref<10240x128xf32, #tpu.memory_space<vmem_shared>> -> memref<20x128xf32, #tpu.memory_space<vmem_shared>>
      tpu.wait_dma2 semaphore(%run_scoped3A : memref<!tpu.dma_semaphore, #tpu.memory_space<semaphore_mem>>) src(%arg21 : memref<20x128xf32, #tpu.memory_space<vmem>>) dst(%dma_wait3A_290 : memref<20x128xf32, #tpu.memory_space<vmem_shared>>)
      tpu.yield
    }) : () -> ()
    %add3A_64 = arith.constant 540 : i32
    %add3A_65 = arith.addi %multiple_of3A, %add3A_64 : i32
    "tpu.region"() ({
      %run_scoped3A = tpu.sem_alloc : memref<!tpu.dma_semaphore, #tpu.memory_space<semaphore_mem>>
      %dma_start3A_283 = arith.constant 0 : i32
      %dma_start3A_284 = tpu.memref_slice %arg22[%add3A_65, %dma_start3A_283] : memref<10240x128xf32, #tpu.memory_space<vmem_shared>> -> memref<20x128xf32, #tpu.memory_space<vmem_shared>>
      %dma_start3A_285 = arith.constant 0 : i32
      %dma_start3A_286 = tpu.memref_slice %arg22[%add3A_65, %dma_start3A_285] : memref<10240x128xf32, #tpu.memory_space<vmem_shared>> -> memref<20x128xf32, #tpu.memory_space<vmem_shared>>
      tpu.enqueue_dma source(%arg21 : memref<20x128xf32, #tpu.memory_space<vmem>>) target(%dma_start3A_286 : memref<20x128xf32, #tpu.memory_space<vmem_shared>>) target_semaphore(%run_scoped3A : memref<!tpu.dma_semaphore, #tpu.memory_space<semaphore_mem>>)
      %dma_wait3A_287 = arith.constant 0 : i32
      %dma_wait3A_288 = tpu.memref_slice %arg22[%add3A_65, %dma_wait3A_287] : memref<10240x128xf32, #tpu.memory_space<vmem_shared>> -> memref<20x128xf32, #tpu.memory_space<vmem_shared>>
      %dma_wait3A_289 = arith.constant 0 : i32
      %dma_wait3A_290 = tpu.memref_slice %arg22[%add3A_65, %dma_wait3A_289] : memref<10240x128xf32, #tpu.memory_space<vmem_shared>> -> memref<20x128xf32, #tpu.memory_space<vmem_shared>>
      tpu.wait_dma2 semaphore(%run_scoped3A : memref<!tpu.dma_semaphore, #tpu.memory_space<semaphore_mem>>) src(%arg21 : memref<20x128xf32, #tpu.memory_space<vmem>>) dst(%dma_wait3A_290 : memref<20x128xf32, #tpu.memory_space<vmem_shared>>)
      tpu.yield
    }) : () -> ()
    %add3A_66 = arith.constant 560 : i32
    %add3A_67 = arith.addi %multiple_of3A, %add3A_66 : i32
    "tpu.region"() ({
      %run_scoped3A = tpu.sem_alloc : memref<!tpu.dma_semaphore, #tpu.memory_space<semaphore_mem>>
      %dma_start3A_283 = arith.constant 0 : i32
      %dma_start3A_284 = tpu.memref_slice %arg22[%add3A_67, %dma_start3A_283] : memref<10240x128xf32, #tpu.memory_space<vmem_shared>> -> memref<20x128xf32, #tpu.memory_space<vmem_shared>>
      %dma_start3A_285 = arith.constant 0 : i32
      %dma_start3A_286 = tpu.memref_slice %arg22[%add3A_67, %dma_start3A_285] : memref<10240x128xf32, #tpu.memory_space<vmem_shared>> -> memref<20x128xf32, #tpu.memory_space<vmem_shared>>
      tpu.enqueue_dma source(%arg21 : memref<20x128xf32, #tpu.memory_space<vmem>>) target(%dma_start3A_286 : memref<20x128xf32, #tpu.memory_space<vmem_shared>>) target_semaphore(%run_scoped3A : memref<!tpu.dma_semaphore, #tpu.memory_space<semaphore_mem>>)
      %dma_wait3A_287 = arith.constant 0 : i32
      %dma_wait3A_288 = tpu.memref_slice %arg22[%add3A_67, %dma_wait3A_287] : memref<10240x128xf32, #tpu.memory_space<vmem_shared>> -> memref<20x128xf32, #tpu.memory_space<vmem_shared>>
      %dma_wait3A_289 = arith.constant 0 : i32
      %dma_wait3A_290 = tpu.memref_slice %arg22[%add3A_67, %dma_wait3A_289] : memref<10240x128xf32, #tpu.memory_space<vmem_shared>> -> memref<20x128xf32, #tpu.memory_space<vmem_shared>>
      tpu.wait_dma2 semaphore(%run_scoped3A : memref<!tpu.dma_semaphore, #tpu.memory_space<semaphore_mem>>) src(%arg21 : memref<20x128xf32, #tpu.memory_space<vmem>>) dst(%dma_wait3A_290 : memref<20x128xf32, #tpu.memory_space<vmem_shared>>)
      tpu.yield
    }) : () -> ()
    %add3A_68 = arith.constant 580 : i32
    %add3A_69 = arith.addi %multiple_of3A, %add3A_68 : i32
    "tpu.region"() ({
      %run_scoped3A = tpu.sem_alloc : memref<!tpu.dma_semaphore, #tpu.memory_space<semaphore_mem>>
      %dma_start3A_283 = arith.constant 0 : i32
      %dma_start3A_284 = tpu.memref_slice %arg22[%add3A_69, %dma_start3A_283] : memref<10240x128xf32, #tpu.memory_space<vmem_shared>> -> memref<20x128xf32, #tpu.memory_space<vmem_shared>>
      %dma_start3A_285 = arith.constant 0 : i32
      %dma_start3A_286 = tpu.memref_slice %arg22[%add3A_69, %dma_start3A_285] : memref<10240x128xf32, #tpu.memory_space<vmem_shared>> -> memref<20x128xf32, #tpu.memory_space<vmem_shared>>
      tpu.enqueue_dma source(%arg21 : memref<20x128xf32, #tpu.memory_space<vmem>>) target(%dma_start3A_286 : memref<20x128xf32, #tpu.memory_space<vmem_shared>>) target_semaphore(%run_scoped3A : memref<!tpu.dma_semaphore, #tpu.memory_space<semaphore_mem>>)
      %dma_wait3A_287 = arith.constant 0 : i32
      %dma_wait3A_288 = tpu.memref_slice %arg22[%add3A_69, %dma_wait3A_287] : memref<10240x128xf32, #tpu.memory_space<vmem_shared>> -> memref<20x128xf32, #tpu.memory_space<vmem_shared>>
      %dma_wait3A_289 = arith.constant 0 : i32
      %dma_wait3A_290 = tpu.memref_slice %arg22[%add3A_69, %dma_wait3A_289] : memref<10240x128xf32, #tpu.memory_space<vmem_shared>> -> memref<20x128xf32, #tpu.memory_space<vmem_shared>>
      tpu.wait_dma2 semaphore(%run_scoped3A : memref<!tpu.dma_semaphore, #tpu.memory_space<semaphore_mem>>) src(%arg21 : memref<20x128xf32, #tpu.memory_space<vmem>>) dst(%dma_wait3A_290 : memref<20x128xf32, #tpu.memory_space<vmem_shared>>)
      tpu.yield
    }) : () -> ()
    %add3A_70 = arith.constant 600 : i32
    %add3A_71 = arith.addi %multiple_of3A, %add3A_70 : i32
    "tpu.region"() ({
      %run_scoped3A = tpu.sem_alloc : memref<!tpu.dma_semaphore, #tpu.memory_space<semaphore_mem>>
      %dma_start3A_283 = arith.constant 0 : i32
      %dma_start3A_284 = tpu.memref_slice %arg22[%add3A_71, %dma_start3A_283] : memref<10240x128xf32, #tpu.memory_space<vmem_shared>> -> memref<20x128xf32, #tpu.memory_space<vmem_shared>>
      %dma_start3A_285 = arith.constant 0 : i32
      %dma_start3A_286 = tpu.memref_slice %arg22[%add3A_71, %dma_start3A_285] : memref<10240x128xf32, #tpu.memory_space<vmem_shared>> -> memref<20x128xf32, #tpu.memory_space<vmem_shared>>
      tpu.enqueue_dma source(%arg21 : memref<20x128xf32, #tpu.memory_space<vmem>>) target(%dma_start3A_286 : memref<20x128xf32, #tpu.memory_space<vmem_shared>>) target_semaphore(%run_scoped3A : memref<!tpu.dma_semaphore, #tpu.memory_space<semaphore_mem>>)
      %dma_wait3A_287 = arith.constant 0 : i32
      %dma_wait3A_288 = tpu.memref_slice %arg22[%add3A_71, %dma_wait3A_287] : memref<10240x128xf32, #tpu.memory_space<vmem_shared>> -> memref<20x128xf32, #tpu.memory_space<vmem_shared>>
      %dma_wait3A_289 = arith.constant 0 : i32
      %dma_wait3A_290 = tpu.memref_slice %arg22[%add3A_71, %dma_wait3A_289] : memref<10240x128xf32, #tpu.memory_space<vmem_shared>> -> memref<20x128xf32, #tpu.memory_space<vmem_shared>>
      tpu.wait_dma2 semaphore(%run_scoped3A : memref<!tpu.dma_semaphore, #tpu.memory_space<semaphore_mem>>) src(%arg21 : memref<20x128xf32, #tpu.memory_space<vmem>>) dst(%dma_wait3A_290 : memref<20x128xf32, #tpu.memory_space<vmem_shared>>)
      tpu.yield
    }) : () -> ()
    %add3A_72 = arith.constant 620 : i32
    %add3A_73 = arith.addi %multiple_of3A, %add3A_72 : i32
    "tpu.region"() ({
      %run_scoped3A = tpu.sem_alloc : memref<!tpu.dma_semaphore, #tpu.memory_space<semaphore_mem>>
      %dma_start3A_283 = arith.constant 0 : i32
      %dma_start3A_284 = tpu.memref_slice %arg22[%add3A_73, %dma_start3A_283] : memref<10240x128xf32, #tpu.memory_space<vmem_shared>> -> memref<20x128xf32, #tpu.memory_space<vmem_shared>>
      %dma_start3A_285 = arith.constant 0 : i32
      %dma_start3A_286 = tpu.memref_slice %arg22[%add3A_73, %dma_start3A_285] : memref<10240x128xf32, #tpu.memory_space<vmem_shared>> -> memref<20x128xf32, #tpu.memory_space<vmem_shared>>
      tpu.enqueue_dma source(%arg21 : memref<20x128xf32, #tpu.memory_space<vmem>>) target(%dma_start3A_286 : memref<20x128xf32, #tpu.memory_space<vmem_shared>>) target_semaphore(%run_scoped3A : memref<!tpu.dma_semaphore, #tpu.memory_space<semaphore_mem>>)
      %dma_wait3A_287 = arith.constant 0 : i32
      %dma_wait3A_288 = tpu.memref_slice %arg22[%add3A_73, %dma_wait3A_287] : memref<10240x128xf32, #tpu.memory_space<vmem_shared>> -> memref<20x128xf32, #tpu.memory_space<vmem_shared>>
      %dma_wait3A_289 = arith.constant 0 : i32
      %dma_wait3A_290 = tpu.memref_slice %arg22[%add3A_73, %dma_wait3A_289] : memref<10240x128xf32, #tpu.memory_space<vmem_shared>> -> memref<20x128xf32, #tpu.memory_space<vmem_shared>>
      tpu.wait_dma2 semaphore(%run_scoped3A : memref<!tpu.dma_semaphore, #tpu.memory_space<semaphore_mem>>) src(%arg21 : memref<20x128xf32, #tpu.memory_space<vmem>>) dst(%dma_wait3A_290 : memref<20x128xf32, #tpu.memory_space<vmem_shared>>)
      tpu.yield
    }) : () -> ()
    %barrier3A = arith.constant 0 : index
    tpu.barrier barrier_id(%barrier3A)
    %mul3A_74 = arith.constant 500 : i32
    %mul3A_75 = arith.muli %arg1, %mul3A_74 : i32
    %add3A_76 = arith.constant 0 : i32
    %add3A_77 = arith.addi %mul3A_75, %add3A_76 : i32
    %mul3A_78 = arith.constant 40 : i32
    %mul3A_79 = arith.muli %add3A_77, %mul3A_78 : i32
    %multiple_of3A_80 = tpu.assume_multiple %mul3A_79, 8 : i32
    %mul3A_81 = arith.constant 320000 : i32
    %mul3A_82 = arith.muli %add3A_9, %mul3A_81 : i32
    %add3A_83 = arith.addi %mul3A_82, %multiple_of3A_80 : i32
    %dma_start3A = tpu.memref_slice %arg4[%add3A_83] : memref<1280000xi32, #tpu.memory_space<hbm>> -> memref<40xi32, #tpu.memory_space<hbm>>
    %dma_start3A_84 = tpu.memref_slice %arg4[%add3A_83] : memref<1280000xi32, #tpu.memory_space<hbm>> -> memref<40xi32, #tpu.memory_space<hbm>>
    tpu.enqueue_dma source(%dma_start3A_84 : memref<40xi32, #tpu.memory_space<hbm>>) target(%arg7 : memref<40xi32, #tpu.memory_space<vmem>>) target_semaphore(%arg29 : memref<!tpu.dma_semaphore, #tpu.memory_space<semaphore_mem>>)
    %dma_start3A_85 = tpu.memref_slice %arg5[%multiple_of3A_80] : memref<320000xi32, #tpu.memory_space<hbm>> -> memref<40xi32, #tpu.memory_space<hbm>>
    %dma_start3A_86 = tpu.memref_slice %arg5[%multiple_of3A_80] : memref<320000xi32, #tpu.memory_space<hbm>> -> memref<40xi32, #tpu.memory_space<hbm>>
    tpu.enqueue_dma source(%dma_start3A_86 : memref<40xi32, #tpu.memory_space<hbm>>) target(%arg11 : memref<40xi32, #tpu.memory_space<vmem>>) target_semaphore(%arg33 : memref<!tpu.dma_semaphore, #tpu.memory_space<semaphore_mem>>)
    %add3A_87 = arith.constant 1 : i32
    %add3A_88 = arith.addi %mul3A_75, %add3A_87 : i32
    %mul3A_89 = arith.constant 40 : i32
    %mul3A_90 = arith.muli %add3A_88, %mul3A_89 : i32
    %multiple_of3A_91 = tpu.assume_multiple %mul3A_90, 8 : i32
    %mul3A_92 = arith.constant 320000 : i32
    %mul3A_93 = arith.muli %add3A_9, %mul3A_92 : i32
    %add3A_94 = arith.addi %mul3A_93, %multiple_of3A_91 : i32
    %dma_start3A_95 = tpu.memref_slice %arg4[%add3A_94] : memref<1280000xi32, #tpu.memory_space<hbm>> -> memref<40xi32, #tpu.memory_space<hbm>>
    %dma_start3A_96 = tpu.memref_slice %arg4[%add3A_94] : memref<1280000xi32, #tpu.memory_space<hbm>> -> memref<40xi32, #tpu.memory_space<hbm>>
    tpu.enqueue_dma source(%dma_start3A_96 : memref<40xi32, #tpu.memory_space<hbm>>) target(%arg8 : memref<40xi32, #tpu.memory_space<vmem>>) target_semaphore(%arg30 : memref<!tpu.dma_semaphore, #tpu.memory_space<semaphore_mem>>)
    %dma_start3A_97 = tpu.memref_slice %arg5[%multiple_of3A_91] : memref<320000xi32, #tpu.memory_space<hbm>> -> memref<40xi32, #tpu.memory_space<hbm>>
    %dma_start3A_98 = tpu.memref_slice %arg5[%multiple_of3A_91] : memref<320000xi32, #tpu.memory_space<hbm>> -> memref<40xi32, #tpu.memory_space<hbm>>
    tpu.enqueue_dma source(%dma_start3A_98 : memref<40xi32, #tpu.memory_space<hbm>>) target(%arg12 : memref<40xi32, #tpu.memory_space<vmem>>) target_semaphore(%arg34 : memref<!tpu.dma_semaphore, #tpu.memory_space<semaphore_mem>>)
    %dma_wait3A = arith.constant 0 : i32
    %dma_wait3A_99 = tpu.memref_slice %arg5[%dma_wait3A] : memref<320000xi32, #tpu.memory_space<hbm>> -> memref<40xi32, #tpu.memory_space<hbm>>
    %dma_wait3A_100 = arith.constant 0 : i32
    %dma_wait3A_101 = tpu.memref_slice %arg5[%dma_wait3A_100] : memref<320000xi32, #tpu.memory_space<hbm>> -> memref<40xi32, #tpu.memory_space<hbm>>
    tpu.wait_dma2 semaphore(%arg29 : memref<!tpu.dma_semaphore, #tpu.memory_space<semaphore_mem>>) src(%dma_wait3A_101 : memref<40xi32, #tpu.memory_space<hbm>>) dst(%arg7 : memref<40xi32, #tpu.memory_space<vmem>>)
    %dma_start3A_102 = arith.constant 0 : i32
    %dma_start3A_103 = arith.constant 0 : i32
    %dma_start3A_104 = tpu.memref_slice %arg2[%dma_start3A_102, %dma_start3A_103] : memref<40000x128xf32, #tpu.memory_space<hbm>> -> memref<40000x128xf32, #tpu.memory_space<hbm>>
    tpu.enqueue_indirect_dma source(%dma_start3A_104 : memref<40000x128xf32, #tpu.memory_space<hbm>>) target(%arg15 : memref<40x128xf32, #tpu.memory_space<vmem>>) offsets(%arg7 : memref<40xi32, #tpu.memory_space<vmem>>) semaphore(%arg23 : memref<!tpu.dma_semaphore, #tpu.memory_space<semaphore_mem>>)
    %add3A_105 = arith.constant 0 : i32
    %add3A_106 = arith.addi %mul3A_75, %add3A_105 : i32
    %mul3A_107 = arith.constant 40 : i32
    %mul3A_108 = arith.muli %add3A_106, %mul3A_107 : i32
    %multiple_of3A_109 = tpu.assume_multiple %mul3A_108, 8 : i32
    %dma_start3A_110 = arith.constant 0 : i32
    %dma_start3A_111 = tpu.memref_slice %arg3[%add3A_9, %multiple_of3A_109, %dma_start3A_110] : memref<4x320000x128xf32, #tpu.memory_space<hbm>> -> memref<1x40x128xf32, #tpu.memory_space<hbm>>
    %dma_start3A_112 = tpu.memref_squeeze %dma_start3A_111 : memref<1x40x128xf32, #tpu.memory_space<hbm>> -> memref<40x128xf32, #tpu.memory_space<hbm>>
    %dma_start3A_113 = arith.constant 0 : i32
    %dma_start3A_114 = tpu.memref_slice %arg3[%add3A_9, %multiple_of3A_109, %dma_start3A_113] : memref<4x320000x128xf32, #tpu.memory_space<hbm>> -> memref<1x40x128xf32, #tpu.memory_space<hbm>>
    %dma_start3A_115 = tpu.memref_squeeze %dma_start3A_114 : memref<1x40x128xf32, #tpu.memory_space<hbm>> -> memref<40x128xf32, #tpu.memory_space<hbm>>
    tpu.enqueue_dma source(%dma_start3A_115 : memref<40x128xf32, #tpu.memory_space<hbm>>) target(%arg17 : memref<40x128xf32, #tpu.memory_space<vmem>>) target_semaphore(%arg25 : memref<!tpu.dma_semaphore, #tpu.memory_space<semaphore_mem>>)
    %scan3A_116 = arith.constant 0 : i32
    %scan3A_117 = arith.constant 0 : i32
    %scan3A_118 = arith.constant 125 : i32
    %scan3A_119 = arith.addi %scan3A_117, %scan3A_118 : i32
    %scan3A_120 = arith.constant 1 : i32
    scf.for %scan3A_283 = %scan3A_117 to %scan3A_119 step %scan3A_120  : i32 {
      %mul3A_284 = arith.constant 4 : i32
      %mul3A_285 = arith.muli %mul3A_284, %scan3A_283 : i32
      %add3A_286 = arith.constant 0 : i32
      %add3A_287 = arith.addi %mul3A_285, %add3A_286 : i32
      %ge3A = arith.constant 2 : i32
      %ge3A_288 = arith.cmpi sge, %add3A_287, %ge3A : i32
      %convert_element_type3A_289 = arith.extui %ge3A_288 : i1 to i32
      %cond3A_290 = arith.constant 0 : i32
      %cond3A_291 = arith.cmpi ne, %convert_element_type3A_289, %cond3A_290 : i32
      scf.if %cond3A_291 {
        %dma_wait3A_486 = arith.constant 0 : i32
        %dma_wait3A_487 = arith.constant 0 : i32
        %dma_wait3A_488 = tpu.memref_slice %arg22[%dma_wait3A_486, %dma_wait3A_487] : memref<10240x128xf32, #tpu.memory_space<vmem_shared>> -> memref<40x128xf32, #tpu.memory_space<vmem_shared>>
        %dma_wait3A_489 = arith.constant 0 : i32
        %dma_wait3A_490 = arith.constant 0 : i32
        %dma_wait3A_491 = tpu.memref_slice %arg22[%dma_wait3A_489, %dma_wait3A_490] : memref<10240x128xf32, #tpu.memory_space<vmem_shared>> -> memref<40x128xf32, #tpu.memory_space<vmem_shared>>
        tpu.wait_dma2 semaphore(%arg27 : memref<!tpu.dma_semaphore, #tpu.memory_space<semaphore_mem>>) src(%arg19 : memref<40x128xf32, #tpu.memory_space<vmem>>) dst(%dma_wait3A_491 : memref<40x128xf32, #tpu.memory_space<vmem_shared>>)
      } else {
      }
      %add3A_292 = arith.constant 1 : i32
      %add3A_293 = arith.addi %add3A_287, %add3A_292 : i32
      %lt3A = arith.constant 500 : i32
      %lt3A_294 = arith.cmpi slt, %add3A_293, %lt3A : i32
      %convert_element_type3A_295 = arith.extui %lt3A_294 : i1 to i32
      %cond3A_296 = arith.constant 0 : i32
      %cond3A_297 = arith.cmpi ne, %convert_element_type3A_295, %cond3A_296 : i32
      scf.if %cond3A_297 {
        %dma_wait3A_486 = arith.constant 0 : i32
        %dma_wait3A_487 = tpu.memref_slice %arg5[%dma_wait3A_486] : memref<320000xi32, #tpu.memory_space<hbm>> -> memref<40xi32, #tpu.memory_space<hbm>>
        %dma_wait3A_488 = arith.constant 0 : i32
        %dma_wait3A_489 = tpu.memref_slice %arg5[%dma_wait3A_488] : memref<320000xi32, #tpu.memory_space<hbm>> -> memref<40xi32, #tpu.memory_space<hbm>>
        tpu.wait_dma2 semaphore(%arg30 : memref<!tpu.dma_semaphore, #tpu.memory_space<semaphore_mem>>) src(%dma_wait3A_489 : memref<40xi32, #tpu.memory_space<hbm>>) dst(%arg8 : memref<40xi32, #tpu.memory_space<vmem>>)
        %add3A_490 = arith.constant 1 : i32
        %add3A_491 = arith.addi %add3A_287, %add3A_490 : i32
        %dma_start3A_492 = arith.constant 0 : i32
        %dma_start3A_493 = arith.constant 0 : i32
        %dma_start3A_494 = tpu.memref_slice %arg2[%dma_start3A_492, %dma_start3A_493] : memref<40000x128xf32, #tpu.memory_space<hbm>> -> memref<40000x128xf32, #tpu.memory_space<hbm>>
        tpu.enqueue_indirect_dma source(%dma_start3A_494 : memref<40000x128xf32, #tpu.memory_space<hbm>>) target(%arg16 : memref<40x128xf32, #tpu.memory_space<vmem>>) offsets(%arg8 : memref<40xi32, #tpu.memory_space<vmem>>) semaphore(%arg24 : memref<!tpu.dma_semaphore, #tpu.memory_space<semaphore_mem>>)
        %add3A_495 = arith.addi %mul3A_75, %add3A_491 : i32
        %mul3A_496 = arith.constant 40 : i32
        %mul3A_497 = arith.muli %add3A_495, %mul3A_496 : i32
        %multiple_of3A_498 = tpu.assume_multiple %mul3A_497, 8 : i32
        %dma_start3A_499 = arith.constant 0 : i32
        %dma_start3A_500 = tpu.memref_slice %arg3[%add3A_9, %multiple_of3A_498, %dma_start3A_499] : memref<4x320000x128xf32, #tpu.memory_space<hbm>> -> memref<1x40x128xf32, #tpu.memory_space<hbm>>
        %dma_start3A_501 = tpu.memref_squeeze %dma_start3A_500 : memref<1x40x128xf32, #tpu.memory_space<hbm>> -> memref<40x128xf32, #tpu.memory_space<hbm>>
        %dma_start3A_502 = arith.constant 0 : i32
        %dma_start3A_503 = tpu.memref_slice %arg3[%add3A_9, %multiple_of3A_498, %dma_start3A_502] : memref<4x320000x128xf32, #tpu.memory_space<hbm>> -> memref<1x40x128xf32, #tpu.memory_space<hbm>>
        %dma_start3A_504 = tpu.memref_squeeze %dma_start3A_503 : memref<1x40x128xf32, #tpu.memory_space<hbm>> -> memref<40x128xf32, #tpu.memory_space<hbm>>
        tpu.enqueue_dma source(%dma_start3A_504 : memref<40x128xf32, #tpu.memory_space<hbm>>) target(%arg18 : memref<40x128xf32, #tpu.memory_space<vmem>>) target_semaphore(%arg26 : memref<!tpu.dma_semaphore, #tpu.memory_space<semaphore_mem>>)
      } else {
      }
      %add3A_298 = arith.constant 2 : i32
      %add3A_299 = arith.addi %add3A_287, %add3A_298 : i32
      %lt3A_300 = arith.constant 500 : i32
      %lt3A_301 = arith.cmpi slt, %add3A_299, %lt3A_300 : i32
      %convert_element_type3A_302 = arith.extui %lt3A_301 : i1 to i32
      %cond3A_303 = arith.constant 0 : i32
      %cond3A_304 = arith.cmpi ne, %convert_element_type3A_302, %cond3A_303 : i32
      scf.if %cond3A_304 {
        %add3A_486 = arith.constant 2 : i32
        %add3A_487 = arith.addi %add3A_287, %add3A_486 : i32
        %add3A_488 = arith.addi %mul3A_75, %add3A_487 : i32
        %mul3A_489 = arith.constant 40 : i32
        %mul3A_490 = arith.muli %add3A_488, %mul3A_489 : i32
        %multiple_of3A_491 = tpu.assume_multiple %mul3A_490, 8 : i32
        %mul3A_492 = arith.constant 320000 : i32
        %mul3A_493 = arith.muli %add3A_9, %mul3A_492 : i32
        %add3A_494 = arith.addi %mul3A_493, %multiple_of3A_491 : i32
        %dma_start3A_495 = tpu.memref_slice %arg4[%add3A_494] : memref<1280000xi32, #tpu.memory_space<hbm>> -> memref<40xi32, #tpu.memory_space<hbm>>
        %dma_start3A_496 = tpu.memref_slice %arg4[%add3A_494] : memref<1280000xi32, #tpu.memory_space<hbm>> -> memref<40xi32, #tpu.memory_space<hbm>>
        tpu.enqueue_dma source(%dma_start3A_496 : memref<40xi32, #tpu.memory_space<hbm>>) target(%arg9 : memref<40xi32, #tpu.memory_space<vmem>>) target_semaphore(%arg31 : memref<!tpu.dma_semaphore, #tpu.memory_space<semaphore_mem>>)
        %dma_start3A_497 = tpu.memref_slice %arg5[%multiple_of3A_491] : memref<320000xi32, #tpu.memory_space<hbm>> -> memref<40xi32, #tpu.memory_space<hbm>>
        %dma_start3A_498 = tpu.memref_slice %arg5[%multiple_of3A_491] : memref<320000xi32, #tpu.memory_space<hbm>> -> memref<40xi32, #tpu.memory_space<hbm>>
        tpu.enqueue_dma source(%dma_start3A_498 : memref<40xi32, #tpu.memory_space<hbm>>) target(%arg13 : memref<40xi32, #tpu.memory_space<vmem>>) target_semaphore(%arg35 : memref<!tpu.dma_semaphore, #tpu.memory_space<semaphore_mem>>)
      } else {
      }
      %dma_wait3A_305 = arith.constant 0 : i32
      %dma_wait3A_306 = arith.constant 0 : i32
      %dma_wait3A_307 = tpu.memref_slice %arg2[%dma_wait3A_305, %dma_wait3A_306] : memref<40000x128xf32, #tpu.memory_space<hbm>> -> memref<40x128xf32, #tpu.memory_space<hbm>>
      %dma_wait3A_308 = arith.constant 0 : i32
      %dma_wait3A_309 = arith.constant 0 : i32
      %dma_wait3A_310 = tpu.memref_slice %arg2[%dma_wait3A_308, %dma_wait3A_309] : memref<40000x128xf32, #tpu.memory_space<hbm>> -> memref<40x128xf32, #tpu.memory_space<hbm>>
      tpu.wait_dma2 semaphore(%arg23 : memref<!tpu.dma_semaphore, #tpu.memory_space<semaphore_mem>>) src(%dma_wait3A_310 : memref<40x128xf32, #tpu.memory_space<hbm>>) dst(%arg15 : memref<40x128xf32, #tpu.memory_space<vmem>>)
      %dma_wait3A_311 = arith.constant 0 : i32
      %dma_wait3A_312 = arith.constant 0 : i32
      %dma_wait3A_313 = arith.constant 0 : i32
      %dma_wait3A_314 = tpu.memref_slice %arg3[%dma_wait3A_311, %dma_wait3A_312, %dma_wait3A_313] : memref<4x320000x128xf32, #tpu.memory_space<hbm>> -> memref<1x40x128xf32, #tpu.memory_space<hbm>>
      %dma_wait3A_315 = tpu.memref_squeeze %dma_wait3A_314 : memref<1x40x128xf32, #tpu.memory_space<hbm>> -> memref<40x128xf32, #tpu.memory_space<hbm>>
      %dma_wait3A_316 = arith.constant 0 : i32
      %dma_wait3A_317 = arith.constant 0 : i32
      %dma_wait3A_318 = tpu.memref_slice %arg3[%dma_wait3A_311, %dma_wait3A_316, %dma_wait3A_317] : memref<4x320000x128xf32, #tpu.memory_space<hbm>> -> memref<1x40x128xf32, #tpu.memory_space<hbm>>
      %dma_wait3A_319 = tpu.memref_squeeze %dma_wait3A_318 : memref<1x40x128xf32, #tpu.memory_space<hbm>> -> memref<40x128xf32, #tpu.memory_space<hbm>>
      tpu.wait_dma2 semaphore(%arg25 : memref<!tpu.dma_semaphore, #tpu.memory_space<semaphore_mem>>) src(%dma_wait3A_319 : memref<40x128xf32, #tpu.memory_space<hbm>>) dst(%arg17 : memref<40x128xf32, #tpu.memory_space<vmem>>)
      %scan3A_320 = arith.constant 0 : i32
      %scan3A_321 = arith.constant 0 : i32
      %scan3A_322 = arith.constant 40 : i32
      %scan3A_323 = arith.addi %scan3A_321, %scan3A_322 : i32
      %scan3A_324 = arith.constant 1 : i32
      scf.for %scan3A_486 = %scan3A_321 to %scan3A_323 step %scan3A_324  : i32 {
        %get3A = arith.index_cast %scan3A_486 : i32 to index
        %get3A_487 = arith.constant 0 : index
        %get3A_488 = tpu.vector_load %arg15[%get3A, %get3A_487] {strides = array<i32>} : memref<40x128xf32, #tpu.memory_space<vmem>>, vector<1x16xf32>,
        %get3A_489 = vector.shape_cast %get3A_488 : vector<1x16xf32> to vector<16xf32>
        %get3A_490 = arith.index_cast %scan3A_486 : i32 to index
        %get3A_491 = arith.constant 0 : index
        %get3A_492 = tpu.vector_load %arg17[%get3A_490, %get3A_491] {strides = array<i32>} : memref<40x128xf32, #tpu.memory_space<vmem>>, vector<1x16xf32>,
        %get3A_493 = vector.shape_cast %get3A_492 : vector<1x16xf32> to vector<16xf32>
        %mul3A_494 = arith.mulf %get3A_489, %get3A_493 : vector<16xf32>
        %swap3A = arith.index_cast %scan3A_486 : i32 to index
        %swap3A_495 = arith.constant 0 : index
        %swap3A_496 = tpu.vector_load %arg19[%swap3A, %swap3A_495] {strides = array<i32>} : memref<40x128xf32, #tpu.memory_space<vmem>>, vector<1x16xf32>,
        %swap3A_497 = vector.shape_cast %swap3A_496 : vector<1x16xf32> to vector<16xf32>
        %swap3A_498 = vector.shape_cast %mul3A_494 : vector<16xf32> to vector<1x16xf32>
        tpu.vector_store %arg19[%swap3A, %swap3A_495], %swap3A_498 {strides = array<i32>} : memref<40x128xf32, #tpu.memory_space<vmem>>, vector<1x16xf32>,
        %get3A_499 = arith.index_cast %scan3A_486 : i32 to index
        %get3A_500 = arith.constant 16 : index
        %get3A_501 = tpu.vector_load %arg15[%get3A_499, %get3A_500] {strides = array<i32>} : memref<40x128xf32, #tpu.memory_space<vmem>>, vector<1x16xf32>,
        %get3A_502 = vector.shape_cast %get3A_501 : vector<1x16xf32> to vector<16xf32>
        %get3A_503 = arith.index_cast %scan3A_486 : i32 to index
        %get3A_504 = arith.constant 16 : index
        %get3A_505 = tpu.vector_load %arg17[%get3A_503, %get3A_504] {strides = array<i32>} : memref<40x128xf32, #tpu.memory_space<vmem>>, vector<1x16xf32>,
        %get3A_506 = vector.shape_cast %get3A_505 : vector<1x16xf32> to vector<16xf32>
        %mul3A_507 = arith.mulf %get3A_502, %get3A_506 : vector<16xf32>
        %swap3A_508 = arith.index_cast %scan3A_486 : i32 to index
        %swap3A_509 = arith.constant 16 : index
        %swap3A_510 = tpu.vector_load %arg19[%swap3A_508, %swap3A_509] {strides = array<i32>} : memref<40x128xf32, #tpu.memory_space<vmem>>, vector<1x16xf32>,
        %swap3A_511 = vector.shape_cast %swap3A_510 : vector<1x16xf32> to vector<16xf32>
        %swap3A_512 = vector.shape_cast %mul3A_507 : vector<16xf32> to vector<1x16xf32>
        tpu.vector_store %arg19[%swap3A_508, %swap3A_509], %swap3A_512 {strides = array<i32>} : memref<40x128xf32, #tpu.memory_space<vmem>>, vector<1x16xf32>,
        %get3A_513 = arith.index_cast %scan3A_486 : i32 to index
        %get3A_514 = arith.constant 32 : index
        %get3A_515 = tpu.vector_load %arg15[%get3A_513, %get3A_514] {strides = array<i32>} : memref<40x128xf32, #tpu.memory_space<vmem>>, vector<1x16xf32>,
        %get3A_516 = vector.shape_cast %get3A_515 : vector<1x16xf32> to vector<16xf32>
        %get3A_517 = arith.index_cast %scan3A_486 : i32 to index
        %get3A_518 = arith.constant 32 : index
        %get3A_519 = tpu.vector_load %arg17[%get3A_517, %get3A_518] {strides = array<i32>} : memref<40x128xf32, #tpu.memory_space<vmem>>, vector<1x16xf32>,
        %get3A_520 = vector.shape_cast %get3A_519 : vector<1x16xf32> to vector<16xf32>
        %mul3A_521 = arith.mulf %get3A_516, %get3A_520 : vector<16xf32>
        %swap3A_522 = arith.index_cast %scan3A_486 : i32 to index
        %swap3A_523 = arith.constant 32 : index
        %swap3A_524 = tpu.vector_load %arg19[%swap3A_522, %swap3A_523] {strides = array<i32>} : memref<40x128xf32, #tpu.memory_space<vmem>>, vector<1x16xf32>,
        %swap3A_525 = vector.shape_cast %swap3A_524 : vector<1x16xf32> to vector<16xf32>
        %swap3A_526 = vector.shape_cast %mul3A_521 : vector<16xf32> to vector<1x16xf32>
        tpu.vector_store %arg19[%swap3A_522, %swap3A_523], %swap3A_526 {strides = array<i32>} : memref<40x128xf32, #tpu.memory_space<vmem>>, vector<1x16xf32>,
        %get3A_527 = arith.index_cast %scan3A_486 : i32 to index
        %get3A_528 = arith.constant 48 : index
        %get3A_529 = tpu.vector_load %arg15[%get3A_527, %get3A_528] {strides = array<i32>} : memref<40x128xf32, #tpu.memory_space<vmem>>, vector<1x16xf32>,
        %get3A_530 = vector.shape_cast %get3A_529 : vector<1x16xf32> to vector<16xf32>
        %get3A_531 = arith.index_cast %scan3A_486 : i32 to index
        %get3A_532 = arith.constant 48 : index
        %get3A_533 = tpu.vector_load %arg17[%get3A_531, %get3A_532] {strides = array<i32>} : memref<40x128xf32, #tpu.memory_space<vmem>>, vector<1x16xf32>,
        %get3A_534 = vector.shape_cast %get3A_533 : vector<1x16xf32> to vector<16xf32>
        %mul3A_535 = arith.mulf %get3A_530, %get3A_534 : vector<16xf32>
        %swap3A_536 = arith.index_cast %scan3A_486 : i32 to index
        %swap3A_537 = arith.constant 48 : index
        %swap3A_538 = tpu.vector_load %arg19[%swap3A_536, %swap3A_537] {strides = array<i32>} : memref<40x128xf32, #tpu.memory_space<vmem>>, vector<1x16xf32>,
        %swap3A_539 = vector.shape_cast %swap3A_538 : vector<1x16xf32> to vector<16xf32>
        %swap3A_540 = vector.shape_cast %mul3A_535 : vector<16xf32> to vector<1x16xf32>
        tpu.vector_store %arg19[%swap3A_536, %swap3A_537], %swap3A_540 {strides = array<i32>} : memref<40x128xf32, #tpu.memory_space<vmem>>, vector<1x16xf32>,
        %get3A_541 = arith.index_cast %scan3A_486 : i32 to index
        %get3A_542 = arith.constant 64 : index
        %get3A_543 = tpu.vector_load %arg15[%get3A_541, %get3A_542] {strides = array<i32>} : memref<40x128xf32, #tpu.memory_space<vmem>>, vector<1x16xf32>,
        %get3A_544 = vector.shape_cast %get3A_543 : vector<1x16xf32> to vector<16xf32>
        %get3A_545 = arith.index_cast %scan3A_486 : i32 to index
        %get3A_546 = arith.constant 64 : index
        %get3A_547 = tpu.vector_load %arg17[%get3A_545, %get3A_546] {strides = array<i32>} : memref<40x128xf32, #tpu.memory_space<vmem>>, vector<1x16xf32>,
        %get3A_548 = vector.shape_cast %get3A_547 : vector<1x16xf32> to vector<16xf32>
        %mul3A_549 = arith.mulf %get3A_544, %get3A_548 : vector<16xf32>
        %swap3A_550 = arith.index_cast %scan3A_486 : i32 to index
        %swap3A_551 = arith.constant 64 : index
        %swap3A_552 = tpu.vector_load %arg19[%swap3A_550, %swap3A_551] {strides = array<i32>} : memref<40x128xf32, #tpu.memory_space<vmem>>, vector<1x16xf32>,
        %swap3A_553 = vector.shape_cast %swap3A_552 : vector<1x16xf32> to vector<16xf32>
        %swap3A_554 = vector.shape_cast %mul3A_549 : vector<16xf32> to vector<1x16xf32>
        tpu.vector_store %arg19[%swap3A_550, %swap3A_551], %swap3A_554 {strides = array<i32>} : memref<40x128xf32, #tpu.memory_space<vmem>>, vector<1x16xf32>,
        %get3A_555 = arith.index_cast %scan3A_486 : i32 to index
        %get3A_556 = arith.constant 80 : index
        %get3A_557 = tpu.vector_load %arg15[%get3A_555, %get3A_556] {strides = array<i32>} : memref<40x128xf32, #tpu.memory_space<vmem>>, vector<1x16xf32>,
        %get3A_558 = vector.shape_cast %get3A_557 : vector<1x16xf32> to vector<16xf32>
        %get3A_559 = arith.index_cast %scan3A_486 : i32 to index
        %get3A_560 = arith.constant 80 : index
        %get3A_561 = tpu.vector_load %arg17[%get3A_559, %get3A_560] {strides = array<i32>} : memref<40x128xf32, #tpu.memory_space<vmem>>, vector<1x16xf32>,
        %get3A_562 = vector.shape_cast %get3A_561 : vector<1x16xf32> to vector<16xf32>
        %mul3A_563 = arith.mulf %get3A_558, %get3A_562 : vector<16xf32>
        %swap3A_564 = arith.index_cast %scan3A_486 : i32 to index
        %swap3A_565 = arith.constant 80 : index
        %swap3A_566 = tpu.vector_load %arg19[%swap3A_564, %swap3A_565] {strides = array<i32>} : memref<40x128xf32, #tpu.memory_space<vmem>>, vector<1x16xf32>,
        %swap3A_567 = vector.shape_cast %swap3A_566 : vector<1x16xf32> to vector<16xf32>
        %swap3A_568 = vector.shape_cast %mul3A_563 : vector<16xf32> to vector<1x16xf32>
        tpu.vector_store %arg19[%swap3A_564, %swap3A_565], %swap3A_568 {strides = array<i32>} : memref<40x128xf32, #tpu.memory_space<vmem>>, vector<1x16xf32>,
        %get3A_569 = arith.index_cast %scan3A_486 : i32 to index
        %get3A_570 = arith.constant 96 : index
        %get3A_571 = tpu.vector_load %arg15[%get3A_569, %get3A_570] {strides = array<i32>} : memref<40x128xf32, #tpu.memory_space<vmem>>, vector<1x16xf32>,
        %get3A_572 = vector.shape_cast %get3A_571 : vector<1x16xf32> to vector<16xf32>
        %get3A_573 = arith.index_cast %scan3A_486 : i32 to index
        %get3A_574 = arith.constant 96 : index
        %get3A_575 = tpu.vector_load %arg17[%get3A_573, %get3A_574] {strides = array<i32>} : memref<40x128xf32, #tpu.memory_space<vmem>>, vector<1x16xf32>,
        %get3A_576 = vector.shape_cast %get3A_575 : vector<1x16xf32> to vector<16xf32>
        %mul3A_577 = arith.mulf %get3A_572, %get3A_576 : vector<16xf32>
        %swap3A_578 = arith.index_cast %scan3A_486 : i32 to index
        %swap3A_579 = arith.constant 96 : index
        %swap3A_580 = tpu.vector_load %arg19[%swap3A_578, %swap3A_579] {strides = array<i32>} : memref<40x128xf32, #tpu.memory_space<vmem>>, vector<1x16xf32>,
        %swap3A_581 = vector.shape_cast %swap3A_580 : vector<1x16xf32> to vector<16xf32>
        %swap3A_582 = vector.shape_cast %mul3A_577 : vector<16xf32> to vector<1x16xf32>
        tpu.vector_store %arg19[%swap3A_578, %swap3A_579], %swap3A_582 {strides = array<i32>} : memref<40x128xf32, #tpu.memory_space<vmem>>, vector<1x16xf32>,
        %get3A_583 = arith.index_cast %scan3A_486 : i32 to index
        %get3A_584 = arith.constant 112 : index
        %get3A_585 = tpu.vector_load %arg15[%get3A_583, %get3A_584] {strides = array<i32>} : memref<40x128xf32, #tpu.memory_space<vmem>>, vector<1x16xf32>,
        %get3A_586 = vector.shape_cast %get3A_585 : vector<1x16xf32> to vector<16xf32>
        %get3A_587 = arith.index_cast %scan3A_486 : i32 to index
        %get3A_588 = arith.constant 112 : index
        %get3A_589 = tpu.vector_load %arg17[%get3A_587, %get3A_588] {strides = array<i32>} : memref<40x128xf32, #tpu.memory_space<vmem>>, vector<1x16xf32>,
        %get3A_590 = vector.shape_cast %get3A_589 : vector<1x16xf32> to vector<16xf32>
        %mul3A_591 = arith.mulf %get3A_586, %get3A_590 : vector<16xf32>
        %swap3A_592 = arith.index_cast %scan3A_486 : i32 to index
        %swap3A_593 = arith.constant 112 : index
        %swap3A_594 = tpu.vector_load %arg19[%swap3A_592, %swap3A_593] {strides = array<i32>} : memref<40x128xf32, #tpu.memory_space<vmem>>, vector<1x16xf32>,
        %swap3A_595 = vector.shape_cast %swap3A_594 : vector<1x16xf32> to vector<16xf32>
        %swap3A_596 = vector.shape_cast %mul3A_591 : vector<16xf32> to vector<1x16xf32>
        tpu.vector_store %arg19[%swap3A_592, %swap3A_593], %swap3A_596 {strides = array<i32>} : memref<40x128xf32, #tpu.memory_space<vmem>>, vector<1x16xf32>,
      }
      %scan3A_325 = arith.constant 40 : i32
      %dma_wait3A_326 = arith.constant 0 : i32
      %dma_wait3A_327 = tpu.memref_slice %arg5[%dma_wait3A_326] : memref<320000xi32, #tpu.memory_space<hbm>> -> memref<40xi32, #tpu.memory_space<hbm>>
      %dma_wait3A_328 = arith.constant 0 : i32
      %dma_wait3A_329 = tpu.memref_slice %arg5[%dma_wait3A_328] : memref<320000xi32, #tpu.memory_space<hbm>> -> memref<40xi32, #tpu.memory_space<hbm>>
      tpu.wait_dma2 semaphore(%arg33 : memref<!tpu.dma_semaphore, #tpu.memory_space<semaphore_mem>>) src(%dma_wait3A_329 : memref<40xi32, #tpu.memory_space<hbm>>) dst(%arg11 : memref<40xi32, #tpu.memory_space<vmem>>)
      %dma_start3A_330 = arith.constant 0 : i32
      %dma_start3A_331 = arith.constant 0 : i32
      %dma_start3A_332 = tpu.memref_slice %arg22[%dma_start3A_330, %dma_start3A_331] : memref<10240x128xf32, #tpu.memory_space<vmem_shared>> -> memref<10240x128xf32, #tpu.memory_space<vmem_shared>>
      tpu.enqueue_indirect_dma source(%arg19 : memref<40x128xf32, #tpu.memory_space<vmem>>) target(%dma_start3A_332 : memref<10240x128xf32, #tpu.memory_space<vmem_shared>>) offsets(%arg11 : memref<40xi32, #tpu.memory_space<vmem>>) semaphore(%arg27 : memref<!tpu.dma_semaphore, #tpu.memory_space<semaphore_mem>>) {add = true}
      %mul3A_333 = arith.constant 4 : i32
      %mul3A_334 = arith.muli %mul3A_333, %scan3A_283 : i32
      %add3A_335 = arith.constant 1 : i32
      %add3A_336 = arith.addi %mul3A_334, %add3A_335 : i32
      %ge3A_337 = arith.constant 2 : i32
      %ge3A_338 = arith.cmpi sge, %add3A_336, %ge3A_337 : i32
      %convert_element_type3A_339 = arith.extui %ge3A_338 : i1 to i32
      %cond3A_340 = arith.constant 0 : i32
      %cond3A_341 = arith.cmpi ne, %convert_element_type3A_339, %cond3A_340 : i32
      scf.if %cond3A_341 {
        %dma_wait3A_486 = arith.constant 0 : i32
        %dma_wait3A_487 = arith.constant 0 : i32
        %dma_wait3A_488 = tpu.memref_slice %arg22[%dma_wait3A_486, %dma_wait3A_487] : memref<10240x128xf32, #tpu.memory_space<vmem_shared>> -> memref<40x128xf32, #tpu.memory_space<vmem_shared>>
        %dma_wait3A_489 = arith.constant 0 : i32
        %dma_wait3A_490 = arith.constant 0 : i32
        %dma_wait3A_491 = tpu.memref_slice %arg22[%dma_wait3A_489, %dma_wait3A_490] : memref<10240x128xf32, #tpu.memory_space<vmem_shared>> -> memref<40x128xf32, #tpu.memory_space<vmem_shared>>
        tpu.wait_dma2 semaphore(%arg28 : memref<!tpu.dma_semaphore, #tpu.memory_space<semaphore_mem>>) src(%arg20 : memref<40x128xf32, #tpu.memory_space<vmem>>) dst(%dma_wait3A_491 : memref<40x128xf32, #tpu.memory_space<vmem_shared>>)
      } else {
      }
      %add3A_342 = arith.constant 1 : i32
      %add3A_343 = arith.addi %add3A_336, %add3A_342 : i32
      %lt3A_344 = arith.constant 500 : i32
      %lt3A_345 = arith.cmpi slt, %add3A_343, %lt3A_344 : i32
      %convert_element_type3A_346 = arith.extui %lt3A_345 : i1 to i32
      %cond3A_347 = arith.constant 0 : i32
      %cond3A_348 = arith.cmpi ne, %convert_element_type3A_346, %cond3A_347 : i32
      scf.if %cond3A_348 {
        %dma_wait3A_486 = arith.constant 0 : i32
        %dma_wait3A_487 = tpu.memref_slice %arg5[%dma_wait3A_486] : memref<320000xi32, #tpu.memory_space<hbm>> -> memref<40xi32, #tpu.memory_space<hbm>>
        %dma_wait3A_488 = arith.constant 0 : i32
        %dma_wait3A_489 = tpu.memref_slice %arg5[%dma_wait3A_488] : memref<320000xi32, #tpu.memory_space<hbm>> -> memref<40xi32, #tpu.memory_space<hbm>>
        tpu.wait_dma2 semaphore(%arg31 : memref<!tpu.dma_semaphore, #tpu.memory_space<semaphore_mem>>) src(%dma_wait3A_489 : memref<40xi32, #tpu.memory_space<hbm>>) dst(%arg9 : memref<40xi32, #tpu.memory_space<vmem>>)
        %add3A_490 = arith.constant 1 : i32
        %add3A_491 = arith.addi %add3A_336, %add3A_490 : i32
        %dma_start3A_492 = arith.constant 0 : i32
        %dma_start3A_493 = arith.constant 0 : i32
        %dma_start3A_494 = tpu.memref_slice %arg2[%dma_start3A_492, %dma_start3A_493] : memref<40000x128xf32, #tpu.memory_space<hbm>> -> memref<40000x128xf32, #tpu.memory_space<hbm>>
        tpu.enqueue_indirect_dma source(%dma_start3A_494 : memref<40000x128xf32, #tpu.memory_space<hbm>>) target(%arg15 : memref<40x128xf32, #tpu.memory_space<vmem>>) offsets(%arg9 : memref<40xi32, #tpu.memory_space<vmem>>) semaphore(%arg23 : memref<!tpu.dma_semaphore, #tpu.memory_space<semaphore_mem>>)
        %add3A_495 = arith.addi %mul3A_75, %add3A_491 : i32
        %mul3A_496 = arith.constant 40 : i32
        %mul3A_497 = arith.muli %add3A_495, %mul3A_496 : i32
        %multiple_of3A_498 = tpu.assume_multiple %mul3A_497, 8 : i32
        %dma_start3A_499 = arith.constant 0 : i32
        %dma_start3A_500 = tpu.memref_slice %arg3[%add3A_9, %multiple_of3A_498, %dma_start3A_499] : memref<4x320000x128xf32, #tpu.memory_space<hbm>> -> memref<1x40x128xf32, #tpu.memory_space<hbm>>
        %dma_start3A_501 = tpu.memref_squeeze %dma_start3A_500 : memref<1x40x128xf32, #tpu.memory_space<hbm>> -> memref<40x128xf32, #tpu.memory_space<hbm>>
        %dma_start3A_502 = arith.constant 0 : i32
        %dma_start3A_503 = tpu.memref_slice %arg3[%add3A_9, %multiple_of3A_498, %dma_start3A_502] : memref<4x320000x128xf32, #tpu.memory_space<hbm>> -> memref<1x40x128xf32, #tpu.memory_space<hbm>>
        %dma_start3A_504 = tpu.memref_squeeze %dma_start3A_503 : memref<1x40x128xf32, #tpu.memory_space<hbm>> -> memref<40x128xf32, #tpu.memory_space<hbm>>
        tpu.enqueue_dma source(%dma_start3A_504 : memref<40x128xf32, #tpu.memory_space<hbm>>) target(%arg17 : memref<40x128xf32, #tpu.memory_space<vmem>>) target_semaphore(%arg25 : memref<!tpu.dma_semaphore, #tpu.memory_space<semaphore_mem>>)
      } else {
      }
      %add3A_349 = arith.constant 2 : i32
      %add3A_350 = arith.addi %add3A_336, %add3A_349 : i32
      %lt3A_351 = arith.constant 500 : i32
      %lt3A_352 = arith.cmpi slt, %add3A_350, %lt3A_351 : i32
      %convert_element_type3A_353 = arith.extui %lt3A_352 : i1 to i32
      %cond3A_354 = arith.constant 0 : i32
      %cond3A_355 = arith.cmpi ne, %convert_element_type3A_353, %cond3A_354 : i32
      scf.if %cond3A_355 {
        %add3A_486 = arith.constant 2 : i32
        %add3A_487 = arith.addi %add3A_336, %add3A_486 : i32
        %add3A_488 = arith.addi %mul3A_75, %add3A_487 : i32
        %mul3A_489 = arith.constant 40 : i32
        %mul3A_490 = arith.muli %add3A_488, %mul3A_489 : i32
        %multiple_of3A_491 = tpu.assume_multiple %mul3A_490, 8 : i32
        %mul3A_492 = arith.constant 320000 : i32
        %mul3A_493 = arith.muli %add3A_9, %mul3A_492 : i32
        %add3A_494 = arith.addi %mul3A_493, %multiple_of3A_491 : i32
        %dma_start3A_495 = tpu.memref_slice %arg4[%add3A_494] : memref<1280000xi32, #tpu.memory_space<hbm>> -> memref<40xi32, #tpu.memory_space<hbm>>
        %dma_start3A_496 = tpu.memref_slice %arg4[%add3A_494] : memref<1280000xi32, #tpu.memory_space<hbm>> -> memref<40xi32, #tpu.memory_space<hbm>>
        tpu.enqueue_dma source(%dma_start3A_496 : memref<40xi32, #tpu.memory_space<hbm>>) target(%arg10 : memref<40xi32, #tpu.memory_space<vmem>>) target_semaphore(%arg32 : memref<!tpu.dma_semaphore, #tpu.memory_space<semaphore_mem>>)
        %dma_start3A_497 = tpu.memref_slice %arg5[%multiple_of3A_491] : memref<320000xi32, #tpu.memory_space<hbm>> -> memref<40xi32, #tpu.memory_space<hbm>>
        %dma_start3A_498 = tpu.memref_slice %arg5[%multiple_of3A_491] : memref<320000xi32, #tpu.memory_space<hbm>> -> memref<40xi32, #tpu.memory_space<hbm>>
        tpu.enqueue_dma source(%dma_start3A_498 : memref<40xi32, #tpu.memory_space<hbm>>) target(%arg14 : memref<40xi32, #tpu.memory_space<vmem>>) target_semaphore(%arg36 : memref<!tpu.dma_semaphore, #tpu.memory_space<semaphore_mem>>)
      } else {
      }
      %dma_wait3A_356 = arith.constant 0 : i32
      %dma_wait3A_357 = arith.constant 0 : i32
      %dma_wait3A_358 = tpu.memref_slice %arg2[%dma_wait3A_356, %dma_wait3A_357] : memref<40000x128xf32, #tpu.memory_space<hbm>> -> memref<40x128xf32, #tpu.memory_space<hbm>>
      %dma_wait3A_359 = arith.constant 0 : i32
      %dma_wait3A_360 = arith.constant 0 : i32
      %dma_wait3A_361 = tpu.memref_slice %arg2[%dma_wait3A_359, %dma_wait3A_360] : memref<40000x128xf32, #tpu.memory_space<hbm>> -> memref<40x128xf32, #tpu.memory_space<hbm>>
      tpu.wait_dma2 semaphore(%arg24 : memref<!tpu.dma_semaphore, #tpu.memory_space<semaphore_mem>>) src(%dma_wait3A_361 : memref<40x128xf32, #tpu.memory_space<hbm>>) dst(%arg16 : memref<40x128xf32, #tpu.memory_space<vmem>>)
      %dma_wait3A_362 = arith.constant 0 : i32
      %dma_wait3A_363 = arith.constant 0 : i32
      %dma_wait3A_364 = arith.constant 0 : i32
      %dma_wait3A_365 = tpu.memref_slice %arg3[%dma_wait3A_362, %dma_wait3A_363, %dma_wait3A_364] : memref<4x320000x128xf32, #tpu.memory_space<hbm>> -> memref<1x40x128xf32, #tpu.memory_space<hbm>>
      %dma_wait3A_366 = tpu.memref_squeeze %dma_wait3A_365 : memref<1x40x128xf32, #tpu.memory_space<hbm>> -> memref<40x128xf32, #tpu.memory_space<hbm>>
      %dma_wait3A_367 = arith.constant 0 : i32
      %dma_wait3A_368 = arith.constant 0 : i32
      %dma_wait3A_369 = tpu.memref_slice %arg3[%dma_wait3A_362, %dma_wait3A_367, %dma_wait3A_368] : memref<4x320000x128xf32, #tpu.memory_space<hbm>> -> memref<1x40x128xf32, #tpu.memory_space<hbm>>
      %dma_wait3A_370 = tpu.memref_squeeze %dma_wait3A_369 : memref<1x40x128xf32, #tpu.memory_space<hbm>> -> memref<40x128xf32, #tpu.memory_space<hbm>>
      tpu.wait_dma2 semaphore(%arg26 : memref<!tpu.dma_semaphore, #tpu.memory_space<semaphore_mem>>) src(%dma_wait3A_370 : memref<40x128xf32, #tpu.memory_space<hbm>>) dst(%arg18 : memref<40x128xf32, #tpu.memory_space<vmem>>)
      %scan3A_371 = arith.constant 0 : i32
      %scan3A_372 = arith.constant 0 : i32
      %scan3A_373 = arith.constant 40 : i32
      %scan3A_374 = arith.addi %scan3A_372, %scan3A_373 : i32
      %scan3A_375 = arith.constant 1 : i32
      scf.for %scan3A_486 = %scan3A_372 to %scan3A_374 step %scan3A_375  : i32 {
        %get3A = arith.index_cast %scan3A_486 : i32 to index
        %get3A_487 = arith.constant 0 : index
        %get3A_488 = tpu.vector_load %arg16[%get3A, %get3A_487] {strides = array<i32>} : memref<40x128xf32, #tpu.memory_space<vmem>>, vector<1x16xf32>,
        %get3A_489 = vector.shape_cast %get3A_488 : vector<1x16xf32> to vector<16xf32>
        %get3A_490 = arith.index_cast %scan3A_486 : i32 to index
        %get3A_491 = arith.constant 0 : index
        %get3A_492 = tpu.vector_load %arg18[%get3A_490, %get3A_491] {strides = array<i32>} : memref<40x128xf32, #tpu.memory_space<vmem>>, vector<1x16xf32>,
        %get3A_493 = vector.shape_cast %get3A_492 : vector<1x16xf32> to vector<16xf32>
        %mul3A_494 = arith.mulf %get3A_489, %get3A_493 : vector<16xf32>
        %swap3A = arith.index_cast %scan3A_486 : i32 to index
        %swap3A_495 = arith.constant 0 : index
        %swap3A_496 = tpu.vector_load %arg20[%swap3A, %swap3A_495] {strides = array<i32>} : memref<40x128xf32, #tpu.memory_space<vmem>>, vector<1x16xf32>,
        %swap3A_497 = vector.shape_cast %swap3A_496 : vector<1x16xf32> to vector<16xf32>
        %swap3A_498 = vector.shape_cast %mul3A_494 : vector<16xf32> to vector<1x16xf32>
        tpu.vector_store %arg20[%swap3A, %swap3A_495], %swap3A_498 {strides = array<i32>} : memref<40x128xf32, #tpu.memory_space<vmem>>, vector<1x16xf32>,
        %get3A_499 = arith.index_cast %scan3A_486 : i32 to index
        %get3A_500 = arith.constant 16 : index
        %get3A_501 = tpu.vector_load %arg16[%get3A_499, %get3A_500] {strides = array<i32>} : memref<40x128xf32, #tpu.memory_space<vmem>>, vector<1x16xf32>,
        %get3A_502 = vector.shape_cast %get3A_501 : vector<1x16xf32> to vector<16xf32>
        %get3A_503 = arith.index_cast %scan3A_486 : i32 to index
        %get3A_504 = arith.constant 16 : index
        %get3A_505 = tpu.vector_load %arg18[%get3A_503, %get3A_504] {strides = array<i32>} : memref<40x128xf32, #tpu.memory_space<vmem>>, vector<1x16xf32>,
        %get3A_506 = vector.shape_cast %get3A_505 : vector<1x16xf32> to vector<16xf32>
        %mul3A_507 = arith.mulf %get3A_502, %get3A_506 : vector<16xf32>
        %swap3A_508 = arith.index_cast %scan3A_486 : i32 to index
        %swap3A_509 = arith.constant 16 : index
        %swap3A_510 = tpu.vector_load %arg20[%swap3A_508, %swap3A_509] {strides = array<i32>} : memref<40x128xf32, #tpu.memory_space<vmem>>, vector<1x16xf32>,
        %swap3A_511 = vector.shape_cast %swap3A_510 : vector<1x16xf32> to vector<16xf32>
        %swap3A_512 = vector.shape_cast %mul3A_507 : vector<16xf32> to vector<1x16xf32>
        tpu.vector_store %arg20[%swap3A_508, %swap3A_509], %swap3A_512 {strides = array<i32>} : memref<40x128xf32, #tpu.memory_space<vmem>>, vector<1x16xf32>,
        %get3A_513 = arith.index_cast %scan3A_486 : i32 to index
        %get3A_514 = arith.constant 32 : index
        %get3A_515 = tpu.vector_load %arg16[%get3A_513, %get3A_514] {strides = array<i32>} : memref<40x128xf32, #tpu.memory_space<vmem>>, vector<1x16xf32>,
        %get3A_516 = vector.shape_cast %get3A_515 : vector<1x16xf32> to vector<16xf32>
        %get3A_517 = arith.index_cast %scan3A_486 : i32 to index
        %get3A_518 = arith.constant 32 : index
        %get3A_519 = tpu.vector_load %arg18[%get3A_517, %get3A_518] {strides = array<i32>} : memref<40x128xf32, #tpu.memory_space<vmem>>, vector<1x16xf32>,
        %get3A_520 = vector.shape_cast %get3A_519 : vector<1x16xf32> to vector<16xf32>
        %mul3A_521 = arith.mulf %get3A_516, %get3A_520 : vector<16xf32>
        %swap3A_522 = arith.index_cast %scan3A_486 : i32 to index
        %swap3A_523 = arith.constant 32 : index
        %swap3A_524 = tpu.vector_load %arg20[%swap3A_522, %swap3A_523] {strides = array<i32>} : memref<40x128xf32, #tpu.memory_space<vmem>>, vector<1x16xf32>,
        %swap3A_525 = vector.shape_cast %swap3A_524 : vector<1x16xf32> to vector<16xf32>
        %swap3A_526 = vector.shape_cast %mul3A_521 : vector<16xf32> to vector<1x16xf32>
        tpu.vector_store %arg20[%swap3A_522, %swap3A_523], %swap3A_526 {strides = array<i32>} : memref<40x128xf32, #tpu.memory_space<vmem>>, vector<1x16xf32>,
        %get3A_527 = arith.index_cast %scan3A_486 : i32 to index
        %get3A_528 = arith.constant 48 : index
        %get3A_529 = tpu.vector_load %arg16[%get3A_527, %get3A_528] {strides = array<i32>} : memref<40x128xf32, #tpu.memory_space<vmem>>, vector<1x16xf32>,
        %get3A_530 = vector.shape_cast %get3A_529 : vector<1x16xf32> to vector<16xf32>
        %get3A_531 = arith.index_cast %scan3A_486 : i32 to index
        %get3A_532 = arith.constant 48 : index
        %get3A_533 = tpu.vector_load %arg18[%get3A_531, %get3A_532] {strides = array<i32>} : memref<40x128xf32, #tpu.memory_space<vmem>>, vector<1x16xf32>,
        %get3A_534 = vector.shape_cast %get3A_533 : vector<1x16xf32> to vector<16xf32>
        %mul3A_535 = arith.mulf %get3A_530, %get3A_534 : vector<16xf32>
        %swap3A_536 = arith.index_cast %scan3A_486 : i32 to index
        %swap3A_537 = arith.constant 48 : index
        %swap3A_538 = tpu.vector_load %arg20[%swap3A_536, %swap3A_537] {strides = array<i32>} : memref<40x128xf32, #tpu.memory_space<vmem>>, vector<1x16xf32>,
        %swap3A_539 = vector.shape_cast %swap3A_538 : vector<1x16xf32> to vector<16xf32>
        %swap3A_540 = vector.shape_cast %mul3A_535 : vector<16xf32> to vector<1x16xf32>
        tpu.vector_store %arg20[%swap3A_536, %swap3A_537], %swap3A_540 {strides = array<i32>} : memref<40x128xf32, #tpu.memory_space<vmem>>, vector<1x16xf32>,
        %get3A_541 = arith.index_cast %scan3A_486 : i32 to index
        %get3A_542 = arith.constant 64 : index
        %get3A_543 = tpu.vector_load %arg16[%get3A_541, %get3A_542] {strides = array<i32>} : memref<40x128xf32, #tpu.memory_space<vmem>>, vector<1x16xf32>,
        %get3A_544 = vector.shape_cast %get3A_543 : vector<1x16xf32> to vector<16xf32>
        %get3A_545 = arith.index_cast %scan3A_486 : i32 to index
        %get3A_546 = arith.constant 64 : index
        %get3A_547 = tpu.vector_load %arg18[%get3A_545, %get3A_546] {strides = array<i32>} : memref<40x128xf32, #tpu.memory_space<vmem>>, vector<1x16xf32>,
        %get3A_548 = vector.shape_cast %get3A_547 : vector<1x16xf32> to vector<16xf32>
        %mul3A_549 = arith.mulf %get3A_544, %get3A_548 : vector<16xf32>
        %swap3A_550 = arith.index_cast %scan3A_486 : i32 to index
        %swap3A_551 = arith.constant 64 : index
        %swap3A_552 = tpu.vector_load %arg20[%swap3A_550, %swap3A_551] {strides = array<i32>} : memref<40x128xf32, #tpu.memory_space<vmem>>, vector<1x16xf32>,
        %swap3A_553 = vector.shape_cast %swap3A_552 : vector<1x16xf32> to vector<16xf32>
        %swap3A_554 = vector.shape_cast %mul3A_549 : vector<16xf32> to vector<1x16xf32>
        tpu.vector_store %arg20[%swap3A_550, %swap3A_551], %swap3A_554 {strides = array<i32>} : memref<40x128xf32, #tpu.memory_space<vmem>>, vector<1x16xf32>,
        %get3A_555 = arith.index_cast %scan3A_486 : i32 to index
        %get3A_556 = arith.constant 80 : index
        %get3A_557 = tpu.vector_load %arg16[%get3A_555, %get3A_556] {strides = array<i32>} : memref<40x128xf32, #tpu.memory_space<vmem>>, vector<1x16xf32>,
        %get3A_558 = vector.shape_cast %get3A_557 : vector<1x16xf32> to vector<16xf32>
        %get3A_559 = arith.index_cast %scan3A_486 : i32 to index
        %get3A_560 = arith.constant 80 : index
        %get3A_561 = tpu.vector_load %arg18[%get3A_559, %get3A_560] {strides = array<i32>} : memref<40x128xf32, #tpu.memory_space<vmem>>, vector<1x16xf32>,
        %get3A_562 = vector.shape_cast %get3A_561 : vector<1x16xf32> to vector<16xf32>
        %mul3A_563 = arith.mulf %get3A_558, %get3A_562 : vector<16xf32>
        %swap3A_564 = arith.index_cast %scan3A_486 : i32 to index
        %swap3A_565 = arith.constant 80 : index
        %swap3A_566 = tpu.vector_load %arg20[%swap3A_564, %swap3A_565] {strides = array<i32>} : memref<40x128xf32, #tpu.memory_space<vmem>>, vector<1x16xf32>,
        %swap3A_567 = vector.shape_cast %swap3A_566 : vector<1x16xf32> to vector<16xf32>
        %swap3A_568 = vector.shape_cast %mul3A_563 : vector<16xf32> to vector<1x16xf32>
        tpu.vector_store %arg20[%swap3A_564, %swap3A_565], %swap3A_568 {strides = array<i32>} : memref<40x128xf32, #tpu.memory_space<vmem>>, vector<1x16xf32>,
        %get3A_569 = arith.index_cast %scan3A_486 : i32 to index
        %get3A_570 = arith.constant 96 : index
        %get3A_571 = tpu.vector_load %arg16[%get3A_569, %get3A_570] {strides = array<i32>} : memref<40x128xf32, #tpu.memory_space<vmem>>, vector<1x16xf32>,
        %get3A_572 = vector.shape_cast %get3A_571 : vector<1x16xf32> to vector<16xf32>
        %get3A_573 = arith.index_cast %scan3A_486 : i32 to index
        %get3A_574 = arith.constant 96 : index
        %get3A_575 = tpu.vector_load %arg18[%get3A_573, %get3A_574] {strides = array<i32>} : memref<40x128xf32, #tpu.memory_space<vmem>>, vector<1x16xf32>,
        %get3A_576 = vector.shape_cast %get3A_575 : vector<1x16xf32> to vector<16xf32>
        %mul3A_577 = arith.mulf %get3A_572, %get3A_576 : vector<16xf32>
        %swap3A_578 = arith.index_cast %scan3A_486 : i32 to index
        %swap3A_579 = arith.constant 96 : index
        %swap3A_580 = tpu.vector_load %arg20[%swap3A_578, %swap3A_579] {strides = array<i32>} : memref<40x128xf32, #tpu.memory_space<vmem>>, vector<1x16xf32>,
        %swap3A_581 = vector.shape_cast %swap3A_580 : vector<1x16xf32> to vector<16xf32>
        %swap3A_582 = vector.shape_cast %mul3A_577 : vector<16xf32> to vector<1x16xf32>
        tpu.vector_store %arg20[%swap3A_578, %swap3A_579], %swap3A_582 {strides = array<i32>} : memref<40x128xf32, #tpu.memory_space<vmem>>, vector<1x16xf32>,
        %get3A_583 = arith.index_cast %scan3A_486 : i32 to index
        %get3A_584 = arith.constant 112 : index
        %get3A_585 = tpu.vector_load %arg16[%get3A_583, %get3A_584] {strides = array<i32>} : memref<40x128xf32, #tpu.memory_space<vmem>>, vector<1x16xf32>,
        %get3A_586 = vector.shape_cast %get3A_585 : vector<1x16xf32> to vector<16xf32>
        %get3A_587 = arith.index_cast %scan3A_486 : i32 to index
        %get3A_588 = arith.constant 112 : index
        %get3A_589 = tpu.vector_load %arg18[%get3A_587, %get3A_588] {strides = array<i32>} : memref<40x128xf32, #tpu.memory_space<vmem>>, vector<1x16xf32>,
        %get3A_590 = vector.shape_cast %get3A_589 : vector<1x16xf32> to vector<16xf32>
        %mul3A_591 = arith.mulf %get3A_586, %get3A_590 : vector<16xf32>
        %swap3A_592 = arith.index_cast %scan3A_486 : i32 to index
        %swap3A_593 = arith.constant 112 : index
        %swap3A_594 = tpu.vector_load %arg20[%swap3A_592, %swap3A_593] {strides = array<i32>} : memref<40x128xf32, #tpu.memory_space<vmem>>, vector<1x16xf32>,
        %swap3A_595 = vector.shape_cast %swap3A_594 : vector<1x16xf32> to vector<16xf32>
        %swap3A_596 = vector.shape_cast %mul3A_591 : vector<16xf32> to vector<1x16xf32>
        tpu.vector_store %arg20[%swap3A_592, %swap3A_593], %swap3A_596 {strides = array<i32>} : memref<40x128xf32, #tpu.memory_space<vmem>>, vector<1x16xf32>,
      }
      %scan3A_376 = arith.constant 40 : i32
      %dma_wait3A_377 = arith.constant 0 : i32
      %dma_wait3A_378 = tpu.memref_slice %arg5[%dma_wait3A_377] : memref<320000xi32, #tpu.memory_space<hbm>> -> memref<40xi32, #tpu.memory_space<hbm>>
      %dma_wait3A_379 = arith.constant 0 : i32
      %dma_wait3A_380 = tpu.memref_slice %arg5[%dma_wait3A_379] : memref<320000xi32, #tpu.memory_space<hbm>> -> memref<40xi32, #tpu.memory_space<hbm>>
      tpu.wait_dma2 semaphore(%arg34 : memref<!tpu.dma_semaphore, #tpu.memory_space<semaphore_mem>>) src(%dma_wait3A_380 : memref<40xi32, #tpu.memory_space<hbm>>) dst(%arg12 : memref<40xi32, #tpu.memory_space<vmem>>)
      %dma_start3A_381 = arith.constant 0 : i32
      %dma_start3A_382 = arith.constant 0 : i32
      %dma_start3A_383 = tpu.memref_slice %arg22[%dma_start3A_381, %dma_start3A_382] : memref<10240x128xf32, #tpu.memory_space<vmem_shared>> -> memref<10240x128xf32, #tpu.memory_space<vmem_shared>>
      tpu.enqueue_indirect_dma source(%arg20 : memref<40x128xf32, #tpu.memory_space<vmem>>) target(%dma_start3A_383 : memref<10240x128xf32, #tpu.memory_space<vmem_shared>>) offsets(%arg12 : memref<40xi32, #tpu.memory_space<vmem>>) semaphore(%arg28 : memref<!tpu.dma_semaphore, #tpu.memory_space<semaphore_mem>>) {add = true}
      %mul3A_384 = arith.constant 4 : i32
      %mul3A_385 = arith.muli %mul3A_384, %scan3A_283 : i32
      %add3A_386 = arith.constant 2 : i32
      %add3A_387 = arith.addi %mul3A_385, %add3A_386 : i32
      %ge3A_388 = arith.constant 2 : i32
      %ge3A_389 = arith.cmpi sge, %add3A_387, %ge3A_388 : i32
      %convert_element_type3A_390 = arith.extui %ge3A_389 : i1 to i32
      %cond3A_391 = arith.constant 0 : i32
      %cond3A_392 = arith.cmpi ne, %convert_element_type3A_390, %cond3A_391 : i32
      scf.if %cond3A_392 {
        %dma_wait3A_486 = arith.constant 0 : i32
        %dma_wait3A_487 = arith.constant 0 : i32
        %dma_wait3A_488 = tpu.memref_slice %arg22[%dma_wait3A_486, %dma_wait3A_487] : memref<10240x128xf32, #tpu.memory_space<vmem_shared>> -> memref<40x128xf32, #tpu.memory_space<vmem_shared>>
        %dma_wait3A_489 = arith.constant 0 : i32
        %dma_wait3A_490 = arith.constant 0 : i32
        %dma_wait3A_491 = tpu.memref_slice %arg22[%dma_wait3A_489, %dma_wait3A_490] : memref<10240x128xf32, #tpu.memory_space<vmem_shared>> -> memref<40x128xf32, #tpu.memory_space<vmem_shared>>
        tpu.wait_dma2 semaphore(%arg27 : memref<!tpu.dma_semaphore, #tpu.memory_space<semaphore_mem>>) src(%arg19 : memref<40x128xf32, #tpu.memory_space<vmem>>) dst(%dma_wait3A_491 : memref<40x128xf32, #tpu.memory_space<vmem_shared>>)
      } else {
      }
      %add3A_393 = arith.constant 1 : i32
      %add3A_394 = arith.addi %add3A_387, %add3A_393 : i32
      %lt3A_395 = arith.constant 500 : i32
      %lt3A_396 = arith.cmpi slt, %add3A_394, %lt3A_395 : i32
      %convert_element_type3A_397 = arith.extui %lt3A_396 : i1 to i32
      %cond3A_398 = arith.constant 0 : i32
      %cond3A_399 = arith.cmpi ne, %convert_element_type3A_397, %cond3A_398 : i32
      scf.if %cond3A_399 {
        %dma_wait3A_486 = arith.constant 0 : i32
        %dma_wait3A_487 = tpu.memref_slice %arg5[%dma_wait3A_486] : memref<320000xi32, #tpu.memory_space<hbm>> -> memref<40xi32, #tpu.memory_space<hbm>>
        %dma_wait3A_488 = arith.constant 0 : i32
        %dma_wait3A_489 = tpu.memref_slice %arg5[%dma_wait3A_488] : memref<320000xi32, #tpu.memory_space<hbm>> -> memref<40xi32, #tpu.memory_space<hbm>>
        tpu.wait_dma2 semaphore(%arg32 : memref<!tpu.dma_semaphore, #tpu.memory_space<semaphore_mem>>) src(%dma_wait3A_489 : memref<40xi32, #tpu.memory_space<hbm>>) dst(%arg10 : memref<40xi32, #tpu.memory_space<vmem>>)
        %add3A_490 = arith.constant 1 : i32
        %add3A_491 = arith.addi %add3A_387, %add3A_490 : i32
        %dma_start3A_492 = arith.constant 0 : i32
        %dma_start3A_493 = arith.constant 0 : i32
        %dma_start3A_494 = tpu.memref_slice %arg2[%dma_start3A_492, %dma_start3A_493] : memref<40000x128xf32, #tpu.memory_space<hbm>> -> memref<40000x128xf32, #tpu.memory_space<hbm>>
        tpu.enqueue_indirect_dma source(%dma_start3A_494 : memref<40000x128xf32, #tpu.memory_space<hbm>>) target(%arg16 : memref<40x128xf32, #tpu.memory_space<vmem>>) offsets(%arg10 : memref<40xi32, #tpu.memory_space<vmem>>) semaphore(%arg24 : memref<!tpu.dma_semaphore, #tpu.memory_space<semaphore_mem>>)
        %add3A_495 = arith.addi %mul3A_75, %add3A_491 : i32
        %mul3A_496 = arith.constant 40 : i32
        %mul3A_497 = arith.muli %add3A_495, %mul3A_496 : i32
        %multiple_of3A_498 = tpu.assume_multiple %mul3A_497, 8 : i32
        %dma_start3A_499 = arith.constant 0 : i32
        %dma_start3A_500 = tpu.memref_slice %arg3[%add3A_9, %multiple_of3A_498, %dma_start3A_499] : memref<4x320000x128xf32, #tpu.memory_space<hbm>> -> memref<1x40x128xf32, #tpu.memory_space<hbm>>
        %dma_start3A_501 = tpu.memref_squeeze %dma_start3A_500 : memref<1x40x128xf32, #tpu.memory_space<hbm>> -> memref<40x128xf32, #tpu.memory_space<hbm>>
        %dma_start3A_502 = arith.constant 0 : i32
        %dma_start3A_503 = tpu.memref_slice %arg3[%add3A_9, %multiple_of3A_498, %dma_start3A_502] : memref<4x320000x128xf32, #tpu.memory_space<hbm>> -> memref<1x40x128xf32, #tpu.memory_space<hbm>>
        %dma_start3A_504 = tpu.memref_squeeze %dma_start3A_503 : memref<1x40x128xf32, #tpu.memory_space<hbm>> -> memref<40x128xf32, #tpu.memory_space<hbm>>
        tpu.enqueue_dma source(%dma_start3A_504 : memref<40x128xf32, #tpu.memory_space<hbm>>) target(%arg18 : memref<40x128xf32, #tpu.memory_space<vmem>>) target_semaphore(%arg26 : memref<!tpu.dma_semaphore, #tpu.memory_space<semaphore_mem>>)
      } else {
      }
      %add3A_400 = arith.constant 2 : i32
      %add3A_401 = arith.addi %add3A_387, %add3A_400 : i32
      %lt3A_402 = arith.constant 500 : i32
      %lt3A_403 = arith.cmpi slt, %add3A_401, %lt3A_402 : i32
      %convert_element_type3A_404 = arith.extui %lt3A_403 : i1 to i32
      %cond3A_405 = arith.constant 0 : i32
      %cond3A_406 = arith.cmpi ne, %convert_element_type3A_404, %cond3A_405 : i32
      scf.if %cond3A_406 {
        %add3A_486 = arith.constant 2 : i32
        %add3A_487 = arith.addi %add3A_387, %add3A_486 : i32
        %add3A_488 = arith.addi %mul3A_75, %add3A_487 : i32
        %mul3A_489 = arith.constant 40 : i32
        %mul3A_490 = arith.muli %add3A_488, %mul3A_489 : i32
        %multiple_of3A_491 = tpu.assume_multiple %mul3A_490, 8 : i32
        %mul3A_492 = arith.constant 320000 : i32
        %mul3A_493 = arith.muli %add3A_9, %mul3A_492 : i32
        %add3A_494 = arith.addi %mul3A_493, %multiple_of3A_491 : i32
        %dma_start3A_495 = tpu.memref_slice %arg4[%add3A_494] : memref<1280000xi32, #tpu.memory_space<hbm>> -> memref<40xi32, #tpu.memory_space<hbm>>
        %dma_start3A_496 = tpu.memref_slice %arg4[%add3A_494] : memref<1280000xi32, #tpu.memory_space<hbm>> -> memref<40xi32, #tpu.memory_space<hbm>>
        tpu.enqueue_dma source(%dma_start3A_496 : memref<40xi32, #tpu.memory_space<hbm>>) target(%arg7 : memref<40xi32, #tpu.memory_space<vmem>>) target_semaphore(%arg29 : memref<!tpu.dma_semaphore, #tpu.memory_space<semaphore_mem>>)
        %dma_start3A_497 = tpu.memref_slice %arg5[%multiple_of3A_491] : memref<320000xi32, #tpu.memory_space<hbm>> -> memref<40xi32, #tpu.memory_space<hbm>>
        %dma_start3A_498 = tpu.memref_slice %arg5[%multiple_of3A_491] : memref<320000xi32, #tpu.memory_space<hbm>> -> memref<40xi32, #tpu.memory_space<hbm>>
        tpu.enqueue_dma source(%dma_start3A_498 : memref<40xi32, #tpu.memory_space<hbm>>) target(%arg11 : memref<40xi32, #tpu.memory_space<vmem>>) target_semaphore(%arg33 : memref<!tpu.dma_semaphore, #tpu.memory_space<semaphore_mem>>)
      } else {
      }
      %dma_wait3A_407 = arith.constant 0 : i32
      %dma_wait3A_408 = arith.constant 0 : i32
      %dma_wait3A_409 = tpu.memref_slice %arg2[%dma_wait3A_407, %dma_wait3A_408] : memref<40000x128xf32, #tpu.memory_space<hbm>> -> memref<40x128xf32, #tpu.memory_space<hbm>>
      %dma_wait3A_410 = arith.constant 0 : i32
      %dma_wait3A_411 = arith.constant 0 : i32
      %dma_wait3A_412 = tpu.memref_slice %arg2[%dma_wait3A_410, %dma_wait3A_411] : memref<40000x128xf32, #tpu.memory_space<hbm>> -> memref<40x128xf32, #tpu.memory_space<hbm>>
      tpu.wait_dma2 semaphore(%arg23 : memref<!tpu.dma_semaphore, #tpu.memory_space<semaphore_mem>>) src(%dma_wait3A_412 : memref<40x128xf32, #tpu.memory_space<hbm>>) dst(%arg15 : memref<40x128xf32, #tpu.memory_space<vmem>>)
      %dma_wait3A_413 = arith.constant 0 : i32
      %dma_wait3A_414 = arith.constant 0 : i32
      %dma_wait3A_415 = arith.constant 0 : i32
      %dma_wait3A_416 = tpu.memref_slice %arg3[%dma_wait3A_413, %dma_wait3A_414, %dma_wait3A_415] : memref<4x320000x128xf32, #tpu.memory_space<hbm>> -> memref<1x40x128xf32, #tpu.memory_space<hbm>>
      %dma_wait3A_417 = tpu.memref_squeeze %dma_wait3A_416 : memref<1x40x128xf32, #tpu.memory_space<hbm>> -> memref<40x128xf32, #tpu.memory_space<hbm>>
      %dma_wait3A_418 = arith.constant 0 : i32
      %dma_wait3A_419 = arith.constant 0 : i32
      %dma_wait3A_420 = tpu.memref_slice %arg3[%dma_wait3A_413, %dma_wait3A_418, %dma_wait3A_419] : memref<4x320000x128xf32, #tpu.memory_space<hbm>> -> memref<1x40x128xf32, #tpu.memory_space<hbm>>
      %dma_wait3A_421 = tpu.memref_squeeze %dma_wait3A_420 : memref<1x40x128xf32, #tpu.memory_space<hbm>> -> memref<40x128xf32, #tpu.memory_space<hbm>>
      tpu.wait_dma2 semaphore(%arg25 : memref<!tpu.dma_semaphore, #tpu.memory_space<semaphore_mem>>) src(%dma_wait3A_421 : memref<40x128xf32, #tpu.memory_space<hbm>>) dst(%arg17 : memref<40x128xf32, #tpu.memory_space<vmem>>)
      %scan3A_422 = arith.constant 0 : i32
      %scan3A_423 = arith.constant 0 : i32
      %scan3A_424 = arith.constant 40 : i32
      %scan3A_425 = arith.addi %scan3A_423, %scan3A_424 : i32
      %scan3A_426 = arith.constant 1 : i32
      scf.for %scan3A_486 = %scan3A_423 to %scan3A_425 step %scan3A_426  : i32 {
        %get3A = arith.index_cast %scan3A_486 : i32 to index
        %get3A_487 = arith.constant 0 : index
        %get3A_488 = tpu.vector_load %arg15[%get3A, %get3A_487] {strides = array<i32>} : memref<40x128xf32, #tpu.memory_space<vmem>>, vector<1x16xf32>,
        %get3A_489 = vector.shape_cast %get3A_488 : vector<1x16xf32> to vector<16xf32>
        %get3A_490 = arith.index_cast %scan3A_486 : i32 to index
        %get3A_491 = arith.constant 0 : index
        %get3A_492 = tpu.vector_load %arg17[%get3A_490, %get3A_491] {strides = array<i32>} : memref<40x128xf32, #tpu.memory_space<vmem>>, vector<1x16xf32>,
        %get3A_493 = vector.shape_cast %get3A_492 : vector<1x16xf32> to vector<16xf32>
        %mul3A_494 = arith.mulf %get3A_489, %get3A_493 : vector<16xf32>
        %swap3A = arith.index_cast %scan3A_486 : i32 to index
        %swap3A_495 = arith.constant 0 : index
        %swap3A_496 = tpu.vector_load %arg19[%swap3A, %swap3A_495] {strides = array<i32>} : memref<40x128xf32, #tpu.memory_space<vmem>>, vector<1x16xf32>,
        %swap3A_497 = vector.shape_cast %swap3A_496 : vector<1x16xf32> to vector<16xf32>
        %swap3A_498 = vector.shape_cast %mul3A_494 : vector<16xf32> to vector<1x16xf32>
        tpu.vector_store %arg19[%swap3A, %swap3A_495], %swap3A_498 {strides = array<i32>} : memref<40x128xf32, #tpu.memory_space<vmem>>, vector<1x16xf32>,
        %get3A_499 = arith.index_cast %scan3A_486 : i32 to index
        %get3A_500 = arith.constant 16 : index
        %get3A_501 = tpu.vector_load %arg15[%get3A_499, %get3A_500] {strides = array<i32>} : memref<40x128xf32, #tpu.memory_space<vmem>>, vector<1x16xf32>,
        %get3A_502 = vector.shape_cast %get3A_501 : vector<1x16xf32> to vector<16xf32>
        %get3A_503 = arith.index_cast %scan3A_486 : i32 to index
        %get3A_504 = arith.constant 16 : index
        %get3A_505 = tpu.vector_load %arg17[%get3A_503, %get3A_504] {strides = array<i32>} : memref<40x128xf32, #tpu.memory_space<vmem>>, vector<1x16xf32>,
        %get3A_506 = vector.shape_cast %get3A_505 : vector<1x16xf32> to vector<16xf32>
        %mul3A_507 = arith.mulf %get3A_502, %get3A_506 : vector<16xf32>
        %swap3A_508 = arith.index_cast %scan3A_486 : i32 to index
        %swap3A_509 = arith.constant 16 : index
        %swap3A_510 = tpu.vector_load %arg19[%swap3A_508, %swap3A_509] {strides = array<i32>} : memref<40x128xf32, #tpu.memory_space<vmem>>, vector<1x16xf32>,
        %swap3A_511 = vector.shape_cast %swap3A_510 : vector<1x16xf32> to vector<16xf32>
        %swap3A_512 = vector.shape_cast %mul3A_507 : vector<16xf32> to vector<1x16xf32>
        tpu.vector_store %arg19[%swap3A_508, %swap3A_509], %swap3A_512 {strides = array<i32>} : memref<40x128xf32, #tpu.memory_space<vmem>>, vector<1x16xf32>,
        %get3A_513 = arith.index_cast %scan3A_486 : i32 to index
        %get3A_514 = arith.constant 32 : index
        %get3A_515 = tpu.vector_load %arg15[%get3A_513, %get3A_514] {strides = array<i32>} : memref<40x128xf32, #tpu.memory_space<vmem>>, vector<1x16xf32>,
        %get3A_516 = vector.shape_cast %get3A_515 : vector<1x16xf32> to vector<16xf32>
        %get3A_517 = arith.index_cast %scan3A_486 : i32 to index
        %get3A_518 = arith.constant 32 : index
        %get3A_519 = tpu.vector_load %arg17[%get3A_517, %get3A_518] {strides = array<i32>} : memref<40x128xf32, #tpu.memory_space<vmem>>, vector<1x16xf32>,
        %get3A_520 = vector.shape_cast %get3A_519 : vector<1x16xf32> to vector<16xf32>
        %mul3A_521 = arith.mulf %get3A_516, %get3A_520 : vector<16xf32>
        %swap3A_522 = arith.index_cast %scan3A_486 : i32 to index
        %swap3A_523 = arith.constant 32 : index
        %swap3A_524 = tpu.vector_load %arg19[%swap3A_522, %swap3A_523] {strides = array<i32>} : memref<40x128xf32, #tpu.memory_space<vmem>>, vector<1x16xf32>,
        %swap3A_525 = vector.shape_cast %swap3A_524 : vector<1x16xf32> to vector<16xf32>
        %swap3A_526 = vector.shape_cast %mul3A_521 : vector<16xf32> to vector<1x16xf32>
        tpu.vector_store %arg19[%swap3A_522, %swap3A_523], %swap3A_526 {strides = array<i32>} : memref<40x128xf32, #tpu.memory_space<vmem>>, vector<1x16xf32>,
        %get3A_527 = arith.index_cast %scan3A_486 : i32 to index
        %get3A_528 = arith.constant 48 : index
        %get3A_529 = tpu.vector_load %arg15[%get3A_527, %get3A_528] {strides = array<i32>} : memref<40x128xf32, #tpu.memory_space<vmem>>, vector<1x16xf32>,
        %get3A_530 = vector.shape_cast %get3A_529 : vector<1x16xf32> to vector<16xf32>
        %get3A_531 = arith.index_cast %scan3A_486 : i32 to index
        %get3A_532 = arith.constant 48 : index
        %get3A_533 = tpu.vector_load %arg17[%get3A_531, %get3A_532] {strides = array<i32>} : memref<40x128xf32, #tpu.memory_space<vmem>>, vector<1x16xf32>,
        %get3A_534 = vector.shape_cast %get3A_533 : vector<1x16xf32> to vector<16xf32>
        %mul3A_535 = arith.mulf %get3A_530, %get3A_534 : vector<16xf32>
        %swap3A_536 = arith.index_cast %scan3A_486 : i32 to index
        %swap3A_537 = arith.constant 48 : index
        %swap3A_538 = tpu.vector_load %arg19[%swap3A_536, %swap3A_537] {strides = array<i32>} : memref<40x128xf32, #tpu.memory_space<vmem>>, vector<1x16xf32>,
        %swap3A_539 = vector.shape_cast %swap3A_538 : vector<1x16xf32> to vector<16xf32>
        %swap3A_540 = vector.shape_cast %mul3A_535 : vector<16xf32> to vector<1x16xf32>
        tpu.vector_store %arg19[%swap3A_536, %swap3A_537], %swap3A_540 {strides = array<i32>} : memref<40x128xf32, #tpu.memory_space<vmem>>, vector<1x16xf32>,
        %get3A_541 = arith.index_cast %scan3A_486 : i32 to index
        %get3A_542 = arith.constant 64 : index
        %get3A_543 = tpu.vector_load %arg15[%get3A_541, %get3A_542] {strides = array<i32>} : memref<40x128xf32, #tpu.memory_space<vmem>>, vector<1x16xf32>,
        %get3A_544 = vector.shape_cast %get3A_543 : vector<1x16xf32> to vector<16xf32>
        %get3A_545 = arith.index_cast %scan3A_486 : i32 to index
        %get3A_546 = arith.constant 64 : index
        %get3A_547 = tpu.vector_load %arg17[%get3A_545, %get3A_546] {strides = array<i32>} : memref<40x128xf32, #tpu.memory_space<vmem>>, vector<1x16xf32>,
        %get3A_548 = vector.shape_cast %get3A_547 : vector<1x16xf32> to vector<16xf32>
        %mul3A_549 = arith.mulf %get3A_544, %get3A_548 : vector<16xf32>
        %swap3A_550 = arith.index_cast %scan3A_486 : i32 to index
        %swap3A_551 = arith.constant 64 : index
        %swap3A_552 = tpu.vector_load %arg19[%swap3A_550, %swap3A_551] {strides = array<i32>} : memref<40x128xf32, #tpu.memory_space<vmem>>, vector<1x16xf32>,
        %swap3A_553 = vector.shape_cast %swap3A_552 : vector<1x16xf32> to vector<16xf32>
        %swap3A_554 = vector.shape_cast %mul3A_549 : vector<16xf32> to vector<1x16xf32>
        tpu.vector_store %arg19[%swap3A_550, %swap3A_551], %swap3A_554 {strides = array<i32>} : memref<40x128xf32, #tpu.memory_space<vmem>>, vector<1x16xf32>,
        %get3A_555 = arith.index_cast %scan3A_486 : i32 to index
        %get3A_556 = arith.constant 80 : index
        %get3A_557 = tpu.vector_load %arg15[%get3A_555, %get3A_556] {strides = array<i32>} : memref<40x128xf32, #tpu.memory_space<vmem>>, vector<1x16xf32>,
        %get3A_558 = vector.shape_cast %get3A_557 : vector<1x16xf32> to vector<16xf32>
        %get3A_559 = arith.index_cast %scan3A_486 : i32 to index
        %get3A_560 = arith.constant 80 : index
        %get3A_561 = tpu.vector_load %arg17[%get3A_559, %get3A_560] {strides = array<i32>} : memref<40x128xf32, #tpu.memory_space<vmem>>, vector<1x16xf32>,
        %get3A_562 = vector.shape_cast %get3A_561 : vector<1x16xf32> to vector<16xf32>
        %mul3A_563 = arith.mulf %get3A_558, %get3A_562 : vector<16xf32>
        %swap3A_564 = arith.index_cast %scan3A_486 : i32 to index
        %swap3A_565 = arith.constant 80 : index
        %swap3A_566 = tpu.vector_load %arg19[%swap3A_564, %swap3A_565] {strides = array<i32>} : memref<40x128xf32, #tpu.memory_space<vmem>>, vector<1x16xf32>,
        %swap3A_567 = vector.shape_cast %swap3A_566 : vector<1x16xf32> to vector<16xf32>
        %swap3A_568 = vector.shape_cast %mul3A_563 : vector<16xf32> to vector<1x16xf32>
        tpu.vector_store %arg19[%swap3A_564, %swap3A_565], %swap3A_568 {strides = array<i32>} : memref<40x128xf32, #tpu.memory_space<vmem>>, vector<1x16xf32>,
        %get3A_569 = arith.index_cast %scan3A_486 : i32 to index
        %get3A_570 = arith.constant 96 : index
        %get3A_571 = tpu.vector_load %arg15[%get3A_569, %get3A_570] {strides = array<i32>} : memref<40x128xf32, #tpu.memory_space<vmem>>, vector<1x16xf32>,
        %get3A_572 = vector.shape_cast %get3A_571 : vector<1x16xf32> to vector<16xf32>
        %get3A_573 = arith.index_cast %scan3A_486 : i32 to index
        %get3A_574 = arith.constant 96 : index
        %get3A_575 = tpu.vector_load %arg17[%get3A_573, %get3A_574] {strides = array<i32>} : memref<40x128xf32, #tpu.memory_space<vmem>>, vector<1x16xf32>,
        %get3A_576 = vector.shape_cast %get3A_575 : vector<1x16xf32> to vector<16xf32>
        %mul3A_577 = arith.mulf %get3A_572, %get3A_576 : vector<16xf32>
        %swap3A_578 = arith.index_cast %scan3A_486 : i32 to index
        %swap3A_579 = arith.constant 96 : index
        %swap3A_580 = tpu.vector_load %arg19[%swap3A_578, %swap3A_579] {strides = array<i32>} : memref<40x128xf32, #tpu.memory_space<vmem>>, vector<1x16xf32>,
        %swap3A_581 = vector.shape_cast %swap3A_580 : vector<1x16xf32> to vector<16xf32>
        %swap3A_582 = vector.shape_cast %mul3A_577 : vector<16xf32> to vector<1x16xf32>
        tpu.vector_store %arg19[%swap3A_578, %swap3A_579], %swap3A_582 {strides = array<i32>} : memref<40x128xf32, #tpu.memory_space<vmem>>, vector<1x16xf32>,
        %get3A_583 = arith.index_cast %scan3A_486 : i32 to index
        %get3A_584 = arith.constant 112 : index
        %get3A_585 = tpu.vector_load %arg15[%get3A_583, %get3A_584] {strides = array<i32>} : memref<40x128xf32, #tpu.memory_space<vmem>>, vector<1x16xf32>,
        %get3A_586 = vector.shape_cast %get3A_585 : vector<1x16xf32> to vector<16xf32>
        %get3A_587 = arith.index_cast %scan3A_486 : i32 to index
        %get3A_588 = arith.constant 112 : index
        %get3A_589 = tpu.vector_load %arg17[%get3A_587, %get3A_588] {strides = array<i32>} : memref<40x128xf32, #tpu.memory_space<vmem>>, vector<1x16xf32>,
        %get3A_590 = vector.shape_cast %get3A_589 : vector<1x16xf32> to vector<16xf32>
        %mul3A_591 = arith.mulf %get3A_586, %get3A_590 : vector<16xf32>
        %swap3A_592 = arith.index_cast %scan3A_486 : i32 to index
        %swap3A_593 = arith.constant 112 : index
        %swap3A_594 = tpu.vector_load %arg19[%swap3A_592, %swap3A_593] {strides = array<i32>} : memref<40x128xf32, #tpu.memory_space<vmem>>, vector<1x16xf32>,
        %swap3A_595 = vector.shape_cast %swap3A_594 : vector<1x16xf32> to vector<16xf32>
        %swap3A_596 = vector.shape_cast %mul3A_591 : vector<16xf32> to vector<1x16xf32>
        tpu.vector_store %arg19[%swap3A_592, %swap3A_593], %swap3A_596 {strides = array<i32>} : memref<40x128xf32, #tpu.memory_space<vmem>>, vector<1x16xf32>,
      }
      %scan3A_427 = arith.constant 40 : i32
      %dma_wait3A_428 = arith.constant 0 : i32
      %dma_wait3A_429 = tpu.memref_slice %arg5[%dma_wait3A_428] : memref<320000xi32, #tpu.memory_space<hbm>> -> memref<40xi32, #tpu.memory_space<hbm>>
      %dma_wait3A_430 = arith.constant 0 : i32
      %dma_wait3A_431 = tpu.memref_slice %arg5[%dma_wait3A_430] : memref<320000xi32, #tpu.memory_space<hbm>> -> memref<40xi32, #tpu.memory_space<hbm>>
      tpu.wait_dma2 semaphore(%arg35 : memref<!tpu.dma_semaphore, #tpu.memory_space<semaphore_mem>>) src(%dma_wait3A_431 : memref<40xi32, #tpu.memory_space<hbm>>) dst(%arg13 : memref<40xi32, #tpu.memory_space<vmem>>)
      %dma_start3A_432 = arith.constant 0 : i32
      %dma_start3A_433 = arith.constant 0 : i32
      %dma_start3A_434 = tpu.memref_slice %arg22[%dma_start3A_432, %dma_start3A_433] : memref<10240x128xf32, #tpu.memory_space<vmem_shared>> -> memref<10240x128xf32, #tpu.memory_space<vmem_shared>>
      tpu.enqueue_indirect_dma source(%arg19 : memref<40x128xf32, #tpu.memory_space<vmem>>) target(%dma_start3A_434 : memref<10240x128xf32, #tpu.memory_space<vmem_shared>>) offsets(%arg13 : memref<40xi32, #tpu.memory_space<vmem>>) semaphore(%arg27 : memref<!tpu.dma_semaphore, #tpu.memory_space<semaphore_mem>>) {add = true}
      %mul3A_435 = arith.constant 4 : i32
      %mul3A_436 = arith.muli %mul3A_435, %scan3A_283 : i32
      %add3A_437 = arith.constant 3 : i32
      %add3A_438 = arith.addi %mul3A_436, %add3A_437 : i32
      %ge3A_439 = arith.constant 2 : i32
      %ge3A_440 = arith.cmpi sge, %add3A_438, %ge3A_439 : i32
      %convert_element_type3A_441 = arith.extui %ge3A_440 : i1 to i32
      %cond3A_442 = arith.constant 0 : i32
      %cond3A_443 = arith.cmpi ne, %convert_element_type3A_441, %cond3A_442 : i32
      scf.if %cond3A_443 {
        %dma_wait3A_486 = arith.constant 0 : i32
        %dma_wait3A_487 = arith.constant 0 : i32
        %dma_wait3A_488 = tpu.memref_slice %arg22[%dma_wait3A_486, %dma_wait3A_487] : memref<10240x128xf32, #tpu.memory_space<vmem_shared>> -> memref<40x128xf32, #tpu.memory_space<vmem_shared>>
        %dma_wait3A_489 = arith.constant 0 : i32
        %dma_wait3A_490 = arith.constant 0 : i32
        %dma_wait3A_491 = tpu.memref_slice %arg22[%dma_wait3A_489, %dma_wait3A_490] : memref<10240x128xf32, #tpu.memory_space<vmem_shared>> -> memref<40x128xf32, #tpu.memory_space<vmem_shared>>
        tpu.wait_dma2 semaphore(%arg28 : memref<!tpu.dma_semaphore, #tpu.memory_space<semaphore_mem>>) src(%arg20 : memref<40x128xf32, #tpu.memory_space<vmem>>) dst(%dma_wait3A_491 : memref<40x128xf32, #tpu.memory_space<vmem_shared>>)
      } else {
      }
      %add3A_444 = arith.constant 1 : i32
      %add3A_445 = arith.addi %add3A_438, %add3A_444 : i32
      %lt3A_446 = arith.constant 500 : i32
      %lt3A_447 = arith.cmpi slt, %add3A_445, %lt3A_446 : i32
      %convert_element_type3A_448 = arith.extui %lt3A_447 : i1 to i32
      %cond3A_449 = arith.constant 0 : i32
      %cond3A_450 = arith.cmpi ne, %convert_element_type3A_448, %cond3A_449 : i32
      scf.if %cond3A_450 {
        %dma_wait3A_486 = arith.constant 0 : i32
        %dma_wait3A_487 = tpu.memref_slice %arg5[%dma_wait3A_486] : memref<320000xi32, #tpu.memory_space<hbm>> -> memref<40xi32, #tpu.memory_space<hbm>>
        %dma_wait3A_488 = arith.constant 0 : i32
        %dma_wait3A_489 = tpu.memref_slice %arg5[%dma_wait3A_488] : memref<320000xi32, #tpu.memory_space<hbm>> -> memref<40xi32, #tpu.memory_space<hbm>>
        tpu.wait_dma2 semaphore(%arg29 : memref<!tpu.dma_semaphore, #tpu.memory_space<semaphore_mem>>) src(%dma_wait3A_489 : memref<40xi32, #tpu.memory_space<hbm>>) dst(%arg7 : memref<40xi32, #tpu.memory_space<vmem>>)
        %add3A_490 = arith.constant 1 : i32
        %add3A_491 = arith.addi %add3A_438, %add3A_490 : i32
        %dma_start3A_492 = arith.constant 0 : i32
        %dma_start3A_493 = arith.constant 0 : i32
        %dma_start3A_494 = tpu.memref_slice %arg2[%dma_start3A_492, %dma_start3A_493] : memref<40000x128xf32, #tpu.memory_space<hbm>> -> memref<40000x128xf32, #tpu.memory_space<hbm>>
        tpu.enqueue_indirect_dma source(%dma_start3A_494 : memref<40000x128xf32, #tpu.memory_space<hbm>>) target(%arg15 : memref<40x128xf32, #tpu.memory_space<vmem>>) offsets(%arg7 : memref<40xi32, #tpu.memory_space<vmem>>) semaphore(%arg23 : memref<!tpu.dma_semaphore, #tpu.memory_space<semaphore_mem>>)
        %add3A_495 = arith.addi %mul3A_75, %add3A_491 : i32
        %mul3A_496 = arith.constant 40 : i32
        %mul3A_497 = arith.muli %add3A_495, %mul3A_496 : i32
        %multiple_of3A_498 = tpu.assume_multiple %mul3A_497, 8 : i32
        %dma_start3A_499 = arith.constant 0 : i32
        %dma_start3A_500 = tpu.memref_slice %arg3[%add3A_9, %multiple_of3A_498, %dma_start3A_499] : memref<4x320000x128xf32, #tpu.memory_space<hbm>> -> memref<1x40x128xf32, #tpu.memory_space<hbm>>
        %dma_start3A_501 = tpu.memref_squeeze %dma_start3A_500 : memref<1x40x128xf32, #tpu.memory_space<hbm>> -> memref<40x128xf32, #tpu.memory_space<hbm>>
        %dma_start3A_502 = arith.constant 0 : i32
        %dma_start3A_503 = tpu.memref_slice %arg3[%add3A_9, %multiple_of3A_498, %dma_start3A_502] : memref<4x320000x128xf32, #tpu.memory_space<hbm>> -> memref<1x40x128xf32, #tpu.memory_space<hbm>>
        %dma_start3A_504 = tpu.memref_squeeze %dma_start3A_503 : memref<1x40x128xf32, #tpu.memory_space<hbm>> -> memref<40x128xf32, #tpu.memory_space<hbm>>
        tpu.enqueue_dma source(%dma_start3A_504 : memref<40x128xf32, #tpu.memory_space<hbm>>) target(%arg17 : memref<40x128xf32, #tpu.memory_space<vmem>>) target_semaphore(%arg25 : memref<!tpu.dma_semaphore, #tpu.memory_space<semaphore_mem>>)
      } else {
      }
      %add3A_451 = arith.constant 2 : i32
      %add3A_452 = arith.addi %add3A_438, %add3A_451 : i32
      %lt3A_453 = arith.constant 500 : i32
      %lt3A_454 = arith.cmpi slt, %add3A_452, %lt3A_453 : i32
      %convert_element_type3A_455 = arith.extui %lt3A_454 : i1 to i32
      %cond3A_456 = arith.constant 0 : i32
      %cond3A_457 = arith.cmpi ne, %convert_element_type3A_455, %cond3A_456 : i32
      scf.if %cond3A_457 {
        %add3A_486 = arith.constant 2 : i32
        %add3A_487 = arith.addi %add3A_438, %add3A_486 : i32
        %add3A_488 = arith.addi %mul3A_75, %add3A_487 : i32
        %mul3A_489 = arith.constant 40 : i32
        %mul3A_490 = arith.muli %add3A_488, %mul3A_489 : i32
        %multiple_of3A_491 = tpu.assume_multiple %mul3A_490, 8 : i32
        %mul3A_492 = arith.constant 320000 : i32
        %mul3A_493 = arith.muli %add3A_9, %mul3A_492 : i32
        %add3A_494 = arith.addi %mul3A_493, %multiple_of3A_491 : i32
        %dma_start3A_495 = tpu.memref_slice %arg4[%add3A_494] : memref<1280000xi32, #tpu.memory_space<hbm>> -> memref<40xi32, #tpu.memory_space<hbm>>
        %dma_start3A_496 = tpu.memref_slice %arg4[%add3A_494] : memref<1280000xi32, #tpu.memory_space<hbm>> -> memref<40xi32, #tpu.memory_space<hbm>>
        tpu.enqueue_dma source(%dma_start3A_496 : memref<40xi32, #tpu.memory_space<hbm>>) target(%arg8 : memref<40xi32, #tpu.memory_space<vmem>>) target_semaphore(%arg30 : memref<!tpu.dma_semaphore, #tpu.memory_space<semaphore_mem>>)
        %dma_start3A_497 = tpu.memref_slice %arg5[%multiple_of3A_491] : memref<320000xi32, #tpu.memory_space<hbm>> -> memref<40xi32, #tpu.memory_space<hbm>>
        %dma_start3A_498 = tpu.memref_slice %arg5[%multiple_of3A_491] : memref<320000xi32, #tpu.memory_space<hbm>> -> memref<40xi32, #tpu.memory_space<hbm>>
        tpu.enqueue_dma source(%dma_start3A_498 : memref<40xi32, #tpu.memory_space<hbm>>) target(%arg12 : memref<40xi32, #tpu.memory_space<vmem>>) target_semaphore(%arg34 : memref<!tpu.dma_semaphore, #tpu.memory_space<semaphore_mem>>)
      } else {
      }
      %dma_wait3A_458 = arith.constant 0 : i32
      %dma_wait3A_459 = arith.constant 0 : i32
      %dma_wait3A_460 = tpu.memref_slice %arg2[%dma_wait3A_458, %dma_wait3A_459] : memref<40000x128xf32, #tpu.memory_space<hbm>> -> memref<40x128xf32, #tpu.memory_space<hbm>>
      %dma_wait3A_461 = arith.constant 0 : i32
      %dma_wait3A_462 = arith.constant 0 : i32
      %dma_wait3A_463 = tpu.memref_slice %arg2[%dma_wait3A_461, %dma_wait3A_462] : memref<40000x128xf32, #tpu.memory_space<hbm>> -> memref<40x128xf32, #tpu.memory_space<hbm>>
      tpu.wait_dma2 semaphore(%arg24 : memref<!tpu.dma_semaphore, #tpu.memory_space<semaphore_mem>>) src(%dma_wait3A_463 : memref<40x128xf32, #tpu.memory_space<hbm>>) dst(%arg16 : memref<40x128xf32, #tpu.memory_space<vmem>>)
      %dma_wait3A_464 = arith.constant 0 : i32
      %dma_wait3A_465 = arith.constant 0 : i32
      %dma_wait3A_466 = arith.constant 0 : i32
      %dma_wait3A_467 = tpu.memref_slice %arg3[%dma_wait3A_464, %dma_wait3A_465, %dma_wait3A_466] : memref<4x320000x128xf32, #tpu.memory_space<hbm>> -> memref<1x40x128xf32, #tpu.memory_space<hbm>>
      %dma_wait3A_468 = tpu.memref_squeeze %dma_wait3A_467 : memref<1x40x128xf32, #tpu.memory_space<hbm>> -> memref<40x128xf32, #tpu.memory_space<hbm>>
      %dma_wait3A_469 = arith.constant 0 : i32
      %dma_wait3A_470 = arith.constant 0 : i32
      %dma_wait3A_471 = tpu.memref_slice %arg3[%dma_wait3A_464, %dma_wait3A_469, %dma_wait3A_470] : memref<4x320000x128xf32, #tpu.memory_space<hbm>> -> memref<1x40x128xf32, #tpu.memory_space<hbm>>
      %dma_wait3A_472 = tpu.memref_squeeze %dma_wait3A_471 : memref<1x40x128xf32, #tpu.memory_space<hbm>> -> memref<40x128xf32, #tpu.memory_space<hbm>>
      tpu.wait_dma2 semaphore(%arg26 : memref<!tpu.dma_semaphore, #tpu.memory_space<semaphore_mem>>) src(%dma_wait3A_472 : memref<40x128xf32, #tpu.memory_space<hbm>>) dst(%arg18 : memref<40x128xf32, #tpu.memory_space<vmem>>)
      %scan3A_473 = arith.constant 0 : i32
      %scan3A_474 = arith.constant 0 : i32
      %scan3A_475 = arith.constant 40 : i32
      %scan3A_476 = arith.addi %scan3A_474, %scan3A_475 : i32
      %scan3A_477 = arith.constant 1 : i32
      scf.for %scan3A_486 = %scan3A_474 to %scan3A_476 step %scan3A_477  : i32 {
        %get3A = arith.index_cast %scan3A_486 : i32 to index
        %get3A_487 = arith.constant 0 : index
        %get3A_488 = tpu.vector_load %arg16[%get3A, %get3A_487] {strides = array<i32>} : memref<40x128xf32, #tpu.memory_space<vmem>>, vector<1x16xf32>,
        %get3A_489 = vector.shape_cast %get3A_488 : vector<1x16xf32> to vector<16xf32>
        %get3A_490 = arith.index_cast %scan3A_486 : i32 to index
        %get3A_491 = arith.constant 0 : index
        %get3A_492 = tpu.vector_load %arg18[%get3A_490, %get3A_491] {strides = array<i32>} : memref<40x128xf32, #tpu.memory_space<vmem>>, vector<1x16xf32>,
        %get3A_493 = vector.shape_cast %get3A_492 : vector<1x16xf32> to vector<16xf32>
        %mul3A_494 = arith.mulf %get3A_489, %get3A_493 : vector<16xf32>
        %swap3A = arith.index_cast %scan3A_486 : i32 to index
        %swap3A_495 = arith.constant 0 : index
        %swap3A_496 = tpu.vector_load %arg20[%swap3A, %swap3A_495] {strides = array<i32>} : memref<40x128xf32, #tpu.memory_space<vmem>>, vector<1x16xf32>,
        %swap3A_497 = vector.shape_cast %swap3A_496 : vector<1x16xf32> to vector<16xf32>
        %swap3A_498 = vector.shape_cast %mul3A_494 : vector<16xf32> to vector<1x16xf32>
        tpu.vector_store %arg20[%swap3A, %swap3A_495], %swap3A_498 {strides = array<i32>} : memref<40x128xf32, #tpu.memory_space<vmem>>, vector<1x16xf32>,
        %get3A_499 = arith.index_cast %scan3A_486 : i32 to index
        %get3A_500 = arith.constant 16 : index
        %get3A_501 = tpu.vector_load %arg16[%get3A_499, %get3A_500] {strides = array<i32>} : memref<40x128xf32, #tpu.memory_space<vmem>>, vector<1x16xf32>,
        %get3A_502 = vector.shape_cast %get3A_501 : vector<1x16xf32> to vector<16xf32>
        %get3A_503 = arith.index_cast %scan3A_486 : i32 to index
        %get3A_504 = arith.constant 16 : index
        %get3A_505 = tpu.vector_load %arg18[%get3A_503, %get3A_504] {strides = array<i32>} : memref<40x128xf32, #tpu.memory_space<vmem>>, vector<1x16xf32>,
        %get3A_506 = vector.shape_cast %get3A_505 : vector<1x16xf32> to vector<16xf32>
        %mul3A_507 = arith.mulf %get3A_502, %get3A_506 : vector<16xf32>
        %swap3A_508 = arith.index_cast %scan3A_486 : i32 to index
        %swap3A_509 = arith.constant 16 : index
        %swap3A_510 = tpu.vector_load %arg20[%swap3A_508, %swap3A_509] {strides = array<i32>} : memref<40x128xf32, #tpu.memory_space<vmem>>, vector<1x16xf32>,
        %swap3A_511 = vector.shape_cast %swap3A_510 : vector<1x16xf32> to vector<16xf32>
        %swap3A_512 = vector.shape_cast %mul3A_507 : vector<16xf32> to vector<1x16xf32>
        tpu.vector_store %arg20[%swap3A_508, %swap3A_509], %swap3A_512 {strides = array<i32>} : memref<40x128xf32, #tpu.memory_space<vmem>>, vector<1x16xf32>,
        %get3A_513 = arith.index_cast %scan3A_486 : i32 to index
        %get3A_514 = arith.constant 32 : index
        %get3A_515 = tpu.vector_load %arg16[%get3A_513, %get3A_514] {strides = array<i32>} : memref<40x128xf32, #tpu.memory_space<vmem>>, vector<1x16xf32>,
        %get3A_516 = vector.shape_cast %get3A_515 : vector<1x16xf32> to vector<16xf32>
        %get3A_517 = arith.index_cast %scan3A_486 : i32 to index
        %get3A_518 = arith.constant 32 : index
        %get3A_519 = tpu.vector_load %arg18[%get3A_517, %get3A_518] {strides = array<i32>} : memref<40x128xf32, #tpu.memory_space<vmem>>, vector<1x16xf32>,
        %get3A_520 = vector.shape_cast %get3A_519 : vector<1x16xf32> to vector<16xf32>
        %mul3A_521 = arith.mulf %get3A_516, %get3A_520 : vector<16xf32>
        %swap3A_522 = arith.index_cast %scan3A_486 : i32 to index
        %swap3A_523 = arith.constant 32 : index
        %swap3A_524 = tpu.vector_load %arg20[%swap3A_522, %swap3A_523] {strides = array<i32>} : memref<40x128xf32, #tpu.memory_space<vmem>>, vector<1x16xf32>,
        %swap3A_525 = vector.shape_cast %swap3A_524 : vector<1x16xf32> to vector<16xf32>
        %swap3A_526 = vector.shape_cast %mul3A_521 : vector<16xf32> to vector<1x16xf32>
        tpu.vector_store %arg20[%swap3A_522, %swap3A_523], %swap3A_526 {strides = array<i32>} : memref<40x128xf32, #tpu.memory_space<vmem>>, vector<1x16xf32>,
        %get3A_527 = arith.index_cast %scan3A_486 : i32 to index
        %get3A_528 = arith.constant 48 : index
        %get3A_529 = tpu.vector_load %arg16[%get3A_527, %get3A_528] {strides = array<i32>} : memref<40x128xf32, #tpu.memory_space<vmem>>, vector<1x16xf32>,
        %get3A_530 = vector.shape_cast %get3A_529 : vector<1x16xf32> to vector<16xf32>
        %get3A_531 = arith.index_cast %scan3A_486 : i32 to index
        %get3A_532 = arith.constant 48 : index
        %get3A_533 = tpu.vector_load %arg18[%get3A_531, %get3A_532] {strides = array<i32>} : memref<40x128xf32, #tpu.memory_space<vmem>>, vector<1x16xf32>,
        %get3A_534 = vector.shape_cast %get3A_533 : vector<1x16xf32> to vector<16xf32>
        %mul3A_535 = arith.mulf %get3A_530, %get3A_534 : vector<16xf32>
        %swap3A_536 = arith.index_cast %scan3A_486 : i32 to index
        %swap3A_537 = arith.constant 48 : index
        %swap3A_538 = tpu.vector_load %arg20[%swap3A_536, %swap3A_537] {strides = array<i32>} : memref<40x128xf32, #tpu.memory_space<vmem>>, vector<1x16xf32>,
        %swap3A_539 = vector.shape_cast %swap3A_538 : vector<1x16xf32> to vector<16xf32>
        %swap3A_540 = vector.shape_cast %mul3A_535 : vector<16xf32> to vector<1x16xf32>
        tpu.vector_store %arg20[%swap3A_536, %swap3A_537], %swap3A_540 {strides = array<i32>} : memref<40x128xf32, #tpu.memory_space<vmem>>, vector<1x16xf32>,
        %get3A_541 = arith.index_cast %scan3A_486 : i32 to index
        %get3A_542 = arith.constant 64 : index
        %get3A_543 = tpu.vector_load %arg16[%get3A_541, %get3A_542] {strides = array<i32>} : memref<40x128xf32, #tpu.memory_space<vmem>>, vector<1x16xf32>,
        %get3A_544 = vector.shape_cast %get3A_543 : vector<1x16xf32> to vector<16xf32>
        %get3A_545 = arith.index_cast %scan3A_486 : i32 to index
        %get3A_546 = arith.constant 64 : index
        %get3A_547 = tpu.vector_load %arg18[%get3A_545, %get3A_546] {strides = array<i32>} : memref<40x128xf32, #tpu.memory_space<vmem>>, vector<1x16xf32>,
        %get3A_548 = vector.shape_cast %get3A_547 : vector<1x16xf32> to vector<16xf32>
        %mul3A_549 = arith.mulf %get3A_544, %get3A_548 : vector<16xf32>
        %swap3A_550 = arith.index_cast %scan3A_486 : i32 to index
        %swap3A_551 = arith.constant 64 : index
        %swap3A_552 = tpu.vector_load %arg20[%swap3A_550, %swap3A_551] {strides = array<i32>} : memref<40x128xf32, #tpu.memory_space<vmem>>, vector<1x16xf32>,
        %swap3A_553 = vector.shape_cast %swap3A_552 : vector<1x16xf32> to vector<16xf32>
        %swap3A_554 = vector.shape_cast %mul3A_549 : vector<16xf32> to vector<1x16xf32>
        tpu.vector_store %arg20[%swap3A_550, %swap3A_551], %swap3A_554 {strides = array<i32>} : memref<40x128xf32, #tpu.memory_space<vmem>>, vector<1x16xf32>,
        %get3A_555 = arith.index_cast %scan3A_486 : i32 to index
        %get3A_556 = arith.constant 80 : index
        %get3A_557 = tpu.vector_load %arg16[%get3A_555, %get3A_556] {strides = array<i32>} : memref<40x128xf32, #tpu.memory_space<vmem>>, vector<1x16xf32>,
        %get3A_558 = vector.shape_cast %get3A_557 : vector<1x16xf32> to vector<16xf32>
        %get3A_559 = arith.index_cast %scan3A_486 : i32 to index
        %get3A_560 = arith.constant 80 : index
        %get3A_561 = tpu.vector_load %arg18[%get3A_559, %get3A_560] {strides = array<i32>} : memref<40x128xf32, #tpu.memory_space<vmem>>, vector<1x16xf32>,
        %get3A_562 = vector.shape_cast %get3A_561 : vector<1x16xf32> to vector<16xf32>
        %mul3A_563 = arith.mulf %get3A_558, %get3A_562 : vector<16xf32>
        %swap3A_564 = arith.index_cast %scan3A_486 : i32 to index
        %swap3A_565 = arith.constant 80 : index
        %swap3A_566 = tpu.vector_load %arg20[%swap3A_564, %swap3A_565] {strides = array<i32>} : memref<40x128xf32, #tpu.memory_space<vmem>>, vector<1x16xf32>,
        %swap3A_567 = vector.shape_cast %swap3A_566 : vector<1x16xf32> to vector<16xf32>
        %swap3A_568 = vector.shape_cast %mul3A_563 : vector<16xf32> to vector<1x16xf32>
        tpu.vector_store %arg20[%swap3A_564, %swap3A_565], %swap3A_568 {strides = array<i32>} : memref<40x128xf32, #tpu.memory_space<vmem>>, vector<1x16xf32>,
        %get3A_569 = arith.index_cast %scan3A_486 : i32 to index
        %get3A_570 = arith.constant 96 : index
        %get3A_571 = tpu.vector_load %arg16[%get3A_569, %get3A_570] {strides = array<i32>} : memref<40x128xf32, #tpu.memory_space<vmem>>, vector<1x16xf32>,
        %get3A_572 = vector.shape_cast %get3A_571 : vector<1x16xf32> to vector<16xf32>
        %get3A_573 = arith.index_cast %scan3A_486 : i32 to index
        %get3A_574 = arith.constant 96 : index
        %get3A_575 = tpu.vector_load %arg18[%get3A_573, %get3A_574] {strides = array<i32>} : memref<40x128xf32, #tpu.memory_space<vmem>>, vector<1x16xf32>,
        %get3A_576 = vector.shape_cast %get3A_575 : vector<1x16xf32> to vector<16xf32>
        %mul3A_577 = arith.mulf %get3A_572, %get3A_576 : vector<16xf32>
        %swap3A_578 = arith.index_cast %scan3A_486 : i32 to index
        %swap3A_579 = arith.constant 96 : index
        %swap3A_580 = tpu.vector_load %arg20[%swap3A_578, %swap3A_579] {strides = array<i32>} : memref<40x128xf32, #tpu.memory_space<vmem>>, vector<1x16xf32>,
        %swap3A_581 = vector.shape_cast %swap3A_580 : vector<1x16xf32> to vector<16xf32>
        %swap3A_582 = vector.shape_cast %mul3A_577 : vector<16xf32> to vector<1x16xf32>
        tpu.vector_store %arg20[%swap3A_578, %swap3A_579], %swap3A_582 {strides = array<i32>} : memref<40x128xf32, #tpu.memory_space<vmem>>, vector<1x16xf32>,
        %get3A_583 = arith.index_cast %scan3A_486 : i32 to index
        %get3A_584 = arith.constant 112 : index
        %get3A_585 = tpu.vector_load %arg16[%get3A_583, %get3A_584] {strides = array<i32>} : memref<40x128xf32, #tpu.memory_space<vmem>>, vector<1x16xf32>,
        %get3A_586 = vector.shape_cast %get3A_585 : vector<1x16xf32> to vector<16xf32>
        %get3A_587 = arith.index_cast %scan3A_486 : i32 to index
        %get3A_588 = arith.constant 112 : index
        %get3A_589 = tpu.vector_load %arg18[%get3A_587, %get3A_588] {strides = array<i32>} : memref<40x128xf32, #tpu.memory_space<vmem>>, vector<1x16xf32>,
        %get3A_590 = vector.shape_cast %get3A_589 : vector<1x16xf32> to vector<16xf32>
        %mul3A_591 = arith.mulf %get3A_586, %get3A_590 : vector<16xf32>
        %swap3A_592 = arith.index_cast %scan3A_486 : i32 to index
        %swap3A_593 = arith.constant 112 : index
        %swap3A_594 = tpu.vector_load %arg20[%swap3A_592, %swap3A_593] {strides = array<i32>} : memref<40x128xf32, #tpu.memory_space<vmem>>, vector<1x16xf32>,
        %swap3A_595 = vector.shape_cast %swap3A_594 : vector<1x16xf32> to vector<16xf32>
        %swap3A_596 = vector.shape_cast %mul3A_591 : vector<16xf32> to vector<1x16xf32>
        tpu.vector_store %arg20[%swap3A_592, %swap3A_593], %swap3A_596 {strides = array<i32>} : memref<40x128xf32, #tpu.memory_space<vmem>>, vector<1x16xf32>,
      }
      %scan3A_478 = arith.constant 40 : i32
      %dma_wait3A_479 = arith.constant 0 : i32
      %dma_wait3A_480 = tpu.memref_slice %arg5[%dma_wait3A_479] : memref<320000xi32, #tpu.memory_space<hbm>> -> memref<40xi32, #tpu.memory_space<hbm>>
      %dma_wait3A_481 = arith.constant 0 : i32
      %dma_wait3A_482 = tpu.memref_slice %arg5[%dma_wait3A_481] : memref<320000xi32, #tpu.memory_space<hbm>> -> memref<40xi32, #tpu.memory_space<hbm>>
      tpu.wait_dma2 semaphore(%arg36 : memref<!tpu.dma_semaphore, #tpu.memory_space<semaphore_mem>>) src(%dma_wait3A_482 : memref<40xi32, #tpu.memory_space<hbm>>) dst(%arg14 : memref<40xi32, #tpu.memory_space<vmem>>)
      %dma_start3A_483 = arith.constant 0 : i32
      %dma_start3A_484 = arith.constant 0 : i32
      %dma_start3A_485 = tpu.memref_slice %arg22[%dma_start3A_483, %dma_start3A_484] : memref<10240x128xf32, #tpu.memory_space<vmem_shared>> -> memref<10240x128xf32, #tpu.memory_space<vmem_shared>>
      tpu.enqueue_indirect_dma source(%arg20 : memref<40x128xf32, #tpu.memory_space<vmem>>) target(%dma_start3A_485 : memref<10240x128xf32, #tpu.memory_space<vmem_shared>>) offsets(%arg14 : memref<40xi32, #tpu.memory_space<vmem>>) semaphore(%arg28 : memref<!tpu.dma_semaphore, #tpu.memory_space<semaphore_mem>>) {add = true}
    }
    %scan3A_121 = arith.constant 125 : i32
    %dma_wait3A_122 = arith.constant 0 : i32
    %dma_wait3A_123 = arith.constant 0 : i32
    %dma_wait3A_124 = tpu.memref_slice %arg22[%dma_wait3A_122, %dma_wait3A_123] : memref<10240x128xf32, #tpu.memory_space<vmem_shared>> -> memref<40x128xf32, #tpu.memory_space<vmem_shared>>
    %dma_wait3A_125 = arith.constant 0 : i32
    %dma_wait3A_126 = arith.constant 0 : i32
    %dma_wait3A_127 = tpu.memref_slice %arg22[%dma_wait3A_125, %dma_wait3A_126] : memref<10240x128xf32, #tpu.memory_space<vmem_shared>> -> memref<40x128xf32, #tpu.memory_space<vmem_shared>>
    tpu.wait_dma2 semaphore(%arg27 : memref<!tpu.dma_semaphore, #tpu.memory_space<semaphore_mem>>) src(%arg19 : memref<40x128xf32, #tpu.memory_space<vmem>>) dst(%dma_wait3A_127 : memref<40x128xf32, #tpu.memory_space<vmem_shared>>)
    %dma_wait3A_128 = arith.constant 0 : i32
    %dma_wait3A_129 = arith.constant 0 : i32
    %dma_wait3A_130 = tpu.memref_slice %arg22[%dma_wait3A_128, %dma_wait3A_129] : memref<10240x128xf32, #tpu.memory_space<vmem_shared>> -> memref<40x128xf32, #tpu.memory_space<vmem_shared>>
    %dma_wait3A_131 = arith.constant 0 : i32
    %dma_wait3A_132 = arith.constant 0 : i32
    %dma_wait3A_133 = tpu.memref_slice %arg22[%dma_wait3A_131, %dma_wait3A_132] : memref<10240x128xf32, #tpu.memory_space<vmem_shared>> -> memref<40x128xf32, #tpu.memory_space<vmem_shared>>
    tpu.wait_dma2 semaphore(%arg28 : memref<!tpu.dma_semaphore, #tpu.memory_space<semaphore_mem>>) src(%arg20 : memref<40x128xf32, #tpu.memory_space<vmem>>) dst(%dma_wait3A_133 : memref<40x128xf32, #tpu.memory_space<vmem_shared>>)
    %barrier3A_134 = arith.constant 0 : index
    tpu.barrier barrier_id(%barrier3A_134)
    %ne3A = arith.constant 15 : i32
    %ne3A_135 = arith.cmpi ne, %arg1, %ne3A : i32
    %convert_element_type3A = arith.extui %ne3A_135 : i1 to i32
    %cond3A = arith.constant 0 : i32
    %cond3A_136 = arith.cmpi ne, %convert_element_type3A, %cond3A : i32
    scf.if %cond3A_136 {
      "tpu.region"() ({
        %run_scoped3A = tpu.sem_alloc : memref<!tpu.dma_semaphore, #tpu.memory_space<semaphore_mem>>
        %dma_start3A_283 = arith.constant 0 : i32
        %dma_start3A_284 = tpu.memref_slice %arg6[%add3A_9, %multiple_of3A, %dma_start3A_283] : memref<4x10000x128xf32, #tpu.memory_space<hbm>> -> memref<1x640x128xf32, #tpu.memory_space<hbm>>
        %dma_start3A_285 = tpu.memref_squeeze %dma_start3A_284 : memref<1x640x128xf32, #tpu.memory_space<hbm>> -> memref<640x128xf32, #tpu.memory_space<hbm>>
        %dma_start3A_286 = arith.constant 0 : i32
        %dma_start3A_287 = tpu.memref_slice %arg22[%multiple_of3A, %dma_start3A_286] : memref<10240x128xf32, #tpu.memory_space<vmem_shared>> -> memref<640x128xf32, #tpu.memory_space<vmem_shared>>
        tpu.enqueue_dma source(%dma_start3A_287 : memref<640x128xf32, #tpu.memory_space<vmem_shared>>) target(%dma_start3A_285 : memref<640x128xf32, #tpu.memory_space<hbm>>) target_semaphore(%run_scoped3A : memref<!tpu.dma_semaphore, #tpu.memory_space<semaphore_mem>>)
        %dma_wait3A_288 = arith.constant 0 : i32
        %dma_wait3A_289 = tpu.memref_slice %arg6[%add3A_9, %multiple_of3A, %dma_wait3A_288] : memref<4x10000x128xf32, #tpu.memory_space<hbm>> -> memref<1x640x128xf32, #tpu.memory_space<hbm>>
        %dma_wait3A_290 = tpu.memref_squeeze %dma_wait3A_289 : memref<1x640x128xf32, #tpu.memory_space<hbm>> -> memref<640x128xf32, #tpu.memory_space<hbm>>
        %dma_wait3A_291 = arith.constant 0 : i32
        %dma_wait3A_292 = tpu.memref_slice %arg22[%multiple_of3A, %dma_wait3A_291] : memref<10240x128xf32, #tpu.memory_space<vmem_shared>> -> memref<640x128xf32, #tpu.memory_space<vmem_shared>>
        tpu.wait_dma2 semaphore(%run_scoped3A : memref<!tpu.dma_semaphore, #tpu.memory_space<semaphore_mem>>) src(%dma_wait3A_292 : memref<640x128xf32, #tpu.memory_space<vmem_shared>>) dst(%dma_wait3A_290 : memref<640x128xf32, #tpu.memory_space<hbm>>)
        tpu.yield
      }) : () -> ()
    } else {
    }
    %eq3A = arith.constant 15 : i32
    %eq3A_137 = arith.cmpi eq, %arg1, %eq3A : i32
    %convert_element_type3A_138 = arith.extui %eq3A_137 : i1 to i32
    %cond3A_139 = arith.constant 0 : i32
    %cond3A_140 = arith.cmpi ne, %convert_element_type3A_138, %cond3A_139 : i32
    scf.if %cond3A_140 {
      "tpu.region"() ({
        %run_scoped3A = tpu.sem_alloc : memref<!tpu.dma_semaphore, #tpu.memory_space<semaphore_mem>>
        %dma_start3A_283 = arith.constant 0 : i32
        %dma_start3A_284 = tpu.memref_slice %arg6[%add3A_9, %multiple_of3A, %dma_start3A_283] : memref<4x10000x128xf32, #tpu.memory_space<hbm>> -> memref<1x400x128xf32, #tpu.memory_space<hbm>>
        %dma_start3A_285 = tpu.memref_squeeze %dma_start3A_284 : memref<1x400x128xf32, #tpu.memory_space<hbm>> -> memref<400x128xf32, #tpu.memory_space<hbm>>
        %dma_start3A_286 = arith.constant 0 : i32
        %dma_start3A_287 = tpu.memref_slice %arg22[%multiple_of3A, %dma_start3A_286] : memref<10240x128xf32, #tpu.memory_space<vmem_shared>> -> memref<400x128xf32, #tpu.memory_space<vmem_shared>>
        tpu.enqueue_dma source(%dma_start3A_287 : memref<400x128xf32, #tpu.memory_space<vmem_shared>>) target(%dma_start3A_285 : memref<400x128xf32, #tpu.memory_space<hbm>>) target_semaphore(%run_scoped3A : memref<!tpu.dma_semaphore, #tpu.memory_space<semaphore_mem>>)
        %dma_wait3A_288 = arith.constant 0 : i32
        %dma_wait3A_289 = tpu.memref_slice %arg6[%add3A_9, %multiple_of3A, %dma_wait3A_288] : memref<4x10000x128xf32, #tpu.memory_space<hbm>> -> memref<1x400x128xf32, #tpu.memory_space<hbm>>
        %dma_wait3A_290 = tpu.memref_squeeze %dma_wait3A_289 : memref<1x400x128xf32, #tpu.memory_space<hbm>> -> memref<400x128xf32, #tpu.memory_space<hbm>>
        %dma_wait3A_291 = arith.constant 0 : i32
        %dma_wait3A_292 = tpu.memref_slice %arg22[%multiple_of3A, %dma_wait3A_291] : memref<10240x128xf32, #tpu.memory_space<vmem_shared>> -> memref<400x128xf32, #tpu.memory_space<vmem_shared>>
        tpu.wait_dma2 semaphore(%run_scoped3A : memref<!tpu.dma_semaphore, #tpu.memory_space<semaphore_mem>>) src(%dma_wait3A_292 : memref<400x128xf32, #tpu.memory_space<vmem_shared>>) dst(%dma_wait3A_290 : memref<400x128xf32, #tpu.memory_space<hbm>>)
        tpu.yield
      }) : () -> ()
    } else {
    }
    %mul3A_141 = arith.constant 2 : i32
    %mul3A_142 = arith.muli %arg0, %mul3A_141 : i32
    %add3A_143 = arith.constant 1 : i32
    %add3A_144 = arith.addi %mul3A_142, %add3A_143 : i32
    %add3A_145 = arith.constant 0 : i32
    %add3A_146 = arith.addi %multiple_of3A, %add3A_145 : i32
    "tpu.region"() ({
      %run_scoped3A = tpu.sem_alloc : memref<!tpu.dma_semaphore, #tpu.memory_space<semaphore_mem>>
      %dma_start3A_283 = arith.constant 0 : i32
      %dma_start3A_284 = tpu.memref_slice %arg22[%add3A_146, %dma_start3A_283] : memref<10240x128xf32, #tpu.memory_space<vmem_shared>> -> memref<20x128xf32, #tpu.memory_space<vmem_shared>>
      %dma_start3A_285 = arith.constant 0 : i32
      %dma_start3A_286 = tpu.memref_slice %arg22[%add3A_146, %dma_start3A_285] : memref<10240x128xf32, #tpu.memory_space<vmem_shared>> -> memref<20x128xf32, #tpu.memory_space<vmem_shared>>
      tpu.enqueue_dma source(%arg21 : memref<20x128xf32, #tpu.memory_space<vmem>>) target(%dma_start3A_286 : memref<20x128xf32, #tpu.memory_space<vmem_shared>>) target_semaphore(%run_scoped3A : memref<!tpu.dma_semaphore, #tpu.memory_space<semaphore_mem>>)
      %dma_wait3A_287 = arith.constant 0 : i32
      %dma_wait3A_288 = tpu.memref_slice %arg22[%add3A_146, %dma_wait3A_287] : memref<10240x128xf32, #tpu.memory_space<vmem_shared>> -> memref<20x128xf32, #tpu.memory_space<vmem_shared>>
      %dma_wait3A_289 = arith.constant 0 : i32
      %dma_wait3A_290 = tpu.memref_slice %arg22[%add3A_146, %dma_wait3A_289] : memref<10240x128xf32, #tpu.memory_space<vmem_shared>> -> memref<20x128xf32, #tpu.memory_space<vmem_shared>>
      tpu.wait_dma2 semaphore(%run_scoped3A : memref<!tpu.dma_semaphore, #tpu.memory_space<semaphore_mem>>) src(%arg21 : memref<20x128xf32, #tpu.memory_space<vmem>>) dst(%dma_wait3A_290 : memref<20x128xf32, #tpu.memory_space<vmem_shared>>)
      tpu.yield
    }) : () -> ()
    %add3A_147 = arith.constant 20 : i32
    %add3A_148 = arith.addi %multiple_of3A, %add3A_147 : i32
    "tpu.region"() ({
      %run_scoped3A = tpu.sem_alloc : memref<!tpu.dma_semaphore, #tpu.memory_space<semaphore_mem>>
      %dma_start3A_283 = arith.constant 0 : i32
      %dma_start3A_284 = tpu.memref_slice %arg22[%add3A_148, %dma_start3A_283] : memref<10240x128xf32, #tpu.memory_space<vmem_shared>> -> memref<20x128xf32, #tpu.memory_space<vmem_shared>>
      %dma_start3A_285 = arith.constant 0 : i32
      %dma_start3A_286 = tpu.memref_slice %arg22[%add3A_148, %dma_start3A_285] : memref<10240x128xf32, #tpu.memory_space<vmem_shared>> -> memref<20x128xf32, #tpu.memory_space<vmem_shared>>
      tpu.enqueue_dma source(%arg21 : memref<20x128xf32, #tpu.memory_space<vmem>>) target(%dma_start3A_286 : memref<20x128xf32, #tpu.memory_space<vmem_shared>>) target_semaphore(%run_scoped3A : memref<!tpu.dma_semaphore, #tpu.memory_space<semaphore_mem>>)
      %dma_wait3A_287 = arith.constant 0 : i32
      %dma_wait3A_288 = tpu.memref_slice %arg22[%add3A_148, %dma_wait3A_287] : memref<10240x128xf32, #tpu.memory_space<vmem_shared>> -> memref<20x128xf32, #tpu.memory_space<vmem_shared>>
      %dma_wait3A_289 = arith.constant 0 : i32
      %dma_wait3A_290 = tpu.memref_slice %arg22[%add3A_148, %dma_wait3A_289] : memref<10240x128xf32, #tpu.memory_space<vmem_shared>> -> memref<20x128xf32, #tpu.memory_space<vmem_shared>>
      tpu.wait_dma2 semaphore(%run_scoped3A : memref<!tpu.dma_semaphore, #tpu.memory_space<semaphore_mem>>) src(%arg21 : memref<20x128xf32, #tpu.memory_space<vmem>>) dst(%dma_wait3A_290 : memref<20x128xf32, #tpu.memory_space<vmem_shared>>)
      tpu.yield
    }) : () -> ()
    %add3A_149 = arith.constant 40 : i32
    %add3A_150 = arith.addi %multiple_of3A, %add3A_149 : i32
    "tpu.region"() ({
      %run_scoped3A = tpu.sem_alloc : memref<!tpu.dma_semaphore, #tpu.memory_space<semaphore_mem>>
      %dma_start3A_283 = arith.constant 0 : i32
      %dma_start3A_284 = tpu.memref_slice %arg22[%add3A_150, %dma_start3A_283] : memref<10240x128xf32, #tpu.memory_space<vmem_shared>> -> memref<20x128xf32, #tpu.memory_space<vmem_shared>>
      %dma_start3A_285 = arith.constant 0 : i32
      %dma_start3A_286 = tpu.memref_slice %arg22[%add3A_150, %dma_start3A_285] : memref<10240x128xf32, #tpu.memory_space<vmem_shared>> -> memref<20x128xf32, #tpu.memory_space<vmem_shared>>
      tpu.enqueue_dma source(%arg21 : memref<20x128xf32, #tpu.memory_space<vmem>>) target(%dma_start3A_286 : memref<20x128xf32, #tpu.memory_space<vmem_shared>>) target_semaphore(%run_scoped3A : memref<!tpu.dma_semaphore, #tpu.memory_space<semaphore_mem>>)
      %dma_wait3A_287 = arith.constant 0 : i32
      %dma_wait3A_288 = tpu.memref_slice %arg22[%add3A_150, %dma_wait3A_287] : memref<10240x128xf32, #tpu.memory_space<vmem_shared>> -> memref<20x128xf32, #tpu.memory_space<vmem_shared>>
      %dma_wait3A_289 = arith.constant 0 : i32
      %dma_wait3A_290 = tpu.memref_slice %arg22[%add3A_150, %dma_wait3A_289] : memref<10240x128xf32, #tpu.memory_space<vmem_shared>> -> memref<20x128xf32, #tpu.memory_space<vmem_shared>>
      tpu.wait_dma2 semaphore(%run_scoped3A : memref<!tpu.dma_semaphore, #tpu.memory_space<semaphore_mem>>) src(%arg21 : memref<20x128xf32, #tpu.memory_space<vmem>>) dst(%dma_wait3A_290 : memref<20x128xf32, #tpu.memory_space<vmem_shared>>)
      tpu.yield
    }) : () -> ()
    %add3A_151 = arith.constant 60 : i32
    %add3A_152 = arith.addi %multiple_of3A, %add3A_151 : i32
    "tpu.region"() ({
      %run_scoped3A = tpu.sem_alloc : memref<!tpu.dma_semaphore, #tpu.memory_space<semaphore_mem>>
      %dma_start3A_283 = arith.constant 0 : i32
      %dma_start3A_284 = tpu.memref_slice %arg22[%add3A_152, %dma_start3A_283] : memref<10240x128xf32, #tpu.memory_space<vmem_shared>> -> memref<20x128xf32, #tpu.memory_space<vmem_shared>>
      %dma_start3A_285 = arith.constant 0 : i32
      %dma_start3A_286 = tpu.memref_slice %arg22[%add3A_152, %dma_start3A_285] : memref<10240x128xf32, #tpu.memory_space<vmem_shared>> -> memref<20x128xf32, #tpu.memory_space<vmem_shared>>
      tpu.enqueue_dma source(%arg21 : memref<20x128xf32, #tpu.memory_space<vmem>>) target(%dma_start3A_286 : memref<20x128xf32, #tpu.memory_space<vmem_shared>>) target_semaphore(%run_scoped3A : memref<!tpu.dma_semaphore, #tpu.memory_space<semaphore_mem>>)
      %dma_wait3A_287 = arith.constant 0 : i32
      %dma_wait3A_288 = tpu.memref_slice %arg22[%add3A_152, %dma_wait3A_287] : memref<10240x128xf32, #tpu.memory_space<vmem_shared>> -> memref<20x128xf32, #tpu.memory_space<vmem_shared>>
      %dma_wait3A_289 = arith.constant 0 : i32
      %dma_wait3A_290 = tpu.memref_slice %arg22[%add3A_152, %dma_wait3A_289] : memref<10240x128xf32, #tpu.memory_space<vmem_shared>> -> memref<20x128xf32, #tpu.memory_space<vmem_shared>>
      tpu.wait_dma2 semaphore(%run_scoped3A : memref<!tpu.dma_semaphore, #tpu.memory_space<semaphore_mem>>) src(%arg21 : memref<20x128xf32, #tpu.memory_space<vmem>>) dst(%dma_wait3A_290 : memref<20x128xf32, #tpu.memory_space<vmem_shared>>)
      tpu.yield
    }) : () -> ()
    %add3A_153 = arith.constant 80 : i32
    %add3A_154 = arith.addi %multiple_of3A, %add3A_153 : i32
    "tpu.region"() ({
      %run_scoped3A = tpu.sem_alloc : memref<!tpu.dma_semaphore, #tpu.memory_space<semaphore_mem>>
      %dma_start3A_283 = arith.constant 0 : i32
      %dma_start3A_284 = tpu.memref_slice %arg22[%add3A_154, %dma_start3A_283] : memref<10240x128xf32, #tpu.memory_space<vmem_shared>> -> memref<20x128xf32, #tpu.memory_space<vmem_shared>>
      %dma_start3A_285 = arith.constant 0 : i32
      %dma_start3A_286 = tpu.memref_slice %arg22[%add3A_154, %dma_start3A_285] : memref<10240x128xf32, #tpu.memory_space<vmem_shared>> -> memref<20x128xf32, #tpu.memory_space<vmem_shared>>
      tpu.enqueue_dma source(%arg21 : memref<20x128xf32, #tpu.memory_space<vmem>>) target(%dma_start3A_286 : memref<20x128xf32, #tpu.memory_space<vmem_shared>>) target_semaphore(%run_scoped3A : memref<!tpu.dma_semaphore, #tpu.memory_space<semaphore_mem>>)
      %dma_wait3A_287 = arith.constant 0 : i32
      %dma_wait3A_288 = tpu.memref_slice %arg22[%add3A_154, %dma_wait3A_287] : memref<10240x128xf32, #tpu.memory_space<vmem_shared>> -> memref<20x128xf32, #tpu.memory_space<vmem_shared>>
      %dma_wait3A_289 = arith.constant 0 : i32
      %dma_wait3A_290 = tpu.memref_slice %arg22[%add3A_154, %dma_wait3A_289] : memref<10240x128xf32, #tpu.memory_space<vmem_shared>> -> memref<20x128xf32, #tpu.memory_space<vmem_shared>>
      tpu.wait_dma2 semaphore(%run_scoped3A : memref<!tpu.dma_semaphore, #tpu.memory_space<semaphore_mem>>) src(%arg21 : memref<20x128xf32, #tpu.memory_space<vmem>>) dst(%dma_wait3A_290 : memref<20x128xf32, #tpu.memory_space<vmem_shared>>)
      tpu.yield
    }) : () -> ()
    %add3A_155 = arith.constant 100 : i32
    %add3A_156 = arith.addi %multiple_of3A, %add3A_155 : i32
    "tpu.region"() ({
      %run_scoped3A = tpu.sem_alloc : memref<!tpu.dma_semaphore, #tpu.memory_space<semaphore_mem>>
      %dma_start3A_283 = arith.constant 0 : i32
      %dma_start3A_284 = tpu.memref_slice %arg22[%add3A_156, %dma_start3A_283] : memref<10240x128xf32, #tpu.memory_space<vmem_shared>> -> memref<20x128xf32, #tpu.memory_space<vmem_shared>>
      %dma_start3A_285 = arith.constant 0 : i32
      %dma_start3A_286 = tpu.memref_slice %arg22[%add3A_156, %dma_start3A_285] : memref<10240x128xf32, #tpu.memory_space<vmem_shared>> -> memref<20x128xf32, #tpu.memory_space<vmem_shared>>
      tpu.enqueue_dma source(%arg21 : memref<20x128xf32, #tpu.memory_space<vmem>>) target(%dma_start3A_286 : memref<20x128xf32, #tpu.memory_space<vmem_shared>>) target_semaphore(%run_scoped3A : memref<!tpu.dma_semaphore, #tpu.memory_space<semaphore_mem>>)
      %dma_wait3A_287 = arith.constant 0 : i32
      %dma_wait3A_288 = tpu.memref_slice %arg22[%add3A_156, %dma_wait3A_287] : memref<10240x128xf32, #tpu.memory_space<vmem_shared>> -> memref<20x128xf32, #tpu.memory_space<vmem_shared>>
      %dma_wait3A_289 = arith.constant 0 : i32
      %dma_wait3A_290 = tpu.memref_slice %arg22[%add3A_156, %dma_wait3A_289] : memref<10240x128xf32, #tpu.memory_space<vmem_shared>> -> memref<20x128xf32, #tpu.memory_space<vmem_shared>>
      tpu.wait_dma2 semaphore(%run_scoped3A : memref<!tpu.dma_semaphore, #tpu.memory_space<semaphore_mem>>) src(%arg21 : memref<20x128xf32, #tpu.memory_space<vmem>>) dst(%dma_wait3A_290 : memref<20x128xf32, #tpu.memory_space<vmem_shared>>)
      tpu.yield
    }) : () -> ()
    %add3A_157 = arith.constant 120 : i32
    %add3A_158 = arith.addi %multiple_of3A, %add3A_157 : i32
    "tpu.region"() ({
      %run_scoped3A = tpu.sem_alloc : memref<!tpu.dma_semaphore, #tpu.memory_space<semaphore_mem>>
      %dma_start3A_283 = arith.constant 0 : i32
      %dma_start3A_284 = tpu.memref_slice %arg22[%add3A_158, %dma_start3A_283] : memref<10240x128xf32, #tpu.memory_space<vmem_shared>> -> memref<20x128xf32, #tpu.memory_space<vmem_shared>>
      %dma_start3A_285 = arith.constant 0 : i32
      %dma_start3A_286 = tpu.memref_slice %arg22[%add3A_158, %dma_start3A_285] : memref<10240x128xf32, #tpu.memory_space<vmem_shared>> -> memref<20x128xf32, #tpu.memory_space<vmem_shared>>
      tpu.enqueue_dma source(%arg21 : memref<20x128xf32, #tpu.memory_space<vmem>>) target(%dma_start3A_286 : memref<20x128xf32, #tpu.memory_space<vmem_shared>>) target_semaphore(%run_scoped3A : memref<!tpu.dma_semaphore, #tpu.memory_space<semaphore_mem>>)
      %dma_wait3A_287 = arith.constant 0 : i32
      %dma_wait3A_288 = tpu.memref_slice %arg22[%add3A_158, %dma_wait3A_287] : memref<10240x128xf32, #tpu.memory_space<vmem_shared>> -> memref<20x128xf32, #tpu.memory_space<vmem_shared>>
      %dma_wait3A_289 = arith.constant 0 : i32
      %dma_wait3A_290 = tpu.memref_slice %arg22[%add3A_158, %dma_wait3A_289] : memref<10240x128xf32, #tpu.memory_space<vmem_shared>> -> memref<20x128xf32, #tpu.memory_space<vmem_shared>>
      tpu.wait_dma2 semaphore(%run_scoped3A : memref<!tpu.dma_semaphore, #tpu.memory_space<semaphore_mem>>) src(%arg21 : memref<20x128xf32, #tpu.memory_space<vmem>>) dst(%dma_wait3A_290 : memref<20x128xf32, #tpu.memory_space<vmem_shared>>)
      tpu.yield
    }) : () -> ()
    %add3A_159 = arith.constant 140 : i32
    %add3A_160 = arith.addi %multiple_of3A, %add3A_159 : i32
    "tpu.region"() ({
      %run_scoped3A = tpu.sem_alloc : memref<!tpu.dma_semaphore, #tpu.memory_space<semaphore_mem>>
      %dma_start3A_283 = arith.constant 0 : i32
      %dma_start3A_284 = tpu.memref_slice %arg22[%add3A_160, %dma_start3A_283] : memref<10240x128xf32, #tpu.memory_space<vmem_shared>> -> memref<20x128xf32, #tpu.memory_space<vmem_shared>>
      %dma_start3A_285 = arith.constant 0 : i32
      %dma_start3A_286 = tpu.memref_slice %arg22[%add3A_160, %dma_start3A_285] : memref<10240x128xf32, #tpu.memory_space<vmem_shared>> -> memref<20x128xf32, #tpu.memory_space<vmem_shared>>
      tpu.enqueue_dma source(%arg21 : memref<20x128xf32, #tpu.memory_space<vmem>>) target(%dma_start3A_286 : memref<20x128xf32, #tpu.memory_space<vmem_shared>>) target_semaphore(%run_scoped3A : memref<!tpu.dma_semaphore, #tpu.memory_space<semaphore_mem>>)
      %dma_wait3A_287 = arith.constant 0 : i32
      %dma_wait3A_288 = tpu.memref_slice %arg22[%add3A_160, %dma_wait3A_287] : memref<10240x128xf32, #tpu.memory_space<vmem_shared>> -> memref<20x128xf32, #tpu.memory_space<vmem_shared>>
      %dma_wait3A_289 = arith.constant 0 : i32
      %dma_wait3A_290 = tpu.memref_slice %arg22[%add3A_160, %dma_wait3A_289] : memref<10240x128xf32, #tpu.memory_space<vmem_shared>> -> memref<20x128xf32, #tpu.memory_space<vmem_shared>>
      tpu.wait_dma2 semaphore(%run_scoped3A : memref<!tpu.dma_semaphore, #tpu.memory_space<semaphore_mem>>) src(%arg21 : memref<20x128xf32, #tpu.memory_space<vmem>>) dst(%dma_wait3A_290 : memref<20x128xf32, #tpu.memory_space<vmem_shared>>)
      tpu.yield
    }) : () -> ()
    %add3A_161 = arith.constant 160 : i32
    %add3A_162 = arith.addi %multiple_of3A, %add3A_161 : i32
    "tpu.region"() ({
      %run_scoped3A = tpu.sem_alloc : memref<!tpu.dma_semaphore, #tpu.memory_space<semaphore_mem>>
      %dma_start3A_283 = arith.constant 0 : i32
      %dma_start3A_284 = tpu.memref_slice %arg22[%add3A_162, %dma_start3A_283] : memref<10240x128xf32, #tpu.memory_space<vmem_shared>> -> memref<20x128xf32, #tpu.memory_space<vmem_shared>>
      %dma_start3A_285 = arith.constant 0 : i32
      %dma_start3A_286 = tpu.memref_slice %arg22[%add3A_162, %dma_start3A_285] : memref<10240x128xf32, #tpu.memory_space<vmem_shared>> -> memref<20x128xf32, #tpu.memory_space<vmem_shared>>
      tpu.enqueue_dma source(%arg21 : memref<20x128xf32, #tpu.memory_space<vmem>>) target(%dma_start3A_286 : memref<20x128xf32, #tpu.memory_space<vmem_shared>>) target_semaphore(%run_scoped3A : memref<!tpu.dma_semaphore, #tpu.memory_space<semaphore_mem>>)
      %dma_wait3A_287 = arith.constant 0 : i32
      %dma_wait3A_288 = tpu.memref_slice %arg22[%add3A_162, %dma_wait3A_287] : memref<10240x128xf32, #tpu.memory_space<vmem_shared>> -> memref<20x128xf32, #tpu.memory_space<vmem_shared>>
      %dma_wait3A_289 = arith.constant 0 : i32
      %dma_wait3A_290 = tpu.memref_slice %arg22[%add3A_162, %dma_wait3A_289] : memref<10240x128xf32, #tpu.memory_space<vmem_shared>> -> memref<20x128xf32, #tpu.memory_space<vmem_shared>>
      tpu.wait_dma2 semaphore(%run_scoped3A : memref<!tpu.dma_semaphore, #tpu.memory_space<semaphore_mem>>) src(%arg21 : memref<20x128xf32, #tpu.memory_space<vmem>>) dst(%dma_wait3A_290 : memref<20x128xf32, #tpu.memory_space<vmem_shared>>)
      tpu.yield
    }) : () -> ()
    %add3A_163 = arith.constant 180 : i32
    %add3A_164 = arith.addi %multiple_of3A, %add3A_163 : i32
    "tpu.region"() ({
      %run_scoped3A = tpu.sem_alloc : memref<!tpu.dma_semaphore, #tpu.memory_space<semaphore_mem>>
      %dma_start3A_283 = arith.constant 0 : i32
      %dma_start3A_284 = tpu.memref_slice %arg22[%add3A_164, %dma_start3A_283] : memref<10240x128xf32, #tpu.memory_space<vmem_shared>> -> memref<20x128xf32, #tpu.memory_space<vmem_shared>>
      %dma_start3A_285 = arith.constant 0 : i32
      %dma_start3A_286 = tpu.memref_slice %arg22[%add3A_164, %dma_start3A_285] : memref<10240x128xf32, #tpu.memory_space<vmem_shared>> -> memref<20x128xf32, #tpu.memory_space<vmem_shared>>
      tpu.enqueue_dma source(%arg21 : memref<20x128xf32, #tpu.memory_space<vmem>>) target(%dma_start3A_286 : memref<20x128xf32, #tpu.memory_space<vmem_shared>>) target_semaphore(%run_scoped3A : memref<!tpu.dma_semaphore, #tpu.memory_space<semaphore_mem>>)
      %dma_wait3A_287 = arith.constant 0 : i32
      %dma_wait3A_288 = tpu.memref_slice %arg22[%add3A_164, %dma_wait3A_287] : memref<10240x128xf32, #tpu.memory_space<vmem_shared>> -> memref<20x128xf32, #tpu.memory_space<vmem_shared>>
      %dma_wait3A_289 = arith.constant 0 : i32
      %dma_wait3A_290 = tpu.memref_slice %arg22[%add3A_164, %dma_wait3A_289] : memref<10240x128xf32, #tpu.memory_space<vmem_shared>> -> memref<20x128xf32, #tpu.memory_space<vmem_shared>>
      tpu.wait_dma2 semaphore(%run_scoped3A : memref<!tpu.dma_semaphore, #tpu.memory_space<semaphore_mem>>) src(%arg21 : memref<20x128xf32, #tpu.memory_space<vmem>>) dst(%dma_wait3A_290 : memref<20x128xf32, #tpu.memory_space<vmem_shared>>)
      tpu.yield
    }) : () -> ()
    %add3A_165 = arith.constant 200 : i32
    %add3A_166 = arith.addi %multiple_of3A, %add3A_165 : i32
    "tpu.region"() ({
      %run_scoped3A = tpu.sem_alloc : memref<!tpu.dma_semaphore, #tpu.memory_space<semaphore_mem>>
      %dma_start3A_283 = arith.constant 0 : i32
      %dma_start3A_284 = tpu.memref_slice %arg22[%add3A_166, %dma_start3A_283] : memref<10240x128xf32, #tpu.memory_space<vmem_shared>> -> memref<20x128xf32, #tpu.memory_space<vmem_shared>>
      %dma_start3A_285 = arith.constant 0 : i32
      %dma_start3A_286 = tpu.memref_slice %arg22[%add3A_166, %dma_start3A_285] : memref<10240x128xf32, #tpu.memory_space<vmem_shared>> -> memref<20x128xf32, #tpu.memory_space<vmem_shared>>
      tpu.enqueue_dma source(%arg21 : memref<20x128xf32, #tpu.memory_space<vmem>>) target(%dma_start3A_286 : memref<20x128xf32, #tpu.memory_space<vmem_shared>>) target_semaphore(%run_scoped3A : memref<!tpu.dma_semaphore, #tpu.memory_space<semaphore_mem>>)
      %dma_wait3A_287 = arith.constant 0 : i32
      %dma_wait3A_288 = tpu.memref_slice %arg22[%add3A_166, %dma_wait3A_287] : memref<10240x128xf32, #tpu.memory_space<vmem_shared>> -> memref<20x128xf32, #tpu.memory_space<vmem_shared>>
      %dma_wait3A_289 = arith.constant 0 : i32
      %dma_wait3A_290 = tpu.memref_slice %arg22[%add3A_166, %dma_wait3A_289] : memref<10240x128xf32, #tpu.memory_space<vmem_shared>> -> memref<20x128xf32, #tpu.memory_space<vmem_shared>>
      tpu.wait_dma2 semaphore(%run_scoped3A : memref<!tpu.dma_semaphore, #tpu.memory_space<semaphore_mem>>) src(%arg21 : memref<20x128xf32, #tpu.memory_space<vmem>>) dst(%dma_wait3A_290 : memref<20x128xf32, #tpu.memory_space<vmem_shared>>)
      tpu.yield
    }) : () -> ()
    %add3A_167 = arith.constant 220 : i32
    %add3A_168 = arith.addi %multiple_of3A, %add3A_167 : i32
    "tpu.region"() ({
      %run_scoped3A = tpu.sem_alloc : memref<!tpu.dma_semaphore, #tpu.memory_space<semaphore_mem>>
      %dma_start3A_283 = arith.constant 0 : i32
      %dma_start3A_284 = tpu.memref_slice %arg22[%add3A_168, %dma_start3A_283] : memref<10240x128xf32, #tpu.memory_space<vmem_shared>> -> memref<20x128xf32, #tpu.memory_space<vmem_shared>>
      %dma_start3A_285 = arith.constant 0 : i32
      %dma_start3A_286 = tpu.memref_slice %arg22[%add3A_168, %dma_start3A_285] : memref<10240x128xf32, #tpu.memory_space<vmem_shared>> -> memref<20x128xf32, #tpu.memory_space<vmem_shared>>
      tpu.enqueue_dma source(%arg21 : memref<20x128xf32, #tpu.memory_space<vmem>>) target(%dma_start3A_286 : memref<20x128xf32, #tpu.memory_space<vmem_shared>>) target_semaphore(%run_scoped3A : memref<!tpu.dma_semaphore, #tpu.memory_space<semaphore_mem>>)
      %dma_wait3A_287 = arith.constant 0 : i32
      %dma_wait3A_288 = tpu.memref_slice %arg22[%add3A_168, %dma_wait3A_287] : memref<10240x128xf32, #tpu.memory_space<vmem_shared>> -> memref<20x128xf32, #tpu.memory_space<vmem_shared>>
      %dma_wait3A_289 = arith.constant 0 : i32
      %dma_wait3A_290 = tpu.memref_slice %arg22[%add3A_168, %dma_wait3A_289] : memref<10240x128xf32, #tpu.memory_space<vmem_shared>> -> memref<20x128xf32, #tpu.memory_space<vmem_shared>>
      tpu.wait_dma2 semaphore(%run_scoped3A : memref<!tpu.dma_semaphore, #tpu.memory_space<semaphore_mem>>) src(%arg21 : memref<20x128xf32, #tpu.memory_space<vmem>>) dst(%dma_wait3A_290 : memref<20x128xf32, #tpu.memory_space<vmem_shared>>)
      tpu.yield
    }) : () -> ()
    %add3A_169 = arith.constant 240 : i32
    %add3A_170 = arith.addi %multiple_of3A, %add3A_169 : i32
    "tpu.region"() ({
      %run_scoped3A = tpu.sem_alloc : memref<!tpu.dma_semaphore, #tpu.memory_space<semaphore_mem>>
      %dma_start3A_283 = arith.constant 0 : i32
      %dma_start3A_284 = tpu.memref_slice %arg22[%add3A_170, %dma_start3A_283] : memref<10240x128xf32, #tpu.memory_space<vmem_shared>> -> memref<20x128xf32, #tpu.memory_space<vmem_shared>>
      %dma_start3A_285 = arith.constant 0 : i32
      %dma_start3A_286 = tpu.memref_slice %arg22[%add3A_170, %dma_start3A_285] : memref<10240x128xf32, #tpu.memory_space<vmem_shared>> -> memref<20x128xf32, #tpu.memory_space<vmem_shared>>
      tpu.enqueue_dma source(%arg21 : memref<20x128xf32, #tpu.memory_space<vmem>>) target(%dma_start3A_286 : memref<20x128xf32, #tpu.memory_space<vmem_shared>>) target_semaphore(%run_scoped3A : memref<!tpu.dma_semaphore, #tpu.memory_space<semaphore_mem>>)
      %dma_wait3A_287 = arith.constant 0 : i32
      %dma_wait3A_288 = tpu.memref_slice %arg22[%add3A_170, %dma_wait3A_287] : memref<10240x128xf32, #tpu.memory_space<vmem_shared>> -> memref<20x128xf32, #tpu.memory_space<vmem_shared>>
      %dma_wait3A_289 = arith.constant 0 : i32
      %dma_wait3A_290 = tpu.memref_slice %arg22[%add3A_170, %dma_wait3A_289] : memref<10240x128xf32, #tpu.memory_space<vmem_shared>> -> memref<20x128xf32, #tpu.memory_space<vmem_shared>>
      tpu.wait_dma2 semaphore(%run_scoped3A : memref<!tpu.dma_semaphore, #tpu.memory_space<semaphore_mem>>) src(%arg21 : memref<20x128xf32, #tpu.memory_space<vmem>>) dst(%dma_wait3A_290 : memref<20x128xf32, #tpu.memory_space<vmem_shared>>)
      tpu.yield
    }) : () -> ()
    %add3A_171 = arith.constant 260 : i32
    %add3A_172 = arith.addi %multiple_of3A, %add3A_171 : i32
    "tpu.region"() ({
      %run_scoped3A = tpu.sem_alloc : memref<!tpu.dma_semaphore, #tpu.memory_space<semaphore_mem>>
      %dma_start3A_283 = arith.constant 0 : i32
      %dma_start3A_284 = tpu.memref_slice %arg22[%add3A_172, %dma_start3A_283] : memref<10240x128xf32, #tpu.memory_space<vmem_shared>> -> memref<20x128xf32, #tpu.memory_space<vmem_shared>>
      %dma_start3A_285 = arith.constant 0 : i32
      %dma_start3A_286 = tpu.memref_slice %arg22[%add3A_172, %dma_start3A_285] : memref<10240x128xf32, #tpu.memory_space<vmem_shared>> -> memref<20x128xf32, #tpu.memory_space<vmem_shared>>
      tpu.enqueue_dma source(%arg21 : memref<20x128xf32, #tpu.memory_space<vmem>>) target(%dma_start3A_286 : memref<20x128xf32, #tpu.memory_space<vmem_shared>>) target_semaphore(%run_scoped3A : memref<!tpu.dma_semaphore, #tpu.memory_space<semaphore_mem>>)
      %dma_wait3A_287 = arith.constant 0 : i32
      %dma_wait3A_288 = tpu.memref_slice %arg22[%add3A_172, %dma_wait3A_287] : memref<10240x128xf32, #tpu.memory_space<vmem_shared>> -> memref<20x128xf32, #tpu.memory_space<vmem_shared>>
      %dma_wait3A_289 = arith.constant 0 : i32
      %dma_wait3A_290 = tpu.memref_slice %arg22[%add3A_172, %dma_wait3A_289] : memref<10240x128xf32, #tpu.memory_space<vmem_shared>> -> memref<20x128xf32, #tpu.memory_space<vmem_shared>>
      tpu.wait_dma2 semaphore(%run_scoped3A : memref<!tpu.dma_semaphore, #tpu.memory_space<semaphore_mem>>) src(%arg21 : memref<20x128xf32, #tpu.memory_space<vmem>>) dst(%dma_wait3A_290 : memref<20x128xf32, #tpu.memory_space<vmem_shared>>)
      tpu.yield
    }) : () -> ()
    %add3A_173 = arith.constant 280 : i32
    %add3A_174 = arith.addi %multiple_of3A, %add3A_173 : i32
    "tpu.region"() ({
      %run_scoped3A = tpu.sem_alloc : memref<!tpu.dma_semaphore, #tpu.memory_space<semaphore_mem>>
      %dma_start3A_283 = arith.constant 0 : i32
      %dma_start3A_284 = tpu.memref_slice %arg22[%add3A_174, %dma_start3A_283] : memref<10240x128xf32, #tpu.memory_space<vmem_shared>> -> memref<20x128xf32, #tpu.memory_space<vmem_shared>>
      %dma_start3A_285 = arith.constant 0 : i32
      %dma_start3A_286 = tpu.memref_slice %arg22[%add3A_174, %dma_start3A_285] : memref<10240x128xf32, #tpu.memory_space<vmem_shared>> -> memref<20x128xf32, #tpu.memory_space<vmem_shared>>
      tpu.enqueue_dma source(%arg21 : memref<20x128xf32, #tpu.memory_space<vmem>>) target(%dma_start3A_286 : memref<20x128xf32, #tpu.memory_space<vmem_shared>>) target_semaphore(%run_scoped3A : memref<!tpu.dma_semaphore, #tpu.memory_space<semaphore_mem>>)
      %dma_wait3A_287 = arith.constant 0 : i32
      %dma_wait3A_288 = tpu.memref_slice %arg22[%add3A_174, %dma_wait3A_287] : memref<10240x128xf32, #tpu.memory_space<vmem_shared>> -> memref<20x128xf32, #tpu.memory_space<vmem_shared>>
      %dma_wait3A_289 = arith.constant 0 : i32
      %dma_wait3A_290 = tpu.memref_slice %arg22[%add3A_174, %dma_wait3A_289] : memref<10240x128xf32, #tpu.memory_space<vmem_shared>> -> memref<20x128xf32, #tpu.memory_space<vmem_shared>>
      tpu.wait_dma2 semaphore(%run_scoped3A : memref<!tpu.dma_semaphore, #tpu.memory_space<semaphore_mem>>) src(%arg21 : memref<20x128xf32, #tpu.memory_space<vmem>>) dst(%dma_wait3A_290 : memref<20x128xf32, #tpu.memory_space<vmem_shared>>)
      tpu.yield
    }) : () -> ()
    %add3A_175 = arith.constant 300 : i32
    %add3A_176 = arith.addi %multiple_of3A, %add3A_175 : i32
    "tpu.region"() ({
      %run_scoped3A = tpu.sem_alloc : memref<!tpu.dma_semaphore, #tpu.memory_space<semaphore_mem>>
      %dma_start3A_283 = arith.constant 0 : i32
      %dma_start3A_284 = tpu.memref_slice %arg22[%add3A_176, %dma_start3A_283] : memref<10240x128xf32, #tpu.memory_space<vmem_shared>> -> memref<20x128xf32, #tpu.memory_space<vmem_shared>>
      %dma_start3A_285 = arith.constant 0 : i32
      %dma_start3A_286 = tpu.memref_slice %arg22[%add3A_176, %dma_start3A_285] : memref<10240x128xf32, #tpu.memory_space<vmem_shared>> -> memref<20x128xf32, #tpu.memory_space<vmem_shared>>
      tpu.enqueue_dma source(%arg21 : memref<20x128xf32, #tpu.memory_space<vmem>>) target(%dma_start3A_286 : memref<20x128xf32, #tpu.memory_space<vmem_shared>>) target_semaphore(%run_scoped3A : memref<!tpu.dma_semaphore, #tpu.memory_space<semaphore_mem>>)
      %dma_wait3A_287 = arith.constant 0 : i32
      %dma_wait3A_288 = tpu.memref_slice %arg22[%add3A_176, %dma_wait3A_287] : memref<10240x128xf32, #tpu.memory_space<vmem_shared>> -> memref<20x128xf32, #tpu.memory_space<vmem_shared>>
      %dma_wait3A_289 = arith.constant 0 : i32
      %dma_wait3A_290 = tpu.memref_slice %arg22[%add3A_176, %dma_wait3A_289] : memref<10240x128xf32, #tpu.memory_space<vmem_shared>> -> memref<20x128xf32, #tpu.memory_space<vmem_shared>>
      tpu.wait_dma2 semaphore(%run_scoped3A : memref<!tpu.dma_semaphore, #tpu.memory_space<semaphore_mem>>) src(%arg21 : memref<20x128xf32, #tpu.memory_space<vmem>>) dst(%dma_wait3A_290 : memref<20x128xf32, #tpu.memory_space<vmem_shared>>)
      tpu.yield
    }) : () -> ()
    %add3A_177 = arith.constant 320 : i32
    %add3A_178 = arith.addi %multiple_of3A, %add3A_177 : i32
    "tpu.region"() ({
      %run_scoped3A = tpu.sem_alloc : memref<!tpu.dma_semaphore, #tpu.memory_space<semaphore_mem>>
      %dma_start3A_283 = arith.constant 0 : i32
      %dma_start3A_284 = tpu.memref_slice %arg22[%add3A_178, %dma_start3A_283] : memref<10240x128xf32, #tpu.memory_space<vmem_shared>> -> memref<20x128xf32, #tpu.memory_space<vmem_shared>>
      %dma_start3A_285 = arith.constant 0 : i32
      %dma_start3A_286 = tpu.memref_slice %arg22[%add3A_178, %dma_start3A_285] : memref<10240x128xf32, #tpu.memory_space<vmem_shared>> -> memref<20x128xf32, #tpu.memory_space<vmem_shared>>
      tpu.enqueue_dma source(%arg21 : memref<20x128xf32, #tpu.memory_space<vmem>>) target(%dma_start3A_286 : memref<20x128xf32, #tpu.memory_space<vmem_shared>>) target_semaphore(%run_scoped3A : memref<!tpu.dma_semaphore, #tpu.memory_space<semaphore_mem>>)
      %dma_wait3A_287 = arith.constant 0 : i32
      %dma_wait3A_288 = tpu.memref_slice %arg22[%add3A_178, %dma_wait3A_287] : memref<10240x128xf32, #tpu.memory_space<vmem_shared>> -> memref<20x128xf32, #tpu.memory_space<vmem_shared>>
      %dma_wait3A_289 = arith.constant 0 : i32
      %dma_wait3A_290 = tpu.memref_slice %arg22[%add3A_178, %dma_wait3A_289] : memref<10240x128xf32, #tpu.memory_space<vmem_shared>> -> memref<20x128xf32, #tpu.memory_space<vmem_shared>>
      tpu.wait_dma2 semaphore(%run_scoped3A : memref<!tpu.dma_semaphore, #tpu.memory_space<semaphore_mem>>) src(%arg21 : memref<20x128xf32, #tpu.memory_space<vmem>>) dst(%dma_wait3A_290 : memref<20x128xf32, #tpu.memory_space<vmem_shared>>)
      tpu.yield
    }) : () -> ()
    %add3A_179 = arith.constant 340 : i32
    %add3A_180 = arith.addi %multiple_of3A, %add3A_179 : i32
    "tpu.region"() ({
      %run_scoped3A = tpu.sem_alloc : memref<!tpu.dma_semaphore, #tpu.memory_space<semaphore_mem>>
      %dma_start3A_283 = arith.constant 0 : i32
      %dma_start3A_284 = tpu.memref_slice %arg22[%add3A_180, %dma_start3A_283] : memref<10240x128xf32, #tpu.memory_space<vmem_shared>> -> memref<20x128xf32, #tpu.memory_space<vmem_shared>>
      %dma_start3A_285 = arith.constant 0 : i32
      %dma_start3A_286 = tpu.memref_slice %arg22[%add3A_180, %dma_start3A_285] : memref<10240x128xf32, #tpu.memory_space<vmem_shared>> -> memref<20x128xf32, #tpu.memory_space<vmem_shared>>
      tpu.enqueue_dma source(%arg21 : memref<20x128xf32, #tpu.memory_space<vmem>>) target(%dma_start3A_286 : memref<20x128xf32, #tpu.memory_space<vmem_shared>>) target_semaphore(%run_scoped3A : memref<!tpu.dma_semaphore, #tpu.memory_space<semaphore_mem>>)
      %dma_wait3A_287 = arith.constant 0 : i32
      %dma_wait3A_288 = tpu.memref_slice %arg22[%add3A_180, %dma_wait3A_287] : memref<10240x128xf32, #tpu.memory_space<vmem_shared>> -> memref<20x128xf32, #tpu.memory_space<vmem_shared>>
      %dma_wait3A_289 = arith.constant 0 : i32
      %dma_wait3A_290 = tpu.memref_slice %arg22[%add3A_180, %dma_wait3A_289] : memref<10240x128xf32, #tpu.memory_space<vmem_shared>> -> memref<20x128xf32, #tpu.memory_space<vmem_shared>>
      tpu.wait_dma2 semaphore(%run_scoped3A : memref<!tpu.dma_semaphore, #tpu.memory_space<semaphore_mem>>) src(%arg21 : memref<20x128xf32, #tpu.memory_space<vmem>>) dst(%dma_wait3A_290 : memref<20x128xf32, #tpu.memory_space<vmem_shared>>)
      tpu.yield
    }) : () -> ()
    %add3A_181 = arith.constant 360 : i32
    %add3A_182 = arith.addi %multiple_of3A, %add3A_181 : i32
    "tpu.region"() ({
      %run_scoped3A = tpu.sem_alloc : memref<!tpu.dma_semaphore, #tpu.memory_space<semaphore_mem>>
      %dma_start3A_283 = arith.constant 0 : i32
      %dma_start3A_284 = tpu.memref_slice %arg22[%add3A_182, %dma_start3A_283] : memref<10240x128xf32, #tpu.memory_space<vmem_shared>> -> memref<20x128xf32, #tpu.memory_space<vmem_shared>>
      %dma_start3A_285 = arith.constant 0 : i32
      %dma_start3A_286 = tpu.memref_slice %arg22[%add3A_182, %dma_start3A_285] : memref<10240x128xf32, #tpu.memory_space<vmem_shared>> -> memref<20x128xf32, #tpu.memory_space<vmem_shared>>
      tpu.enqueue_dma source(%arg21 : memref<20x128xf32, #tpu.memory_space<vmem>>) target(%dma_start3A_286 : memref<20x128xf32, #tpu.memory_space<vmem_shared>>) target_semaphore(%run_scoped3A : memref<!tpu.dma_semaphore, #tpu.memory_space<semaphore_mem>>)
      %dma_wait3A_287 = arith.constant 0 : i32
      %dma_wait3A_288 = tpu.memref_slice %arg22[%add3A_182, %dma_wait3A_287] : memref<10240x128xf32, #tpu.memory_space<vmem_shared>> -> memref<20x128xf32, #tpu.memory_space<vmem_shared>>
      %dma_wait3A_289 = arith.constant 0 : i32
      %dma_wait3A_290 = tpu.memref_slice %arg22[%add3A_182, %dma_wait3A_289] : memref<10240x128xf32, #tpu.memory_space<vmem_shared>> -> memref<20x128xf32, #tpu.memory_space<vmem_shared>>
      tpu.wait_dma2 semaphore(%run_scoped3A : memref<!tpu.dma_semaphore, #tpu.memory_space<semaphore_mem>>) src(%arg21 : memref<20x128xf32, #tpu.memory_space<vmem>>) dst(%dma_wait3A_290 : memref<20x128xf32, #tpu.memory_space<vmem_shared>>)
      tpu.yield
    }) : () -> ()
    %add3A_183 = arith.constant 380 : i32
    %add3A_184 = arith.addi %multiple_of3A, %add3A_183 : i32
    "tpu.region"() ({
      %run_scoped3A = tpu.sem_alloc : memref<!tpu.dma_semaphore, #tpu.memory_space<semaphore_mem>>
      %dma_start3A_283 = arith.constant 0 : i32
      %dma_start3A_284 = tpu.memref_slice %arg22[%add3A_184, %dma_start3A_283] : memref<10240x128xf32, #tpu.memory_space<vmem_shared>> -> memref<20x128xf32, #tpu.memory_space<vmem_shared>>
      %dma_start3A_285 = arith.constant 0 : i32
      %dma_start3A_286 = tpu.memref_slice %arg22[%add3A_184, %dma_start3A_285] : memref<10240x128xf32, #tpu.memory_space<vmem_shared>> -> memref<20x128xf32, #tpu.memory_space<vmem_shared>>
      tpu.enqueue_dma source(%arg21 : memref<20x128xf32, #tpu.memory_space<vmem>>) target(%dma_start3A_286 : memref<20x128xf32, #tpu.memory_space<vmem_shared>>) target_semaphore(%run_scoped3A : memref<!tpu.dma_semaphore, #tpu.memory_space<semaphore_mem>>)
      %dma_wait3A_287 = arith.constant 0 : i32
      %dma_wait3A_288 = tpu.memref_slice %arg22[%add3A_184, %dma_wait3A_287] : memref<10240x128xf32, #tpu.memory_space<vmem_shared>> -> memref<20x128xf32, #tpu.memory_space<vmem_shared>>
      %dma_wait3A_289 = arith.constant 0 : i32
      %dma_wait3A_290 = tpu.memref_slice %arg22[%add3A_184, %dma_wait3A_289] : memref<10240x128xf32, #tpu.memory_space<vmem_shared>> -> memref<20x128xf32, #tpu.memory_space<vmem_shared>>
      tpu.wait_dma2 semaphore(%run_scoped3A : memref<!tpu.dma_semaphore, #tpu.memory_space<semaphore_mem>>) src(%arg21 : memref<20x128xf32, #tpu.memory_space<vmem>>) dst(%dma_wait3A_290 : memref<20x128xf32, #tpu.memory_space<vmem_shared>>)
      tpu.yield
    }) : () -> ()
    %add3A_185 = arith.constant 400 : i32
    %add3A_186 = arith.addi %multiple_of3A, %add3A_185 : i32
    "tpu.region"() ({
      %run_scoped3A = tpu.sem_alloc : memref<!tpu.dma_semaphore, #tpu.memory_space<semaphore_mem>>
      %dma_start3A_283 = arith.constant 0 : i32
      %dma_start3A_284 = tpu.memref_slice %arg22[%add3A_186, %dma_start3A_283] : memref<10240x128xf32, #tpu.memory_space<vmem_shared>> -> memref<20x128xf32, #tpu.memory_space<vmem_shared>>
      %dma_start3A_285 = arith.constant 0 : i32
      %dma_start3A_286 = tpu.memref_slice %arg22[%add3A_186, %dma_start3A_285] : memref<10240x128xf32, #tpu.memory_space<vmem_shared>> -> memref<20x128xf32, #tpu.memory_space<vmem_shared>>
      tpu.enqueue_dma source(%arg21 : memref<20x128xf32, #tpu.memory_space<vmem>>) target(%dma_start3A_286 : memref<20x128xf32, #tpu.memory_space<vmem_shared>>) target_semaphore(%run_scoped3A : memref<!tpu.dma_semaphore, #tpu.memory_space<semaphore_mem>>)
      %dma_wait3A_287 = arith.constant 0 : i32
      %dma_wait3A_288 = tpu.memref_slice %arg22[%add3A_186, %dma_wait3A_287] : memref<10240x128xf32, #tpu.memory_space<vmem_shared>> -> memref<20x128xf32, #tpu.memory_space<vmem_shared>>
      %dma_wait3A_289 = arith.constant 0 : i32
      %dma_wait3A_290 = tpu.memref_slice %arg22[%add3A_186, %dma_wait3A_289] : memref<10240x128xf32, #tpu.memory_space<vmem_shared>> -> memref<20x128xf32, #tpu.memory_space<vmem_shared>>
      tpu.wait_dma2 semaphore(%run_scoped3A : memref<!tpu.dma_semaphore, #tpu.memory_space<semaphore_mem>>) src(%arg21 : memref<20x128xf32, #tpu.memory_space<vmem>>) dst(%dma_wait3A_290 : memref<20x128xf32, #tpu.memory_space<vmem_shared>>)
      tpu.yield
    }) : () -> ()
    %add3A_187 = arith.constant 420 : i32
    %add3A_188 = arith.addi %multiple_of3A, %add3A_187 : i32
    "tpu.region"() ({
      %run_scoped3A = tpu.sem_alloc : memref<!tpu.dma_semaphore, #tpu.memory_space<semaphore_mem>>
      %dma_start3A_283 = arith.constant 0 : i32
      %dma_start3A_284 = tpu.memref_slice %arg22[%add3A_188, %dma_start3A_283] : memref<10240x128xf32, #tpu.memory_space<vmem_shared>> -> memref<20x128xf32, #tpu.memory_space<vmem_shared>>
      %dma_start3A_285 = arith.constant 0 : i32
      %dma_start3A_286 = tpu.memref_slice %arg22[%add3A_188, %dma_start3A_285] : memref<10240x128xf32, #tpu.memory_space<vmem_shared>> -> memref<20x128xf32, #tpu.memory_space<vmem_shared>>
      tpu.enqueue_dma source(%arg21 : memref<20x128xf32, #tpu.memory_space<vmem>>) target(%dma_start3A_286 : memref<20x128xf32, #tpu.memory_space<vmem_shared>>) target_semaphore(%run_scoped3A : memref<!tpu.dma_semaphore, #tpu.memory_space<semaphore_mem>>)
      %dma_wait3A_287 = arith.constant 0 : i32
      %dma_wait3A_288 = tpu.memref_slice %arg22[%add3A_188, %dma_wait3A_287] : memref<10240x128xf32, #tpu.memory_space<vmem_shared>> -> memref<20x128xf32, #tpu.memory_space<vmem_shared>>
      %dma_wait3A_289 = arith.constant 0 : i32
      %dma_wait3A_290 = tpu.memref_slice %arg22[%add3A_188, %dma_wait3A_289] : memref<10240x128xf32, #tpu.memory_space<vmem_shared>> -> memref<20x128xf32, #tpu.memory_space<vmem_shared>>
      tpu.wait_dma2 semaphore(%run_scoped3A : memref<!tpu.dma_semaphore, #tpu.memory_space<semaphore_mem>>) src(%arg21 : memref<20x128xf32, #tpu.memory_space<vmem>>) dst(%dma_wait3A_290 : memref<20x128xf32, #tpu.memory_space<vmem_shared>>)
      tpu.yield
    }) : () -> ()
    %add3A_189 = arith.constant 440 : i32
    %add3A_190 = arith.addi %multiple_of3A, %add3A_189 : i32
    "tpu.region"() ({
      %run_scoped3A = tpu.sem_alloc : memref<!tpu.dma_semaphore, #tpu.memory_space<semaphore_mem>>
      %dma_start3A_283 = arith.constant 0 : i32
      %dma_start3A_284 = tpu.memref_slice %arg22[%add3A_190, %dma_start3A_283] : memref<10240x128xf32, #tpu.memory_space<vmem_shared>> -> memref<20x128xf32, #tpu.memory_space<vmem_shared>>
      %dma_start3A_285 = arith.constant 0 : i32
      %dma_start3A_286 = tpu.memref_slice %arg22[%add3A_190, %dma_start3A_285] : memref<10240x128xf32, #tpu.memory_space<vmem_shared>> -> memref<20x128xf32, #tpu.memory_space<vmem_shared>>
      tpu.enqueue_dma source(%arg21 : memref<20x128xf32, #tpu.memory_space<vmem>>) target(%dma_start3A_286 : memref<20x128xf32, #tpu.memory_space<vmem_shared>>) target_semaphore(%run_scoped3A : memref<!tpu.dma_semaphore, #tpu.memory_space<semaphore_mem>>)
      %dma_wait3A_287 = arith.constant 0 : i32
      %dma_wait3A_288 = tpu.memref_slice %arg22[%add3A_190, %dma_wait3A_287] : memref<10240x128xf32, #tpu.memory_space<vmem_shared>> -> memref<20x128xf32, #tpu.memory_space<vmem_shared>>
      %dma_wait3A_289 = arith.constant 0 : i32
      %dma_wait3A_290 = tpu.memref_slice %arg22[%add3A_190, %dma_wait3A_289] : memref<10240x128xf32, #tpu.memory_space<vmem_shared>> -> memref<20x128xf32, #tpu.memory_space<vmem_shared>>
      tpu.wait_dma2 semaphore(%run_scoped3A : memref<!tpu.dma_semaphore, #tpu.memory_space<semaphore_mem>>) src(%arg21 : memref<20x128xf32, #tpu.memory_space<vmem>>) dst(%dma_wait3A_290 : memref<20x128xf32, #tpu.memory_space<vmem_shared>>)
      tpu.yield
    }) : () -> ()
    %add3A_191 = arith.constant 460 : i32
    %add3A_192 = arith.addi %multiple_of3A, %add3A_191 : i32
    "tpu.region"() ({
      %run_scoped3A = tpu.sem_alloc : memref<!tpu.dma_semaphore, #tpu.memory_space<semaphore_mem>>
      %dma_start3A_283 = arith.constant 0 : i32
      %dma_start3A_284 = tpu.memref_slice %arg22[%add3A_192, %dma_start3A_283] : memref<10240x128xf32, #tpu.memory_space<vmem_shared>> -> memref<20x128xf32, #tpu.memory_space<vmem_shared>>
      %dma_start3A_285 = arith.constant 0 : i32
      %dma_start3A_286 = tpu.memref_slice %arg22[%add3A_192, %dma_start3A_285] : memref<10240x128xf32, #tpu.memory_space<vmem_shared>> -> memref<20x128xf32, #tpu.memory_space<vmem_shared>>
      tpu.enqueue_dma source(%arg21 : memref<20x128xf32, #tpu.memory_space<vmem>>) target(%dma_start3A_286 : memref<20x128xf32, #tpu.memory_space<vmem_shared>>) target_semaphore(%run_scoped3A : memref<!tpu.dma_semaphore, #tpu.memory_space<semaphore_mem>>)
      %dma_wait3A_287 = arith.constant 0 : i32
      %dma_wait3A_288 = tpu.memref_slice %arg22[%add3A_192, %dma_wait3A_287] : memref<10240x128xf32, #tpu.memory_space<vmem_shared>> -> memref<20x128xf32, #tpu.memory_space<vmem_shared>>
      %dma_wait3A_289 = arith.constant 0 : i32
      %dma_wait3A_290 = tpu.memref_slice %arg22[%add3A_192, %dma_wait3A_289] : memref<10240x128xf32, #tpu.memory_space<vmem_shared>> -> memref<20x128xf32, #tpu.memory_space<vmem_shared>>
      tpu.wait_dma2 semaphore(%run_scoped3A : memref<!tpu.dma_semaphore, #tpu.memory_space<semaphore_mem>>) src(%arg21 : memref<20x128xf32, #tpu.memory_space<vmem>>) dst(%dma_wait3A_290 : memref<20x128xf32, #tpu.memory_space<vmem_shared>>)
      tpu.yield
    }) : () -> ()
    %add3A_193 = arith.constant 480 : i32
    %add3A_194 = arith.addi %multiple_of3A, %add3A_193 : i32
    "tpu.region"() ({
      %run_scoped3A = tpu.sem_alloc : memref<!tpu.dma_semaphore, #tpu.memory_space<semaphore_mem>>
      %dma_start3A_283 = arith.constant 0 : i32
      %dma_start3A_284 = tpu.memref_slice %arg22[%add3A_194, %dma_start3A_283] : memref<10240x128xf32, #tpu.memory_space<vmem_shared>> -> memref<20x128xf32, #tpu.memory_space<vmem_shared>>
      %dma_start3A_285 = arith.constant 0 : i32
      %dma_start3A_286 = tpu.memref_slice %arg22[%add3A_194, %dma_start3A_285] : memref<10240x128xf32, #tpu.memory_space<vmem_shared>> -> memref<20x128xf32, #tpu.memory_space<vmem_shared>>
      tpu.enqueue_dma source(%arg21 : memref<20x128xf32, #tpu.memory_space<vmem>>) target(%dma_start3A_286 : memref<20x128xf32, #tpu.memory_space<vmem_shared>>) target_semaphore(%run_scoped3A : memref<!tpu.dma_semaphore, #tpu.memory_space<semaphore_mem>>)
      %dma_wait3A_287 = arith.constant 0 : i32
      %dma_wait3A_288 = tpu.memref_slice %arg22[%add3A_194, %dma_wait3A_287] : memref<10240x128xf32, #tpu.memory_space<vmem_shared>> -> memref<20x128xf32, #tpu.memory_space<vmem_shared>>
      %dma_wait3A_289 = arith.constant 0 : i32
      %dma_wait3A_290 = tpu.memref_slice %arg22[%add3A_194, %dma_wait3A_289] : memref<10240x128xf32, #tpu.memory_space<vmem_shared>> -> memref<20x128xf32, #tpu.memory_space<vmem_shared>>
      tpu.wait_dma2 semaphore(%run_scoped3A : memref<!tpu.dma_semaphore, #tpu.memory_space<semaphore_mem>>) src(%arg21 : memref<20x128xf32, #tpu.memory_space<vmem>>) dst(%dma_wait3A_290 : memref<20x128xf32, #tpu.memory_space<vmem_shared>>)
      tpu.yield
    }) : () -> ()
    %add3A_195 = arith.constant 500 : i32
    %add3A_196 = arith.addi %multiple_of3A, %add3A_195 : i32
    "tpu.region"() ({
      %run_scoped3A = tpu.sem_alloc : memref<!tpu.dma_semaphore, #tpu.memory_space<semaphore_mem>>
      %dma_start3A_283 = arith.constant 0 : i32
      %dma_start3A_284 = tpu.memref_slice %arg22[%add3A_196, %dma_start3A_283] : memref<10240x128xf32, #tpu.memory_space<vmem_shared>> -> memref<20x128xf32, #tpu.memory_space<vmem_shared>>
      %dma_start3A_285 = arith.constant 0 : i32
      %dma_start3A_286 = tpu.memref_slice %arg22[%add3A_196, %dma_start3A_285] : memref<10240x128xf32, #tpu.memory_space<vmem_shared>> -> memref<20x128xf32, #tpu.memory_space<vmem_shared>>
      tpu.enqueue_dma source(%arg21 : memref<20x128xf32, #tpu.memory_space<vmem>>) target(%dma_start3A_286 : memref<20x128xf32, #tpu.memory_space<vmem_shared>>) target_semaphore(%run_scoped3A : memref<!tpu.dma_semaphore, #tpu.memory_space<semaphore_mem>>)
      %dma_wait3A_287 = arith.constant 0 : i32
      %dma_wait3A_288 = tpu.memref_slice %arg22[%add3A_196, %dma_wait3A_287] : memref<10240x128xf32, #tpu.memory_space<vmem_shared>> -> memref<20x128xf32, #tpu.memory_space<vmem_shared>>
      %dma_wait3A_289 = arith.constant 0 : i32
      %dma_wait3A_290 = tpu.memref_slice %arg22[%add3A_196, %dma_wait3A_289] : memref<10240x128xf32, #tpu.memory_space<vmem_shared>> -> memref<20x128xf32, #tpu.memory_space<vmem_shared>>
      tpu.wait_dma2 semaphore(%run_scoped3A : memref<!tpu.dma_semaphore, #tpu.memory_space<semaphore_mem>>) src(%arg21 : memref<20x128xf32, #tpu.memory_space<vmem>>) dst(%dma_wait3A_290 : memref<20x128xf32, #tpu.memory_space<vmem_shared>>)
      tpu.yield
    }) : () -> ()
    %add3A_197 = arith.constant 520 : i32
    %add3A_198 = arith.addi %multiple_of3A, %add3A_197 : i32
    "tpu.region"() ({
      %run_scoped3A = tpu.sem_alloc : memref<!tpu.dma_semaphore, #tpu.memory_space<semaphore_mem>>
      %dma_start3A_283 = arith.constant 0 : i32
      %dma_start3A_284 = tpu.memref_slice %arg22[%add3A_198, %dma_start3A_283] : memref<10240x128xf32, #tpu.memory_space<vmem_shared>> -> memref<20x128xf32, #tpu.memory_space<vmem_shared>>
      %dma_start3A_285 = arith.constant 0 : i32
      %dma_start3A_286 = tpu.memref_slice %arg22[%add3A_198, %dma_start3A_285] : memref<10240x128xf32, #tpu.memory_space<vmem_shared>> -> memref<20x128xf32, #tpu.memory_space<vmem_shared>>
      tpu.enqueue_dma source(%arg21 : memref<20x128xf32, #tpu.memory_space<vmem>>) target(%dma_start3A_286 : memref<20x128xf32, #tpu.memory_space<vmem_shared>>) target_semaphore(%run_scoped3A : memref<!tpu.dma_semaphore, #tpu.memory_space<semaphore_mem>>)
      %dma_wait3A_287 = arith.constant 0 : i32
      %dma_wait3A_288 = tpu.memref_slice %arg22[%add3A_198, %dma_wait3A_287] : memref<10240x128xf32, #tpu.memory_space<vmem_shared>> -> memref<20x128xf32, #tpu.memory_space<vmem_shared>>
      %dma_wait3A_289 = arith.constant 0 : i32
      %dma_wait3A_290 = tpu.memref_slice %arg22[%add3A_198, %dma_wait3A_289] : memref<10240x128xf32, #tpu.memory_space<vmem_shared>> -> memref<20x128xf32, #tpu.memory_space<vmem_shared>>
      tpu.wait_dma2 semaphore(%run_scoped3A : memref<!tpu.dma_semaphore, #tpu.memory_space<semaphore_mem>>) src(%arg21 : memref<20x128xf32, #tpu.memory_space<vmem>>) dst(%dma_wait3A_290 : memref<20x128xf32, #tpu.memory_space<vmem_shared>>)
      tpu.yield
    }) : () -> ()
    %add3A_199 = arith.constant 540 : i32
    %add3A_200 = arith.addi %multiple_of3A, %add3A_199 : i32
    "tpu.region"() ({
      %run_scoped3A = tpu.sem_alloc : memref<!tpu.dma_semaphore, #tpu.memory_space<semaphore_mem>>
      %dma_start3A_283 = arith.constant 0 : i32
      %dma_start3A_284 = tpu.memref_slice %arg22[%add3A_200, %dma_start3A_283] : memref<10240x128xf32, #tpu.memory_space<vmem_shared>> -> memref<20x128xf32, #tpu.memory_space<vmem_shared>>
      %dma_start3A_285 = arith.constant 0 : i32
      %dma_start3A_286 = tpu.memref_slice %arg22[%add3A_200, %dma_start3A_285] : memref<10240x128xf32, #tpu.memory_space<vmem_shared>> -> memref<20x128xf32, #tpu.memory_space<vmem_shared>>
      tpu.enqueue_dma source(%arg21 : memref<20x128xf32, #tpu.memory_space<vmem>>) target(%dma_start3A_286 : memref<20x128xf32, #tpu.memory_space<vmem_shared>>) target_semaphore(%run_scoped3A : memref<!tpu.dma_semaphore, #tpu.memory_space<semaphore_mem>>)
      %dma_wait3A_287 = arith.constant 0 : i32
      %dma_wait3A_288 = tpu.memref_slice %arg22[%add3A_200, %dma_wait3A_287] : memref<10240x128xf32, #tpu.memory_space<vmem_shared>> -> memref<20x128xf32, #tpu.memory_space<vmem_shared>>
      %dma_wait3A_289 = arith.constant 0 : i32
      %dma_wait3A_290 = tpu.memref_slice %arg22[%add3A_200, %dma_wait3A_289] : memref<10240x128xf32, #tpu.memory_space<vmem_shared>> -> memref<20x128xf32, #tpu.memory_space<vmem_shared>>
      tpu.wait_dma2 semaphore(%run_scoped3A : memref<!tpu.dma_semaphore, #tpu.memory_space<semaphore_mem>>) src(%arg21 : memref<20x128xf32, #tpu.memory_space<vmem>>) dst(%dma_wait3A_290 : memref<20x128xf32, #tpu.memory_space<vmem_shared>>)
      tpu.yield
    }) : () -> ()
    %add3A_201 = arith.constant 560 : i32
    %add3A_202 = arith.addi %multiple_of3A, %add3A_201 : i32
    "tpu.region"() ({
      %run_scoped3A = tpu.sem_alloc : memref<!tpu.dma_semaphore, #tpu.memory_space<semaphore_mem>>
      %dma_start3A_283 = arith.constant 0 : i32
      %dma_start3A_284 = tpu.memref_slice %arg22[%add3A_202, %dma_start3A_283] : memref<10240x128xf32, #tpu.memory_space<vmem_shared>> -> memref<20x128xf32, #tpu.memory_space<vmem_shared>>
      %dma_start3A_285 = arith.constant 0 : i32
      %dma_start3A_286 = tpu.memref_slice %arg22[%add3A_202, %dma_start3A_285] : memref<10240x128xf32, #tpu.memory_space<vmem_shared>> -> memref<20x128xf32, #tpu.memory_space<vmem_shared>>
      tpu.enqueue_dma source(%arg21 : memref<20x128xf32, #tpu.memory_space<vmem>>) target(%dma_start3A_286 : memref<20x128xf32, #tpu.memory_space<vmem_shared>>) target_semaphore(%run_scoped3A : memref<!tpu.dma_semaphore, #tpu.memory_space<semaphore_mem>>)
      %dma_wait3A_287 = arith.constant 0 : i32
      %dma_wait3A_288 = tpu.memref_slice %arg22[%add3A_202, %dma_wait3A_287] : memref<10240x128xf32, #tpu.memory_space<vmem_shared>> -> memref<20x128xf32, #tpu.memory_space<vmem_shared>>
      %dma_wait3A_289 = arith.constant 0 : i32
      %dma_wait3A_290 = tpu.memref_slice %arg22[%add3A_202, %dma_wait3A_289] : memref<10240x128xf32, #tpu.memory_space<vmem_shared>> -> memref<20x128xf32, #tpu.memory_space<vmem_shared>>
      tpu.wait_dma2 semaphore(%run_scoped3A : memref<!tpu.dma_semaphore, #tpu.memory_space<semaphore_mem>>) src(%arg21 : memref<20x128xf32, #tpu.memory_space<vmem>>) dst(%dma_wait3A_290 : memref<20x128xf32, #tpu.memory_space<vmem_shared>>)
      tpu.yield
    }) : () -> ()
    %add3A_203 = arith.constant 580 : i32
    %add3A_204 = arith.addi %multiple_of3A, %add3A_203 : i32
    "tpu.region"() ({
      %run_scoped3A = tpu.sem_alloc : memref<!tpu.dma_semaphore, #tpu.memory_space<semaphore_mem>>
      %dma_start3A_283 = arith.constant 0 : i32
      %dma_start3A_284 = tpu.memref_slice %arg22[%add3A_204, %dma_start3A_283] : memref<10240x128xf32, #tpu.memory_space<vmem_shared>> -> memref<20x128xf32, #tpu.memory_space<vmem_shared>>
      %dma_start3A_285 = arith.constant 0 : i32
      %dma_start3A_286 = tpu.memref_slice %arg22[%add3A_204, %dma_start3A_285] : memref<10240x128xf32, #tpu.memory_space<vmem_shared>> -> memref<20x128xf32, #tpu.memory_space<vmem_shared>>
      tpu.enqueue_dma source(%arg21 : memref<20x128xf32, #tpu.memory_space<vmem>>) target(%dma_start3A_286 : memref<20x128xf32, #tpu.memory_space<vmem_shared>>) target_semaphore(%run_scoped3A : memref<!tpu.dma_semaphore, #tpu.memory_space<semaphore_mem>>)
      %dma_wait3A_287 = arith.constant 0 : i32
      %dma_wait3A_288 = tpu.memref_slice %arg22[%add3A_204, %dma_wait3A_287] : memref<10240x128xf32, #tpu.memory_space<vmem_shared>> -> memref<20x128xf32, #tpu.memory_space<vmem_shared>>
      %dma_wait3A_289 = arith.constant 0 : i32
      %dma_wait3A_290 = tpu.memref_slice %arg22[%add3A_204, %dma_wait3A_289] : memref<10240x128xf32, #tpu.memory_space<vmem_shared>> -> memref<20x128xf32, #tpu.memory_space<vmem_shared>>
      tpu.wait_dma2 semaphore(%run_scoped3A : memref<!tpu.dma_semaphore, #tpu.memory_space<semaphore_mem>>) src(%arg21 : memref<20x128xf32, #tpu.memory_space<vmem>>) dst(%dma_wait3A_290 : memref<20x128xf32, #tpu.memory_space<vmem_shared>>)
      tpu.yield
    }) : () -> ()
    %add3A_205 = arith.constant 600 : i32
    %add3A_206 = arith.addi %multiple_of3A, %add3A_205 : i32
    "tpu.region"() ({
      %run_scoped3A = tpu.sem_alloc : memref<!tpu.dma_semaphore, #tpu.memory_space<semaphore_mem>>
      %dma_start3A_283 = arith.constant 0 : i32
      %dma_start3A_284 = tpu.memref_slice %arg22[%add3A_206, %dma_start3A_283] : memref<10240x128xf32, #tpu.memory_space<vmem_shared>> -> memref<20x128xf32, #tpu.memory_space<vmem_shared>>
      %dma_start3A_285 = arith.constant 0 : i32
      %dma_start3A_286 = tpu.memref_slice %arg22[%add3A_206, %dma_start3A_285] : memref<10240x128xf32, #tpu.memory_space<vmem_shared>> -> memref<20x128xf32, #tpu.memory_space<vmem_shared>>
      tpu.enqueue_dma source(%arg21 : memref<20x128xf32, #tpu.memory_space<vmem>>) target(%dma_start3A_286 : memref<20x128xf32, #tpu.memory_space<vmem_shared>>) target_semaphore(%run_scoped3A : memref<!tpu.dma_semaphore, #tpu.memory_space<semaphore_mem>>)
      %dma_wait3A_287 = arith.constant 0 : i32
      %dma_wait3A_288 = tpu.memref_slice %arg22[%add3A_206, %dma_wait3A_287] : memref<10240x128xf32, #tpu.memory_space<vmem_shared>> -> memref<20x128xf32, #tpu.memory_space<vmem_shared>>
      %dma_wait3A_289 = arith.constant 0 : i32
      %dma_wait3A_290 = tpu.memref_slice %arg22[%add3A_206, %dma_wait3A_289] : memref<10240x128xf32, #tpu.memory_space<vmem_shared>> -> memref<20x128xf32, #tpu.memory_space<vmem_shared>>
      tpu.wait_dma2 semaphore(%run_scoped3A : memref<!tpu.dma_semaphore, #tpu.memory_space<semaphore_mem>>) src(%arg21 : memref<20x128xf32, #tpu.memory_space<vmem>>) dst(%dma_wait3A_290 : memref<20x128xf32, #tpu.memory_space<vmem_shared>>)
      tpu.yield
    }) : () -> ()
    %add3A_207 = arith.constant 620 : i32
    %add3A_208 = arith.addi %multiple_of3A, %add3A_207 : i32
    "tpu.region"() ({
      %run_scoped3A = tpu.sem_alloc : memref<!tpu.dma_semaphore, #tpu.memory_space<semaphore_mem>>
      %dma_start3A_283 = arith.constant 0 : i32
      %dma_start3A_284 = tpu.memref_slice %arg22[%add3A_208, %dma_start3A_283] : memref<10240x128xf32, #tpu.memory_space<vmem_shared>> -> memref<20x128xf32, #tpu.memory_space<vmem_shared>>
      %dma_start3A_285 = arith.constant 0 : i32
      %dma_start3A_286 = tpu.memref_slice %arg22[%add3A_208, %dma_start3A_285] : memref<10240x128xf32, #tpu.memory_space<vmem_shared>> -> memref<20x128xf32, #tpu.memory_space<vmem_shared>>
      tpu.enqueue_dma source(%arg21 : memref<20x128xf32, #tpu.memory_space<vmem>>) target(%dma_start3A_286 : memref<20x128xf32, #tpu.memory_space<vmem_shared>>) target_semaphore(%run_scoped3A : memref<!tpu.dma_semaphore, #tpu.memory_space<semaphore_mem>>)
      %dma_wait3A_287 = arith.constant 0 : i32
      %dma_wait3A_288 = tpu.memref_slice %arg22[%add3A_208, %dma_wait3A_287] : memref<10240x128xf32, #tpu.memory_space<vmem_shared>> -> memref<20x128xf32, #tpu.memory_space<vmem_shared>>
      %dma_wait3A_289 = arith.constant 0 : i32
      %dma_wait3A_290 = tpu.memref_slice %arg22[%add3A_208, %dma_wait3A_289] : memref<10240x128xf32, #tpu.memory_space<vmem_shared>> -> memref<20x128xf32, #tpu.memory_space<vmem_shared>>
      tpu.wait_dma2 semaphore(%run_scoped3A : memref<!tpu.dma_semaphore, #tpu.memory_space<semaphore_mem>>) src(%arg21 : memref<20x128xf32, #tpu.memory_space<vmem>>) dst(%dma_wait3A_290 : memref<20x128xf32, #tpu.memory_space<vmem_shared>>)
      tpu.yield
    }) : () -> ()
    %barrier3A_209 = arith.constant 0 : index
    tpu.barrier barrier_id(%barrier3A_209)
    %mul3A_210 = arith.constant 500 : i32
    %mul3A_211 = arith.muli %arg1, %mul3A_210 : i32
    %add3A_212 = arith.constant 0 : i32
    %add3A_213 = arith.addi %mul3A_211, %add3A_212 : i32
    %mul3A_214 = arith.constant 40 : i32
    %mul3A_215 = arith.muli %add3A_213, %mul3A_214 : i32
    %multiple_of3A_216 = tpu.assume_multiple %mul3A_215, 8 : i32
    %mul3A_217 = arith.constant 320000 : i32
    %mul3A_218 = arith.muli %add3A_144, %mul3A_217 : i32
    %add3A_219 = arith.addi %mul3A_218, %multiple_of3A_216 : i32
    %dma_start3A_220 = tpu.memref_slice %arg4[%add3A_219] : memref<1280000xi32, #tpu.memory_space<hbm>> -> memref<40xi32, #tpu.memory_space<hbm>>
    %dma_start3A_221 = tpu.memref_slice %arg4[%add3A_219] : memref<1280000xi32, #tpu.memory_space<hbm>> -> memref<40xi32, #tpu.memory_space<hbm>>
    tpu.enqueue_dma source(%dma_start3A_221 : memref<40xi32, #tpu.memory_space<hbm>>) target(%arg7 : memref<40xi32, #tpu.memory_space<vmem>>) target_semaphore(%arg29 : memref<!tpu.dma_semaphore, #tpu.memory_space<semaphore_mem>>)
    %dma_start3A_222 = tpu.memref_slice %arg5[%multiple_of3A_216] : memref<320000xi32, #tpu.memory_space<hbm>> -> memref<40xi32, #tpu.memory_space<hbm>>
    %dma_start3A_223 = tpu.memref_slice %arg5[%multiple_of3A_216] : memref<320000xi32, #tpu.memory_space<hbm>> -> memref<40xi32, #tpu.memory_space<hbm>>
    tpu.enqueue_dma source(%dma_start3A_223 : memref<40xi32, #tpu.memory_space<hbm>>) target(%arg11 : memref<40xi32, #tpu.memory_space<vmem>>) target_semaphore(%arg33 : memref<!tpu.dma_semaphore, #tpu.memory_space<semaphore_mem>>)
    %add3A_224 = arith.constant 1 : i32
    %add3A_225 = arith.addi %mul3A_211, %add3A_224 : i32
    %mul3A_226 = arith.constant 40 : i32
    %mul3A_227 = arith.muli %add3A_225, %mul3A_226 : i32
    %multiple_of3A_228 = tpu.assume_multiple %mul3A_227, 8 : i32
    %mul3A_229 = arith.constant 320000 : i32
    %mul3A_230 = arith.muli %add3A_144, %mul3A_229 : i32
    %add3A_231 = arith.addi %mul3A_230, %multiple_of3A_228 : i32
    %dma_start3A_232 = tpu.memref_slice %arg4[%add3A_231] : memref<1280000xi32, #tpu.memory_space<hbm>> -> memref<40xi32, #tpu.memory_space<hbm>>
    %dma_start3A_233 = tpu.memref_slice %arg4[%add3A_231] : memref<1280000xi32, #tpu.memory_space<hbm>> -> memref<40xi32, #tpu.memory_space<hbm>>
    tpu.enqueue_dma source(%dma_start3A_233 : memref<40xi32, #tpu.memory_space<hbm>>) target(%arg8 : memref<40xi32, #tpu.memory_space<vmem>>) target_semaphore(%arg30 : memref<!tpu.dma_semaphore, #tpu.memory_space<semaphore_mem>>)
    %dma_start3A_234 = tpu.memref_slice %arg5[%multiple_of3A_228] : memref<320000xi32, #tpu.memory_space<hbm>> -> memref<40xi32, #tpu.memory_space<hbm>>
    %dma_start3A_235 = tpu.memref_slice %arg5[%multiple_of3A_228] : memref<320000xi32, #tpu.memory_space<hbm>> -> memref<40xi32, #tpu.memory_space<hbm>>
    tpu.enqueue_dma source(%dma_start3A_235 : memref<40xi32, #tpu.memory_space<hbm>>) target(%arg12 : memref<40xi32, #tpu.memory_space<vmem>>) target_semaphore(%arg34 : memref<!tpu.dma_semaphore, #tpu.memory_space<semaphore_mem>>)
    %dma_wait3A_236 = arith.constant 0 : i32
    %dma_wait3A_237 = tpu.memref_slice %arg5[%dma_wait3A_236] : memref<320000xi32, #tpu.memory_space<hbm>> -> memref<40xi32, #tpu.memory_space<hbm>>
    %dma_wait3A_238 = arith.constant 0 : i32
    %dma_wait3A_239 = tpu.memref_slice %arg5[%dma_wait3A_238] : memref<320000xi32, #tpu.memory_space<hbm>> -> memref<40xi32, #tpu.memory_space<hbm>>
    tpu.wait_dma2 semaphore(%arg29 : memref<!tpu.dma_semaphore, #tpu.memory_space<semaphore_mem>>) src(%dma_wait3A_239 : memref<40xi32, #tpu.memory_space<hbm>>) dst(%arg7 : memref<40xi32, #tpu.memory_space<vmem>>)
    %dma_start3A_240 = arith.constant 0 : i32
    %dma_start3A_241 = arith.constant 0 : i32
    %dma_start3A_242 = tpu.memref_slice %arg2[%dma_start3A_240, %dma_start3A_241] : memref<40000x128xf32, #tpu.memory_space<hbm>> -> memref<40000x128xf32, #tpu.memory_space<hbm>>
    tpu.enqueue_indirect_dma source(%dma_start3A_242 : memref<40000x128xf32, #tpu.memory_space<hbm>>) target(%arg15 : memref<40x128xf32, #tpu.memory_space<vmem>>) offsets(%arg7 : memref<40xi32, #tpu.memory_space<vmem>>) semaphore(%arg23 : memref<!tpu.dma_semaphore, #tpu.memory_space<semaphore_mem>>)
    %add3A_243 = arith.constant 0 : i32
    %add3A_244 = arith.addi %mul3A_211, %add3A_243 : i32
    %mul3A_245 = arith.constant 40 : i32
    %mul3A_246 = arith.muli %add3A_244, %mul3A_245 : i32
    %multiple_of3A_247 = tpu.assume_multiple %mul3A_246, 8 : i32
    %dma_start3A_248 = arith.constant 0 : i32
    %dma_start3A_249 = tpu.memref_slice %arg3[%add3A_144, %multiple_of3A_247, %dma_start3A_248] : memref<4x320000x128xf32, #tpu.memory_space<hbm>> -> memref<1x40x128xf32, #tpu.memory_space<hbm>>
    %dma_start3A_250 = tpu.memref_squeeze %dma_start3A_249 : memref<1x40x128xf32, #tpu.memory_space<hbm>> -> memref<40x128xf32, #tpu.memory_space<hbm>>
    %dma_start3A_251 = arith.constant 0 : i32
    %dma_start3A_252 = tpu.memref_slice %arg3[%add3A_144, %multiple_of3A_247, %dma_start3A_251] : memref<4x320000x128xf32, #tpu.memory_space<hbm>> -> memref<1x40x128xf32, #tpu.memory_space<hbm>>
    %dma_start3A_253 = tpu.memref_squeeze %dma_start3A_252 : memref<1x40x128xf32, #tpu.memory_space<hbm>> -> memref<40x128xf32, #tpu.memory_space<hbm>>
    tpu.enqueue_dma source(%dma_start3A_253 : memref<40x128xf32, #tpu.memory_space<hbm>>) target(%arg17 : memref<40x128xf32, #tpu.memory_space<vmem>>) target_semaphore(%arg25 : memref<!tpu.dma_semaphore, #tpu.memory_space<semaphore_mem>>)
    %scan3A_254 = arith.constant 0 : i32
    %scan3A_255 = arith.constant 0 : i32
    %scan3A_256 = arith.constant 125 : i32
    %scan3A_257 = arith.addi %scan3A_255, %scan3A_256 : i32
    %scan3A_258 = arith.constant 1 : i32
    scf.for %scan3A_283 = %scan3A_255 to %scan3A_257 step %scan3A_258  : i32 {
      %mul3A_284 = arith.constant 4 : i32
      %mul3A_285 = arith.muli %mul3A_284, %scan3A_283 : i32
      %add3A_286 = arith.constant 0 : i32
      %add3A_287 = arith.addi %mul3A_285, %add3A_286 : i32
      %ge3A = arith.constant 2 : i32
      %ge3A_288 = arith.cmpi sge, %add3A_287, %ge3A : i32
      %convert_element_type3A_289 = arith.extui %ge3A_288 : i1 to i32
      %cond3A_290 = arith.constant 0 : i32
      %cond3A_291 = arith.cmpi ne, %convert_element_type3A_289, %cond3A_290 : i32
      scf.if %cond3A_291 {
        %dma_wait3A_486 = arith.constant 0 : i32
        %dma_wait3A_487 = arith.constant 0 : i32
        %dma_wait3A_488 = tpu.memref_slice %arg22[%dma_wait3A_486, %dma_wait3A_487] : memref<10240x128xf32, #tpu.memory_space<vmem_shared>> -> memref<40x128xf32, #tpu.memory_space<vmem_shared>>
        %dma_wait3A_489 = arith.constant 0 : i32
        %dma_wait3A_490 = arith.constant 0 : i32
        %dma_wait3A_491 = tpu.memref_slice %arg22[%dma_wait3A_489, %dma_wait3A_490] : memref<10240x128xf32, #tpu.memory_space<vmem_shared>> -> memref<40x128xf32, #tpu.memory_space<vmem_shared>>
        tpu.wait_dma2 semaphore(%arg27 : memref<!tpu.dma_semaphore, #tpu.memory_space<semaphore_mem>>) src(%arg19 : memref<40x128xf32, #tpu.memory_space<vmem>>) dst(%dma_wait3A_491 : memref<40x128xf32, #tpu.memory_space<vmem_shared>>)
      } else {
      }
      %add3A_292 = arith.constant 1 : i32
      %add3A_293 = arith.addi %add3A_287, %add3A_292 : i32
      %lt3A = arith.constant 500 : i32
      %lt3A_294 = arith.cmpi slt, %add3A_293, %lt3A : i32
      %convert_element_type3A_295 = arith.extui %lt3A_294 : i1 to i32
      %cond3A_296 = arith.constant 0 : i32
      %cond3A_297 = arith.cmpi ne, %convert_element_type3A_295, %cond3A_296 : i32
      scf.if %cond3A_297 {
        %dma_wait3A_486 = arith.constant 0 : i32
        %dma_wait3A_487 = tpu.memref_slice %arg5[%dma_wait3A_486] : memref<320000xi32, #tpu.memory_space<hbm>> -> memref<40xi32, #tpu.memory_space<hbm>>
        %dma_wait3A_488 = arith.constant 0 : i32
        %dma_wait3A_489 = tpu.memref_slice %arg5[%dma_wait3A_488] : memref<320000xi32, #tpu.memory_space<hbm>> -> memref<40xi32, #tpu.memory_space<hbm>>
        tpu.wait_dma2 semaphore(%arg30 : memref<!tpu.dma_semaphore, #tpu.memory_space<semaphore_mem>>) src(%dma_wait3A_489 : memref<40xi32, #tpu.memory_space<hbm>>) dst(%arg8 : memref<40xi32, #tpu.memory_space<vmem>>)
        %add3A_490 = arith.constant 1 : i32
        %add3A_491 = arith.addi %add3A_287, %add3A_490 : i32
        %dma_start3A_492 = arith.constant 0 : i32
        %dma_start3A_493 = arith.constant 0 : i32
        %dma_start3A_494 = tpu.memref_slice %arg2[%dma_start3A_492, %dma_start3A_493] : memref<40000x128xf32, #tpu.memory_space<hbm>> -> memref<40000x128xf32, #tpu.memory_space<hbm>>
        tpu.enqueue_indirect_dma source(%dma_start3A_494 : memref<40000x128xf32, #tpu.memory_space<hbm>>) target(%arg16 : memref<40x128xf32, #tpu.memory_space<vmem>>) offsets(%arg8 : memref<40xi32, #tpu.memory_space<vmem>>) semaphore(%arg24 : memref<!tpu.dma_semaphore, #tpu.memory_space<semaphore_mem>>)
        %add3A_495 = arith.addi %mul3A_211, %add3A_491 : i32
        %mul3A_496 = arith.constant 40 : i32
        %mul3A_497 = arith.muli %add3A_495, %mul3A_496 : i32
        %multiple_of3A_498 = tpu.assume_multiple %mul3A_497, 8 : i32
        %dma_start3A_499 = arith.constant 0 : i32
        %dma_start3A_500 = tpu.memref_slice %arg3[%add3A_144, %multiple_of3A_498, %dma_start3A_499] : memref<4x320000x128xf32, #tpu.memory_space<hbm>> -> memref<1x40x128xf32, #tpu.memory_space<hbm>>
        %dma_start3A_501 = tpu.memref_squeeze %dma_start3A_500 : memref<1x40x128xf32, #tpu.memory_space<hbm>> -> memref<40x128xf32, #tpu.memory_space<hbm>>
        %dma_start3A_502 = arith.constant 0 : i32
        %dma_start3A_503 = tpu.memref_slice %arg3[%add3A_144, %multiple_of3A_498, %dma_start3A_502] : memref<4x320000x128xf32, #tpu.memory_space<hbm>> -> memref<1x40x128xf32, #tpu.memory_space<hbm>>
        %dma_start3A_504 = tpu.memref_squeeze %dma_start3A_503 : memref<1x40x128xf32, #tpu.memory_space<hbm>> -> memref<40x128xf32, #tpu.memory_space<hbm>>
        tpu.enqueue_dma source(%dma_start3A_504 : memref<40x128xf32, #tpu.memory_space<hbm>>) target(%arg18 : memref<40x128xf32, #tpu.memory_space<vmem>>) target_semaphore(%arg26 : memref<!tpu.dma_semaphore, #tpu.memory_space<semaphore_mem>>)
      } else {
      }
      %add3A_298 = arith.constant 2 : i32
      %add3A_299 = arith.addi %add3A_287, %add3A_298 : i32
      %lt3A_300 = arith.constant 500 : i32
      %lt3A_301 = arith.cmpi slt, %add3A_299, %lt3A_300 : i32
      %convert_element_type3A_302 = arith.extui %lt3A_301 : i1 to i32
      %cond3A_303 = arith.constant 0 : i32
      %cond3A_304 = arith.cmpi ne, %convert_element_type3A_302, %cond3A_303 : i32
      scf.if %cond3A_304 {
        %add3A_486 = arith.constant 2 : i32
        %add3A_487 = arith.addi %add3A_287, %add3A_486 : i32
        %add3A_488 = arith.addi %mul3A_211, %add3A_487 : i32
        %mul3A_489 = arith.constant 40 : i32
        %mul3A_490 = arith.muli %add3A_488, %mul3A_489 : i32
        %multiple_of3A_491 = tpu.assume_multiple %mul3A_490, 8 : i32
        %mul3A_492 = arith.constant 320000 : i32
        %mul3A_493 = arith.muli %add3A_144, %mul3A_492 : i32
        %add3A_494 = arith.addi %mul3A_493, %multiple_of3A_491 : i32
        %dma_start3A_495 = tpu.memref_slice %arg4[%add3A_494] : memref<1280000xi32, #tpu.memory_space<hbm>> -> memref<40xi32, #tpu.memory_space<hbm>>
        %dma_start3A_496 = tpu.memref_slice %arg4[%add3A_494] : memref<1280000xi32, #tpu.memory_space<hbm>> -> memref<40xi32, #tpu.memory_space<hbm>>
        tpu.enqueue_dma source(%dma_start3A_496 : memref<40xi32, #tpu.memory_space<hbm>>) target(%arg9 : memref<40xi32, #tpu.memory_space<vmem>>) target_semaphore(%arg31 : memref<!tpu.dma_semaphore, #tpu.memory_space<semaphore_mem>>)
        %dma_start3A_497 = tpu.memref_slice %arg5[%multiple_of3A_491] : memref<320000xi32, #tpu.memory_space<hbm>> -> memref<40xi32, #tpu.memory_space<hbm>>
        %dma_start3A_498 = tpu.memref_slice %arg5[%multiple_of3A_491] : memref<320000xi32, #tpu.memory_space<hbm>> -> memref<40xi32, #tpu.memory_space<hbm>>
        tpu.enqueue_dma source(%dma_start3A_498 : memref<40xi32, #tpu.memory_space<hbm>>) target(%arg13 : memref<40xi32, #tpu.memory_space<vmem>>) target_semaphore(%arg35 : memref<!tpu.dma_semaphore, #tpu.memory_space<semaphore_mem>>)
      } else {
      }
      %dma_wait3A_305 = arith.constant 0 : i32
      %dma_wait3A_306 = arith.constant 0 : i32
      %dma_wait3A_307 = tpu.memref_slice %arg2[%dma_wait3A_305, %dma_wait3A_306] : memref<40000x128xf32, #tpu.memory_space<hbm>> -> memref<40x128xf32, #tpu.memory_space<hbm>>
      %dma_wait3A_308 = arith.constant 0 : i32
      %dma_wait3A_309 = arith.constant 0 : i32
      %dma_wait3A_310 = tpu.memref_slice %arg2[%dma_wait3A_308, %dma_wait3A_309] : memref<40000x128xf32, #tpu.memory_space<hbm>> -> memref<40x128xf32, #tpu.memory_space<hbm>>
      tpu.wait_dma2 semaphore(%arg23 : memref<!tpu.dma_semaphore, #tpu.memory_space<semaphore_mem>>) src(%dma_wait3A_310 : memref<40x128xf32, #tpu.memory_space<hbm>>) dst(%arg15 : memref<40x128xf32, #tpu.memory_space<vmem>>)
      %dma_wait3A_311 = arith.constant 0 : i32
      %dma_wait3A_312 = arith.constant 0 : i32
      %dma_wait3A_313 = arith.constant 0 : i32
      %dma_wait3A_314 = tpu.memref_slice %arg3[%dma_wait3A_311, %dma_wait3A_312, %dma_wait3A_313] : memref<4x320000x128xf32, #tpu.memory_space<hbm>> -> memref<1x40x128xf32, #tpu.memory_space<hbm>>
      %dma_wait3A_315 = tpu.memref_squeeze %dma_wait3A_314 : memref<1x40x128xf32, #tpu.memory_space<hbm>> -> memref<40x128xf32, #tpu.memory_space<hbm>>
      %dma_wait3A_316 = arith.constant 0 : i32
      %dma_wait3A_317 = arith.constant 0 : i32
      %dma_wait3A_318 = tpu.memref_slice %arg3[%dma_wait3A_311, %dma_wait3A_316, %dma_wait3A_317] : memref<4x320000x128xf32, #tpu.memory_space<hbm>> -> memref<1x40x128xf32, #tpu.memory_space<hbm>>
      %dma_wait3A_319 = tpu.memref_squeeze %dma_wait3A_318 : memref<1x40x128xf32, #tpu.memory_space<hbm>> -> memref<40x128xf32, #tpu.memory_space<hbm>>
      tpu.wait_dma2 semaphore(%arg25 : memref<!tpu.dma_semaphore, #tpu.memory_space<semaphore_mem>>) src(%dma_wait3A_319 : memref<40x128xf32, #tpu.memory_space<hbm>>) dst(%arg17 : memref<40x128xf32, #tpu.memory_space<vmem>>)
      %scan3A_320 = arith.constant 0 : i32
      %scan3A_321 = arith.constant 0 : i32
      %scan3A_322 = arith.constant 40 : i32
      %scan3A_323 = arith.addi %scan3A_321, %scan3A_322 : i32
      %scan3A_324 = arith.constant 1 : i32
      scf.for %scan3A_486 = %scan3A_321 to %scan3A_323 step %scan3A_324  : i32 {
        %get3A = arith.index_cast %scan3A_486 : i32 to index
        %get3A_487 = arith.constant 0 : index
        %get3A_488 = tpu.vector_load %arg15[%get3A, %get3A_487] {strides = array<i32>} : memref<40x128xf32, #tpu.memory_space<vmem>>, vector<1x16xf32>,
        %get3A_489 = vector.shape_cast %get3A_488 : vector<1x16xf32> to vector<16xf32>
        %get3A_490 = arith.index_cast %scan3A_486 : i32 to index
        %get3A_491 = arith.constant 0 : index
        %get3A_492 = tpu.vector_load %arg17[%get3A_490, %get3A_491] {strides = array<i32>} : memref<40x128xf32, #tpu.memory_space<vmem>>, vector<1x16xf32>,
        %get3A_493 = vector.shape_cast %get3A_492 : vector<1x16xf32> to vector<16xf32>
        %mul3A_494 = arith.mulf %get3A_489, %get3A_493 : vector<16xf32>
        %swap3A = arith.index_cast %scan3A_486 : i32 to index
        %swap3A_495 = arith.constant 0 : index
        %swap3A_496 = tpu.vector_load %arg19[%swap3A, %swap3A_495] {strides = array<i32>} : memref<40x128xf32, #tpu.memory_space<vmem>>, vector<1x16xf32>,
        %swap3A_497 = vector.shape_cast %swap3A_496 : vector<1x16xf32> to vector<16xf32>
        %swap3A_498 = vector.shape_cast %mul3A_494 : vector<16xf32> to vector<1x16xf32>
        tpu.vector_store %arg19[%swap3A, %swap3A_495], %swap3A_498 {strides = array<i32>} : memref<40x128xf32, #tpu.memory_space<vmem>>, vector<1x16xf32>,
        %get3A_499 = arith.index_cast %scan3A_486 : i32 to index
        %get3A_500 = arith.constant 16 : index
        %get3A_501 = tpu.vector_load %arg15[%get3A_499, %get3A_500] {strides = array<i32>} : memref<40x128xf32, #tpu.memory_space<vmem>>, vector<1x16xf32>,
        %get3A_502 = vector.shape_cast %get3A_501 : vector<1x16xf32> to vector<16xf32>
        %get3A_503 = arith.index_cast %scan3A_486 : i32 to index
        %get3A_504 = arith.constant 16 : index
        %get3A_505 = tpu.vector_load %arg17[%get3A_503, %get3A_504] {strides = array<i32>} : memref<40x128xf32, #tpu.memory_space<vmem>>, vector<1x16xf32>,
        %get3A_506 = vector.shape_cast %get3A_505 : vector<1x16xf32> to vector<16xf32>
        %mul3A_507 = arith.mulf %get3A_502, %get3A_506 : vector<16xf32>
        %swap3A_508 = arith.index_cast %scan3A_486 : i32 to index
        %swap3A_509 = arith.constant 16 : index
        %swap3A_510 = tpu.vector_load %arg19[%swap3A_508, %swap3A_509] {strides = array<i32>} : memref<40x128xf32, #tpu.memory_space<vmem>>, vector<1x16xf32>,
        %swap3A_511 = vector.shape_cast %swap3A_510 : vector<1x16xf32> to vector<16xf32>
        %swap3A_512 = vector.shape_cast %mul3A_507 : vector<16xf32> to vector<1x16xf32>
        tpu.vector_store %arg19[%swap3A_508, %swap3A_509], %swap3A_512 {strides = array<i32>} : memref<40x128xf32, #tpu.memory_space<vmem>>, vector<1x16xf32>,
        %get3A_513 = arith.index_cast %scan3A_486 : i32 to index
        %get3A_514 = arith.constant 32 : index
        %get3A_515 = tpu.vector_load %arg15[%get3A_513, %get3A_514] {strides = array<i32>} : memref<40x128xf32, #tpu.memory_space<vmem>>, vector<1x16xf32>,
        %get3A_516 = vector.shape_cast %get3A_515 : vector<1x16xf32> to vector<16xf32>
        %get3A_517 = arith.index_cast %scan3A_486 : i32 to index
        %get3A_518 = arith.constant 32 : index
        %get3A_519 = tpu.vector_load %arg17[%get3A_517, %get3A_518] {strides = array<i32>} : memref<40x128xf32, #tpu.memory_space<vmem>>, vector<1x16xf32>,
        %get3A_520 = vector.shape_cast %get3A_519 : vector<1x16xf32> to vector<16xf32>
        %mul3A_521 = arith.mulf %get3A_516, %get3A_520 : vector<16xf32>
        %swap3A_522 = arith.index_cast %scan3A_486 : i32 to index
        %swap3A_523 = arith.constant 32 : index
        %swap3A_524 = tpu.vector_load %arg19[%swap3A_522, %swap3A_523] {strides = array<i32>} : memref<40x128xf32, #tpu.memory_space<vmem>>, vector<1x16xf32>,
        %swap3A_525 = vector.shape_cast %swap3A_524 : vector<1x16xf32> to vector<16xf32>
        %swap3A_526 = vector.shape_cast %mul3A_521 : vector<16xf32> to vector<1x16xf32>
        tpu.vector_store %arg19[%swap3A_522, %swap3A_523], %swap3A_526 {strides = array<i32>} : memref<40x128xf32, #tpu.memory_space<vmem>>, vector<1x16xf32>,
        %get3A_527 = arith.index_cast %scan3A_486 : i32 to index
        %get3A_528 = arith.constant 48 : index
        %get3A_529 = tpu.vector_load %arg15[%get3A_527, %get3A_528] {strides = array<i32>} : memref<40x128xf32, #tpu.memory_space<vmem>>, vector<1x16xf32>,
        %get3A_530 = vector.shape_cast %get3A_529 : vector<1x16xf32> to vector<16xf32>
        %get3A_531 = arith.index_cast %scan3A_486 : i32 to index
        %get3A_532 = arith.constant 48 : index
        %get3A_533 = tpu.vector_load %arg17[%get3A_531, %get3A_532] {strides = array<i32>} : memref<40x128xf32, #tpu.memory_space<vmem>>, vector<1x16xf32>,
        %get3A_534 = vector.shape_cast %get3A_533 : vector<1x16xf32> to vector<16xf32>
        %mul3A_535 = arith.mulf %get3A_530, %get3A_534 : vector<16xf32>
        %swap3A_536 = arith.index_cast %scan3A_486 : i32 to index
        %swap3A_537 = arith.constant 48 : index
        %swap3A_538 = tpu.vector_load %arg19[%swap3A_536, %swap3A_537] {strides = array<i32>} : memref<40x128xf32, #tpu.memory_space<vmem>>, vector<1x16xf32>,
        %swap3A_539 = vector.shape_cast %swap3A_538 : vector<1x16xf32> to vector<16xf32>
        %swap3A_540 = vector.shape_cast %mul3A_535 : vector<16xf32> to vector<1x16xf32>
        tpu.vector_store %arg19[%swap3A_536, %swap3A_537], %swap3A_540 {strides = array<i32>} : memref<40x128xf32, #tpu.memory_space<vmem>>, vector<1x16xf32>,
        %get3A_541 = arith.index_cast %scan3A_486 : i32 to index
        %get3A_542 = arith.constant 64 : index
        %get3A_543 = tpu.vector_load %arg15[%get3A_541, %get3A_542] {strides = array<i32>} : memref<40x128xf32, #tpu.memory_space<vmem>>, vector<1x16xf32>,
        %get3A_544 = vector.shape_cast %get3A_543 : vector<1x16xf32> to vector<16xf32>
        %get3A_545 = arith.index_cast %scan3A_486 : i32 to index
        %get3A_546 = arith.constant 64 : index
        %get3A_547 = tpu.vector_load %arg17[%get3A_545, %get3A_546] {strides = array<i32>} : memref<40x128xf32, #tpu.memory_space<vmem>>, vector<1x16xf32>,
        %get3A_548 = vector.shape_cast %get3A_547 : vector<1x16xf32> to vector<16xf32>
        %mul3A_549 = arith.mulf %get3A_544, %get3A_548 : vector<16xf32>
        %swap3A_550 = arith.index_cast %scan3A_486 : i32 to index
        %swap3A_551 = arith.constant 64 : index
        %swap3A_552 = tpu.vector_load %arg19[%swap3A_550, %swap3A_551] {strides = array<i32>} : memref<40x128xf32, #tpu.memory_space<vmem>>, vector<1x16xf32>,
        %swap3A_553 = vector.shape_cast %swap3A_552 : vector<1x16xf32> to vector<16xf32>
        %swap3A_554 = vector.shape_cast %mul3A_549 : vector<16xf32> to vector<1x16xf32>
        tpu.vector_store %arg19[%swap3A_550, %swap3A_551], %swap3A_554 {strides = array<i32>} : memref<40x128xf32, #tpu.memory_space<vmem>>, vector<1x16xf32>,
        %get3A_555 = arith.index_cast %scan3A_486 : i32 to index
        %get3A_556 = arith.constant 80 : index
        %get3A_557 = tpu.vector_load %arg15[%get3A_555, %get3A_556] {strides = array<i32>} : memref<40x128xf32, #tpu.memory_space<vmem>>, vector<1x16xf32>,
        %get3A_558 = vector.shape_cast %get3A_557 : vector<1x16xf32> to vector<16xf32>
        %get3A_559 = arith.index_cast %scan3A_486 : i32 to index
        %get3A_560 = arith.constant 80 : index
        %get3A_561 = tpu.vector_load %arg17[%get3A_559, %get3A_560] {strides = array<i32>} : memref<40x128xf32, #tpu.memory_space<vmem>>, vector<1x16xf32>,
        %get3A_562 = vector.shape_cast %get3A_561 : vector<1x16xf32> to vector<16xf32>
        %mul3A_563 = arith.mulf %get3A_558, %get3A_562 : vector<16xf32>
        %swap3A_564 = arith.index_cast %scan3A_486 : i32 to index
        %swap3A_565 = arith.constant 80 : index
        %swap3A_566 = tpu.vector_load %arg19[%swap3A_564, %swap3A_565] {strides = array<i32>} : memref<40x128xf32, #tpu.memory_space<vmem>>, vector<1x16xf32>,
        %swap3A_567 = vector.shape_cast %swap3A_566 : vector<1x16xf32> to vector<16xf32>
        %swap3A_568 = vector.shape_cast %mul3A_563 : vector<16xf32> to vector<1x16xf32>
        tpu.vector_store %arg19[%swap3A_564, %swap3A_565], %swap3A_568 {strides = array<i32>} : memref<40x128xf32, #tpu.memory_space<vmem>>, vector<1x16xf32>,
        %get3A_569 = arith.index_cast %scan3A_486 : i32 to index
        %get3A_570 = arith.constant 96 : index
        %get3A_571 = tpu.vector_load %arg15[%get3A_569, %get3A_570] {strides = array<i32>} : memref<40x128xf32, #tpu.memory_space<vmem>>, vector<1x16xf32>,
        %get3A_572 = vector.shape_cast %get3A_571 : vector<1x16xf32> to vector<16xf32>
        %get3A_573 = arith.index_cast %scan3A_486 : i32 to index
        %get3A_574 = arith.constant 96 : index
        %get3A_575 = tpu.vector_load %arg17[%get3A_573, %get3A_574] {strides = array<i32>} : memref<40x128xf32, #tpu.memory_space<vmem>>, vector<1x16xf32>,
        %get3A_576 = vector.shape_cast %get3A_575 : vector<1x16xf32> to vector<16xf32>
        %mul3A_577 = arith.mulf %get3A_572, %get3A_576 : vector<16xf32>
        %swap3A_578 = arith.index_cast %scan3A_486 : i32 to index
        %swap3A_579 = arith.constant 96 : index
        %swap3A_580 = tpu.vector_load %arg19[%swap3A_578, %swap3A_579] {strides = array<i32>} : memref<40x128xf32, #tpu.memory_space<vmem>>, vector<1x16xf32>,
        %swap3A_581 = vector.shape_cast %swap3A_580 : vector<1x16xf32> to vector<16xf32>
        %swap3A_582 = vector.shape_cast %mul3A_577 : vector<16xf32> to vector<1x16xf32>
        tpu.vector_store %arg19[%swap3A_578, %swap3A_579], %swap3A_582 {strides = array<i32>} : memref<40x128xf32, #tpu.memory_space<vmem>>, vector<1x16xf32>,
        %get3A_583 = arith.index_cast %scan3A_486 : i32 to index
        %get3A_584 = arith.constant 112 : index
        %get3A_585 = tpu.vector_load %arg15[%get3A_583, %get3A_584] {strides = array<i32>} : memref<40x128xf32, #tpu.memory_space<vmem>>, vector<1x16xf32>,
        %get3A_586 = vector.shape_cast %get3A_585 : vector<1x16xf32> to vector<16xf32>
        %get3A_587 = arith.index_cast %scan3A_486 : i32 to index
        %get3A_588 = arith.constant 112 : index
        %get3A_589 = tpu.vector_load %arg17[%get3A_587, %get3A_588] {strides = array<i32>} : memref<40x128xf32, #tpu.memory_space<vmem>>, vector<1x16xf32>,
        %get3A_590 = vector.shape_cast %get3A_589 : vector<1x16xf32> to vector<16xf32>
        %mul3A_591 = arith.mulf %get3A_586, %get3A_590 : vector<16xf32>
        %swap3A_592 = arith.index_cast %scan3A_486 : i32 to index
        %swap3A_593 = arith.constant 112 : index
        %swap3A_594 = tpu.vector_load %arg19[%swap3A_592, %swap3A_593] {strides = array<i32>} : memref<40x128xf32, #tpu.memory_space<vmem>>, vector<1x16xf32>,
        %swap3A_595 = vector.shape_cast %swap3A_594 : vector<1x16xf32> to vector<16xf32>
        %swap3A_596 = vector.shape_cast %mul3A_591 : vector<16xf32> to vector<1x16xf32>
        tpu.vector_store %arg19[%swap3A_592, %swap3A_593], %swap3A_596 {strides = array<i32>} : memref<40x128xf32, #tpu.memory_space<vmem>>, vector<1x16xf32>,
      }
      %scan3A_325 = arith.constant 40 : i32
      %dma_wait3A_326 = arith.constant 0 : i32
      %dma_wait3A_327 = tpu.memref_slice %arg5[%dma_wait3A_326] : memref<320000xi32, #tpu.memory_space<hbm>> -> memref<40xi32, #tpu.memory_space<hbm>>
      %dma_wait3A_328 = arith.constant 0 : i32
      %dma_wait3A_329 = tpu.memref_slice %arg5[%dma_wait3A_328] : memref<320000xi32, #tpu.memory_space<hbm>> -> memref<40xi32, #tpu.memory_space<hbm>>
      tpu.wait_dma2 semaphore(%arg33 : memref<!tpu.dma_semaphore, #tpu.memory_space<semaphore_mem>>) src(%dma_wait3A_329 : memref<40xi32, #tpu.memory_space<hbm>>) dst(%arg11 : memref<40xi32, #tpu.memory_space<vmem>>)
      %dma_start3A_330 = arith.constant 0 : i32
      %dma_start3A_331 = arith.constant 0 : i32
      %dma_start3A_332 = tpu.memref_slice %arg22[%dma_start3A_330, %dma_start3A_331] : memref<10240x128xf32, #tpu.memory_space<vmem_shared>> -> memref<10240x128xf32, #tpu.memory_space<vmem_shared>>
      tpu.enqueue_indirect_dma source(%arg19 : memref<40x128xf32, #tpu.memory_space<vmem>>) target(%dma_start3A_332 : memref<10240x128xf32, #tpu.memory_space<vmem_shared>>) offsets(%arg11 : memref<40xi32, #tpu.memory_space<vmem>>) semaphore(%arg27 : memref<!tpu.dma_semaphore, #tpu.memory_space<semaphore_mem>>) {add = true}
      %mul3A_333 = arith.constant 4 : i32
      %mul3A_334 = arith.muli %mul3A_333, %scan3A_283 : i32
      %add3A_335 = arith.constant 1 : i32
      %add3A_336 = arith.addi %mul3A_334, %add3A_335 : i32
      %ge3A_337 = arith.constant 2 : i32
      %ge3A_338 = arith.cmpi sge, %add3A_336, %ge3A_337 : i32
      %convert_element_type3A_339 = arith.extui %ge3A_338 : i1 to i32
      %cond3A_340 = arith.constant 0 : i32
      %cond3A_341 = arith.cmpi ne, %convert_element_type3A_339, %cond3A_340 : i32
      scf.if %cond3A_341 {
        %dma_wait3A_486 = arith.constant 0 : i32
        %dma_wait3A_487 = arith.constant 0 : i32
        %dma_wait3A_488 = tpu.memref_slice %arg22[%dma_wait3A_486, %dma_wait3A_487] : memref<10240x128xf32, #tpu.memory_space<vmem_shared>> -> memref<40x128xf32, #tpu.memory_space<vmem_shared>>
        %dma_wait3A_489 = arith.constant 0 : i32
        %dma_wait3A_490 = arith.constant 0 : i32
        %dma_wait3A_491 = tpu.memref_slice %arg22[%dma_wait3A_489, %dma_wait3A_490] : memref<10240x128xf32, #tpu.memory_space<vmem_shared>> -> memref<40x128xf32, #tpu.memory_space<vmem_shared>>
        tpu.wait_dma2 semaphore(%arg28 : memref<!tpu.dma_semaphore, #tpu.memory_space<semaphore_mem>>) src(%arg20 : memref<40x128xf32, #tpu.memory_space<vmem>>) dst(%dma_wait3A_491 : memref<40x128xf32, #tpu.memory_space<vmem_shared>>)
      } else {
      }
      %add3A_342 = arith.constant 1 : i32
      %add3A_343 = arith.addi %add3A_336, %add3A_342 : i32
      %lt3A_344 = arith.constant 500 : i32
      %lt3A_345 = arith.cmpi slt, %add3A_343, %lt3A_344 : i32
      %convert_element_type3A_346 = arith.extui %lt3A_345 : i1 to i32
      %cond3A_347 = arith.constant 0 : i32
      %cond3A_348 = arith.cmpi ne, %convert_element_type3A_346, %cond3A_347 : i32
      scf.if %cond3A_348 {
        %dma_wait3A_486 = arith.constant 0 : i32
        %dma_wait3A_487 = tpu.memref_slice %arg5[%dma_wait3A_486] : memref<320000xi32, #tpu.memory_space<hbm>> -> memref<40xi32, #tpu.memory_space<hbm>>
        %dma_wait3A_488 = arith.constant 0 : i32
        %dma_wait3A_489 = tpu.memref_slice %arg5[%dma_wait3A_488] : memref<320000xi32, #tpu.memory_space<hbm>> -> memref<40xi32, #tpu.memory_space<hbm>>
        tpu.wait_dma2 semaphore(%arg31 : memref<!tpu.dma_semaphore, #tpu.memory_space<semaphore_mem>>) src(%dma_wait3A_489 : memref<40xi32, #tpu.memory_space<hbm>>) dst(%arg9 : memref<40xi32, #tpu.memory_space<vmem>>)
        %add3A_490 = arith.constant 1 : i32
        %add3A_491 = arith.addi %add3A_336, %add3A_490 : i32
        %dma_start3A_492 = arith.constant 0 : i32
        %dma_start3A_493 = arith.constant 0 : i32
        %dma_start3A_494 = tpu.memref_slice %arg2[%dma_start3A_492, %dma_start3A_493] : memref<40000x128xf32, #tpu.memory_space<hbm>> -> memref<40000x128xf32, #tpu.memory_space<hbm>>
        tpu.enqueue_indirect_dma source(%dma_start3A_494 : memref<40000x128xf32, #tpu.memory_space<hbm>>) target(%arg15 : memref<40x128xf32, #tpu.memory_space<vmem>>) offsets(%arg9 : memref<40xi32, #tpu.memory_space<vmem>>) semaphore(%arg23 : memref<!tpu.dma_semaphore, #tpu.memory_space<semaphore_mem>>)
        %add3A_495 = arith.addi %mul3A_211, %add3A_491 : i32
        %mul3A_496 = arith.constant 40 : i32
        %mul3A_497 = arith.muli %add3A_495, %mul3A_496 : i32
        %multiple_of3A_498 = tpu.assume_multiple %mul3A_497, 8 : i32
        %dma_start3A_499 = arith.constant 0 : i32
        %dma_start3A_500 = tpu.memref_slice %arg3[%add3A_144, %multiple_of3A_498, %dma_start3A_499] : memref<4x320000x128xf32, #tpu.memory_space<hbm>> -> memref<1x40x128xf32, #tpu.memory_space<hbm>>
        %dma_start3A_501 = tpu.memref_squeeze %dma_start3A_500 : memref<1x40x128xf32, #tpu.memory_space<hbm>> -> memref<40x128xf32, #tpu.memory_space<hbm>>
        %dma_start3A_502 = arith.constant 0 : i32
        %dma_start3A_503 = tpu.memref_slice %arg3[%add3A_144, %multiple_of3A_498, %dma_start3A_502] : memref<4x320000x128xf32, #tpu.memory_space<hbm>> -> memref<1x40x128xf32, #tpu.memory_space<hbm>>
        %dma_start3A_504 = tpu.memref_squeeze %dma_start3A_503 : memref<1x40x128xf32, #tpu.memory_space<hbm>> -> memref<40x128xf32, #tpu.memory_space<hbm>>
        tpu.enqueue_dma source(%dma_start3A_504 : memref<40x128xf32, #tpu.memory_space<hbm>>) target(%arg17 : memref<40x128xf32, #tpu.memory_space<vmem>>) target_semaphore(%arg25 : memref<!tpu.dma_semaphore, #tpu.memory_space<semaphore_mem>>)
      } else {
      }
      %add3A_349 = arith.constant 2 : i32
      %add3A_350 = arith.addi %add3A_336, %add3A_349 : i32
      %lt3A_351 = arith.constant 500 : i32
      %lt3A_352 = arith.cmpi slt, %add3A_350, %lt3A_351 : i32
      %convert_element_type3A_353 = arith.extui %lt3A_352 : i1 to i32
      %cond3A_354 = arith.constant 0 : i32
      %cond3A_355 = arith.cmpi ne, %convert_element_type3A_353, %cond3A_354 : i32
      scf.if %cond3A_355 {
        %add3A_486 = arith.constant 2 : i32
        %add3A_487 = arith.addi %add3A_336, %add3A_486 : i32
        %add3A_488 = arith.addi %mul3A_211, %add3A_487 : i32
        %mul3A_489 = arith.constant 40 : i32
        %mul3A_490 = arith.muli %add3A_488, %mul3A_489 : i32
        %multiple_of3A_491 = tpu.assume_multiple %mul3A_490, 8 : i32
        %mul3A_492 = arith.constant 320000 : i32
        %mul3A_493 = arith.muli %add3A_144, %mul3A_492 : i32
        %add3A_494 = arith.addi %mul3A_493, %multiple_of3A_491 : i32
        %dma_start3A_495 = tpu.memref_slice %arg4[%add3A_494] : memref<1280000xi32, #tpu.memory_space<hbm>> -> memref<40xi32, #tpu.memory_space<hbm>>
        %dma_start3A_496 = tpu.memref_slice %arg4[%add3A_494] : memref<1280000xi32, #tpu.memory_space<hbm>> -> memref<40xi32, #tpu.memory_space<hbm>>
        tpu.enqueue_dma source(%dma_start3A_496 : memref<40xi32, #tpu.memory_space<hbm>>) target(%arg10 : memref<40xi32, #tpu.memory_space<vmem>>) target_semaphore(%arg32 : memref<!tpu.dma_semaphore, #tpu.memory_space<semaphore_mem>>)
        %dma_start3A_497 = tpu.memref_slice %arg5[%multiple_of3A_491] : memref<320000xi32, #tpu.memory_space<hbm>> -> memref<40xi32, #tpu.memory_space<hbm>>
        %dma_start3A_498 = tpu.memref_slice %arg5[%multiple_of3A_491] : memref<320000xi32, #tpu.memory_space<hbm>> -> memref<40xi32, #tpu.memory_space<hbm>>
        tpu.enqueue_dma source(%dma_start3A_498 : memref<40xi32, #tpu.memory_space<hbm>>) target(%arg14 : memref<40xi32, #tpu.memory_space<vmem>>) target_semaphore(%arg36 : memref<!tpu.dma_semaphore, #tpu.memory_space<semaphore_mem>>)
      } else {
      }
      %dma_wait3A_356 = arith.constant 0 : i32
      %dma_wait3A_357 = arith.constant 0 : i32
      %dma_wait3A_358 = tpu.memref_slice %arg2[%dma_wait3A_356, %dma_wait3A_357] : memref<40000x128xf32, #tpu.memory_space<hbm>> -> memref<40x128xf32, #tpu.memory_space<hbm>>
      %dma_wait3A_359 = arith.constant 0 : i32
      %dma_wait3A_360 = arith.constant 0 : i32
      %dma_wait3A_361 = tpu.memref_slice %arg2[%dma_wait3A_359, %dma_wait3A_360] : memref<40000x128xf32, #tpu.memory_space<hbm>> -> memref<40x128xf32, #tpu.memory_space<hbm>>
      tpu.wait_dma2 semaphore(%arg24 : memref<!tpu.dma_semaphore, #tpu.memory_space<semaphore_mem>>) src(%dma_wait3A_361 : memref<40x128xf32, #tpu.memory_space<hbm>>) dst(%arg16 : memref<40x128xf32, #tpu.memory_space<vmem>>)
      %dma_wait3A_362 = arith.constant 0 : i32
      %dma_wait3A_363 = arith.constant 0 : i32
      %dma_wait3A_364 = arith.constant 0 : i32
      %dma_wait3A_365 = tpu.memref_slice %arg3[%dma_wait3A_362, %dma_wait3A_363, %dma_wait3A_364] : memref<4x320000x128xf32, #tpu.memory_space<hbm>> -> memref<1x40x128xf32, #tpu.memory_space<hbm>>
      %dma_wait3A_366 = tpu.memref_squeeze %dma_wait3A_365 : memref<1x40x128xf32, #tpu.memory_space<hbm>> -> memref<40x128xf32, #tpu.memory_space<hbm>>
      %dma_wait3A_367 = arith.constant 0 : i32
      %dma_wait3A_368 = arith.constant 0 : i32
      %dma_wait3A_369 = tpu.memref_slice %arg3[%dma_wait3A_362, %dma_wait3A_367, %dma_wait3A_368] : memref<4x320000x128xf32, #tpu.memory_space<hbm>> -> memref<1x40x128xf32, #tpu.memory_space<hbm>>
      %dma_wait3A_370 = tpu.memref_squeeze %dma_wait3A_369 : memref<1x40x128xf32, #tpu.memory_space<hbm>> -> memref<40x128xf32, #tpu.memory_space<hbm>>
      tpu.wait_dma2 semaphore(%arg26 : memref<!tpu.dma_semaphore, #tpu.memory_space<semaphore_mem>>) src(%dma_wait3A_370 : memref<40x128xf32, #tpu.memory_space<hbm>>) dst(%arg18 : memref<40x128xf32, #tpu.memory_space<vmem>>)
      %scan3A_371 = arith.constant 0 : i32
      %scan3A_372 = arith.constant 0 : i32
      %scan3A_373 = arith.constant 40 : i32
      %scan3A_374 = arith.addi %scan3A_372, %scan3A_373 : i32
      %scan3A_375 = arith.constant 1 : i32
      scf.for %scan3A_486 = %scan3A_372 to %scan3A_374 step %scan3A_375  : i32 {
        %get3A = arith.index_cast %scan3A_486 : i32 to index
        %get3A_487 = arith.constant 0 : index
        %get3A_488 = tpu.vector_load %arg16[%get3A, %get3A_487] {strides = array<i32>} : memref<40x128xf32, #tpu.memory_space<vmem>>, vector<1x16xf32>,
        %get3A_489 = vector.shape_cast %get3A_488 : vector<1x16xf32> to vector<16xf32>
        %get3A_490 = arith.index_cast %scan3A_486 : i32 to index
        %get3A_491 = arith.constant 0 : index
        %get3A_492 = tpu.vector_load %arg18[%get3A_490, %get3A_491] {strides = array<i32>} : memref<40x128xf32, #tpu.memory_space<vmem>>, vector<1x16xf32>,
        %get3A_493 = vector.shape_cast %get3A_492 : vector<1x16xf32> to vector<16xf32>
        %mul3A_494 = arith.mulf %get3A_489, %get3A_493 : vector<16xf32>
        %swap3A = arith.index_cast %scan3A_486 : i32 to index
        %swap3A_495 = arith.constant 0 : index
        %swap3A_496 = tpu.vector_load %arg20[%swap3A, %swap3A_495] {strides = array<i32>} : memref<40x128xf32, #tpu.memory_space<vmem>>, vector<1x16xf32>,
        %swap3A_497 = vector.shape_cast %swap3A_496 : vector<1x16xf32> to vector<16xf32>
        %swap3A_498 = vector.shape_cast %mul3A_494 : vector<16xf32> to vector<1x16xf32>
        tpu.vector_store %arg20[%swap3A, %swap3A_495], %swap3A_498 {strides = array<i32>} : memref<40x128xf32, #tpu.memory_space<vmem>>, vector<1x16xf32>,
        %get3A_499 = arith.index_cast %scan3A_486 : i32 to index
        %get3A_500 = arith.constant 16 : index
        %get3A_501 = tpu.vector_load %arg16[%get3A_499, %get3A_500] {strides = array<i32>} : memref<40x128xf32, #tpu.memory_space<vmem>>, vector<1x16xf32>,
        %get3A_502 = vector.shape_cast %get3A_501 : vector<1x16xf32> to vector<16xf32>
        %get3A_503 = arith.index_cast %scan3A_486 : i32 to index
        %get3A_504 = arith.constant 16 : index
        %get3A_505 = tpu.vector_load %arg18[%get3A_503, %get3A_504] {strides = array<i32>} : memref<40x128xf32, #tpu.memory_space<vmem>>, vector<1x16xf32>,
        %get3A_506 = vector.shape_cast %get3A_505 : vector<1x16xf32> to vector<16xf32>
        %mul3A_507 = arith.mulf %get3A_502, %get3A_506 : vector<16xf32>
        %swap3A_508 = arith.index_cast %scan3A_486 : i32 to index
        %swap3A_509 = arith.constant 16 : index
        %swap3A_510 = tpu.vector_load %arg20[%swap3A_508, %swap3A_509] {strides = array<i32>} : memref<40x128xf32, #tpu.memory_space<vmem>>, vector<1x16xf32>,
        %swap3A_511 = vector.shape_cast %swap3A_510 : vector<1x16xf32> to vector<16xf32>
        %swap3A_512 = vector.shape_cast %mul3A_507 : vector<16xf32> to vector<1x16xf32>
        tpu.vector_store %arg20[%swap3A_508, %swap3A_509], %swap3A_512 {strides = array<i32>} : memref<40x128xf32, #tpu.memory_space<vmem>>, vector<1x16xf32>,
        %get3A_513 = arith.index_cast %scan3A_486 : i32 to index
        %get3A_514 = arith.constant 32 : index
        %get3A_515 = tpu.vector_load %arg16[%get3A_513, %get3A_514] {strides = array<i32>} : memref<40x128xf32, #tpu.memory_space<vmem>>, vector<1x16xf32>,
        %get3A_516 = vector.shape_cast %get3A_515 : vector<1x16xf32> to vector<16xf32>
        %get3A_517 = arith.index_cast %scan3A_486 : i32 to index
        %get3A_518 = arith.constant 32 : index
        %get3A_519 = tpu.vector_load %arg18[%get3A_517, %get3A_518] {strides = array<i32>} : memref<40x128xf32, #tpu.memory_space<vmem>>, vector<1x16xf32>,
        %get3A_520 = vector.shape_cast %get3A_519 : vector<1x16xf32> to vector<16xf32>
        %mul3A_521 = arith.mulf %get3A_516, %get3A_520 : vector<16xf32>
        %swap3A_522 = arith.index_cast %scan3A_486 : i32 to index
        %swap3A_523 = arith.constant 32 : index
        %swap3A_524 = tpu.vector_load %arg20[%swap3A_522, %swap3A_523] {strides = array<i32>} : memref<40x128xf32, #tpu.memory_space<vmem>>, vector<1x16xf32>,
        %swap3A_525 = vector.shape_cast %swap3A_524 : vector<1x16xf32> to vector<16xf32>
        %swap3A_526 = vector.shape_cast %mul3A_521 : vector<16xf32> to vector<1x16xf32>
        tpu.vector_store %arg20[%swap3A_522, %swap3A_523], %swap3A_526 {strides = array<i32>} : memref<40x128xf32, #tpu.memory_space<vmem>>, vector<1x16xf32>,
        %get3A_527 = arith.index_cast %scan3A_486 : i32 to index
        %get3A_528 = arith.constant 48 : index
        %get3A_529 = tpu.vector_load %arg16[%get3A_527, %get3A_528] {strides = array<i32>} : memref<40x128xf32, #tpu.memory_space<vmem>>, vector<1x16xf32>,
        %get3A_530 = vector.shape_cast %get3A_529 : vector<1x16xf32> to vector<16xf32>
        %get3A_531 = arith.index_cast %scan3A_486 : i32 to index
        %get3A_532 = arith.constant 48 : index
        %get3A_533 = tpu.vector_load %arg18[%get3A_531, %get3A_532] {strides = array<i32>} : memref<40x128xf32, #tpu.memory_space<vmem>>, vector<1x16xf32>,
        %get3A_534 = vector.shape_cast %get3A_533 : vector<1x16xf32> to vector<16xf32>
        %mul3A_535 = arith.mulf %get3A_530, %get3A_534 : vector<16xf32>
        %swap3A_536 = arith.index_cast %scan3A_486 : i32 to index
        %swap3A_537 = arith.constant 48 : index
        %swap3A_538 = tpu.vector_load %arg20[%swap3A_536, %swap3A_537] {strides = array<i32>} : memref<40x128xf32, #tpu.memory_space<vmem>>, vector<1x16xf32>,
        %swap3A_539 = vector.shape_cast %swap3A_538 : vector<1x16xf32> to vector<16xf32>
        %swap3A_540 = vector.shape_cast %mul3A_535 : vector<16xf32> to vector<1x16xf32>
        tpu.vector_store %arg20[%swap3A_536, %swap3A_537], %swap3A_540 {strides = array<i32>} : memref<40x128xf32, #tpu.memory_space<vmem>>, vector<1x16xf32>,
        %get3A_541 = arith.index_cast %scan3A_486 : i32 to index
        %get3A_542 = arith.constant 64 : index
        %get3A_543 = tpu.vector_load %arg16[%get3A_541, %get3A_542] {strides = array<i32>} : memref<40x128xf32, #tpu.memory_space<vmem>>, vector<1x16xf32>,
        %get3A_544 = vector.shape_cast %get3A_543 : vector<1x16xf32> to vector<16xf32>
        %get3A_545 = arith.index_cast %scan3A_486 : i32 to index
        %get3A_546 = arith.constant 64 : index
        %get3A_547 = tpu.vector_load %arg18[%get3A_545, %get3A_546] {strides = array<i32>} : memref<40x128xf32, #tpu.memory_space<vmem>>, vector<1x16xf32>,
        %get3A_548 = vector.shape_cast %get3A_547 : vector<1x16xf32> to vector<16xf32>
        %mul3A_549 = arith.mulf %get3A_544, %get3A_548 : vector<16xf32>
        %swap3A_550 = arith.index_cast %scan3A_486 : i32 to index
        %swap3A_551 = arith.constant 64 : index
        %swap3A_552 = tpu.vector_load %arg20[%swap3A_550, %swap3A_551] {strides = array<i32>} : memref<40x128xf32, #tpu.memory_space<vmem>>, vector<1x16xf32>,
        %swap3A_553 = vector.shape_cast %swap3A_552 : vector<1x16xf32> to vector<16xf32>
        %swap3A_554 = vector.shape_cast %mul3A_549 : vector<16xf32> to vector<1x16xf32>
        tpu.vector_store %arg20[%swap3A_550, %swap3A_551], %swap3A_554 {strides = array<i32>} : memref<40x128xf32, #tpu.memory_space<vmem>>, vector<1x16xf32>,
        %get3A_555 = arith.index_cast %scan3A_486 : i32 to index
        %get3A_556 = arith.constant 80 : index
        %get3A_557 = tpu.vector_load %arg16[%get3A_555, %get3A_556] {strides = array<i32>} : memref<40x128xf32, #tpu.memory_space<vmem>>, vector<1x16xf32>,
        %get3A_558 = vector.shape_cast %get3A_557 : vector<1x16xf32> to vector<16xf32>
        %get3A_559 = arith.index_cast %scan3A_486 : i32 to index
        %get3A_560 = arith.constant 80 : index
        %get3A_561 = tpu.vector_load %arg18[%get3A_559, %get3A_560] {strides = array<i32>} : memref<40x128xf32, #tpu.memory_space<vmem>>, vector<1x16xf32>,
        %get3A_562 = vector.shape_cast %get3A_561 : vector<1x16xf32> to vector<16xf32>
        %mul3A_563 = arith.mulf %get3A_558, %get3A_562 : vector<16xf32>
        %swap3A_564 = arith.index_cast %scan3A_486 : i32 to index
        %swap3A_565 = arith.constant 80 : index
        %swap3A_566 = tpu.vector_load %arg20[%swap3A_564, %swap3A_565] {strides = array<i32>} : memref<40x128xf32, #tpu.memory_space<vmem>>, vector<1x16xf32>,
        %swap3A_567 = vector.shape_cast %swap3A_566 : vector<1x16xf32> to vector<16xf32>
        %swap3A_568 = vector.shape_cast %mul3A_563 : vector<16xf32> to vector<1x16xf32>
        tpu.vector_store %arg20[%swap3A_564, %swap3A_565], %swap3A_568 {strides = array<i32>} : memref<40x128xf32, #tpu.memory_space<vmem>>, vector<1x16xf32>,
        %get3A_569 = arith.index_cast %scan3A_486 : i32 to index
        %get3A_570 = arith.constant 96 : index
        %get3A_571 = tpu.vector_load %arg16[%get3A_569, %get3A_570] {strides = array<i32>} : memref<40x128xf32, #tpu.memory_space<vmem>>, vector<1x16xf32>,
        %get3A_572 = vector.shape_cast %get3A_571 : vector<1x16xf32> to vector<16xf32>
        %get3A_573 = arith.index_cast %scan3A_486 : i32 to index
        %get3A_574 = arith.constant 96 : index
        %get3A_575 = tpu.vector_load %arg18[%get3A_573, %get3A_574] {strides = array<i32>} : memref<40x128xf32, #tpu.memory_space<vmem>>, vector<1x16xf32>,
        %get3A_576 = vector.shape_cast %get3A_575 : vector<1x16xf32> to vector<16xf32>
        %mul3A_577 = arith.mulf %get3A_572, %get3A_576 : vector<16xf32>
        %swap3A_578 = arith.index_cast %scan3A_486 : i32 to index
        %swap3A_579 = arith.constant 96 : index
        %swap3A_580 = tpu.vector_load %arg20[%swap3A_578, %swap3A_579] {strides = array<i32>} : memref<40x128xf32, #tpu.memory_space<vmem>>, vector<1x16xf32>,
        %swap3A_581 = vector.shape_cast %swap3A_580 : vector<1x16xf32> to vector<16xf32>
        %swap3A_582 = vector.shape_cast %mul3A_577 : vector<16xf32> to vector<1x16xf32>
        tpu.vector_store %arg20[%swap3A_578, %swap3A_579], %swap3A_582 {strides = array<i32>} : memref<40x128xf32, #tpu.memory_space<vmem>>, vector<1x16xf32>,
        %get3A_583 = arith.index_cast %scan3A_486 : i32 to index
        %get3A_584 = arith.constant 112 : index
        %get3A_585 = tpu.vector_load %arg16[%get3A_583, %get3A_584] {strides = array<i32>} : memref<40x128xf32, #tpu.memory_space<vmem>>, vector<1x16xf32>,
        %get3A_586 = vector.shape_cast %get3A_585 : vector<1x16xf32> to vector<16xf32>
        %get3A_587 = arith.index_cast %scan3A_486 : i32 to index
        %get3A_588 = arith.constant 112 : index
        %get3A_589 = tpu.vector_load %arg18[%get3A_587, %get3A_588] {strides = array<i32>} : memref<40x128xf32, #tpu.memory_space<vmem>>, vector<1x16xf32>,
        %get3A_590 = vector.shape_cast %get3A_589 : vector<1x16xf32> to vector<16xf32>
        %mul3A_591 = arith.mulf %get3A_586, %get3A_590 : vector<16xf32>
        %swap3A_592 = arith.index_cast %scan3A_486 : i32 to index
        %swap3A_593 = arith.constant 112 : index
        %swap3A_594 = tpu.vector_load %arg20[%swap3A_592, %swap3A_593] {strides = array<i32>} : memref<40x128xf32, #tpu.memory_space<vmem>>, vector<1x16xf32>,
        %swap3A_595 = vector.shape_cast %swap3A_594 : vector<1x16xf32> to vector<16xf32>
        %swap3A_596 = vector.shape_cast %mul3A_591 : vector<16xf32> to vector<1x16xf32>
        tpu.vector_store %arg20[%swap3A_592, %swap3A_593], %swap3A_596 {strides = array<i32>} : memref<40x128xf32, #tpu.memory_space<vmem>>, vector<1x16xf32>,
      }
      %scan3A_376 = arith.constant 40 : i32
      %dma_wait3A_377 = arith.constant 0 : i32
      %dma_wait3A_378 = tpu.memref_slice %arg5[%dma_wait3A_377] : memref<320000xi32, #tpu.memory_space<hbm>> -> memref<40xi32, #tpu.memory_space<hbm>>
      %dma_wait3A_379 = arith.constant 0 : i32
      %dma_wait3A_380 = tpu.memref_slice %arg5[%dma_wait3A_379] : memref<320000xi32, #tpu.memory_space<hbm>> -> memref<40xi32, #tpu.memory_space<hbm>>
      tpu.wait_dma2 semaphore(%arg34 : memref<!tpu.dma_semaphore, #tpu.memory_space<semaphore_mem>>) src(%dma_wait3A_380 : memref<40xi32, #tpu.memory_space<hbm>>) dst(%arg12 : memref<40xi32, #tpu.memory_space<vmem>>)
      %dma_start3A_381 = arith.constant 0 : i32
      %dma_start3A_382 = arith.constant 0 : i32
      %dma_start3A_383 = tpu.memref_slice %arg22[%dma_start3A_381, %dma_start3A_382] : memref<10240x128xf32, #tpu.memory_space<vmem_shared>> -> memref<10240x128xf32, #tpu.memory_space<vmem_shared>>
      tpu.enqueue_indirect_dma source(%arg20 : memref<40x128xf32, #tpu.memory_space<vmem>>) target(%dma_start3A_383 : memref<10240x128xf32, #tpu.memory_space<vmem_shared>>) offsets(%arg12 : memref<40xi32, #tpu.memory_space<vmem>>) semaphore(%arg28 : memref<!tpu.dma_semaphore, #tpu.memory_space<semaphore_mem>>) {add = true}
      %mul3A_384 = arith.constant 4 : i32
      %mul3A_385 = arith.muli %mul3A_384, %scan3A_283 : i32
      %add3A_386 = arith.constant 2 : i32
      %add3A_387 = arith.addi %mul3A_385, %add3A_386 : i32
      %ge3A_388 = arith.constant 2 : i32
      %ge3A_389 = arith.cmpi sge, %add3A_387, %ge3A_388 : i32
      %convert_element_type3A_390 = arith.extui %ge3A_389 : i1 to i32
      %cond3A_391 = arith.constant 0 : i32
      %cond3A_392 = arith.cmpi ne, %convert_element_type3A_390, %cond3A_391 : i32
      scf.if %cond3A_392 {
        %dma_wait3A_486 = arith.constant 0 : i32
        %dma_wait3A_487 = arith.constant 0 : i32
        %dma_wait3A_488 = tpu.memref_slice %arg22[%dma_wait3A_486, %dma_wait3A_487] : memref<10240x128xf32, #tpu.memory_space<vmem_shared>> -> memref<40x128xf32, #tpu.memory_space<vmem_shared>>
        %dma_wait3A_489 = arith.constant 0 : i32
        %dma_wait3A_490 = arith.constant 0 : i32
        %dma_wait3A_491 = tpu.memref_slice %arg22[%dma_wait3A_489, %dma_wait3A_490] : memref<10240x128xf32, #tpu.memory_space<vmem_shared>> -> memref<40x128xf32, #tpu.memory_space<vmem_shared>>
        tpu.wait_dma2 semaphore(%arg27 : memref<!tpu.dma_semaphore, #tpu.memory_space<semaphore_mem>>) src(%arg19 : memref<40x128xf32, #tpu.memory_space<vmem>>) dst(%dma_wait3A_491 : memref<40x128xf32, #tpu.memory_space<vmem_shared>>)
      } else {
      }
      %add3A_393 = arith.constant 1 : i32
      %add3A_394 = arith.addi %add3A_387, %add3A_393 : i32
      %lt3A_395 = arith.constant 500 : i32
      %lt3A_396 = arith.cmpi slt, %add3A_394, %lt3A_395 : i32
      %convert_element_type3A_397 = arith.extui %lt3A_396 : i1 to i32
      %cond3A_398 = arith.constant 0 : i32
      %cond3A_399 = arith.cmpi ne, %convert_element_type3A_397, %cond3A_398 : i32
      scf.if %cond3A_399 {
        %dma_wait3A_486 = arith.constant 0 : i32
        %dma_wait3A_487 = tpu.memref_slice %arg5[%dma_wait3A_486] : memref<320000xi32, #tpu.memory_space<hbm>> -> memref<40xi32, #tpu.memory_space<hbm>>
        %dma_wait3A_488 = arith.constant 0 : i32
        %dma_wait3A_489 = tpu.memref_slice %arg5[%dma_wait3A_488] : memref<320000xi32, #tpu.memory_space<hbm>> -> memref<40xi32, #tpu.memory_space<hbm>>
        tpu.wait_dma2 semaphore(%arg32 : memref<!tpu.dma_semaphore, #tpu.memory_space<semaphore_mem>>) src(%dma_wait3A_489 : memref<40xi32, #tpu.memory_space<hbm>>) dst(%arg10 : memref<40xi32, #tpu.memory_space<vmem>>)
        %add3A_490 = arith.constant 1 : i32
        %add3A_491 = arith.addi %add3A_387, %add3A_490 : i32
        %dma_start3A_492 = arith.constant 0 : i32
        %dma_start3A_493 = arith.constant 0 : i32
        %dma_start3A_494 = tpu.memref_slice %arg2[%dma_start3A_492, %dma_start3A_493] : memref<40000x128xf32, #tpu.memory_space<hbm>> -> memref<40000x128xf32, #tpu.memory_space<hbm>>
        tpu.enqueue_indirect_dma source(%dma_start3A_494 : memref<40000x128xf32, #tpu.memory_space<hbm>>) target(%arg16 : memref<40x128xf32, #tpu.memory_space<vmem>>) offsets(%arg10 : memref<40xi32, #tpu.memory_space<vmem>>) semaphore(%arg24 : memref<!tpu.dma_semaphore, #tpu.memory_space<semaphore_mem>>)
        %add3A_495 = arith.addi %mul3A_211, %add3A_491 : i32
        %mul3A_496 = arith.constant 40 : i32
        %mul3A_497 = arith.muli %add3A_495, %mul3A_496 : i32
        %multiple_of3A_498 = tpu.assume_multiple %mul3A_497, 8 : i32
        %dma_start3A_499 = arith.constant 0 : i32
        %dma_start3A_500 = tpu.memref_slice %arg3[%add3A_144, %multiple_of3A_498, %dma_start3A_499] : memref<4x320000x128xf32, #tpu.memory_space<hbm>> -> memref<1x40x128xf32, #tpu.memory_space<hbm>>
        %dma_start3A_501 = tpu.memref_squeeze %dma_start3A_500 : memref<1x40x128xf32, #tpu.memory_space<hbm>> -> memref<40x128xf32, #tpu.memory_space<hbm>>
        %dma_start3A_502 = arith.constant 0 : i32
        %dma_start3A_503 = tpu.memref_slice %arg3[%add3A_144, %multiple_of3A_498, %dma_start3A_502] : memref<4x320000x128xf32, #tpu.memory_space<hbm>> -> memref<1x40x128xf32, #tpu.memory_space<hbm>>
        %dma_start3A_504 = tpu.memref_squeeze %dma_start3A_503 : memref<1x40x128xf32, #tpu.memory_space<hbm>> -> memref<40x128xf32, #tpu.memory_space<hbm>>
        tpu.enqueue_dma source(%dma_start3A_504 : memref<40x128xf32, #tpu.memory_space<hbm>>) target(%arg18 : memref<40x128xf32, #tpu.memory_space<vmem>>) target_semaphore(%arg26 : memref<!tpu.dma_semaphore, #tpu.memory_space<semaphore_mem>>)
      } else {
      }
      %add3A_400 = arith.constant 2 : i32
      %add3A_401 = arith.addi %add3A_387, %add3A_400 : i32
      %lt3A_402 = arith.constant 500 : i32
      %lt3A_403 = arith.cmpi slt, %add3A_401, %lt3A_402 : i32
      %convert_element_type3A_404 = arith.extui %lt3A_403 : i1 to i32
      %cond3A_405 = arith.constant 0 : i32
      %cond3A_406 = arith.cmpi ne, %convert_element_type3A_404, %cond3A_405 : i32
      scf.if %cond3A_406 {
        %add3A_486 = arith.constant 2 : i32
        %add3A_487 = arith.addi %add3A_387, %add3A_486 : i32
        %add3A_488 = arith.addi %mul3A_211, %add3A_487 : i32
        %mul3A_489 = arith.constant 40 : i32
        %mul3A_490 = arith.muli %add3A_488, %mul3A_489 : i32
        %multiple_of3A_491 = tpu.assume_multiple %mul3A_490, 8 : i32
        %mul3A_492 = arith.constant 320000 : i32
        %mul3A_493 = arith.muli %add3A_144, %mul3A_492 : i32
        %add3A_494 = arith.addi %mul3A_493, %multiple_of3A_491 : i32
        %dma_start3A_495 = tpu.memref_slice %arg4[%add3A_494] : memref<1280000xi32, #tpu.memory_space<hbm>> -> memref<40xi32, #tpu.memory_space<hbm>>
        %dma_start3A_496 = tpu.memref_slice %arg4[%add3A_494] : memref<1280000xi32, #tpu.memory_space<hbm>> -> memref<40xi32, #tpu.memory_space<hbm>>
        tpu.enqueue_dma source(%dma_start3A_496 : memref<40xi32, #tpu.memory_space<hbm>>) target(%arg7 : memref<40xi32, #tpu.memory_space<vmem>>) target_semaphore(%arg29 : memref<!tpu.dma_semaphore, #tpu.memory_space<semaphore_mem>>)
        %dma_start3A_497 = tpu.memref_slice %arg5[%multiple_of3A_491] : memref<320000xi32, #tpu.memory_space<hbm>> -> memref<40xi32, #tpu.memory_space<hbm>>
        %dma_start3A_498 = tpu.memref_slice %arg5[%multiple_of3A_491] : memref<320000xi32, #tpu.memory_space<hbm>> -> memref<40xi32, #tpu.memory_space<hbm>>
        tpu.enqueue_dma source(%dma_start3A_498 : memref<40xi32, #tpu.memory_space<hbm>>) target(%arg11 : memref<40xi32, #tpu.memory_space<vmem>>) target_semaphore(%arg33 : memref<!tpu.dma_semaphore, #tpu.memory_space<semaphore_mem>>)
      } else {
      }
      %dma_wait3A_407 = arith.constant 0 : i32
      %dma_wait3A_408 = arith.constant 0 : i32
      %dma_wait3A_409 = tpu.memref_slice %arg2[%dma_wait3A_407, %dma_wait3A_408] : memref<40000x128xf32, #tpu.memory_space<hbm>> -> memref<40x128xf32, #tpu.memory_space<hbm>>
      %dma_wait3A_410 = arith.constant 0 : i32
      %dma_wait3A_411 = arith.constant 0 : i32
      %dma_wait3A_412 = tpu.memref_slice %arg2[%dma_wait3A_410, %dma_wait3A_411] : memref<40000x128xf32, #tpu.memory_space<hbm>> -> memref<40x128xf32, #tpu.memory_space<hbm>>
      tpu.wait_dma2 semaphore(%arg23 : memref<!tpu.dma_semaphore, #tpu.memory_space<semaphore_mem>>) src(%dma_wait3A_412 : memref<40x128xf32, #tpu.memory_space<hbm>>) dst(%arg15 : memref<40x128xf32, #tpu.memory_space<vmem>>)
      %dma_wait3A_413 = arith.constant 0 : i32
      %dma_wait3A_414 = arith.constant 0 : i32
      %dma_wait3A_415 = arith.constant 0 : i32
      %dma_wait3A_416 = tpu.memref_slice %arg3[%dma_wait3A_413, %dma_wait3A_414, %dma_wait3A_415] : memref<4x320000x128xf32, #tpu.memory_space<hbm>> -> memref<1x40x128xf32, #tpu.memory_space<hbm>>
      %dma_wait3A_417 = tpu.memref_squeeze %dma_wait3A_416 : memref<1x40x128xf32, #tpu.memory_space<hbm>> -> memref<40x128xf32, #tpu.memory_space<hbm>>
      %dma_wait3A_418 = arith.constant 0 : i32
      %dma_wait3A_419 = arith.constant 0 : i32
      %dma_wait3A_420 = tpu.memref_slice %arg3[%dma_wait3A_413, %dma_wait3A_418, %dma_wait3A_419] : memref<4x320000x128xf32, #tpu.memory_space<hbm>> -> memref<1x40x128xf32, #tpu.memory_space<hbm>>
      %dma_wait3A_421 = tpu.memref_squeeze %dma_wait3A_420 : memref<1x40x128xf32, #tpu.memory_space<hbm>> -> memref<40x128xf32, #tpu.memory_space<hbm>>
      tpu.wait_dma2 semaphore(%arg25 : memref<!tpu.dma_semaphore, #tpu.memory_space<semaphore_mem>>) src(%dma_wait3A_421 : memref<40x128xf32, #tpu.memory_space<hbm>>) dst(%arg17 : memref<40x128xf32, #tpu.memory_space<vmem>>)
      %scan3A_422 = arith.constant 0 : i32
      %scan3A_423 = arith.constant 0 : i32
      %scan3A_424 = arith.constant 40 : i32
      %scan3A_425 = arith.addi %scan3A_423, %scan3A_424 : i32
      %scan3A_426 = arith.constant 1 : i32
      scf.for %scan3A_486 = %scan3A_423 to %scan3A_425 step %scan3A_426  : i32 {
        %get3A = arith.index_cast %scan3A_486 : i32 to index
        %get3A_487 = arith.constant 0 : index
        %get3A_488 = tpu.vector_load %arg15[%get3A, %get3A_487] {strides = array<i32>} : memref<40x128xf32, #tpu.memory_space<vmem>>, vector<1x16xf32>,
        %get3A_489 = vector.shape_cast %get3A_488 : vector<1x16xf32> to vector<16xf32>
        %get3A_490 = arith.index_cast %scan3A_486 : i32 to index
        %get3A_491 = arith.constant 0 : index
        %get3A_492 = tpu.vector_load %arg17[%get3A_490, %get3A_491] {strides = array<i32>} : memref<40x128xf32, #tpu.memory_space<vmem>>, vector<1x16xf32>,
        %get3A_493 = vector.shape_cast %get3A_492 : vector<1x16xf32> to vector<16xf32>
        %mul3A_494 = arith.mulf %get3A_489, %get3A_493 : vector<16xf32>
        %swap3A = arith.index_cast %scan3A_486 : i32 to index
        %swap3A_495 = arith.constant 0 : index
        %swap3A_496 = tpu.vector_load %arg19[%swap3A, %swap3A_495] {strides = array<i32>} : memref<40x128xf32, #tpu.memory_space<vmem>>, vector<1x16xf32>,
        %swap3A_497 = vector.shape_cast %swap3A_496 : vector<1x16xf32> to vector<16xf32>
        %swap3A_498 = vector.shape_cast %mul3A_494 : vector<16xf32> to vector<1x16xf32>
        tpu.vector_store %arg19[%swap3A, %swap3A_495], %swap3A_498 {strides = array<i32>} : memref<40x128xf32, #tpu.memory_space<vmem>>, vector<1x16xf32>,
        %get3A_499 = arith.index_cast %scan3A_486 : i32 to index
        %get3A_500 = arith.constant 16 : index
        %get3A_501 = tpu.vector_load %arg15[%get3A_499, %get3A_500] {strides = array<i32>} : memref<40x128xf32, #tpu.memory_space<vmem>>, vector<1x16xf32>,
        %get3A_502 = vector.shape_cast %get3A_501 : vector<1x16xf32> to vector<16xf32>
        %get3A_503 = arith.index_cast %scan3A_486 : i32 to index
        %get3A_504 = arith.constant 16 : index
        %get3A_505 = tpu.vector_load %arg17[%get3A_503, %get3A_504] {strides = array<i32>} : memref<40x128xf32, #tpu.memory_space<vmem>>, vector<1x16xf32>,
        %get3A_506 = vector.shape_cast %get3A_505 : vector<1x16xf32> to vector<16xf32>
        %mul3A_507 = arith.mulf %get3A_502, %get3A_506 : vector<16xf32>
        %swap3A_508 = arith.index_cast %scan3A_486 : i32 to index
        %swap3A_509 = arith.constant 16 : index
        %swap3A_510 = tpu.vector_load %arg19[%swap3A_508, %swap3A_509] {strides = array<i32>} : memref<40x128xf32, #tpu.memory_space<vmem>>, vector<1x16xf32>,
        %swap3A_511 = vector.shape_cast %swap3A_510 : vector<1x16xf32> to vector<16xf32>
        %swap3A_512 = vector.shape_cast %mul3A_507 : vector<16xf32> to vector<1x16xf32>
        tpu.vector_store %arg19[%swap3A_508, %swap3A_509], %swap3A_512 {strides = array<i32>} : memref<40x128xf32, #tpu.memory_space<vmem>>, vector<1x16xf32>,
        %get3A_513 = arith.index_cast %scan3A_486 : i32 to index
        %get3A_514 = arith.constant 32 : index
        %get3A_515 = tpu.vector_load %arg15[%get3A_513, %get3A_514] {strides = array<i32>} : memref<40x128xf32, #tpu.memory_space<vmem>>, vector<1x16xf32>,
        %get3A_516 = vector.shape_cast %get3A_515 : vector<1x16xf32> to vector<16xf32>
        %get3A_517 = arith.index_cast %scan3A_486 : i32 to index
        %get3A_518 = arith.constant 32 : index
        %get3A_519 = tpu.vector_load %arg17[%get3A_517, %get3A_518] {strides = array<i32>} : memref<40x128xf32, #tpu.memory_space<vmem>>, vector<1x16xf32>,
        %get3A_520 = vector.shape_cast %get3A_519 : vector<1x16xf32> to vector<16xf32>
        %mul3A_521 = arith.mulf %get3A_516, %get3A_520 : vector<16xf32>
        %swap3A_522 = arith.index_cast %scan3A_486 : i32 to index
        %swap3A_523 = arith.constant 32 : index
        %swap3A_524 = tpu.vector_load %arg19[%swap3A_522, %swap3A_523] {strides = array<i32>} : memref<40x128xf32, #tpu.memory_space<vmem>>, vector<1x16xf32>,
        %swap3A_525 = vector.shape_cast %swap3A_524 : vector<1x16xf32> to vector<16xf32>
        %swap3A_526 = vector.shape_cast %mul3A_521 : vector<16xf32> to vector<1x16xf32>
        tpu.vector_store %arg19[%swap3A_522, %swap3A_523], %swap3A_526 {strides = array<i32>} : memref<40x128xf32, #tpu.memory_space<vmem>>, vector<1x16xf32>,
        %get3A_527 = arith.index_cast %scan3A_486 : i32 to index
        %get3A_528 = arith.constant 48 : index
        %get3A_529 = tpu.vector_load %arg15[%get3A_527, %get3A_528] {strides = array<i32>} : memref<40x128xf32, #tpu.memory_space<vmem>>, vector<1x16xf32>,
        %get3A_530 = vector.shape_cast %get3A_529 : vector<1x16xf32> to vector<16xf32>
        %get3A_531 = arith.index_cast %scan3A_486 : i32 to index
        %get3A_532 = arith.constant 48 : index
        %get3A_533 = tpu.vector_load %arg17[%get3A_531, %get3A_532] {strides = array<i32>} : memref<40x128xf32, #tpu.memory_space<vmem>>, vector<1x16xf32>,
        %get3A_534 = vector.shape_cast %get3A_533 : vector<1x16xf32> to vector<16xf32>
        %mul3A_535 = arith.mulf %get3A_530, %get3A_534 : vector<16xf32>
        %swap3A_536 = arith.index_cast %scan3A_486 : i32 to index
        %swap3A_537 = arith.constant 48 : index
        %swap3A_538 = tpu.vector_load %arg19[%swap3A_536, %swap3A_537] {strides = array<i32>} : memref<40x128xf32, #tpu.memory_space<vmem>>, vector<1x16xf32>,
        %swap3A_539 = vector.shape_cast %swap3A_538 : vector<1x16xf32> to vector<16xf32>
        %swap3A_540 = vector.shape_cast %mul3A_535 : vector<16xf32> to vector<1x16xf32>
        tpu.vector_store %arg19[%swap3A_536, %swap3A_537], %swap3A_540 {strides = array<i32>} : memref<40x128xf32, #tpu.memory_space<vmem>>, vector<1x16xf32>,
        %get3A_541 = arith.index_cast %scan3A_486 : i32 to index
        %get3A_542 = arith.constant 64 : index
        %get3A_543 = tpu.vector_load %arg15[%get3A_541, %get3A_542] {strides = array<i32>} : memref<40x128xf32, #tpu.memory_space<vmem>>, vector<1x16xf32>,
        %get3A_544 = vector.shape_cast %get3A_543 : vector<1x16xf32> to vector<16xf32>
        %get3A_545 = arith.index_cast %scan3A_486 : i32 to index
        %get3A_546 = arith.constant 64 : index
        %get3A_547 = tpu.vector_load %arg17[%get3A_545, %get3A_546] {strides = array<i32>} : memref<40x128xf32, #tpu.memory_space<vmem>>, vector<1x16xf32>,
        %get3A_548 = vector.shape_cast %get3A_547 : vector<1x16xf32> to vector<16xf32>
        %mul3A_549 = arith.mulf %get3A_544, %get3A_548 : vector<16xf32>
        %swap3A_550 = arith.index_cast %scan3A_486 : i32 to index
        %swap3A_551 = arith.constant 64 : index
        %swap3A_552 = tpu.vector_load %arg19[%swap3A_550, %swap3A_551] {strides = array<i32>} : memref<40x128xf32, #tpu.memory_space<vmem>>, vector<1x16xf32>,
        %swap3A_553 = vector.shape_cast %swap3A_552 : vector<1x16xf32> to vector<16xf32>
        %swap3A_554 = vector.shape_cast %mul3A_549 : vector<16xf32> to vector<1x16xf32>
        tpu.vector_store %arg19[%swap3A_550, %swap3A_551], %swap3A_554 {strides = array<i32>} : memref<40x128xf32, #tpu.memory_space<vmem>>, vector<1x16xf32>,
        %get3A_555 = arith.index_cast %scan3A_486 : i32 to index
        %get3A_556 = arith.constant 80 : index
        %get3A_557 = tpu.vector_load %arg15[%get3A_555, %get3A_556] {strides = array<i32>} : memref<40x128xf32, #tpu.memory_space<vmem>>, vector<1x16xf32>,
        %get3A_558 = vector.shape_cast %get3A_557 : vector<1x16xf32> to vector<16xf32>
        %get3A_559 = arith.index_cast %scan3A_486 : i32 to index
        %get3A_560 = arith.constant 80 : index
        %get3A_561 = tpu.vector_load %arg17[%get3A_559, %get3A_560] {strides = array<i32>} : memref<40x128xf32, #tpu.memory_space<vmem>>, vector<1x16xf32>,
        %get3A_562 = vector.shape_cast %get3A_561 : vector<1x16xf32> to vector<16xf32>
        %mul3A_563 = arith.mulf %get3A_558, %get3A_562 : vector<16xf32>
        %swap3A_564 = arith.index_cast %scan3A_486 : i32 to index
        %swap3A_565 = arith.constant 80 : index
        %swap3A_566 = tpu.vector_load %arg19[%swap3A_564, %swap3A_565] {strides = array<i32>} : memref<40x128xf32, #tpu.memory_space<vmem>>, vector<1x16xf32>,
        %swap3A_567 = vector.shape_cast %swap3A_566 : vector<1x16xf32> to vector<16xf32>
        %swap3A_568 = vector.shape_cast %mul3A_563 : vector<16xf32> to vector<1x16xf32>
        tpu.vector_store %arg19[%swap3A_564, %swap3A_565], %swap3A_568 {strides = array<i32>} : memref<40x128xf32, #tpu.memory_space<vmem>>, vector<1x16xf32>,
        %get3A_569 = arith.index_cast %scan3A_486 : i32 to index
        %get3A_570 = arith.constant 96 : index
        %get3A_571 = tpu.vector_load %arg15[%get3A_569, %get3A_570] {strides = array<i32>} : memref<40x128xf32, #tpu.memory_space<vmem>>, vector<1x16xf32>,
        %get3A_572 = vector.shape_cast %get3A_571 : vector<1x16xf32> to vector<16xf32>
        %get3A_573 = arith.index_cast %scan3A_486 : i32 to index
        %get3A_574 = arith.constant 96 : index
        %get3A_575 = tpu.vector_load %arg17[%get3A_573, %get3A_574] {strides = array<i32>} : memref<40x128xf32, #tpu.memory_space<vmem>>, vector<1x16xf32>,
        %get3A_576 = vector.shape_cast %get3A_575 : vector<1x16xf32> to vector<16xf32>
        %mul3A_577 = arith.mulf %get3A_572, %get3A_576 : vector<16xf32>
        %swap3A_578 = arith.index_cast %scan3A_486 : i32 to index
        %swap3A_579 = arith.constant 96 : index
        %swap3A_580 = tpu.vector_load %arg19[%swap3A_578, %swap3A_579] {strides = array<i32>} : memref<40x128xf32, #tpu.memory_space<vmem>>, vector<1x16xf32>,
        %swap3A_581 = vector.shape_cast %swap3A_580 : vector<1x16xf32> to vector<16xf32>
        %swap3A_582 = vector.shape_cast %mul3A_577 : vector<16xf32> to vector<1x16xf32>
        tpu.vector_store %arg19[%swap3A_578, %swap3A_579], %swap3A_582 {strides = array<i32>} : memref<40x128xf32, #tpu.memory_space<vmem>>, vector<1x16xf32>,
        %get3A_583 = arith.index_cast %scan3A_486 : i32 to index
        %get3A_584 = arith.constant 112 : index
        %get3A_585 = tpu.vector_load %arg15[%get3A_583, %get3A_584] {strides = array<i32>} : memref<40x128xf32, #tpu.memory_space<vmem>>, vector<1x16xf32>,
        %get3A_586 = vector.shape_cast %get3A_585 : vector<1x16xf32> to vector<16xf32>
        %get3A_587 = arith.index_cast %scan3A_486 : i32 to index
        %get3A_588 = arith.constant 112 : index
        %get3A_589 = tpu.vector_load %arg17[%get3A_587, %get3A_588] {strides = array<i32>} : memref<40x128xf32, #tpu.memory_space<vmem>>, vector<1x16xf32>,
        %get3A_590 = vector.shape_cast %get3A_589 : vector<1x16xf32> to vector<16xf32>
        %mul3A_591 = arith.mulf %get3A_586, %get3A_590 : vector<16xf32>
        %swap3A_592 = arith.index_cast %scan3A_486 : i32 to index
        %swap3A_593 = arith.constant 112 : index
        %swap3A_594 = tpu.vector_load %arg19[%swap3A_592, %swap3A_593] {strides = array<i32>} : memref<40x128xf32, #tpu.memory_space<vmem>>, vector<1x16xf32>,
        %swap3A_595 = vector.shape_cast %swap3A_594 : vector<1x16xf32> to vector<16xf32>
        %swap3A_596 = vector.shape_cast %mul3A_591 : vector<16xf32> to vector<1x16xf32>
        tpu.vector_store %arg19[%swap3A_592, %swap3A_593], %swap3A_596 {strides = array<i32>} : memref<40x128xf32, #tpu.memory_space<vmem>>, vector<1x16xf32>,
      }
      %scan3A_427 = arith.constant 40 : i32
      %dma_wait3A_428 = arith.constant 0 : i32
      %dma_wait3A_429 = tpu.memref_slice %arg5[%dma_wait3A_428] : memref<320000xi32, #tpu.memory_space<hbm>> -> memref<40xi32, #tpu.memory_space<hbm>>
      %dma_wait3A_430 = arith.constant 0 : i32
      %dma_wait3A_431 = tpu.memref_slice %arg5[%dma_wait3A_430] : memref<320000xi32, #tpu.memory_space<hbm>> -> memref<40xi32, #tpu.memory_space<hbm>>
      tpu.wait_dma2 semaphore(%arg35 : memref<!tpu.dma_semaphore, #tpu.memory_space<semaphore_mem>>) src(%dma_wait3A_431 : memref<40xi32, #tpu.memory_space<hbm>>) dst(%arg13 : memref<40xi32, #tpu.memory_space<vmem>>)
      %dma_start3A_432 = arith.constant 0 : i32
      %dma_start3A_433 = arith.constant 0 : i32
      %dma_start3A_434 = tpu.memref_slice %arg22[%dma_start3A_432, %dma_start3A_433] : memref<10240x128xf32, #tpu.memory_space<vmem_shared>> -> memref<10240x128xf32, #tpu.memory_space<vmem_shared>>
      tpu.enqueue_indirect_dma source(%arg19 : memref<40x128xf32, #tpu.memory_space<vmem>>) target(%dma_start3A_434 : memref<10240x128xf32, #tpu.memory_space<vmem_shared>>) offsets(%arg13 : memref<40xi32, #tpu.memory_space<vmem>>) semaphore(%arg27 : memref<!tpu.dma_semaphore, #tpu.memory_space<semaphore_mem>>) {add = true}
      %mul3A_435 = arith.constant 4 : i32
      %mul3A_436 = arith.muli %mul3A_435, %scan3A_283 : i32
      %add3A_437 = arith.constant 3 : i32
      %add3A_438 = arith.addi %mul3A_436, %add3A_437 : i32
      %ge3A_439 = arith.constant 2 : i32
      %ge3A_440 = arith.cmpi sge, %add3A_438, %ge3A_439 : i32
      %convert_element_type3A_441 = arith.extui %ge3A_440 : i1 to i32
      %cond3A_442 = arith.constant 0 : i32
      %cond3A_443 = arith.cmpi ne, %convert_element_type3A_441, %cond3A_442 : i32
      scf.if %cond3A_443 {
        %dma_wait3A_486 = arith.constant 0 : i32
        %dma_wait3A_487 = arith.constant 0 : i32
        %dma_wait3A_488 = tpu.memref_slice %arg22[%dma_wait3A_486, %dma_wait3A_487] : memref<10240x128xf32, #tpu.memory_space<vmem_shared>> -> memref<40x128xf32, #tpu.memory_space<vmem_shared>>
        %dma_wait3A_489 = arith.constant 0 : i32
        %dma_wait3A_490 = arith.constant 0 : i32
        %dma_wait3A_491 = tpu.memref_slice %arg22[%dma_wait3A_489, %dma_wait3A_490] : memref<10240x128xf32, #tpu.memory_space<vmem_shared>> -> memref<40x128xf32, #tpu.memory_space<vmem_shared>>
        tpu.wait_dma2 semaphore(%arg28 : memref<!tpu.dma_semaphore, #tpu.memory_space<semaphore_mem>>) src(%arg20 : memref<40x128xf32, #tpu.memory_space<vmem>>) dst(%dma_wait3A_491 : memref<40x128xf32, #tpu.memory_space<vmem_shared>>)
      } else {
      }
      %add3A_444 = arith.constant 1 : i32
      %add3A_445 = arith.addi %add3A_438, %add3A_444 : i32
      %lt3A_446 = arith.constant 500 : i32
      %lt3A_447 = arith.cmpi slt, %add3A_445, %lt3A_446 : i32
      %convert_element_type3A_448 = arith.extui %lt3A_447 : i1 to i32
      %cond3A_449 = arith.constant 0 : i32
      %cond3A_450 = arith.cmpi ne, %convert_element_type3A_448, %cond3A_449 : i32
      scf.if %cond3A_450 {
        %dma_wait3A_486 = arith.constant 0 : i32
        %dma_wait3A_487 = tpu.memref_slice %arg5[%dma_wait3A_486] : memref<320000xi32, #tpu.memory_space<hbm>> -> memref<40xi32, #tpu.memory_space<hbm>>
        %dma_wait3A_488 = arith.constant 0 : i32
        %dma_wait3A_489 = tpu.memref_slice %arg5[%dma_wait3A_488] : memref<320000xi32, #tpu.memory_space<hbm>> -> memref<40xi32, #tpu.memory_space<hbm>>
        tpu.wait_dma2 semaphore(%arg29 : memref<!tpu.dma_semaphore, #tpu.memory_space<semaphore_mem>>) src(%dma_wait3A_489 : memref<40xi32, #tpu.memory_space<hbm>>) dst(%arg7 : memref<40xi32, #tpu.memory_space<vmem>>)
        %add3A_490 = arith.constant 1 : i32
        %add3A_491 = arith.addi %add3A_438, %add3A_490 : i32
        %dma_start3A_492 = arith.constant 0 : i32
        %dma_start3A_493 = arith.constant 0 : i32
        %dma_start3A_494 = tpu.memref_slice %arg2[%dma_start3A_492, %dma_start3A_493] : memref<40000x128xf32, #tpu.memory_space<hbm>> -> memref<40000x128xf32, #tpu.memory_space<hbm>>
        tpu.enqueue_indirect_dma source(%dma_start3A_494 : memref<40000x128xf32, #tpu.memory_space<hbm>>) target(%arg15 : memref<40x128xf32, #tpu.memory_space<vmem>>) offsets(%arg7 : memref<40xi32, #tpu.memory_space<vmem>>) semaphore(%arg23 : memref<!tpu.dma_semaphore, #tpu.memory_space<semaphore_mem>>)
        %add3A_495 = arith.addi %mul3A_211, %add3A_491 : i32
        %mul3A_496 = arith.constant 40 : i32
        %mul3A_497 = arith.muli %add3A_495, %mul3A_496 : i32
        %multiple_of3A_498 = tpu.assume_multiple %mul3A_497, 8 : i32
        %dma_start3A_499 = arith.constant 0 : i32
        %dma_start3A_500 = tpu.memref_slice %arg3[%add3A_144, %multiple_of3A_498, %dma_start3A_499] : memref<4x320000x128xf32, #tpu.memory_space<hbm>> -> memref<1x40x128xf32, #tpu.memory_space<hbm>>
        %dma_start3A_501 = tpu.memref_squeeze %dma_start3A_500 : memref<1x40x128xf32, #tpu.memory_space<hbm>> -> memref<40x128xf32, #tpu.memory_space<hbm>>
        %dma_start3A_502 = arith.constant 0 : i32
        %dma_start3A_503 = tpu.memref_slice %arg3[%add3A_144, %multiple_of3A_498, %dma_start3A_502] : memref<4x320000x128xf32, #tpu.memory_space<hbm>> -> memref<1x40x128xf32, #tpu.memory_space<hbm>>
        %dma_start3A_504 = tpu.memref_squeeze %dma_start3A_503 : memref<1x40x128xf32, #tpu.memory_space<hbm>> -> memref<40x128xf32, #tpu.memory_space<hbm>>
        tpu.enqueue_dma source(%dma_start3A_504 : memref<40x128xf32, #tpu.memory_space<hbm>>) target(%arg17 : memref<40x128xf32, #tpu.memory_space<vmem>>) target_semaphore(%arg25 : memref<!tpu.dma_semaphore, #tpu.memory_space<semaphore_mem>>)
      } else {
      }
      %add3A_451 = arith.constant 2 : i32
      %add3A_452 = arith.addi %add3A_438, %add3A_451 : i32
      %lt3A_453 = arith.constant 500 : i32
      %lt3A_454 = arith.cmpi slt, %add3A_452, %lt3A_453 : i32
      %convert_element_type3A_455 = arith.extui %lt3A_454 : i1 to i32
      %cond3A_456 = arith.constant 0 : i32
      %cond3A_457 = arith.cmpi ne, %convert_element_type3A_455, %cond3A_456 : i32
      scf.if %cond3A_457 {
        %add3A_486 = arith.constant 2 : i32
        %add3A_487 = arith.addi %add3A_438, %add3A_486 : i32
        %add3A_488 = arith.addi %mul3A_211, %add3A_487 : i32
        %mul3A_489 = arith.constant 40 : i32
        %mul3A_490 = arith.muli %add3A_488, %mul3A_489 : i32
        %multiple_of3A_491 = tpu.assume_multiple %mul3A_490, 8 : i32
        %mul3A_492 = arith.constant 320000 : i32
        %mul3A_493 = arith.muli %add3A_144, %mul3A_492 : i32
        %add3A_494 = arith.addi %mul3A_493, %multiple_of3A_491 : i32
        %dma_start3A_495 = tpu.memref_slice %arg4[%add3A_494] : memref<1280000xi32, #tpu.memory_space<hbm>> -> memref<40xi32, #tpu.memory_space<hbm>>
        %dma_start3A_496 = tpu.memref_slice %arg4[%add3A_494] : memref<1280000xi32, #tpu.memory_space<hbm>> -> memref<40xi32, #tpu.memory_space<hbm>>
        tpu.enqueue_dma source(%dma_start3A_496 : memref<40xi32, #tpu.memory_space<hbm>>) target(%arg8 : memref<40xi32, #tpu.memory_space<vmem>>) target_semaphore(%arg30 : memref<!tpu.dma_semaphore, #tpu.memory_space<semaphore_mem>>)
        %dma_start3A_497 = tpu.memref_slice %arg5[%multiple_of3A_491] : memref<320000xi32, #tpu.memory_space<hbm>> -> memref<40xi32, #tpu.memory_space<hbm>>
        %dma_start3A_498 = tpu.memref_slice %arg5[%multiple_of3A_491] : memref<320000xi32, #tpu.memory_space<hbm>> -> memref<40xi32, #tpu.memory_space<hbm>>
        tpu.enqueue_dma source(%dma_start3A_498 : memref<40xi32, #tpu.memory_space<hbm>>) target(%arg12 : memref<40xi32, #tpu.memory_space<vmem>>) target_semaphore(%arg34 : memref<!tpu.dma_semaphore, #tpu.memory_space<semaphore_mem>>)
      } else {
      }
      %dma_wait3A_458 = arith.constant 0 : i32
      %dma_wait3A_459 = arith.constant 0 : i32
      %dma_wait3A_460 = tpu.memref_slice %arg2[%dma_wait3A_458, %dma_wait3A_459] : memref<40000x128xf32, #tpu.memory_space<hbm>> -> memref<40x128xf32, #tpu.memory_space<hbm>>
      %dma_wait3A_461 = arith.constant 0 : i32
      %dma_wait3A_462 = arith.constant 0 : i32
      %dma_wait3A_463 = tpu.memref_slice %arg2[%dma_wait3A_461, %dma_wait3A_462] : memref<40000x128xf32, #tpu.memory_space<hbm>> -> memref<40x128xf32, #tpu.memory_space<hbm>>
      tpu.wait_dma2 semaphore(%arg24 : memref<!tpu.dma_semaphore, #tpu.memory_space<semaphore_mem>>) src(%dma_wait3A_463 : memref<40x128xf32, #tpu.memory_space<hbm>>) dst(%arg16 : memref<40x128xf32, #tpu.memory_space<vmem>>)
      %dma_wait3A_464 = arith.constant 0 : i32
      %dma_wait3A_465 = arith.constant 0 : i32
      %dma_wait3A_466 = arith.constant 0 : i32
      %dma_wait3A_467 = tpu.memref_slice %arg3[%dma_wait3A_464, %dma_wait3A_465, %dma_wait3A_466] : memref<4x320000x128xf32, #tpu.memory_space<hbm>> -> memref<1x40x128xf32, #tpu.memory_space<hbm>>
      %dma_wait3A_468 = tpu.memref_squeeze %dma_wait3A_467 : memref<1x40x128xf32, #tpu.memory_space<hbm>> -> memref<40x128xf32, #tpu.memory_space<hbm>>
      %dma_wait3A_469 = arith.constant 0 : i32
      %dma_wait3A_470 = arith.constant 0 : i32
      %dma_wait3A_471 = tpu.memref_slice %arg3[%dma_wait3A_464, %dma_wait3A_469, %dma_wait3A_470] : memref<4x320000x128xf32, #tpu.memory_space<hbm>> -> memref<1x40x128xf32, #tpu.memory_space<hbm>>
      %dma_wait3A_472 = tpu.memref_squeeze %dma_wait3A_471 : memref<1x40x128xf32, #tpu.memory_space<hbm>> -> memref<40x128xf32, #tpu.memory_space<hbm>>
      tpu.wait_dma2 semaphore(%arg26 : memref<!tpu.dma_semaphore, #tpu.memory_space<semaphore_mem>>) src(%dma_wait3A_472 : memref<40x128xf32, #tpu.memory_space<hbm>>) dst(%arg18 : memref<40x128xf32, #tpu.memory_space<vmem>>)
      %scan3A_473 = arith.constant 0 : i32
      %scan3A_474 = arith.constant 0 : i32
      %scan3A_475 = arith.constant 40 : i32
      %scan3A_476 = arith.addi %scan3A_474, %scan3A_475 : i32
      %scan3A_477 = arith.constant 1 : i32
      scf.for %scan3A_486 = %scan3A_474 to %scan3A_476 step %scan3A_477  : i32 {
        %get3A = arith.index_cast %scan3A_486 : i32 to index
        %get3A_487 = arith.constant 0 : index
        %get3A_488 = tpu.vector_load %arg16[%get3A, %get3A_487] {strides = array<i32>} : memref<40x128xf32, #tpu.memory_space<vmem>>, vector<1x16xf32>,
        %get3A_489 = vector.shape_cast %get3A_488 : vector<1x16xf32> to vector<16xf32>
        %get3A_490 = arith.index_cast %scan3A_486 : i32 to index
        %get3A_491 = arith.constant 0 : index
        %get3A_492 = tpu.vector_load %arg18[%get3A_490, %get3A_491] {strides = array<i32>} : memref<40x128xf32, #tpu.memory_space<vmem>>, vector<1x16xf32>,
        %get3A_493 = vector.shape_cast %get3A_492 : vector<1x16xf32> to vector<16xf32>
        %mul3A_494 = arith.mulf %get3A_489, %get3A_493 : vector<16xf32>
        %swap3A = arith.index_cast %scan3A_486 : i32 to index
        %swap3A_495 = arith.constant 0 : index
        %swap3A_496 = tpu.vector_load %arg20[%swap3A, %swap3A_495] {strides = array<i32>} : memref<40x128xf32, #tpu.memory_space<vmem>>, vector<1x16xf32>,
        %swap3A_497 = vector.shape_cast %swap3A_496 : vector<1x16xf32> to vector<16xf32>
        %swap3A_498 = vector.shape_cast %mul3A_494 : vector<16xf32> to vector<1x16xf32>
        tpu.vector_store %arg20[%swap3A, %swap3A_495], %swap3A_498 {strides = array<i32>} : memref<40x128xf32, #tpu.memory_space<vmem>>, vector<1x16xf32>,
        %get3A_499 = arith.index_cast %scan3A_486 : i32 to index
        %get3A_500 = arith.constant 16 : index
        %get3A_501 = tpu.vector_load %arg16[%get3A_499, %get3A_500] {strides = array<i32>} : memref<40x128xf32, #tpu.memory_space<vmem>>, vector<1x16xf32>,
        %get3A_502 = vector.shape_cast %get3A_501 : vector<1x16xf32> to vector<16xf32>
        %get3A_503 = arith.index_cast %scan3A_486 : i32 to index
        %get3A_504 = arith.constant 16 : index
        %get3A_505 = tpu.vector_load %arg18[%get3A_503, %get3A_504] {strides = array<i32>} : memref<40x128xf32, #tpu.memory_space<vmem>>, vector<1x16xf32>,
        %get3A_506 = vector.shape_cast %get3A_505 : vector<1x16xf32> to vector<16xf32>
        %mul3A_507 = arith.mulf %get3A_502, %get3A_506 : vector<16xf32>
        %swap3A_508 = arith.index_cast %scan3A_486 : i32 to index
        %swap3A_509 = arith.constant 16 : index
        %swap3A_510 = tpu.vector_load %arg20[%swap3A_508, %swap3A_509] {strides = array<i32>} : memref<40x128xf32, #tpu.memory_space<vmem>>, vector<1x16xf32>,
        %swap3A_511 = vector.shape_cast %swap3A_510 : vector<1x16xf32> to vector<16xf32>
        %swap3A_512 = vector.shape_cast %mul3A_507 : vector<16xf32> to vector<1x16xf32>
        tpu.vector_store %arg20[%swap3A_508, %swap3A_509], %swap3A_512 {strides = array<i32>} : memref<40x128xf32, #tpu.memory_space<vmem>>, vector<1x16xf32>,
        %get3A_513 = arith.index_cast %scan3A_486 : i32 to index
        %get3A_514 = arith.constant 32 : index
        %get3A_515 = tpu.vector_load %arg16[%get3A_513, %get3A_514] {strides = array<i32>} : memref<40x128xf32, #tpu.memory_space<vmem>>, vector<1x16xf32>,
        %get3A_516 = vector.shape_cast %get3A_515 : vector<1x16xf32> to vector<16xf32>
        %get3A_517 = arith.index_cast %scan3A_486 : i32 to index
        %get3A_518 = arith.constant 32 : index
        %get3A_519 = tpu.vector_load %arg18[%get3A_517, %get3A_518] {strides = array<i32>} : memref<40x128xf32, #tpu.memory_space<vmem>>, vector<1x16xf32>,
        %get3A_520 = vector.shape_cast %get3A_519 : vector<1x16xf32> to vector<16xf32>
        %mul3A_521 = arith.mulf %get3A_516, %get3A_520 : vector<16xf32>
        %swap3A_522 = arith.index_cast %scan3A_486 : i32 to index
        %swap3A_523 = arith.constant 32 : index
        %swap3A_524 = tpu.vector_load %arg20[%swap3A_522, %swap3A_523] {strides = array<i32>} : memref<40x128xf32, #tpu.memory_space<vmem>>, vector<1x16xf32>,
        %swap3A_525 = vector.shape_cast %swap3A_524 : vector<1x16xf32> to vector<16xf32>
        %swap3A_526 = vector.shape_cast %mul3A_521 : vector<16xf32> to vector<1x16xf32>
        tpu.vector_store %arg20[%swap3A_522, %swap3A_523], %swap3A_526 {strides = array<i32>} : memref<40x128xf32, #tpu.memory_space<vmem>>, vector<1x16xf32>,
        %get3A_527 = arith.index_cast %scan3A_486 : i32 to index
        %get3A_528 = arith.constant 48 : index
        %get3A_529 = tpu.vector_load %arg16[%get3A_527, %get3A_528] {strides = array<i32>} : memref<40x128xf32, #tpu.memory_space<vmem>>, vector<1x16xf32>,
        %get3A_530 = vector.shape_cast %get3A_529 : vector<1x16xf32> to vector<16xf32>
        %get3A_531 = arith.index_cast %scan3A_486 : i32 to index
        %get3A_532 = arith.constant 48 : index
        %get3A_533 = tpu.vector_load %arg18[%get3A_531, %get3A_532] {strides = array<i32>} : memref<40x128xf32, #tpu.memory_space<vmem>>, vector<1x16xf32>,
        %get3A_534 = vector.shape_cast %get3A_533 : vector<1x16xf32> to vector<16xf32>
        %mul3A_535 = arith.mulf %get3A_530, %get3A_534 : vector<16xf32>
        %swap3A_536 = arith.index_cast %scan3A_486 : i32 to index
        %swap3A_537 = arith.constant 48 : index
        %swap3A_538 = tpu.vector_load %arg20[%swap3A_536, %swap3A_537] {strides = array<i32>} : memref<40x128xf32, #tpu.memory_space<vmem>>, vector<1x16xf32>,
        %swap3A_539 = vector.shape_cast %swap3A_538 : vector<1x16xf32> to vector<16xf32>
        %swap3A_540 = vector.shape_cast %mul3A_535 : vector<16xf32> to vector<1x16xf32>
        tpu.vector_store %arg20[%swap3A_536, %swap3A_537], %swap3A_540 {strides = array<i32>} : memref<40x128xf32, #tpu.memory_space<vmem>>, vector<1x16xf32>,
        %get3A_541 = arith.index_cast %scan3A_486 : i32 to index
        %get3A_542 = arith.constant 64 : index
        %get3A_543 = tpu.vector_load %arg16[%get3A_541, %get3A_542] {strides = array<i32>} : memref<40x128xf32, #tpu.memory_space<vmem>>, vector<1x16xf32>,
        %get3A_544 = vector.shape_cast %get3A_543 : vector<1x16xf32> to vector<16xf32>
        %get3A_545 = arith.index_cast %scan3A_486 : i32 to index
        %get3A_546 = arith.constant 64 : index
        %get3A_547 = tpu.vector_load %arg18[%get3A_545, %get3A_546] {strides = array<i32>} : memref<40x128xf32, #tpu.memory_space<vmem>>, vector<1x16xf32>,
        %get3A_548 = vector.shape_cast %get3A_547 : vector<1x16xf32> to vector<16xf32>
        %mul3A_549 = arith.mulf %get3A_544, %get3A_548 : vector<16xf32>
        %swap3A_550 = arith.index_cast %scan3A_486 : i32 to index
        %swap3A_551 = arith.constant 64 : index
        %swap3A_552 = tpu.vector_load %arg20[%swap3A_550, %swap3A_551] {strides = array<i32>} : memref<40x128xf32, #tpu.memory_space<vmem>>, vector<1x16xf32>,
        %swap3A_553 = vector.shape_cast %swap3A_552 : vector<1x16xf32> to vector<16xf32>
        %swap3A_554 = vector.shape_cast %mul3A_549 : vector<16xf32> to vector<1x16xf32>
        tpu.vector_store %arg20[%swap3A_550, %swap3A_551], %swap3A_554 {strides = array<i32>} : memref<40x128xf32, #tpu.memory_space<vmem>>, vector<1x16xf32>,
        %get3A_555 = arith.index_cast %scan3A_486 : i32 to index
        %get3A_556 = arith.constant 80 : index
        %get3A_557 = tpu.vector_load %arg16[%get3A_555, %get3A_556] {strides = array<i32>} : memref<40x128xf32, #tpu.memory_space<vmem>>, vector<1x16xf32>,
        %get3A_558 = vector.shape_cast %get3A_557 : vector<1x16xf32> to vector<16xf32>
        %get3A_559 = arith.index_cast %scan3A_486 : i32 to index
        %get3A_560 = arith.constant 80 : index
        %get3A_561 = tpu.vector_load %arg18[%get3A_559, %get3A_560] {strides = array<i32>} : memref<40x128xf32, #tpu.memory_space<vmem>>, vector<1x16xf32>,
        %get3A_562 = vector.shape_cast %get3A_561 : vector<1x16xf32> to vector<16xf32>
        %mul3A_563 = arith.mulf %get3A_558, %get3A_562 : vector<16xf32>
        %swap3A_564 = arith.index_cast %scan3A_486 : i32 to index
        %swap3A_565 = arith.constant 80 : index
        %swap3A_566 = tpu.vector_load %arg20[%swap3A_564, %swap3A_565] {strides = array<i32>} : memref<40x128xf32, #tpu.memory_space<vmem>>, vector<1x16xf32>,
        %swap3A_567 = vector.shape_cast %swap3A_566 : vector<1x16xf32> to vector<16xf32>
        %swap3A_568 = vector.shape_cast %mul3A_563 : vector<16xf32> to vector<1x16xf32>
        tpu.vector_store %arg20[%swap3A_564, %swap3A_565], %swap3A_568 {strides = array<i32>} : memref<40x128xf32, #tpu.memory_space<vmem>>, vector<1x16xf32>,
        %get3A_569 = arith.index_cast %scan3A_486 : i32 to index
        %get3A_570 = arith.constant 96 : index
        %get3A_571 = tpu.vector_load %arg16[%get3A_569, %get3A_570] {strides = array<i32>} : memref<40x128xf32, #tpu.memory_space<vmem>>, vector<1x16xf32>,
        %get3A_572 = vector.shape_cast %get3A_571 : vector<1x16xf32> to vector<16xf32>
        %get3A_573 = arith.index_cast %scan3A_486 : i32 to index
        %get3A_574 = arith.constant 96 : index
        %get3A_575 = tpu.vector_load %arg18[%get3A_573, %get3A_574] {strides = array<i32>} : memref<40x128xf32, #tpu.memory_space<vmem>>, vector<1x16xf32>,
        %get3A_576 = vector.shape_cast %get3A_575 : vector<1x16xf32> to vector<16xf32>
        %mul3A_577 = arith.mulf %get3A_572, %get3A_576 : vector<16xf32>
        %swap3A_578 = arith.index_cast %scan3A_486 : i32 to index
        %swap3A_579 = arith.constant 96 : index
        %swap3A_580 = tpu.vector_load %arg20[%swap3A_578, %swap3A_579] {strides = array<i32>} : memref<40x128xf32, #tpu.memory_space<vmem>>, vector<1x16xf32>,
        %swap3A_581 = vector.shape_cast %swap3A_580 : vector<1x16xf32> to vector<16xf32>
        %swap3A_582 = vector.shape_cast %mul3A_577 : vector<16xf32> to vector<1x16xf32>
        tpu.vector_store %arg20[%swap3A_578, %swap3A_579], %swap3A_582 {strides = array<i32>} : memref<40x128xf32, #tpu.memory_space<vmem>>, vector<1x16xf32>,
        %get3A_583 = arith.index_cast %scan3A_486 : i32 to index
        %get3A_584 = arith.constant 112 : index
        %get3A_585 = tpu.vector_load %arg16[%get3A_583, %get3A_584] {strides = array<i32>} : memref<40x128xf32, #tpu.memory_space<vmem>>, vector<1x16xf32>,
        %get3A_586 = vector.shape_cast %get3A_585 : vector<1x16xf32> to vector<16xf32>
        %get3A_587 = arith.index_cast %scan3A_486 : i32 to index
        %get3A_588 = arith.constant 112 : index
        %get3A_589 = tpu.vector_load %arg18[%get3A_587, %get3A_588] {strides = array<i32>} : memref<40x128xf32, #tpu.memory_space<vmem>>, vector<1x16xf32>,
        %get3A_590 = vector.shape_cast %get3A_589 : vector<1x16xf32> to vector<16xf32>
        %mul3A_591 = arith.mulf %get3A_586, %get3A_590 : vector<16xf32>
        %swap3A_592 = arith.index_cast %scan3A_486 : i32 to index
        %swap3A_593 = arith.constant 112 : index
        %swap3A_594 = tpu.vector_load %arg20[%swap3A_592, %swap3A_593] {strides = array<i32>} : memref<40x128xf32, #tpu.memory_space<vmem>>, vector<1x16xf32>,
        %swap3A_595 = vector.shape_cast %swap3A_594 : vector<1x16xf32> to vector<16xf32>
        %swap3A_596 = vector.shape_cast %mul3A_591 : vector<16xf32> to vector<1x16xf32>
        tpu.vector_store %arg20[%swap3A_592, %swap3A_593], %swap3A_596 {strides = array<i32>} : memref<40x128xf32, #tpu.memory_space<vmem>>, vector<1x16xf32>,
      }
      %scan3A_478 = arith.constant 40 : i32
      %dma_wait3A_479 = arith.constant 0 : i32
      %dma_wait3A_480 = tpu.memref_slice %arg5[%dma_wait3A_479] : memref<320000xi32, #tpu.memory_space<hbm>> -> memref<40xi32, #tpu.memory_space<hbm>>
      %dma_wait3A_481 = arith.constant 0 : i32
      %dma_wait3A_482 = tpu.memref_slice %arg5[%dma_wait3A_481] : memref<320000xi32, #tpu.memory_space<hbm>> -> memref<40xi32, #tpu.memory_space<hbm>>
      tpu.wait_dma2 semaphore(%arg36 : memref<!tpu.dma_semaphore, #tpu.memory_space<semaphore_mem>>) src(%dma_wait3A_482 : memref<40xi32, #tpu.memory_space<hbm>>) dst(%arg14 : memref<40xi32, #tpu.memory_space<vmem>>)
      %dma_start3A_483 = arith.constant 0 : i32
      %dma_start3A_484 = arith.constant 0 : i32
      %dma_start3A_485 = tpu.memref_slice %arg22[%dma_start3A_483, %dma_start3A_484] : memref<10240x128xf32, #tpu.memory_space<vmem_shared>> -> memref<10240x128xf32, #tpu.memory_space<vmem_shared>>
      tpu.enqueue_indirect_dma source(%arg20 : memref<40x128xf32, #tpu.memory_space<vmem>>) target(%dma_start3A_485 : memref<10240x128xf32, #tpu.memory_space<vmem_shared>>) offsets(%arg14 : memref<40xi32, #tpu.memory_space<vmem>>) semaphore(%arg28 : memref<!tpu.dma_semaphore, #tpu.memory_space<semaphore_mem>>) {add = true}
    }
    %scan3A_259 = arith.constant 125 : i32
    %dma_wait3A_260 = arith.constant 0 : i32
    %dma_wait3A_261 = arith.constant 0 : i32
    %dma_wait3A_262 = tpu.memref_slice %arg22[%dma_wait3A_260, %dma_wait3A_261] : memref<10240x128xf32, #tpu.memory_space<vmem_shared>> -> memref<40x128xf32, #tpu.memory_space<vmem_shared>>
    %dma_wait3A_263 = arith.constant 0 : i32
    %dma_wait3A_264 = arith.constant 0 : i32
    %dma_wait3A_265 = tpu.memref_slice %arg22[%dma_wait3A_263, %dma_wait3A_264] : memref<10240x128xf32, #tpu.memory_space<vmem_shared>> -> memref<40x128xf32, #tpu.memory_space<vmem_shared>>
    tpu.wait_dma2 semaphore(%arg27 : memref<!tpu.dma_semaphore, #tpu.memory_space<semaphore_mem>>) src(%arg19 : memref<40x128xf32, #tpu.memory_space<vmem>>) dst(%dma_wait3A_265 : memref<40x128xf32, #tpu.memory_space<vmem_shared>>)
    %dma_wait3A_266 = arith.constant 0 : i32
    %dma_wait3A_267 = arith.constant 0 : i32
    %dma_wait3A_268 = tpu.memref_slice %arg22[%dma_wait3A_266, %dma_wait3A_267] : memref<10240x128xf32, #tpu.memory_space<vmem_shared>> -> memref<40x128xf32, #tpu.memory_space<vmem_shared>>
    %dma_wait3A_269 = arith.constant 0 : i32
    %dma_wait3A_270 = arith.constant 0 : i32
    %dma_wait3A_271 = tpu.memref_slice %arg22[%dma_wait3A_269, %dma_wait3A_270] : memref<10240x128xf32, #tpu.memory_space<vmem_shared>> -> memref<40x128xf32, #tpu.memory_space<vmem_shared>>
    tpu.wait_dma2 semaphore(%arg28 : memref<!tpu.dma_semaphore, #tpu.memory_space<semaphore_mem>>) src(%arg20 : memref<40x128xf32, #tpu.memory_space<vmem>>) dst(%dma_wait3A_271 : memref<40x128xf32, #tpu.memory_space<vmem_shared>>)
    %barrier3A_272 = arith.constant 0 : index
    tpu.barrier barrier_id(%barrier3A_272)
    %ne3A_273 = arith.constant 15 : i32
    %ne3A_274 = arith.cmpi ne, %arg1, %ne3A_273 : i32
    %convert_element_type3A_275 = arith.extui %ne3A_274 : i1 to i32
    %cond3A_276 = arith.constant 0 : i32
    %cond3A_277 = arith.cmpi ne, %convert_element_type3A_275, %cond3A_276 : i32
    scf.if %cond3A_277 {
      "tpu.region"() ({
        %run_scoped3A = tpu.sem_alloc : memref<!tpu.dma_semaphore, #tpu.memory_space<semaphore_mem>>
        %dma_start3A_283 = arith.constant 0 : i32
        %dma_start3A_284 = tpu.memref_slice %arg6[%add3A_144, %multiple_of3A, %dma_start3A_283] : memref<4x10000x128xf32, #tpu.memory_space<hbm>> -> memref<1x640x128xf32, #tpu.memory_space<hbm>>
        %dma_start3A_285 = tpu.memref_squeeze %dma_start3A_284 : memref<1x640x128xf32, #tpu.memory_space<hbm>> -> memref<640x128xf32, #tpu.memory_space<hbm>>
        %dma_start3A_286 = arith.constant 0 : i32
        %dma_start3A_287 = tpu.memref_slice %arg22[%multiple_of3A, %dma_start3A_286] : memref<10240x128xf32, #tpu.memory_space<vmem_shared>> -> memref<640x128xf32, #tpu.memory_space<vmem_shared>>
        tpu.enqueue_dma source(%dma_start3A_287 : memref<640x128xf32, #tpu.memory_space<vmem_shared>>) target(%dma_start3A_285 : memref<640x128xf32, #tpu.memory_space<hbm>>) target_semaphore(%run_scoped3A : memref<!tpu.dma_semaphore, #tpu.memory_space<semaphore_mem>>)
        %dma_wait3A_288 = arith.constant 0 : i32
        %dma_wait3A_289 = tpu.memref_slice %arg6[%add3A_144, %multiple_of3A, %dma_wait3A_288] : memref<4x10000x128xf32, #tpu.memory_space<hbm>> -> memref<1x640x128xf32, #tpu.memory_space<hbm>>
        %dma_wait3A_290 = tpu.memref_squeeze %dma_wait3A_289 : memref<1x640x128xf32, #tpu.memory_space<hbm>> -> memref<640x128xf32, #tpu.memory_space<hbm>>
        %dma_wait3A_291 = arith.constant 0 : i32
        %dma_wait3A_292 = tpu.memref_slice %arg22[%multiple_of3A, %dma_wait3A_291] : memref<10240x128xf32, #tpu.memory_space<vmem_shared>> -> memref<640x128xf32, #tpu.memory_space<vmem_shared>>
        tpu.wait_dma2 semaphore(%run_scoped3A : memref<!tpu.dma_semaphore, #tpu.memory_space<semaphore_mem>>) src(%dma_wait3A_292 : memref<640x128xf32, #tpu.memory_space<vmem_shared>>) dst(%dma_wait3A_290 : memref<640x128xf32, #tpu.memory_space<hbm>>)
        tpu.yield
      }) : () -> ()
    } else {
    }
    %eq3A_278 = arith.constant 15 : i32
    %eq3A_279 = arith.cmpi eq, %arg1, %eq3A_278 : i32
    %convert_element_type3A_280 = arith.extui %eq3A_279 : i1 to i32
    %cond3A_281 = arith.constant 0 : i32
    %cond3A_282 = arith.cmpi ne, %convert_element_type3A_280, %cond3A_281 : i32
    scf.if %cond3A_282 {
      "tpu.region"() ({
        %run_scoped3A = tpu.sem_alloc : memref<!tpu.dma_semaphore, #tpu.memory_space<semaphore_mem>>
        %dma_start3A_283 = arith.constant 0 : i32
        %dma_start3A_284 = tpu.memref_slice %arg6[%add3A_144, %multiple_of3A, %dma_start3A_283] : memref<4x10000x128xf32, #tpu.memory_space<hbm>> -> memref<1x400x128xf32, #tpu.memory_space<hbm>>
        %dma_start3A_285 = tpu.memref_squeeze %dma_start3A_284 : memref<1x400x128xf32, #tpu.memory_space<hbm>> -> memref<400x128xf32, #tpu.memory_space<hbm>>
        %dma_start3A_286 = arith.constant 0 : i32
        %dma_start3A_287 = tpu.memref_slice %arg22[%multiple_of3A, %dma_start3A_286] : memref<10240x128xf32, #tpu.memory_space<vmem_shared>> -> memref<400x128xf32, #tpu.memory_space<vmem_shared>>
        tpu.enqueue_dma source(%dma_start3A_287 : memref<400x128xf32, #tpu.memory_space<vmem_shared>>) target(%dma_start3A_285 : memref<400x128xf32, #tpu.memory_space<hbm>>) target_semaphore(%run_scoped3A : memref<!tpu.dma_semaphore, #tpu.memory_space<semaphore_mem>>)
        %dma_wait3A_288 = arith.constant 0 : i32
        %dma_wait3A_289 = tpu.memref_slice %arg6[%add3A_144, %multiple_of3A, %dma_wait3A_288] : memref<4x10000x128xf32, #tpu.memory_space<hbm>> -> memref<1x400x128xf32, #tpu.memory_space<hbm>>
        %dma_wait3A_290 = tpu.memref_squeeze %dma_wait3A_289 : memref<1x400x128xf32, #tpu.memory_space<hbm>> -> memref<400x128xf32, #tpu.memory_space<hbm>>
        %dma_wait3A_291 = arith.constant 0 : i32
        %dma_wait3A_292 = tpu.memref_slice %arg22[%multiple_of3A, %dma_wait3A_291] : memref<10240x128xf32, #tpu.memory_space<vmem_shared>> -> memref<400x128xf32, #tpu.memory_space<vmem_shared>>
        tpu.wait_dma2 semaphore(%run_scoped3A : memref<!tpu.dma_semaphore, #tpu.memory_space<semaphore_mem>>) src(%dma_wait3A_292 : memref<400x128xf32, #tpu.memory_space<vmem_shared>>) dst(%dma_wait3A_290 : memref<400x128xf32, #tpu.memory_space<hbm>>)
        tpu.yield
      }) : () -> ()
    } else {
    }
    return
  }
}

module attributes {stable_mosaic.version = 14 : i64} {
  func.func @_edge_tc_body(%arg0: i32, %arg1: memref<16x6400xf32, #tpu.memory_space<vmem>>, %arg2: memref<16x6400xf32, #tpu.memory_space<vmem>>, %arg3: memref<8x6400xf32, #tpu.memory_space<vmem>>, %arg4: memref<32x512xf32, #tpu.memory_space<vmem>>, %arg5: memref<4x6400x128xf32, #tpu.memory_space<vmem>>) attributes {dimension_semantics = [#tpu.dimension_semantics<arbitrary>], iteration_bounds = array<i64: 50>, scalar_prefetch = 0 : i64, scratch_operands = 0 : i64, tpu.core_type = #tpu.core_type<tc>, window_params = [{transform_indices = @transform_0, window_bounds = array<i64: 16, 6400>}, {transform_indices = @transform_1, window_bounds = array<i64: 16, 6400>}, {transform_indices = @transform_2, window_bounds = array<i64: 8, 6400>}, {pipeline_mode = #tpu.pipeline_mode<synchronous>, transform_indices = @transform_3, window_bounds = array<i64: 32, 512>}, {transform_indices = @transform_4, window_bounds = array<i64: 4, 6400, 128>}]} {
    %get3A = arith.constant 0 : index
    %get3A_0 = arith.constant 0 : index
    %get3A_1 = vector.load %arg3[%get3A, %get3A_0] : memref<8x6400xf32, #tpu.memory_space<vmem>>, vector<1x6400xf32>
    %get3A_2 = arith.constant 1 : index
    %get3A_3 = arith.constant 0 : index
    %get3A_4 = vector.load %arg3[%get3A_2, %get3A_3] : memref<8x6400xf32, #tpu.memory_space<vmem>>, vector<1x6400xf32>
    %get3A_5 = arith.constant 2 : index
    %get3A_6 = arith.constant 0 : index
    %get3A_7 = vector.load %arg3[%get3A_5, %get3A_6] : memref<8x6400xf32, #tpu.memory_space<vmem>>, vector<1x6400xf32>
    %get3A_8 = arith.constant 3 : index
    %get3A_9 = arith.constant 0 : index
    %get3A_10 = vector.load %arg3[%get3A_8, %get3A_9] : memref<8x6400xf32, #tpu.memory_space<vmem>>, vector<1x6400xf32>
    %get3A_11 = arith.constant 0 : index
    %get3A_12 = arith.constant 0 : index
    %get3A_13 = vector.load %arg1[%get3A_11, %get3A_12] : memref<16x6400xf32, #tpu.memory_space<vmem>>, vector<16x6400xf32>
    %mul3A = vector.broadcast %get3A_1 : vector<1x6400xf32> to vector<16x6400xf32>
    %mul3A_14 = arith.mulf %mul3A, %get3A_13 : vector<16x6400xf32>
    %get3A_15 = arith.constant 0 : index
    %get3A_16 = arith.constant 0 : index
    %get3A_17 = vector.load %arg2[%get3A_15, %get3A_16] : memref<16x6400xf32, #tpu.memory_space<vmem>>, vector<16x6400xf32>
    %mul3A_18 = vector.broadcast %get3A_4 : vector<1x6400xf32> to vector<16x6400xf32>
    %mul3A_19 = arith.mulf %mul3A_18, %get3A_17 : vector<16x6400xf32>
    %add3A = arith.addf %mul3A_14, %mul3A_19 : vector<16x6400xf32>
    %add3A_20 = arith.addf %get3A_1, %get3A_4 : vector<1x6400xf32>
    %broadcast_in_dim3A = arith.constant 0.000000e+00 : f32
    %broadcast_in_dim3A_21 = vector.broadcast %broadcast_in_dim3A : f32 to vector<15x6400xf32>
    %concatenate3A = tpu.concatenate %add3A, %add3A_20, %broadcast_in_dim3A_21 in 0 : vector<16x6400xf32>, vector<1x6400xf32>, vector<15x6400xf32> -> vector<32x6400xf32>
    %get3A_22 = arith.constant 0 : index
    %get3A_23 = arith.constant 0 : index
    %get3A_24 = vector.load %arg4[%get3A_22, %get3A_23] : memref<32x512xf32, #tpu.memory_space<vmem>>, vector<32x128xf32>
    %dot_general3A = arith.constant dense<0.000000e+00> : vector<6400x128xf32>
    %dot_general3A_25 = tpu.matmul %concatenate3A, %get3A_24, %dot_general3A {dimension_numbers = #tpu.dot_dimension_numbers<[0], [0], [1], [1], [0, 1, 1, 1], [], []>, transpose_lhs_hint = false} : vector<32x6400xf32>, vector<32x128xf32>, vector<6400x128xf32> -> vector<6400x128xf32>
    %swap3A = arith.constant 0 : index
    %swap3A_26 = arith.constant 0 : index
    %swap3A_27 = arith.constant 0 : index
    %swap3A_28 = vector.load %arg5[%swap3A, %swap3A_26, %swap3A_27] : memref<4x6400x128xf32, #tpu.memory_space<vmem>>, vector<1x6400x128xf32>
    %swap3A_29 = vector.shape_cast %swap3A_28 : vector<1x6400x128xf32> to vector<6400x128xf32>
    %swap3A_30 = vector.shape_cast %dot_general3A_25 : vector<6400x128xf32> to vector<1x6400x128xf32>
    tpu.vector_store %arg5[%swap3A, %swap3A_26, %swap3A_27], %swap3A_30 {strides = array<i32>} : memref<4x6400x128xf32, #tpu.memory_space<vmem>>, vector<1x6400x128xf32>,
    %get3A_31 = arith.constant 0 : index
    %get3A_32 = arith.constant 128 : index
    %get3A_33 = vector.load %arg4[%get3A_31, %get3A_32] : memref<32x512xf32, #tpu.memory_space<vmem>>, vector<32x128xf32>
    %dot_general3A_34 = arith.constant dense<0.000000e+00> : vector<6400x128xf32>
    %dot_general3A_35 = tpu.matmul %concatenate3A, %get3A_33, %dot_general3A_34 {dimension_numbers = #tpu.dot_dimension_numbers<[0], [0], [1], [1], [0, 1, 1, 1], [], []>, transpose_lhs_hint = false} : vector<32x6400xf32>, vector<32x128xf32>, vector<6400x128xf32> -> vector<6400x128xf32>
    %swap3A_36 = arith.constant 1 : index
    %swap3A_37 = arith.constant 0 : index
    %swap3A_38 = arith.constant 0 : index
    %swap3A_39 = vector.load %arg5[%swap3A_36, %swap3A_37, %swap3A_38] : memref<4x6400x128xf32, #tpu.memory_space<vmem>>, vector<1x6400x128xf32>
    %swap3A_40 = vector.shape_cast %swap3A_39 : vector<1x6400x128xf32> to vector<6400x128xf32>
    %swap3A_41 = vector.shape_cast %dot_general3A_35 : vector<6400x128xf32> to vector<1x6400x128xf32>
    tpu.vector_store %arg5[%swap3A_36, %swap3A_37, %swap3A_38], %swap3A_41 {strides = array<i32>} : memref<4x6400x128xf32, #tpu.memory_space<vmem>>, vector<1x6400x128xf32>,
    %mul3A_42 = vector.broadcast %get3A_7 : vector<1x6400xf32> to vector<32x6400xf32>
    %mul3A_43 = arith.mulf %concatenate3A, %mul3A_42 : vector<32x6400xf32>
    %get3A_44 = arith.constant 0 : index
    %get3A_45 = arith.constant 256 : index
    %get3A_46 = vector.load %arg4[%get3A_44, %get3A_45] : memref<32x512xf32, #tpu.memory_space<vmem>>, vector<32x128xf32>
    %dot_general3A_47 = arith.constant dense<0.000000e+00> : vector<6400x128xf32>
    %dot_general3A_48 = tpu.matmul %mul3A_43, %get3A_46, %dot_general3A_47 {dimension_numbers = #tpu.dot_dimension_numbers<[0], [0], [1], [1], [0, 1, 1, 1], [], []>, transpose_lhs_hint = false} : vector<32x6400xf32>, vector<32x128xf32>, vector<6400x128xf32> -> vector<6400x128xf32>
    %swap3A_49 = arith.constant 2 : index
    %swap3A_50 = arith.constant 0 : index
    %swap3A_51 = arith.constant 0 : index
    %swap3A_52 = vector.load %arg5[%swap3A_49, %swap3A_50, %swap3A_51] : memref<4x6400x128xf32, #tpu.memory_space<vmem>>, vector<1x6400x128xf32>
    %swap3A_53 = vector.shape_cast %swap3A_52 : vector<1x6400x128xf32> to vector<6400x128xf32>
    %swap3A_54 = vector.shape_cast %dot_general3A_48 : vector<6400x128xf32> to vector<1x6400x128xf32>
    tpu.vector_store %arg5[%swap3A_49, %swap3A_50, %swap3A_51], %swap3A_54 {strides = array<i32>} : memref<4x6400x128xf32, #tpu.memory_space<vmem>>, vector<1x6400x128xf32>,
    %mul3A_55 = vector.broadcast %get3A_10 : vector<1x6400xf32> to vector<32x6400xf32>
    %mul3A_56 = arith.mulf %concatenate3A, %mul3A_55 : vector<32x6400xf32>
    %get3A_57 = arith.constant 0 : index
    %get3A_58 = arith.constant 384 : index
    %get3A_59 = vector.load %arg4[%get3A_57, %get3A_58] : memref<32x512xf32, #tpu.memory_space<vmem>>, vector<32x128xf32>
    %dot_general3A_60 = arith.constant dense<0.000000e+00> : vector<6400x128xf32>
    %dot_general3A_61 = tpu.matmul %mul3A_56, %get3A_59, %dot_general3A_60 {dimension_numbers = #tpu.dot_dimension_numbers<[0], [0], [1], [1], [0, 1, 1, 1], [], []>, transpose_lhs_hint = false} : vector<32x6400xf32>, vector<32x128xf32>, vector<6400x128xf32> -> vector<6400x128xf32>
    %swap3A_62 = arith.constant 3 : index
    %swap3A_63 = arith.constant 0 : index
    %swap3A_64 = arith.constant 0 : index
    %swap3A_65 = vector.load %arg5[%swap3A_62, %swap3A_63, %swap3A_64] : memref<4x6400x128xf32, #tpu.memory_space<vmem>>, vector<1x6400x128xf32>
    %swap3A_66 = vector.shape_cast %swap3A_65 : vector<1x6400x128xf32> to vector<6400x128xf32>
    %swap3A_67 = vector.shape_cast %dot_general3A_61 : vector<6400x128xf32> to vector<1x6400x128xf32>
    tpu.vector_store %arg5[%swap3A_62, %swap3A_63, %swap3A_64], %swap3A_67 {strides = array<i32>} : memref<4x6400x128xf32, #tpu.memory_space<vmem>>, vector<1x6400x128xf32>,
    return
  }
  func.func @transform_0(%arg0: i32) -> (i32, i32) {
    %c0_i32 = arith.constant 0 : i32
    %c0_i32_0 = arith.constant 0 : i32
    return %c0_i32, %arg0 : i32, i32
  }
  func.func @transform_1(%arg0: i32) -> (i32, i32) {
    %c0_i32 = arith.constant 0 : i32
    %c0_i32_0 = arith.constant 0 : i32
    return %c0_i32, %arg0 : i32, i32
  }
  func.func @transform_2(%arg0: i32) -> (i32, i32) {
    %c0_i32 = arith.constant 0 : i32
    %c0_i32_0 = arith.constant 0 : i32
    return %c0_i32, %arg0 : i32, i32
  }
  func.func @transform_3(%arg0: i32) -> (i32, i32) {
    %c0_i32 = arith.constant 0 : i32
    %c0_i32_0 = arith.constant 0 : i32
    %c0_i32_1 = arith.constant 0 : i32
    return %c0_i32, %c0_i32_0 : i32, i32
  }
  func.func @transform_4(%arg0: i32) -> (i32, i32, i32) {
    %c0_i32 = arith.constant 0 : i32
    %c0_i32_0 = arith.constant 0 : i32
    %c0_i32_1 = arith.constant 0 : i32
    return %c0_i32, %arg0, %c0_i32_0 : i32, i32, i32
  }
}

module attributes {stable_mosaic.version = 14 : i64} {
  func.func @_node_tc_body(%arg0: i32, %arg1: i32, %arg2: memref<2000x128xf32, #tpu.memory_space<vmem>>, %arg3: memref<2000x128xf32, #tpu.memory_space<vmem>>, %arg4: memref<128x128xf32, #tpu.memory_space<vmem>>, %arg5: memref<1x128xf32, #tpu.memory_space<vmem>>, %arg6: memref<128x128xf32, #tpu.memory_space<vmem>>, %arg7: memref<1x128xf32, #tpu.memory_space<vmem>>, %arg8: memref<2000x128xf32, #tpu.memory_space<vmem>>) attributes {dimension_semantics = [#tpu.dimension_semantics<arbitrary>, #tpu.dimension_semantics<arbitrary>], iteration_bounds = array<i64: 4, 5>, scalar_prefetch = 0 : i64, scratch_operands = 0 : i64, tpu.core_type = #tpu.core_type<tc>, window_params = [{transform_indices = @transform_0, window_bounds = array<i64: 2000, 128>}, {transform_indices = @transform_1, window_bounds = array<i64: 2000, 128>}, {pipeline_mode = #tpu.pipeline_mode<synchronous>, transform_indices = @transform_2, window_bounds = array<i64: 128, 128>}, {pipeline_mode = #tpu.pipeline_mode<synchronous>, transform_indices = @transform_3, window_bounds = array<i64: 1, 128>}, {transform_indices = @transform_4, window_bounds = array<i64: 128, 128>}, {transform_indices = @transform_5, window_bounds = array<i64: 1, 128>}, {transform_indices = @transform_6, window_bounds = array<i64: 2000, 128>}]} {
    %get3A = arith.constant 0 : index
    %get3A_0 = arith.constant 0 : index
    %get3A_1 = vector.load %arg2[%get3A, %get3A_0] : memref<2000x128xf32, #tpu.memory_space<vmem>>, vector<2000x128xf32>
    %get3A_2 = arith.constant 0 : index
    %get3A_3 = arith.constant 0 : index
    %get3A_4 = vector.load %arg4[%get3A_2, %get3A_3] : memref<128x128xf32, #tpu.memory_space<vmem>>, vector<128x128xf32>
    %dot_general3A = arith.constant dense<0.000000e+00> : vector<2000x128xf32>
    %dot_general3A_5 = tpu.matmul %get3A_1, %get3A_4, %dot_general3A {dimension_numbers = #tpu.dot_dimension_numbers<[1], [0], [0], [1], [0, 0, 1, 1], [], []>, transpose_lhs_hint = false} : vector<2000x128xf32>, vector<128x128xf32>, vector<2000x128xf32> -> vector<2000x128xf32>
    %get3A_6 = arith.constant 0 : index
    %get3A_7 = arith.constant 0 : index
    %get3A_8 = vector.load %arg5[%get3A_6, %get3A_7] : memref<1x128xf32, #tpu.memory_space<vmem>>, vector<1x128xf32>
    %add3A = vector.broadcast %get3A_8 : vector<1x128xf32> to vector<2000x128xf32>
    %add3A_9 = arith.addf %dot_general3A_5, %add3A : vector<2000x128xf32>
    %logistic3A = arith.negf %add3A_9 : vector<2000x128xf32>
    %logistic3A_10 = math.exp %logistic3A : vector<2000x128xf32>
    %logistic3A_11 = arith.constant 1.000000e+00 : f32
    %logistic3A_12 = vector.broadcast %logistic3A_11 : f32 to vector<2000x128xf32>
    %logistic3A_13 = arith.addf %logistic3A_12, %logistic3A_10 : vector<2000x128xf32>
    %logistic3A_14 = arith.divf %logistic3A_12, %logistic3A_13 : vector<2000x128xf32>
    %mul3A = arith.mulf %add3A_9, %logistic3A_14 : vector<2000x128xf32>
    %get3A_15 = arith.constant 0 : index
    %get3A_16 = arith.constant 0 : index
    %get3A_17 = vector.load %arg6[%get3A_15, %get3A_16] : memref<128x128xf32, #tpu.memory_space<vmem>>, vector<128x128xf32>
    %dot_general3A_18 = arith.constant dense<0.000000e+00> : vector<2000x128xf32>
    %dot_general3A_19 = tpu.matmul %mul3A, %get3A_17, %dot_general3A_18 {dimension_numbers = #tpu.dot_dimension_numbers<[1], [0], [0], [1], [0, 0, 1, 1], [], []>, transpose_lhs_hint = false} : vector<2000x128xf32>, vector<128x128xf32>, vector<2000x128xf32> -> vector<2000x128xf32>
    %get3A_20 = arith.constant 0 : index
    %get3A_21 = arith.constant 0 : index
    %get3A_22 = vector.load %arg7[%get3A_20, %get3A_21] : memref<1x128xf32, #tpu.memory_space<vmem>>, vector<1x128xf32>
    %add3A_23 = vector.broadcast %get3A_22 : vector<1x128xf32> to vector<2000x128xf32>
    %add3A_24 = arith.addf %dot_general3A_19, %add3A_23 : vector<2000x128xf32>
    %eq3A = arith.constant 1 : i32
    %eq3A_25 = arith.cmpi eq, %arg0, %eq3A : i32
    %get3A_26 = arith.constant 0 : index
    %get3A_27 = arith.constant 0 : index
    %get3A_28 = vector.load %arg3[%get3A_26, %get3A_27] : memref<2000x128xf32, #tpu.memory_space<vmem>>, vector<2000x128xf32>
    %mul3A_29 = arith.mulf %add3A_24, %get3A_28 : vector<2000x128xf32>
    %select_n3A = arith.select %eq3A_25, %mul3A_29, %add3A_24 : vector<2000x128xf32>
    %swap3A = arith.constant 0 : index
    %swap3A_30 = arith.constant 0 : index
    %swap3A_31 = vector.load %arg8[%swap3A, %swap3A_30] : memref<2000x128xf32, #tpu.memory_space<vmem>>, vector<2000x128xf32>
    tpu.vector_store %arg8[%swap3A, %swap3A_30], %select_n3A {strides = array<i32>} : memref<2000x128xf32, #tpu.memory_space<vmem>>, vector<2000x128xf32>,
    return
  }
  func.func @transform_0(%arg0: i32, %arg1: i32) -> (i32, i32) {
    %c0_i32 = arith.constant 0 : i32
    %c0_i32_0 = arith.constant 0 : i32
    return %arg1, %c0_i32 : i32, i32
  }
  func.func @transform_1(%arg0: i32, %arg1: i32) -> (i32, i32) {
    %c0_i32 = arith.constant 0 : i32
    %c0_i32_0 = arith.constant 0 : i32
    return %arg1, %c0_i32 : i32, i32
  }
  func.func @transform_2(%arg0: i32, %arg1: i32) -> (i32, i32) {
    %c0_i32 = arith.constant 0 : i32
    %c0_i32_0 = arith.constant 0 : i32
    %c0_i32_1 = arith.constant 0 : i32
    return %c0_i32, %c0_i32_0 : i32, i32
  }
  func.func @transform_3(%arg0: i32, %arg1: i32) -> (i32, i32) {
    %c0_i32 = arith.constant 0 : i32
    %c0_i32_0 = arith.constant 0 : i32
    %c0_i32_1 = arith.constant 0 : i32
    return %c0_i32, %c0_i32_0 : i32, i32
  }
  func.func @transform_4(%arg0: i32, %arg1: i32) -> (i32, i32) {
    %c0_i32 = arith.constant 0 : i32
    %c0_i32_0 = arith.constant 0 : i32
    return %c0_i32, %arg0 : i32, i32
  }
  func.func @transform_5(%arg0: i32, %arg1: i32) -> (i32, i32) {
    %c0_i32 = arith.constant 0 : i32
    %c0_i32_0 = arith.constant 0 : i32
    return %c0_i32, %arg0 : i32, i32
  }
  func.func @transform_6(%arg0: i32, %arg1: i32) -> (i32, i32) {
    %mul3A = arith.constant 5 : i32
    %mul3A_0 = arith.muli %arg0, %mul3A : i32
    %add3A = arith.addi %mul3A_0, %arg1 : i32
    %c0_i32 = arith.constant 0 : i32
    %c0_i32_1 = arith.constant 0 : i32
    return %add3A, %c0_i32 : i32, i32
  }
}

module attributes {stable_mosaic.version = 14 : i64} {
  func.func @_combine_tc_body(%arg0: i32, %arg1: memref<2000x128xf32, #tpu.memory_space<vmem>>, %arg2: memref<2000x128xf32, #tpu.memory_space<vmem>>, %arg3: memref<4x2000x128xf32, #tpu.memory_space<vmem>>, %arg4: memref<2000x128xf32, #tpu.memory_space<vmem>>, %arg5: memref<2000x128xf32, #tpu.memory_space<vmem>>) attributes {dimension_semantics = [#tpu.dimension_semantics<arbitrary>], iteration_bounds = array<i64: 5>, scalar_prefetch = 0 : i64, scratch_operands = 0 : i64, tpu.core_type = #tpu.core_type<tc>, window_params = [{transform_indices = @transform_0, window_bounds = array<i64: 2000, 128>}, {transform_indices = @transform_1, window_bounds = array<i64: 2000, 128>}, {transform_indices = @transform_2, window_bounds = array<i64: 4, 2000, 128>}, {transform_indices = @transform_3, window_bounds = array<i64: 2000, 128>}, {transform_indices = @transform_4, window_bounds = array<i64: 2000, 128>}]} {
    %get3A = arith.constant 0 : index
    %get3A_0 = arith.constant 0 : index
    %get3A_1 = vector.load %arg1[%get3A, %get3A_0] : memref<2000x128xf32, #tpu.memory_space<vmem>>, vector<2000x128xf32>
    %get3A_2 = arith.constant 0 : index
    %get3A_3 = arith.constant 0 : index
    %get3A_4 = arith.constant 0 : index
    %get3A_5 = vector.load %arg3[%get3A_2, %get3A_3, %get3A_4] : memref<4x2000x128xf32, #tpu.memory_space<vmem>>, vector<1x2000x128xf32>
    %get3A_6 = vector.shape_cast %get3A_5 : vector<1x2000x128xf32> to vector<2000x128xf32>
    %add3A = arith.addf %get3A_1, %get3A_6 : vector<2000x128xf32>
    %swap3A = arith.constant 0 : index
    %swap3A_7 = arith.constant 0 : index
    %swap3A_8 = vector.load %arg4[%swap3A, %swap3A_7] : memref<2000x128xf32, #tpu.memory_space<vmem>>, vector<2000x128xf32>
    tpu.vector_store %arg4[%swap3A, %swap3A_7], %add3A {strides = array<i32>} : memref<2000x128xf32, #tpu.memory_space<vmem>>, vector<2000x128xf32>,
    %get3A_9 = arith.constant 0 : index
    %get3A_10 = arith.constant 0 : index
    %get3A_11 = vector.load %arg2[%get3A_9, %get3A_10] : memref<2000x128xf32, #tpu.memory_space<vmem>>, vector<2000x128xf32>
    %get3A_12 = arith.constant 1 : index
    %get3A_13 = arith.constant 0 : index
    %get3A_14 = arith.constant 0 : index
    %get3A_15 = vector.load %arg3[%get3A_12, %get3A_13, %get3A_14] : memref<4x2000x128xf32, #tpu.memory_space<vmem>>, vector<1x2000x128xf32>
    %get3A_16 = vector.shape_cast %get3A_15 : vector<1x2000x128xf32> to vector<2000x128xf32>
    %get3A_17 = arith.constant 2 : index
    %get3A_18 = arith.constant 0 : index
    %get3A_19 = arith.constant 0 : index
    %get3A_20 = vector.load %arg3[%get3A_17, %get3A_18, %get3A_19] : memref<4x2000x128xf32, #tpu.memory_space<vmem>>, vector<1x2000x128xf32>
    %get3A_21 = vector.shape_cast %get3A_20 : vector<1x2000x128xf32> to vector<2000x128xf32>
    %add3A_22 = arith.addf %get3A_16, %get3A_21 : vector<2000x128xf32>
    %get3A_23 = arith.constant 3 : index
    %get3A_24 = arith.constant 0 : index
    %get3A_25 = arith.constant 0 : index
    %get3A_26 = vector.load %arg3[%get3A_23, %get3A_24, %get3A_25] : memref<4x2000x128xf32, #tpu.memory_space<vmem>>, vector<1x2000x128xf32>
    %get3A_27 = vector.shape_cast %get3A_26 : vector<1x2000x128xf32> to vector<2000x128xf32>
    %add3A_28 = arith.addf %add3A_22, %get3A_27 : vector<2000x128xf32>
    %add3A_29 = arith.addf %get3A_11, %add3A_28 : vector<2000x128xf32>
    %swap3A_30 = arith.constant 0 : index
    %swap3A_31 = arith.constant 0 : index
    %swap3A_32 = vector.load %arg5[%swap3A_30, %swap3A_31] : memref<2000x128xf32, #tpu.memory_space<vmem>>, vector<2000x128xf32>
    tpu.vector_store %arg5[%swap3A_30, %swap3A_31], %add3A_29 {strides = array<i32>} : memref<2000x128xf32, #tpu.memory_space<vmem>>, vector<2000x128xf32>,
    return
  }
  func.func @transform_0(%arg0: i32) -> (i32, i32) {
    %c0_i32 = arith.constant 0 : i32
    %c0_i32_0 = arith.constant 0 : i32
    return %arg0, %c0_i32 : i32, i32
  }
  func.func @transform_1(%arg0: i32) -> (i32, i32) {
    %c0_i32 = arith.constant 0 : i32
    %c0_i32_0 = arith.constant 0 : i32
    return %arg0, %c0_i32 : i32, i32
  }
  func.func @transform_2(%arg0: i32) -> (i32, i32, i32) {
    %c0_i32 = arith.constant 0 : i32
    %c0_i32_0 = arith.constant 0 : i32
    %c0_i32_1 = arith.constant 0 : i32
    return %c0_i32, %arg0, %c0_i32_0 : i32, i32, i32
  }
  func.func @transform_3(%arg0: i32) -> (i32, i32) {
    %c0_i32 = arith.constant 0 : i32
    %c0_i32_0 = arith.constant 0 : i32
    return %arg0, %c0_i32 : i32, i32
  }
  func.func @transform_4(%arg0: i32) -> (i32, i32) {
    %c0_i32 = arith.constant 0 : i32
    %c0_i32_0 = arith.constant 0 : i32
    return %arg0, %c0_i32 : i32, i32
  }
}

</mosaic_0001>

<sc_bundles>
// kernel: kernel.6.cloned.1.call-start
scs
__scs_entry_jumppad:
0x0: {  	(pc) =	sbr.rel $0x88, $3  }
0x1: {  	(tag) =	ssettag $0x0;
	lr =	simm.s32 $0x1  }
0x2: {  	[smem:$0x3F92] =	sst lr;
	_ =	strace $0xD0000000  }
0x3: {  	_ = 	snop  }
0x4: {  	_ = 	snop  }
0x5: {  	_ = 	snop  }
0x6: {  	_ = 	snop  }
0x7: {  	_ = 	snop  }
__scs_overlays_trampoline_lowered:
0x8: {  	[smem:$0x3FA1] =	sst s0  }
0x9: {  	[smem:$0x3FA2] =	sst s1  }
0xa: {  	[smem:$0x3FA3] =	sst s2  }
0xb: {  	[smem:$0x3FA4] =	sst s3  }
0xc: {  	[smem:$0x3FA5] =	sst s4  }
0xd: {  	[smem:$0x3FA6] =	sst s5  }
0xe: {  	[smem:$0x3FA7] =	sst s6  }
0xf: {  	[smem:$0x3FA8] =	sst s7  }
0x10: {  	[smem:$0x3FA9] =	sst s8  }
0x11: {  	[smem:$0x3FAA] =	sst s9;
	s0 =	simm.s32 @!p0 $0x0  }
0x12: {  	s1 =	sld [smem:$0x3F90];
	s0 =	simm.s32 @p0 $0x1  }
0x13: {  	[smem:$0x3FAB] =	sst s0;
	s0 =	simm.s32 @!p1 $0x0  }
0x14: {  	s2 =	sld [smem:$0x3F8F];
	s0 =	simm.s32 @p1 $0x1  }
0x15: {  	[smem:$0x3FAC] =	sst s0;
	s0 =	simm.s32 @!p2 $0x0  }
0x16: {  	s3 =	sld [smem:$0x3FDB];
	s0 =	simm.s32 @p2 $0x1  }
0x17: {  	s4 =	simm.s32 $0x1BF5;
	[smem:$0x3FAE] =	sst s0  }
0x18: {  	s0 =	sld [smem:$0x3F91];
	_ =	swait.ge [sflag:s4], $0x0  }
0x19: {  	s7 =	sld [smem:$0x3F92]  }
0x1a: {  	s8 =	sadd.s32 $0xFFFFE003, lr  }
0x1b: {  	s9 =	sadd.s32 $0xFFFFFEF7, lr;
	s5 =	simm.s32 $0xFFFFFFFF;
	p2 =	slt.u32 s8, $0xFFFFF086  }
0x1c: {  	p1 =	slt.u32 s9, $0xF7A;
	s5 =	simm.s32 @!p2 $0x0  }
0x1d: {  	s5 =	simm.s32 @p1 $0x1;
	p0 =	seq.s32 s7, s2  }
0x1e: {  	s7 =	smul.u32 @!p0 $0xF7A, s2;
	p2 =	seq.s32 @!p0 s5, $0x0  }
0x1f: {  	s9 =	smul.u32 $0xF7A, s1;
	s8 =	simm.s32 @!p0 $0x1BF5;
	p2 =	por !p2, p0  }
0x20: {  	[sflag:s8] =	ssyncset.s32 @!p0 $0xFFFFF086;
	s6 =	sadd.s32 @!p0 s3, s7;
	s7 =	simm.s32 @!p0 $0x108  }
0x21: {  	s3 =	sadd.s32 s3, s9;
	s6 =	sadd.s32 @!p0 $0x88, s6;
	s7 =	simm.s32 @p2 $0x1082  }
0x22: {  	[simem:s7], [sflag:s8] =	dma.local @!p0 [hbm:s6], $0xF7A  }
0x23: {  	s9 =	sor.u32 $0xD0000000, s2;
	s6 =	simm.s32 $0x108;
	_ =	swait.ge @!p0 [sflag:s8], $0x0  }
0x24: {  	s3 =	sadd.s32 $0x88, s3;
	s6 =	simm.s32 @!p1 $0x1082;
	[sflag:s4] =	ssyncset.s32 $0xFFFFF086  }
0x25: {  	[simem:s6], [sflag:s4] =	dma.local [hbm:s3], $0xF7A  }
0x26: {  	[smem:$0x3F92] =	sst s1;
	(tag) =	ssettag s2;
	_ =	strace s9  }
0x27: {  	s1 =	sld [smem:$0x3FA2]  }
0x28: {  	s2 =	sld [smem:$0x3FA3]  }
0x29: {  	s4 =	sld [smem:$0x3FA5]  }
0x2a: {  	p0 =	seq.s32 s5, $0x0;
	s5 =	sld [smem:$0x3FA6]  }
0x2b: {  	s6 =	sld [smem:$0x3FA7]  }
0x2c: {  	s7 =	sld [smem:$0x3FA8]  }
0x2d: {  	s3 =	simm.s32 $0x108;
	s8 =	sld [smem:$0x3FA9]  }
0x2e: {  	s3 =	simm.s32 @!p0 $0x1082;
	s9 =	sld [smem:$0x3FAA]  }
0x2f: {  	lr =	sadd.s32 s0, s3;
	s0 =	sld [smem:$0x3FA1]  }
0x30: {  	s3 =	sld [smem:$0x3FA4]  }
0x31: {  	[smem:$0x3FAD] =	sst s10  }
0x32: {  	s10 =	sld [smem:$0x3FAB];
	_ =	sdelay $0x3  }
0x33: {  	p0 =	seq.s32 s10, $0x1;
	s10 =	sld [smem:$0x3FAD];
	_ =	sdelay $0x3  }
0x34: {  	[smem:$0x3FAD] =	sst s10  }
0x35: {  	s10 =	sld [smem:$0x3FAC];
	_ =	sdelay $0x3  }
0x36: {  	p1 =	seq.s32 s10, $0x1;
	s10 =	sld [smem:$0x3FAD];
	_ =	sdelay $0x3  }
0x37: {  	[smem:$0x3FAD] =	sst s10  }
0x38: {  	s10 =	sld [smem:$0x3FAE]  }
0x39: {  	_ = 	snop;
	(pc) =	sbr.ind lr, $3  }
0x3a: {  	_ = 	snop  }
0x3b: {  	_ = 	snop  }
0x3c: {  	p2 =	seq.s32 s10, $0x1;
	s10 =	sld [smem:$0x3FAD]  }
0x3d: {  	_ =	shalt  }
0x3e: {  	_ =	shalt  }
0x3f: {  	_ =	shalt  }
0x40: {  	_ =	shalt  }
0x41: {  	_ =	shalt  }
0x42: {  	_ =	shalt  }
0x43: {  	_ =	shalt  }
0x44: {  	_ =	shalt  }
0x45: {  	_ =	shalt  }
0x46: {  	_ =	shalt  }
0x47: {  	_ =	shalt  }
0x48: {  	_ =	shalt  }
0x49: {  	_ =	shalt  }
0x4a: {  	_ =	shalt  }
0x4b: {  	_ =	shalt  }
0x4c: {  	_ =	shalt  }
0x4d: {  	_ =	shalt  }
0x4e: {  	_ =	shalt  }
0x4f: {  	_ =	shalt  }
0x50: {  	_ =	shalt  }
0x51: {  	_ =	shalt  }
0x52: {  	_ =	shalt  }
0x53: {  	_ =	shalt  }
0x54: {  	_ =	shalt  }
0x55: {  	_ =	shalt  }
0x56: {  	_ =	shalt  }
0x57: {  	_ =	shalt  }
0x58: {  	_ =	shalt  }
0x59: {  	_ =	shalt  }
0x5a: {  	_ =	shalt  }
0x5b: {  	_ =	shalt  }
0x5c: {  	_ =	shalt  }
0x5d: {  	_ =	shalt  }
0x5e: {  	_ =	shalt  }
0x5f: {  	_ =	shalt  }
0x60: {  	_ =	shalt  }
0x61: {  	_ =	shalt  }
0x62: {  	_ =	shalt  }
0x63: {  	_ =	shalt  }
0x64: {  	_ =	shalt  }
0x65: {  	_ =	shalt  }
0x66: {  	_ =	shalt  }
0x67: {  	_ =	shalt  }
0x68: {  	_ =	shalt  }
0x69: {  	_ =	shalt  }
0x6a: {  	_ =	shalt  }
0x6b: {  	_ =	shalt  }
0x6c: {  	_ =	shalt  }
0x6d: {  	_ =	shalt  }
0x6e: {  	_ =	shalt  }
0x6f: {  	_ =	shalt  }
0x70: {  	_ =	shalt  }
0x71: {  	_ =	shalt  }
0x72: {  	_ =	shalt  }
0x73: {  	_ =	shalt  }
0x74: {  	_ =	shalt  }
0x75: {  	_ =	shalt  }
0x76: {  	_ =	shalt  }
0x77: {  	_ =	shalt  }
0x78: {  	_ =	shalt  }
0x79: {  	_ =	shalt  }
0x7a: {  	_ =	shalt  }
0x7b: {  	_ =	shalt  }
0x7c: {  	_ =	shalt  }
0x7d: {  	_ =	shalt  }
0x7e: {  	_ =	shalt  }
0x7f: {  	_ =	shalt  }
0x80: {  	_ =	shalt  }
0x81: {  	_ =	shalt  }
0x82: {  	_ =	shalt  }
0x83: {  	_ =	shalt  }
0x84: {  	_ =	shalt  }
0x85: {  	_ =	shalt  }
0x86: {  	_ =	shalt  }
0x87: {  	_ =	shalt  }
.Lfunc_end0:
.L_simem_size_0:
called_computation_lowered:
.L_overlay_start_0:
0x88: {  	s2 =	sld [smem:$0x3FD9]  }
0x89: {  	s3 =	sld [smem:$0x3FFE];
	_ =	sdelay $0x1  }
0x8a: {  	s1 =	srdreg.scid  }
0x8b: {  	s0 =	sand.u32 $0x1, s1  }
0x8c: {  	s14 =	sshll.u32 s0, $0xA;
	s2 =	sadd.s32 s3, s2  }
0x8d: {  	s2 =	sadd.s32 s2, s14  }
0x8e: {  	[smem:$0x3FB9] =	sst s2  }
0x8f: {  	_ = 	snop  }
0x90: {  	s2 =	sld [smem:$0x3FD0];
	_ =	sdelay $0x2  }
0x91: {  	s15 =	simm.s32 $0xA;
	s4 =	simm.s32 $0x10  }
0x92: {  	[smem:s4], [sflag:s15] =	dma.local [hbm:s2], $0x1  }
0x93: {  	_ =	swait.eq [sflag:s15], $0x1  }
0x94: {  	[sflag:s15] =	ssyncset.done $0x0  }
0x95: {  	s16 =	sld [smem:$0x10];
	[sflag:s15] =	ssyncadd.s32 $0xFFFFFFFF  }
0x96: {  	s17 =	sld [smem:$0x11];
	(tm) =	ssettm $0x1  }
0x97: {  	s18 =	sld [smem:$0x3FFB];
	_ =	sdelay $0x3  }
0x98: {  	_ =	strace s18  }
0x99: {  	s4 =	sld [smem:$0x3FFC];
	_ =	sdelay $0x3  }
0x9a: {  	_ =	strace s4  }
0x9b: {  	s4 =	sld [smem:$0x3FFD];
	_ =	sdelay $0x3  }
0x9c: {  	_ =	strace s4  }
0x9d: {  	_ =	strace $0x8FFFFFFF  }
0x9e: {  	s19 =	sld [smem:$0x3FDB];
	_ =	sdelay $0x1  }
0x9f: {  	s5 =	simm.s32 $_scs_section_size  }
0xa0: {  	s6 =	simm.s32 $_size__tile_overlayer_lowered;
	s7 =	simm.s32 $_tile_overlayer_lowered  }
0xa1: {  	s22 =	simm.s32 $0x1BFF;
	s21 =	sshll.u32 s7, $0x1;
	s4 =	sadd.s32 s5, s19  }
0xa2: {  	s8 =	simm.s32 $0x0;
	s20 =	sshll.u32 s6, $0x1;
	s6 =	sadd.s32 s21, s4  }
0xa3: {  	[timem:s8], [sflag:s22] =	dma.local [hbm:s6], s20  }
0xa4: {  	_ =	swait.ge [sflag:s22], s20  }
0xa5: {  	s5 =	ssub.s32 $0x0, s20;
	[sflag:s22] =	ssyncset.done $0x0  }
0xa6: {  	[sflag:s22] =	ssyncadd.s32 s5;
	_ =	sdelay $0x1  }
0xa7: {  	s23 =	simm.s32 $0x1B8B  }
0xa8: {  	_ =	swait.ge [sflag:s23], $0x1  }
0xa9: {  	[sflag:s23] =	ssyncset.done $0x0  }
0xaa: {  	s25 =	simm.s32 $0x1B8E;
	s24 =	sld [smem:$0x3FFE];
	[sflag:s23] =	ssyncadd.s32 $0xFFFFFFFF  }
0xab: {  	s26 =	simm.s32 $execute0_lowered;
	[smem:$0x3FD2] =	sst s25  }
0xac: {  	s6 =	sshll.u32 s26, $0x1;
	_ =	strace $0x80000046;
	[dreg:$0x1] =	wrdreg $0xFFFFFFFF  }
0xad: {  	s28 =	simm.s32 $_size_execute0_lowered;
	s4 =	sadd.s32 s4, s6;
	[dreg:$0x0] =	wrdreg $0x0  }
0xae: {  	s6 =	sshll.u32 s28, $0x1;
	[dreg:$0x2] =	wrdreg s4  }
0xaf: {  	[dreg:$0x3] =	wrdreg s6  }
0xb0: {  	[dreg:$0x4] =	wrdreg $0xC0  }
0xb1: {  	_ =	task [dreg:s8], $0x5FFFF  }
0xb2: {  	[dreg:$0x1] =	wrdreg $0xFFFFFFFF  }
0xb3: {  	[dreg:$0x0] =	wrdreg $0x60  }
0xb4: {  	[dreg:$0x2] =	wrdreg s24  }
0xb5: {  	[dreg:$0x3] =	wrdreg s17  }
0xb6: {  	[dreg:$0x4] =	wrdreg s16  }
0xb7: {  	[dreg:$0x5] =	wrdreg $0x88000  }
0xb8: {  	[dreg:$0x6] =	wrdreg $0x9  }
0xb9: {  	_ =	task.clear_ibuf [dreg:s8], $0x7FFFF;
	_ =	strace $0x90000046  }
0xba: {  	s29 =	simm.s32 $0x9;
	_ =	strace $0x80000048  }
0xbb: {  	_ =	swait.ge [sflag:s29], $0x1  }
0xbc: {  	[sflag:s29] =	ssyncadd.s32 $0xFFFFFFFF  }
0xbd: {  	_ =	strace $0x90000048  }
0xbe: {  	_ =	sfence  }
0xbf: {  	s30 =	sld [smem:$0x0];
	_ =	sdelay $0x2  }
0xc0: {  	s31 =	sshll.u32 s1, $0xD;
	s1 =	sshrl.u32 s1, $0x2  }
0xc1: {  	s3 =	sand.u32 $0x4000, s31;
	s1 =	sadd.s32 s1, s30  }
0xc2: {  	s0 =	sor.u32 s3, s0;
	s1 =	sshll.u32 s1, $0x11  }
0xc3: {  	s0 =	sor.u32 s1, s0  }
0xc4: {  	s0 =	sadd.s32 $0x8F2B, s0  }
0xc5: {  	[sflag:s0] =	ssyncadd.remote.s32 $0x1  }
0xc6: {  	_ =	sfence.sel $0xFFFF  }
0xc7: {  	[dreg:$0x0] =	wrdreg $0xFFFFFFFF;
	(pc) =	sbr.abs _section_cstart, $3  }
0xc8: {  	[dreg:$0x1] =	wrdreg $0xFFFFFFFF  }
0xc9: {  	_ =	task.clear_ibuf [dreg:s8], $0x2FFFF;
	_ =	strace $0x9FFFFFFF  }
0xca: {  	(tm) =	ssettm $0x7FFFFFFF  }
0xcb: {  	_ =	shalt  }
tec
execute0_lowered:
.L_overlay_start_1:
0x0: {  	(tag) =	ssettag $0x1  }
0x1: {  	s0 =	rddreg [dreg:$0x0]  }
0x2: {  	s1 =	rddreg [dreg:$0x1]  }
0x3: {  	s2 =	rddreg [dreg:$0x2];
	s20 =	stileid.u32  }
0x4: {  	s3 =	rddreg [dreg:$0x3];
	s5 =	smul.u32 $0x50000, s20  }
0x5: {  	s4 =	simm.s32 $0x0;
	s18 =	srdreg.scid;
	s11 =	smul.u32 $0x4E20, s20  }
0x6: {  	[smem:$0x7FF] =	sst s4;
	s13 =	smul.u32 $0x271000, s20  }
0x7: {  	s4 =	sand.u32 $0x1, s18;
	s6 =	sadd.s32 $0x138C000, s0;
	s16 =	smul.u32 $0x14000, s20  }
0x8: {  	s7 =	sadd.s32 $0x4000, s0;
	s0 =	sadd.s32 $0x1428400, s0;
	s8 =	smul.u32 $0x9C400, s4  }
0x9: {  	_ =	strace $0x80000047;
	s9 =	ssub.s32 $0x2, s4;
	s14 =	smul.u32 $0x271000, s4  }
0xa: {  	s10 =	sshrl.u32 s9, $0x1;
	s5 =	sshrl.u32 s5, $0x2;
	s12 =	sadd.s32 $0x28, s11  }
0xb: {  	s15 =	sshrl.u32 s11, $0x3;
	s9 =	ssub.s32 s9, s10;
	s21 =	sadd.s32 s5, s3  }
0xc: {  	s19 =	sadd.s32 s11, s8;
	s10 =	smul.u32 $0x4E20000, s4;
	s15 =	sadd.s32 s2, s15  }
0xd: {  	s4 =	sshllo.u32 s4, $0x1;
	s24 =	sadd.s32 s16, s14;
	s18 =	sshrl.u32 s12, $0x3  }
0xe: {  	s14 =	sshrl.u32 s14, $0x3;
	s5 =	sshrl.u32 s19, $0x3;
	[dreg:$0x7] =	wrdreg s15  }
0xf: {  	s17 =	smul.u32 $0x138800, s4;
	s28 =	sadd.s32 s2, s18;
	[dreg:$0x5] =	wrdreg s21  }
0x10: {  	s15 =	sshrl.u32 s24, $0x3;
	s5 =	sadd.s32 s1, s5;
	[dreg:$0xb] =	wrdreg s28  }
0x11: {  	s14 =	sadd.s32 s0, s14;
	s15 =	sadd.s32 s0, s15;
	[dreg:$0x6] =	wrdreg s5  }
0x12: {  	s28 =	sadd.s32 $0xA00, s21;
	[dreg:$0x9] =	wrdreg s15;
	s25 =	sadd.s32 s16, s17  }
0x13: {  	s26 =	sshrl.u32 s17, $0x3;
	s17 =	sadd.s32 $0x25800, s14;
	[dreg:$0x13] =	wrdreg s28  }
0x14: {  	s22 =	sadd.s32 s8, s12;
	s14 =	sadd.s32 $0x5000, s21;
	[dreg:$0xd] =	wrdreg s17  }
0x15: {  	s5 =	sshrl.u32 s22, $0x3;
	s28 =	sadd.s32 $0xAA00, s21;
	[dreg:$0x1a] =	wrdreg s14  }
0x16: {  	s19 =	smul.u32 $0x2710000, s4;
	s5 =	sadd.s32 s1, s5;
	[smem:$0x7ED] =	sst s28  }
0x17: {  	s23 =	sadd.s32 s13, s10;
	s17 =	sadd.s32 $0x6400, s21;
	[dreg:$0x8] =	wrdreg s5  }
0x18: {  	s15 =	sshrl.u32 s25, $0x3;
	s14 =	sadd.s32 $0xF000, s21;
	[dreg:$0x1c] =	wrdreg s17  }
0x19: {  	s16 =	smul.u32 $0x4E200, s4;
	s15 =	sadd.s32 s0, s15;
	[smem:$0x7F4] =	sst s14  }
0x1a: {  	s0 =	sadd.s32 s0, s26;
	s26 =	smax.u32 s9, $0x1;
	[dreg:$0xa] =	wrdreg s15  }
0x1b: {  	s5 =	sshrl.u32 s23, $0x3;
	s9 =	sadd.s32 $0x2800, s21;
	[dreg:$0x12] =	wrdreg s26  }
0x1c: {  	s18 =	sadd.s32 s11, s16;
	s11 =	sadd.s32 $0x3200, s21;
	[dreg:$0x16] =	wrdreg s9  }
0x1d: {  	s22 =	sadd.s32 s12, s16;
	s12 =	sadd.s32 $0x3C00, s21;
	[dreg:$0x17] =	wrdreg s11  }
0x1e: {  	s23 =	sadd.s32 s13, s19;
	s13 =	sadd.s32 $0x4600, s21;
	[dreg:$0x18] =	wrdreg s12  }
0x1f: {  	s17 =	sadd.s32 $0x10400, s21;
	[dreg:$0x19] =	wrdreg s13  }
0x20: {  	s5 =	sadd.s32 s7, s5;
	[smem:$0x7F6] =	sst s17  }
0x21: {  	s0 =	sadd.s32 $0x25800, s0;
	[dreg:$0xc] =	wrdreg s5  }
0x22: {  	s15 =	sadd.s32 $0x5A00, s21;
	[dreg:$0x11] =	wrdreg s0  }
0x23: {  	s4 =	sshrl.u32 s18, $0x3;
	s18 =	sadd.s32 $0x6E00, s21;
	[dreg:$0x1b] =	wrdreg s15  }
0x24: {  	s25 =	sshrl.u32 s23, $0x3;
	s23 =	sadd.s32 $0x8200, s21;
	[dreg:$0x1d] =	wrdreg s18  }
0x25: {  	s26 =	sadd.s32 $0xA000, s21;
	[dreg:$0x1f] =	wrdreg s23  }
0x26: {  	s9 =	sadd.s32 $0xC800, s21;
	[smem:$0x7EC] =	sst s26  }
0x27: {  	s11 =	sadd.s32 $0xD200, s21;
	[smem:$0x7F0] =	sst s9  }
0x28: {  	s12 =	sadd.s32 $0xDC00, s21;
	[smem:$0x7F1] =	sst s11  }
0x29: {  	s13 =	sadd.s32 $0xE600, s21;
	[smem:$0x7F2] =	sst s12  }
0x2a: {  	s4 =	sadd.s32 s1, s4;
	[smem:$0x7F3] =	sst s13  }
0x2b: {  	s5 =	sshrl.u32 s22, $0x3;
	s22 =	sadd.s32 $0x7800, s21;
	[dreg:$0xe] =	wrdreg s4  }
0x2c: {  	s15 =	sadd.s32 $0xFA00, s21;
	[dreg:$0x1e] =	wrdreg s22  }
0x2d: {  	s30 =	simm.s32 $0x1800;
	s18 =	sadd.s32 $0x10E00, s21;
	[smem:$0x7F5] =	sst s15  }
0x2e: {  	s29 =	simm.s32 $0x5;
	s23 =	sadd.s32 $0x12200, s21;
	[smem:$0x7F7] =	sst s18  }
0x2f: {  	s31 =	simm.s32 $0x6;
	s24 =	sadd.s32 s1, s5;
	[smem:$0x7F9] =	sst s23  }
0x30: {  	p0 =	seq.s32 s20, $0xF;
	s4 =	sadd.s32 s7, s25;
	[dreg:$0xf] =	wrdreg s24  }
0x31: {  	s14 =	simm.s32 $0x1;
	s5 =	sadd.s32 $0x1E00, s21;
	[dreg:$0x10] =	wrdreg s4  }
0x32: {  	s13 =	smul.u32 $0x1F4, s20;
	s25 =	sadd.s32 $0x9600, s21;
	[dreg:$0x15] =	wrdreg s5  }
0x33: {  	s9 =	simm.s32 $0x9;
	s22 =	sadd.s32 $0x11800, s21;
	[smem:$0x7EB] =	sst s25  }
0x34: {  	s12 =	simm.s32 $0xC;
	s4 =	sadd.s32 $0x1400, s21;
	[smem:$0x7F8] =	sst s22  }
0x35: {  	s20 =	simm.s32 $0xA;
	s24 =	sadd.s32 $0x8C00, s21;
	[dreg:$0x14] =	wrdreg s4  }
0x36: {  	s0 =	simm.s32 $0xE;
	s5 =	sadd.s32 $0xBE00, s21;
	[smem:$0x7EA] =	sst s24  }
0x37: {  	s11 =	simm.s32 $0x0;
	s25 =	sadd.s32 $0x13600, s21;
	[smem:$0x7EF] =	sst s5  }
0x38: {  	s18 =	simm.s32 $0x100;
	s26 =	sor.u32 $0x1, s13;
	[smem:$0x7FB] =	sst s25  }
0x39: {  	s15 =	simm.s32 $0x3;
	s28 =	sadd.s32 $0x5, s13;
	[smem:$0x7FC] =	sst s26  }
0x3a: {  	s4 =	sadd.s32 $0xB400, s21;
	s24 =	sadd.s32 $0x12C00, s21;
	[smem:$0x7FD] =	sst s28  }
0x3b: {  	s26 =	simm.s32 $0x28;
	s25 =	simm.s32 $0x4;
	[smem:$0x7EE] =	sst s4  }
0x3c: {  	v0 =	vimm.f32 $0.0e+00;
	s21 =	simm.s32 $0xD;
	[smem:$0x7FA] =	sst s24;
	s24 =	simm.s32 $0x2  }
.LBB2_1:
0x3d: {  	[smem:$0x7E9] =	sst s11;
	s4 =	simm.s32 $0x0;
	s5 =	simm.s32 $0x200  }
.LBB2_2:
0x3e: {  	p1 =	sne.s32 s5, $0x2600;
	[tilespmem:s4+$0x7C70] =	vst v0  }
0x3f: {  	[tilespmem:s4+$0x7C00] =	vst v0  }
0x40: {  	[tilespmem:s4+$0x7C10] =	vst v0  }
.Ltmp0:
0x41: {  	[tilespmem:s4+$0x7C20] =	vst v0;
	(pc) =	sbr.rel @p1 .LBB2_2-.Ltmp0, $4  }
0x42: {  	[tilespmem:s4+$0x7C30] =	vst v0  }
0x43: {  	[tilespmem:s4+$0x7C40] =	vst v0  }
0x44: {  	[tilespmem:s4+$0x7C50] =	vst v0  }
0x45: {  	[tilespmem:s4+$0x7C60] =	vst v0;
	s4 =	sshra.s32 s5, $0x2;
	s5 =	sadd.s32 $0x200, s5  }
0x46: {  	[tilespmem:s4+$0x7C70] =	vst v0  }
0x47: {  	[tilespmem:s4+$0x7C00] =	vst v0  }
0x48: {  	[tilespmem:s4+$0x7C10] =	vst v0  }
0x49: {  	[tilespmem:s4+$0x7C20] =	vst v0  }
0x4a: {  	[tilespmem:s4+$0x7C30] =	vst v0  }
0x4b: {  	[tilespmem:s4+$0x7C40] =	vst v0  }
0x4c: {  	[tilespmem:s4+$0x7C50] =	vst v0  }
0x4d: {  	[tilespmem:s4+$0x7C60] =	vst v0;
	s22 =	rddreg [dreg:$0x5];
	s5 =	simm.s32 $0x7C00;
	s11 =	simm.s32 $0xF  }
0x4e: {  	[spmem:s22] =	stream.linear.scatter [tilespmem:s5], [sflag:$0xF], $0xA00, $0x38;
	[tilespmem:$0x1C800] =	vst v63  }
0x4f: {  	_ =	swait.ge [sflag:s11], $0xA00  }
0x50: {  	[sflag:s11] =	ssyncset.done $0x0  }
0x51: {  	s23 =	rddreg [dreg:$0x13];
	[sflag:s11] =	ssyncadd.s32 $0xFFFFF600  }
0x52: {  	[spmem:s23] =	stream.linear.scatter [tilespmem:s5], [sflag:$0xF], $0xA00, $0x38;
	[tilespmem:$0x1C800] =	vst v63  }
0x53: {  	_ =	swait.ge [sflag:s11], $0xA00  }
0x54: {  	[sflag:s11] =	ssyncset.done $0x0  }
0x55: {  	s28 =	rddreg [dreg:$0x14];
	[sflag:s11] =	ssyncadd.s32 $0xFFFFF600  }
0x56: {  	[spmem:s28] =	stream.linear.scatter [tilespmem:s5], [sflag:$0xF], $0xA00, $0x38;
	[tilespmem:$0x1C800] =	vst v63  }
0x57: {  	_ =	swait.ge [sflag:s11], $0xA00  }
0x58: {  	[sflag:s11] =	ssyncset.done $0x0  }
0x59: {  	s17 =	rddreg [dreg:$0x15];
	[sflag:s11] =	ssyncadd.s32 $0xFFFFF600  }
0x5a: {  	[spmem:s17] =	stream.linear.scatter [tilespmem:s5], [sflag:$0xF], $0xA00, $0x38;
	[tilespmem:$0x1C800] =	vst v63  }
0x5b: {  	_ =	swait.ge [sflag:s11], $0xA00  }
0x5c: {  	[sflag:s11] =	ssyncset.done $0x0  }
0x5d: {  	s22 =	rddreg [dreg:$0x16];
	[sflag:s11] =	ssyncadd.s32 $0xFFFFF600  }
0x5e: {  	[spmem:s22] =	stream.linear.scatter [tilespmem:s5], [sflag:$0xF], $0xA00, $0x38;
	[tilespmem:$0x1C800] =	vst v63  }
0x5f: {  	_ =	swait.ge [sflag:s11], $0xA00  }
0x60: {  	[sflag:s11] =	ssyncset.done $0x0  }
0x61: {  	s23 =	rddreg [dreg:$0x17];
	[sflag:s11] =	ssyncadd.s32 $0xFFFFF600  }
0x62: {  	[spmem:s23] =	stream.linear.scatter [tilespmem:s5], [sflag:$0xF], $0xA00, $0x38;
	[tilespmem:$0x1C800] =	vst v63  }
0x63: {  	_ =	swait.ge [sflag:s11], $0xA00  }
0x64: {  	[sflag:s11] =	ssyncset.done $0x0  }
0x65: {  	s28 =	rddreg [dreg:$0x18];
	[sflag:s11] =	ssyncadd.s32 $0xFFFFF600  }
0x66: {  	[spmem:s28] =	stream.linear.scatter [tilespmem:s5], [sflag:$0xF], $0xA00, $0x38;
	[tilespmem:$0x1C800] =	vst v63  }
0x67: {  	_ =	swait.ge [sflag:s11], $0xA00  }
0x68: {  	[sflag:s11] =	ssyncset.done $0x0  }
0x69: {  	s17 =	rddreg [dreg:$0x19];
	[sflag:s11] =	ssyncadd.s32 $0xFFFFF600  }
0x6a: {  	[spmem:s17] =	stream.linear.scatter [tilespmem:s5], [sflag:$0xF], $0xA00, $0x38;
	[tilespmem:$0x1C800] =	vst v63  }
0x6b: {  	_ =	swait.ge [sflag:s11], $0xA00  }
0x6c: {  	[sflag:s11] =	ssyncset.done $0x0  }
0x6d: {  	s22 =	rddreg [dreg:$0x1a];
	[sflag:s11] =	ssyncadd.s32 $0xFFFFF600  }
0x6e: {  	[spmem:s22] =	stream.linear.scatter [tilespmem:s5], [sflag:$0xF], $0xA00, $0x38;
	[tilespmem:$0x1C800] =	vst v63  }
0x6f: {  	_ =	swait.ge [sflag:s11], $0xA00  }
0x70: {  	[sflag:s11] =	ssyncset.done $0x0  }
0x71: {  	s23 =	rddreg [dreg:$0x1b];
	[sflag:s11] =	ssyncadd.s32 $0xFFFFF600  }
0x72: {  	[spmem:s23] =	stream.linear.scatter [tilespmem:s5], [sflag:$0xF], $0xA00, $0x38;
	[tilespmem:$0x1C800] =	vst v63  }
0x73: {  	_ =	swait.ge [sflag:s11], $0xA00  }
0x74: {  	[sflag:s11] =	ssyncset.done $0x0  }
0x75: {  	s28 =	rddreg [dreg:$0x1c];
	[sflag:s11] =	ssyncadd.s32 $0xFFFFF600  }
0x76: {  	[spmem:s28] =	stream.linear.scatter [tilespmem:s5], [sflag:$0xF], $0xA00, $0x38;
	[tilespmem:$0x1C800] =	vst v63  }
0x77: {  	_ =	swait.ge [sflag:s11], $0xA00  }
0x78: {  	[sflag:s11] =	ssyncset.done $0x0  }
0x79: {  	s17 =	rddreg [dreg:$0x1d];
	[sflag:s11] =	ssyncadd.s32 $0xFFFFF600  }
0x7a: {  	[spmem:s17] =	stream.linear.scatter [tilespmem:s5], [sflag:$0xF], $0xA00, $0x38;
	[tilespmem:$0x1C800] =	vst v63  }
0x7b: {  	_ =	swait.ge [sflag:s11], $0xA00  }
0x7c: {  	[sflag:s11] =	ssyncset.done $0x0  }
0x7d: {  	s22 =	rddreg [dreg:$0x1e];
	[sflag:s11] =	ssyncadd.s32 $0xFFFFF600  }
0x7e: {  	[spmem:s22] =	stream.linear.scatter [tilespmem:s5], [sflag:$0xF], $0xA00, $0x38;
	[tilespmem:$0x1C800] =	vst v63  }
0x7f: {  	_ =	swait.ge [sflag:s11], $0xA00  }
0x80: {  	[sflag:s11] =	ssyncset.done $0x0  }
0x81: {  	s23 =	rddreg [dreg:$0x1f];
	[sflag:s11] =	ssyncadd.s32 $0xFFFFF600  }
0x82: {  	[spmem:s23] =	stream.linear.scatter [tilespmem:s5], [sflag:$0xF], $0xA00, $0x38;
	[tilespmem:$0x1C800] =	vst v63  }
0x83: {  	_ =	swait.ge [sflag:s11], $0xA00  }
0x84: {  	s28 =	sld [smem:$0x7EA]  }
0x85: {  	[sflag:s11] =	ssyncset.done $0x0  }
0x86: {  	[sflag:s11] =	ssyncadd.s32 $0xFFFFF600  }
0x87: {  	[spmem:s28] =	stream.linear.scatter [tilespmem:s5], [sflag:$0xF], $0xA00, $0x38;
	[tilespmem:$0x1C800] =	vst v63  }
0x88: {  	_ =	swait.ge [sflag:s11], $0xA00  }
0x89: {  	s17 =	sld [smem:$0x7EB]  }
0x8a: {  	[sflag:s11] =	ssyncset.done $0x0  }
0x8b: {  	[sflag:s11] =	ssyncadd.s32 $0xFFFFF600  }
0x8c: {  	[spmem:s17] =	stream.linear.scatter [tilespmem:s5], [sflag:$0xF], $0xA00, $0x38;
	[tilespmem:$0x1C800] =	vst v63  }
0x8d: {  	_ =	swait.ge [sflag:s11], $0xA00  }
0x8e: {  	s22 =	sld [smem:$0x7EC]  }
0x8f: {  	[sflag:s11] =	ssyncset.done $0x0  }
0x90: {  	[sflag:s11] =	ssyncadd.s32 $0xFFFFF600  }
0x91: {  	[spmem:s22] =	stream.linear.scatter [tilespmem:s5], [sflag:$0xF], $0xA00, $0x38;
	[tilespmem:$0x1C800] =	vst v63  }
0x92: {  	_ =	swait.ge [sflag:s11], $0xA00  }
0x93: {  	s23 =	sld [smem:$0x7ED]  }
0x94: {  	[sflag:s11] =	ssyncset.done $0x0  }
0x95: {  	[sflag:s11] =	ssyncadd.s32 $0xFFFFF600  }
0x96: {  	[spmem:s23] =	stream.linear.scatter [tilespmem:s5], [sflag:$0xF], $0xA00, $0x38;
	[tilespmem:$0x1C800] =	vst v63  }
0x97: {  	_ =	swait.ge [sflag:s11], $0xA00  }
0x98: {  	s28 =	sld [smem:$0x7EE]  }
0x99: {  	[sflag:s11] =	ssyncset.done $0x0  }
0x9a: {  	[sflag:s11] =	ssyncadd.s32 $0xFFFFF600  }
0x9b: {  	[spmem:s28] =	stream.linear.scatter [tilespmem:s5], [sflag:$0xF], $0xA00, $0x38;
	[tilespmem:$0x1C800] =	vst v63  }
0x9c: {  	_ =	swait.ge [sflag:s11], $0xA00  }
0x9d: {  	s17 =	sld [smem:$0x7EF]  }
0x9e: {  	[sflag:s11] =	ssyncset.done $0x0  }
0x9f: {  	[sflag:s11] =	ssyncadd.s32 $0xFFFFF600  }
0xa0: {  	[spmem:s17] =	stream.linear.scatter [tilespmem:s5], [sflag:$0xF], $0xA00, $0x38;
	[tilespmem:$0x1C800] =	vst v63  }
0xa1: {  	_ =	swait.ge [sflag:s11], $0xA00  }
0xa2: {  	s22 =	sld [smem:$0x7F0]  }
0xa3: {  	[sflag:s11] =	ssyncset.done $0x0  }
0xa4: {  	[sflag:s11] =	ssyncadd.s32 $0xFFFFF600  }
0xa5: {  	[spmem:s22] =	stream.linear.scatter [tilespmem:s5], [sflag:$0xF], $0xA00, $0x38;
	[tilespmem:$0x1C800] =	vst v63  }
0xa6: {  	_ =	swait.ge [sflag:s11], $0xA00  }
0xa7: {  	s23 =	sld [smem:$0x7F1]  }
0xa8: {  	[sflag:s11] =	ssyncset.done $0x0  }
0xa9: {  	[sflag:s11] =	ssyncadd.s32 $0xFFFFF600  }
0xaa: {  	[spmem:s23] =	stream.linear.scatter [tilespmem:s5], [sflag:$0xF], $0xA00, $0x38;
	[tilespmem:$0x1C800] =	vst v63  }
0xab: {  	_ =	swait.ge [sflag:s11], $0xA00  }
0xac: {  	s28 =	sld [smem:$0x7F2]  }
0xad: {  	[sflag:s11] =	ssyncset.done $0x0  }
0xae: {  	[sflag:s11] =	ssyncadd.s32 $0xFFFFF600  }
0xaf: {  	[spmem:s28] =	stream.linear.scatter [tilespmem:s5], [sflag:$0xF], $0xA00, $0x38;
	[tilespmem:$0x1C800] =	vst v63  }
0xb0: {  	_ =	swait.ge [sflag:s11], $0xA00  }
0xb1: {  	s17 =	sld [smem:$0x7F3]  }
0xb2: {  	[sflag:s11] =	ssyncset.done $0x0  }
0xb3: {  	[sflag:s11] =	ssyncadd.s32 $0xFFFFF600  }
0xb4: {  	[spmem:s17] =	stream.linear.scatter [tilespmem:s5], [sflag:$0xF], $0xA00, $0x38;
	[tilespmem:$0x1C800] =	vst v63  }
0xb5: {  	_ =	swait.ge [sflag:s11], $0xA00  }
0xb6: {  	s22 =	sld [smem:$0x7F4]  }
0xb7: {  	[sflag:s11] =	ssyncset.done $0x0  }
0xb8: {  	[sflag:s11] =	ssyncadd.s32 $0xFFFFF600  }
0xb9: {  	[spmem:s22] =	stream.linear.scatter [tilespmem:s5], [sflag:$0xF], $0xA00, $0x38;
	[tilespmem:$0x1C800] =	vst v63  }
0xba: {  	_ =	swait.ge [sflag:s11], $0xA00  }
0xbb: {  	s23 =	sld [smem:$0x7F5]  }
0xbc: {  	[sflag:s11] =	ssyncset.done $0x0  }
0xbd: {  	[sflag:s11] =	ssyncadd.s32 $0xFFFFF600  }
0xbe: {  	[spmem:s23] =	stream.linear.scatter [tilespmem:s5], [sflag:$0xF], $0xA00, $0x38;
	[tilespmem:$0x1C800] =	vst v63  }
0xbf: {  	_ =	swait.ge [sflag:s11], $0xA00  }
0xc0: {  	s28 =	sld [smem:$0x7F6]  }
0xc1: {  	[sflag:s11] =	ssyncset.done $0x0  }
0xc2: {  	[sflag:s11] =	ssyncadd.s32 $0xFFFFF600  }
0xc3: {  	[spmem:s28] =	stream.linear.scatter [tilespmem:s5], [sflag:$0xF], $0xA00, $0x38;
	[tilespmem:$0x1C800] =	vst v63  }
0xc4: {  	_ =	swait.ge [sflag:s11], $0xA00  }
0xc5: {  	s17 =	sld [smem:$0x7F7]  }
0xc6: {  	[sflag:s11] =	ssyncset.done $0x0  }
0xc7: {  	[sflag:s11] =	ssyncadd.s32 $0xFFFFF600  }
0xc8: {  	[spmem:s17] =	stream.linear.scatter [tilespmem:s5], [sflag:$0xF], $0xA00, $0x38;
	[tilespmem:$0x1C800] =	vst v63  }
0xc9: {  	_ =	swait.ge [sflag:s11], $0xA00  }
0xca: {  	s22 =	sld [smem:$0x7F8]  }
0xcb: {  	[sflag:s11] =	ssyncset.done $0x0  }
0xcc: {  	[sflag:s11] =	ssyncadd.s32 $0xFFFFF600  }
0xcd: {  	[spmem:s22] =	stream.linear.scatter [tilespmem:s5], [sflag:$0xF], $0xA00, $0x38;
	[tilespmem:$0x1C800] =	vst v63  }
0xce: {  	_ =	swait.ge [sflag:s11], $0xA00  }
0xcf: {  	s23 =	sld [smem:$0x7F9]  }
0xd0: {  	[sflag:s11] =	ssyncset.done $0x0  }
0xd1: {  	[sflag:s11] =	ssyncadd.s32 $0xFFFFF600  }
0xd2: {  	[spmem:s23] =	stream.linear.scatter [tilespmem:s5], [sflag:$0xF], $0xA00, $0x38;
	[tilespmem:$0x1C800] =	vst v63  }
0xd3: {  	_ =	swait.ge [sflag:s11], $0xA00  }
0xd4: {  	s28 =	sld [smem:$0x7FA]  }
0xd5: {  	[sflag:s11] =	ssyncset.done $0x0  }
0xd6: {  	[sflag:s11] =	ssyncadd.s32 $0xFFFFF600  }
0xd7: {  	[spmem:s28] =	stream.linear.scatter [tilespmem:s5], [sflag:$0xF], $0xA00, $0x38;
	[tilespmem:$0x1C800] =	vst v63  }
0xd8: {  	_ =	swait.ge [sflag:s11], $0xA00  }
0xd9: {  	s17 =	sld [smem:$0x7FB]  }
0xda: {  	[sflag:s11] =	ssyncset.done $0x0  }
0xdb: {  	[sflag:s11] =	ssyncadd.s32 $0xFFFFF600  }
0xdc: {  	[spmem:s17] =	stream.linear.scatter [tilespmem:s5], [sflag:$0xF], $0xA00, $0x38;
	[tilespmem:$0x1C800] =	vst v63  }
0xdd: {  	_ =	swait.ge [sflag:s11], $0xA00  }
0xde: {  	[sflag:s11] =	ssyncset.done $0x0  }
0xdf: {  	[sflag:s11] =	ssyncadd.s32 $0xFFFFF600  }
0xe0: {  	[bflag:$0x0] =	sbarrier.arrive $0xFFFF  }
0xe1: {  	s4 =	simm.s32 $0x0;
	s22 =	rddreg [dreg:$0x6]  }
0xe2: {  	[tilespmem:s4], [sflag:$0x7] =	stream.linear.gather [hbm4b:s22+s4], $0x28, $0x38;
	[tilespmem:$0x1C800] =	vst v63  }
0xe3: {  	s28 =	simm.s32 $0x200;
	s23 =	rddreg [dreg:$0x7]  }
0xe4: {  	[tilespmem:s28], [sflag:$0xB] =	stream.linear.gather [hbm4b:s23+s4], $0x28, $0x38;
	[tilespmem:$0x1C800] =	vst v63  }
0xe5: {  	s17 =	rddreg [dreg:$0x8];
	s22 =	simm.s32 $0x80  }
0xe6: {  	[tilespmem:s22], [sflag:$0x8] =	stream.linear.gather [hbm4b:s17+s4], $0x28, $0x38;
	[tilespmem:$0x1C800] =	vst v63  }
0xe7: {  	s23 =	rddreg [dreg:$0xb];
	s28 =	simm.s32 $0x280;
	s17 =	simm.s32 $0x7  }
0xe8: {  	[tilespmem:s28], [sflag:$0xC] =	stream.linear.gather [hbm4b:s23+s4], $0x28, $0x38;
	[tilespmem:$0x1C800] =	vst v63  }
0xe9: {  	_ =	swait.ge [sflag:s17], $0x28  }
0xea: {  	[sflag:s17] =	ssyncset.done $0x0  }
0xeb: {  	s22 =	simm.s32 $0x400;
	[sflag:s17] =	ssyncadd.s32 $0xFFFFFFD8  }
0xec: {  	[tilespmem:s22], [sflag:$0x1] =	stream.indirect.gather [hbm4b:s6+s26], $0x80, s4, s26, $0xb8;
	[tilespmem:$0x1C800] =	vst v63  }
0xed: {  	s11 =	simm.s32 $0x0;
	s28 =	simm.s32 $0x2C00;
	s23 =	rddreg [dreg:$0xc]  }
0xee: {  	[tilespmem:s28], [sflag:$0x3] =	stream.linear.gather [hbm4b:s23+s4], $0x1400, $0x38;
	[tilespmem:$0x1C800] =	vst v63  }
.LBB2_4:
0xef: {  	p1 =	seq.s32 s11, $0x0  }
0xf0: {  	s5 =	simm.s32 @!p1 $0x5  }
0xf1: {  	_ =	swait.ge @!p1 [sflag:s5], $0x1400  }
0xf2: {  	[sflag:s5] =	ssyncset.done @!p1 $0x0  }
0xf3: {  	s22 =	simm.s32 $0x8;
	[sflag:s5] =	ssyncadd.s32 @!p1 $0xFFFFEC00  }
0xf4: {  	_ =	swait.ge [sflag:s22], $0x28  }
0xf5: {  	s23 =	sld [smem:$0x7FC];
	_ =	sdelay $0x1  }
0xf6: {  	s17 =	sshll.u32 s11, $0x2  }
0xf7: {  	[sflag:s22] =	ssyncset.done $0x0;
	s5 =	sadd.s32 s17, s23  }
0xf8: {  	[sflag:s22] =	ssyncadd.s32 $0xFFFFFFD8;
	s23 =	simm.s32 $0x80;
	s5 =	smul.u32 $0x1400, s5  }
0xf9: {  	[tilespmem:s30], [sflag:$0x2] =	stream.indirect.gather [hbm4b:s6+s26], $0x80, s23, s26, $0xb8;
	[tilespmem:$0x1C800] =	vst v63  }
0xfa: {  	s23 =	sadd.s32 s10, s5;
	s5 =	sadd.s32 s17, s13  }
0xfb: {  	s23 =	sshrl.u32 s23, $0x3;
	s22 =	sadd.s32 $0x2, s5  }
0xfc: {  	s30 =	simm.s32 $0x4000;
	s23 =	sadd.s32 s7, s23;
	s28 =	smul.u32 $0x28, s22  }
0xfd: {  	[tilespmem:s30], [sflag:$0x4] =	stream.linear.gather [hbm4b:s23+s4], $0x1400, $0x38;
	[tilespmem:$0x1C800] =	vst v63  }
0xfe: {  	s23 =	sadd.s32 s8, s28  }
0xff: {  	s23 =	sshrl.u32 s23, $0x3  }
0x100: {  	s23 =	sadd.s32 s1, s23  }
0x101: {  	[tilespmem:s18], [sflag:$0x9] =	stream.linear.gather [hbm4b:s23+s4], $0x28, $0x38;
	[tilespmem:$0x1C800] =	vst v63  }
0x102: {  	s23 =	sshrl.u32 s28, $0x3  }
0x103: {  	s28 =	simm.s32 $0x300;
	s23 =	sadd.s32 s2, s23  }
0x104: {  	[tilespmem:s28], [sflag:$0xD] =	stream.linear.gather [hbm4b:s23+s4], $0x28, $0x38;
	[tilespmem:$0x1C800] =	vst v63  }
0x105: {  	_ =	swait.ge [sflag:s14], $0x1400  }
0x106: {  	[sflag:s14] =	ssyncset.done $0x0  }
0x107: {  	[sflag:s14] =	ssyncadd.s32 $0xFFFFEC00  }
0x108: {  	_ =	swait.ge [sflag:s15], $0x1400  }
0x109: {  	[sflag:s15] =	ssyncset.done $0x0  }
0x10a: {  	s28 =	simm.s32 $0x0;
	[sflag:s15] =	ssyncadd.s32 $0xFFFFEC00  }
0x10b: {  	v1 =	vld [tilespmem:s28+$0x470]  }
0x10c: {  	v2 =	vld [tilespmem:s28+$0x2C70]  }
0x10d: {  	v3 =	vld [tilespmem:s28+$0x400]  }
0x10e: {  	v4 =	vld [tilespmem:s28+$0x2C00]  }
0x10f: {  	v5 =	vld [tilespmem:s28+$0x410]  }
0x110: {  	v6 =	vld [tilespmem:s28+$0x2C10]  }
0x111: {  	v7 =	vld [tilespmem:s28+$0x420]  }
0x112: {  	v8 =	vld [tilespmem:s28+$0x430]  }
0x113: {  	v1 =	vmul.f32 v2, v1;
	v2 =	vld [tilespmem:s28+$0x2C20]  }
0x114: {  	v9 =	vld [tilespmem:s28+$0x2C30]  }
0x115: {  	v10 =	vld [tilespmem:s28+$0x2C40];
	v3 =	vmul.f32 v4, v3  }
0x116: {  	[tilespmem:s28+$0x5470] =	vst v1;
	v1 =	vmul.f32 v6, v5;
	v6 =	vld [tilespmem:s28+$0x440]  }
0x117: {  	v4 =	vld [tilespmem:s28+$0x2C50];
	[tilespmem:s28+$0x5400] =	vst v3  }
0x118: {  	v3 =	vld [tilespmem:s28+$0x450];
	[tilespmem:s28+$0x5410] =	vst v1;
	v1 =	vmul.f32 v2, v7  }
0x119: {  	v5 =	vld [tilespmem:s28+$0x2C60];
	v7 =	vmul.f32 v9, v8  }
0x11a: {  	s23 =	simm.s32 $0x80;
	[tilespmem:s28+$0x5420] =	vst v1;
	v1 =	vld [tilespmem:s28+$0x460]  }
0x11b: {  	s30 =	simm.s32 $0x400;
	v6 =	vmul.f32 v10, v6;
	v2 =	vld [tilespmem:s23+$0x470];
	[tilespmem:s28+$0x5430] =	vst v7  }
.LBB2_5:
0x11c: {  	p2 =	sne.s32 s30, $0x4E00;
	v7 =	vld [tilespmem:s23+$0x2C70]  }
0x11d: {  	v8 =	vld [tilespmem:s23+$0x400];
	[tilespmem:s28+$0x5440] =	vst v6;
	v3 =	vmul.f32 v4, v3  }
0x11e: {  	v4 =	vld [tilespmem:s23+$0x2C00]  }
0x11f: {  	v6 =	vld [tilespmem:s23+$0x410];
	[tilespmem:s28+$0x5450] =	vst v3;
	v1 =	vmul.f32 v5, v1  }
0x120: {  	v3 =	vld [tilespmem:s23+$0x2C10]  }
0x121: {  	v5 =	vld [tilespmem:s23+$0x420];
	v2 =	vmul.f32 v7, v2;
	[tilespmem:s28+$0x5460] =	vst v1;
	s28 =	smov.u32 s23  }
0x122: {  	v1 =	vld [tilespmem:s28+$0x2C20]  }
0x123: {  	v4 =	vmul.f32 v4, v8;
	v7 =	vld [tilespmem:s28+$0x430];
	[tilespmem:s28+$0x5470] =	vst v2  }
0x124: {  	v2 =	vld [tilespmem:s28+$0x2C30]  }
0x125: {  	[tilespmem:s28+$0x5400] =	vst v4;
	v3 =	vmul.f32 v3, v6;
	v6 =	vld [tilespmem:s28+$0x440]  }
0x126: {  	v8 =	vld [tilespmem:s28+$0x2C40]  }
.Ltmp1:
0x127: {  	[tilespmem:s28+$0x5410] =	vst v3;
	v1 =	vmul.f32 v1, v5;
	v3 =	vld [tilespmem:s28+$0x450];
	(pc) =	sbr.rel @p2 .LBB2_5-.Ltmp1, $4  }
0x128: {  	v4 =	vld [tilespmem:s28+$0x2C50]  }
0x129: {  	[tilespmem:s28+$0x5420] =	vst v1;
	v7 =	vmul.f32 v2, v7;
	v1 =	vld [tilespmem:s28+$0x460]  }
0x12a: {  	s23 =	sshra.s32 s30, $0x2;
	v5 =	vld [tilespmem:s28+$0x2C60]  }
0x12b: {  	s30 =	sadd.s32 $0x200, s30;
	v2 =	vld [tilespmem:s23+$0x470];
	[tilespmem:s28+$0x5430] =	vst v7;
	v6 =	vmul.f32 v8, v6  }
0x12c: {  	v7 =	vld [tilespmem:s23+$0x2C70]  }
0x12d: {  	v8 =	vld [tilespmem:s23+$0x400];
	[tilespmem:s28+$0x5440] =	vst v6;
	v3 =	vmul.f32 v4, v3  }
0x12e: {  	v4 =	vld [tilespmem:s23+$0x2C00]  }
0x12f: {  	v6 =	vld [tilespmem:s23+$0x410];
	[tilespmem:s28+$0x5450] =	vst v3;
	v1 =	vmul.f32 v5, v1  }
0x130: {  	v3 =	vld [tilespmem:s23+$0x2C10]  }
0x131: {  	v5 =	vld [tilespmem:s23+$0x420];
	[tilespmem:s28+$0x5460] =	vst v1  }
0x132: {  	v1 =	vmul.f32 v7, v2;
	v2 =	vld [tilespmem:s23+$0x2C20]  }
0x133: {  	v7 =	vld [tilespmem:s23+$0x430]  }
0x134: {  	v4 =	vmul.f32 v4, v8;
	[tilespmem:s23+$0x5470] =	vst v1;
	v1 =	vld [tilespmem:s23+$0x2C30]  }
0x135: {  	v8 =	vld [tilespmem:s23+$0x2C60]  }
0x136: {  	[tilespmem:s23+$0x5400] =	vst v4;
	v3 =	vmul.f32 v3, v6;
	v4 =	vld [tilespmem:s23+$0x440]  }
0x137: {  	v6 =	vld [tilespmem:s23+$0x2C40]  }
0x138: {  	[tilespmem:s23+$0x5410] =	vst v3;
	v2 =	vmul.f32 v2, v5;
	v3 =	vld [tilespmem:s23+$0x450]  }
0x139: {  	v5 =	vld [tilespmem:s23+$0x2C50]  }
0x13a: {  	[tilespmem:s23+$0x5420] =	vst v2;
	v2 =	vld [tilespmem:s23+$0x460];
	_ =	sdelay $0x1  }
0x13b: {  	v1 =	vmul.f32 v1, v7  }
0x13c: {  	v4 =	vmul.f32 v6, v4  }
0x13d: {  	[tilespmem:s23+$0x5430] =	vst v1;
	v1 =	vmul.f32 v5, v3  }
0x13e: {  	[tilespmem:s23+$0x5440] =	vst v4;
	v2 =	vmul.f32 v8, v2  }
0x13f: {  	[tilespmem:s23+$0x5450] =	vst v1  }
0x140: {  	s30 =	simm.s32 $0xB;
	[tilespmem:s23+$0x5460] =	vst v2  }
0x141: {  	_ =	swait.ge [sflag:s30], $0x28  }
0x142: {  	s28 =	simm.s32 $0x5400;
	[sflag:s30] =	ssyncset.done $0x0  }
0x143: {  	s23 =	simm.s32 @!p1 $0x6;
	[sflag:s30] =	ssyncadd.s32 $0xFFFFFFD8;
	s30 =	simm.s32 $0x200  }
0x144: {  	[spmem:s3] =	stream.indirect.scatter.add.f32 [tilespmem:s28], [sflag:$0x5], $0x80, s30, s26, $0xb8;
	[tilespmem:$0x1C800] =	vst v63  }
0x145: {  	s22 =	smul.u32 $0x1400, s22;
	_ =	swait.ge @!p1 [sflag:s23], $0x1400  }
0x146: {  	[sflag:s23] =	ssyncset.done @!p1 $0x0  }
0x147: {  	s22 =	sadd.s32 s10, s22;
	[sflag:s23] =	ssyncadd.s32 @!p1 $0xFFFFEC00  }
0x148: {  	s22 =	sshrl.u32 s22, $0x3;
	_ =	swait.ge [sflag:s9], $0x28  }
0x149: {  	s5 =	sadd.s32 $0x3, s5;
	s22 =	sadd.s32 s7, s22;
	[sflag:s9] =	ssyncset.done $0x0  }
0x14a: {  	s30 =	simm.s32 $0x400;
	s28 =	smul.u32 $0x28, s5;
	[sflag:s9] =	ssyncadd.s32 $0xFFFFFFD8  }
0x14b: {  	[tilespmem:s30], [sflag:$0x1] =	stream.indirect.gather [hbm4b:s6+s26], $0x80, s18, s26, $0xb8;
	[tilespmem:$0x1C800] =	vst v63  }
0x14c: {  	s23 =	simm.s32 $0x0;
	s30 =	simm.s32 $0x2C00;
	s18 =	sadd.s32 s8, s28  }
0x14d: {  	[tilespmem:s30], [sflag:$0x3] =	stream.linear.gather [hbm4b:s22+s23], $0x1400, $0x38;
	[tilespmem:$0x1C800] =	vst v63  }
0x14e: {  	s22 =	sshrl.u32 s18, $0x3  }
0x14f: {  	s30 =	simm.s32 $0x180;
	s18 =	sshrl.u32 s28, $0x3;
	s22 =	sadd.s32 s1, s22  }
0x150: {  	[tilespmem:s30], [sflag:$0xA] =	stream.linear.gather [hbm4b:s22+s23], $0x28, $0x38;
	[tilespmem:$0x1C800] =	vst v63  }
0x151: {  	s22 =	sadd.s32 s2, s18;
	s30 =	simm.s32 $0x380  }
0x152: {  	[tilespmem:s30], [sflag:$0xE] =	stream.linear.gather [hbm4b:s22+s23], $0x28, $0x38;
	[tilespmem:$0x1C800] =	vst v63  }
0x153: {  	_ =	swait.ge [sflag:s24], $0x1400  }
0x154: {  	[sflag:s24] =	ssyncset.done $0x0  }
0x155: {  	[sflag:s24] =	ssyncadd.s32 $0xFFFFEC00  }
0x156: {  	_ =	swait.ge [sflag:s25], $0x1400  }
0x157: {  	[sflag:s25] =	ssyncset.done $0x0  }
0x158: {  	s22 =	simm.s32 $0x0;
	[sflag:s25] =	ssyncadd.s32 $0xFFFFEC00  }
0x159: {  	v1 =	vld [tilespmem:s22+$0x1870]  }
0x15a: {  	v2 =	vld [tilespmem:s22+$0x4070]  }
0x15b: {  	v3 =	vld [tilespmem:s22+$0x1800]  }
0x15c: {  	v4 =	vld [tilespmem:s22+$0x4000]  }
0x15d: {  	v5 =	vld [tilespmem:s22+$0x1810]  }
0x15e: {  	v6 =	vld [tilespmem:s22+$0x4010]  }
0x15f: {  	v7 =	vld [tilespmem:s22+$0x1820]  }
0x160: {  	v8 =	vld [tilespmem:s22+$0x1830]  }
0x161: {  	v1 =	vmul.f32 v2, v1;
	v2 =	vld [tilespmem:s22+$0x4020]  }
0x162: {  	v9 =	vld [tilespmem:s22+$0x4030]  }
0x163: {  	v10 =	vld [tilespmem:s22+$0x4040];
	v3 =	vmul.f32 v4, v3  }
0x164: {  	[tilespmem:s22+$0x6870] =	vst v1;
	v1 =	vmul.f32 v6, v5;
	v6 =	vld [tilespmem:s22+$0x1840]  }
0x165: {  	v4 =	vld [tilespmem:s22+$0x4050];
	[tilespmem:s22+$0x6800] =	vst v3  }
0x166: {  	v3 =	vld [tilespmem:s22+$0x1850];
	[tilespmem:s22+$0x6810] =	vst v1;
	v1 =	vmul.f32 v2, v7  }
0x167: {  	v5 =	vld [tilespmem:s22+$0x4060];
	v7 =	vmul.f32 v9, v8  }
0x168: {  	s23 =	simm.s32 $0x80;
	[tilespmem:s22+$0x6820] =	vst v1;
	v1 =	vld [tilespmem:s22+$0x1860]  }
0x169: {  	s28 =	simm.s32 $0x400;
	v6 =	vmul.f32 v10, v6;
	v2 =	vld [tilespmem:s23+$0x1870];
	[tilespmem:s22+$0x6830] =	vst v7  }
.LBB2_7:
0x16a: {  	p1 =	sne.s32 s28, $0x4E00;
	v7 =	vld [tilespmem:s23+$0x4070]  }
0x16b: {  	v8 =	vld [tilespmem:s23+$0x1800];
	[tilespmem:s22+$0x6840] =	vst v6;
	v3 =	vmul.f32 v4, v3  }
0x16c: {  	v4 =	vld [tilespmem:s23+$0x4000]  }
0x16d: {  	v6 =	vld [tilespmem:s23+$0x1810];
	[tilespmem:s22+$0x6850] =	vst v3;
	v1 =	vmul.f32 v5, v1  }
0x16e: {  	v3 =	vld [tilespmem:s23+$0x4010]  }
0x16f: {  	v5 =	vld [tilespmem:s23+$0x1820];
	v2 =	vmul.f32 v7, v2;
	[tilespmem:s22+$0x6860] =	vst v1;
	s22 =	smov.u32 s23  }
0x170: {  	v1 =	vld [tilespmem:s22+$0x4020]  }
0x171: {  	v4 =	vmul.f32 v4, v8;
	v7 =	vld [tilespmem:s22+$0x1830];
	[tilespmem:s22+$0x6870] =	vst v2  }
0x172: {  	v2 =	vld [tilespmem:s22+$0x4030]  }
0x173: {  	[tilespmem:s22+$0x6800] =	vst v4;
	v3 =	vmul.f32 v3, v6;
	v6 =	vld [tilespmem:s22+$0x1840]  }
0x174: {  	v8 =	vld [tilespmem:s22+$0x4040]  }
.Ltmp2:
0x175: {  	[tilespmem:s22+$0x6810] =	vst v3;
	v1 =	vmul.f32 v1, v5;
	v3 =	vld [tilespmem:s22+$0x1850];
	(pc) =	sbr.rel @p1 .LBB2_7-.Ltmp2, $4  }
0x176: {  	v4 =	vld [tilespmem:s22+$0x4050]  }
0x177: {  	[tilespmem:s22+$0x6820] =	vst v1;
	v7 =	vmul.f32 v2, v7;
	v1 =	vld [tilespmem:s22+$0x1860]  }
0x178: {  	s23 =	sshra.s32 s28, $0x2;
	v5 =	vld [tilespmem:s22+$0x4060]  }
0x179: {  	s28 =	sadd.s32 $0x200, s28;
	v2 =	vld [tilespmem:s23+$0x1870];
	[tilespmem:s22+$0x6830] =	vst v7;
	v6 =	vmul.f32 v8, v6  }
0x17a: {  	v7 =	vld [tilespmem:s23+$0x4070]  }
0x17b: {  	v8 =	vld [tilespmem:s23+$0x1800];
	[tilespmem:s22+$0x6840] =	vst v6;
	v3 =	vmul.f32 v4, v3  }
0x17c: {  	v4 =	vld [tilespmem:s23+$0x4000]  }
0x17d: {  	v6 =	vld [tilespmem:s23+$0x1810];
	[tilespmem:s22+$0x6850] =	vst v3;
	v1 =	vmul.f32 v5, v1  }
0x17e: {  	v3 =	vld [tilespmem:s23+$0x4010]  }
0x17f: {  	v5 =	vld [tilespmem:s23+$0x1820];
	[tilespmem:s22+$0x6860] =	vst v1  }
0x180: {  	v1 =	vmul.f32 v7, v2;
	v2 =	vld [tilespmem:s23+$0x4020]  }
0x181: {  	v7 =	vld [tilespmem:s23+$0x1830]  }
0x182: {  	v4 =	vmul.f32 v4, v8;
	[tilespmem:s23+$0x6870] =	vst v1;
	v1 =	vld [tilespmem:s23+$0x4030]  }
0x183: {  	v8 =	vld [tilespmem:s23+$0x4060]  }
0x184: {  	[tilespmem:s23+$0x6800] =	vst v4;
	v3 =	vmul.f32 v3, v6;
	v4 =	vld [tilespmem:s23+$0x1840]  }
0x185: {  	v6 =	vld [tilespmem:s23+$0x4040]  }
0x186: {  	[tilespmem:s23+$0x6810] =	vst v3;
	v2 =	vmul.f32 v2, v5;
	v3 =	vld [tilespmem:s23+$0x1850]  }
0x187: {  	v5 =	vld [tilespmem:s23+$0x4050]  }
0x188: {  	[tilespmem:s23+$0x6820] =	vst v2;
	v2 =	vld [tilespmem:s23+$0x1860];
	_ =	sdelay $0x1  }
0x189: {  	v1 =	vmul.f32 v1, v7  }
0x18a: {  	v4 =	vmul.f32 v6, v4  }
0x18b: {  	[tilespmem:s23+$0x6830] =	vst v1;
	v1 =	vmul.f32 v5, v3  }
0x18c: {  	[tilespmem:s23+$0x6840] =	vst v4;
	v2 =	vmul.f32 v8, v2  }
0x18d: {  	[tilespmem:s23+$0x6850] =	vst v1  }
0x18e: {  	[tilespmem:s23+$0x6860] =	vst v2  }
0x18f: {  	_ =	swait.ge [sflag:s12], $0x28  }
0x190: {  	[sflag:s12] =	ssyncset.done $0x0  }
0x191: {  	s18 =	simm.s32 $0x6800;
	s23 =	simm.s32 $0x280;
	[sflag:s12] =	ssyncadd.s32 $0xFFFFFFD8  }
0x192: {  	[spmem:s3] =	stream.indirect.scatter.add.f32 [tilespmem:s18], [sflag:$0x6], $0x80, s23, s26, $0xb8;
	[tilespmem:$0x1C800] =	vst v63  }
0x193: {  	_ =	swait.ge [sflag:s29], $0x1400  }
0x194: {  	s5 =	smul.u32 $0x1400, s5;
	[sflag:s29] =	ssyncset.done $0x0  }
0x195: {  	s30 =	simm.s32 $0x1800;
	p1 =	seq.s32 s11, $0x7C;
	[sflag:s29] =	ssyncadd.s32 $0xFFFFEC00  }
0x196: {  	s28 =	simm.s32 $0x0;
	s5 =	sadd.s32 s10, s5;
	_ =	swait.ge [sflag:s20], $0x28  }
0x197: {  	s22 =	sadd.s32 $0x4, s17;
	s23 =	simm.s32 $0x180;
	[sflag:s20] =	ssyncset.done $0x0  }
0x198: {  	s18 =	sshrl.u32 s5, $0x3;
	s5 =	sadd.s32 @!p1 s13, s22;
	[sflag:s20] =	ssyncadd.s32 $0xFFFFFFD8  }
0x199: {  	[tilespmem:s30], [sflag:$0x2] =	stream.indirect.gather [hbm4b:s6+s26], $0x80, s23, s26, $0xb8;
	[tilespmem:$0x1C800] =	vst v63  }
0x19a: {  	s22 =	sadd.s32 s7, s18;
	s18 =	simm.s32 $0x4000;
	s23 =	smul.u32 @!p1 $0x28, s5  }
0x19b: {  	[tilespmem:s18], [sflag:$0x4] =	stream.linear.gather [hbm4b:s22+s28], $0x1400, $0x38;
	[tilespmem:$0x1C800] =	vst v63  }
0x19c: {  	s22 =	sadd.s32 @!p1 s8, s23  }
0x19d: {  	s22 =	sshrl.u32 @!p1 s22, $0x3  }
0x19e: {  	s28 =	simm.s32 @!p1 $0x0;
	s22 =	sadd.s32 @!p1 s1, s22  }
0x19f: {  	[tilespmem:s28], [sflag:$0x7] =	stream.linear.gather @!p1 [hbm4b:s22+s28], $0x28, $0x38;
	[tilespmem:$0x1C800] =	vst v63  }
0x1a0: {  	s22 =	sshrl.u32 @!p1 s23, $0x3  }
0x1a1: {  	s23 =	simm.s32 @!p1 $0x200;
	s22 =	sadd.s32 @!p1 s2, s22  }
0x1a2: {  	[tilespmem:s23], [sflag:$0xB] =	stream.linear.gather @!p1 [hbm4b:s22+s28], $0x28, $0x38;
	[tilespmem:$0x1C800] =	vst v63  }
0x1a3: {  	_ =	swait.ge [sflag:s14], $0x1400  }
0x1a4: {  	[sflag:s14] =	ssyncset.done $0x0  }
0x1a5: {  	[sflag:s14] =	ssyncadd.s32 $0xFFFFEC00  }
0x1a6: {  	_ =	swait.ge [sflag:s15], $0x1400  }
0x1a7: {  	[sflag:s15] =	ssyncset.done $0x0  }
0x1a8: {  	s22 =	simm.s32 $0x0;
	[sflag:s15] =	ssyncadd.s32 $0xFFFFEC00  }
0x1a9: {  	v1 =	vld [tilespmem:s22+$0x470]  }
0x1aa: {  	v2 =	vld [tilespmem:s22+$0x2C70]  }
0x1ab: {  	v3 =	vld [tilespmem:s22+$0x400]  }
0x1ac: {  	v4 =	vld [tilespmem:s22+$0x2C00]  }
0x1ad: {  	v5 =	vld [tilespmem:s22+$0x410]  }
0x1ae: {  	v6 =	vld [tilespmem:s22+$0x2C10]  }
0x1af: {  	v7 =	vld [tilespmem:s22+$0x420]  }
0x1b0: {  	v8 =	vld [tilespmem:s22+$0x430]  }
0x1b1: {  	v1 =	vmul.f32 v2, v1;
	v2 =	vld [tilespmem:s22+$0x2C20]  }
0x1b2: {  	v9 =	vld [tilespmem:s22+$0x2C30]  }
0x1b3: {  	v10 =	vld [tilespmem:s22+$0x2C40];
	v3 =	vmul.f32 v4, v3  }
0x1b4: {  	[tilespmem:s22+$0x5470] =	vst v1;
	v1 =	vmul.f32 v6, v5;
	v6 =	vld [tilespmem:s22+$0x440]  }
0x1b5: {  	v4 =	vld [tilespmem:s22+$0x2C50];
	[tilespmem:s22+$0x5400] =	vst v3  }
0x1b6: {  	v3 =	vld [tilespmem:s22+$0x450];
	[tilespmem:s22+$0x5410] =	vst v1;
	v1 =	vmul.f32 v2, v7  }
0x1b7: {  	v5 =	vld [tilespmem:s22+$0x2C60];
	v7 =	vmul.f32 v9, v8  }
0x1b8: {  	s23 =	simm.s32 $0x80;
	[tilespmem:s22+$0x5420] =	vst v1;
	v1 =	vld [tilespmem:s22+$0x460]  }
0x1b9: {  	s28 =	simm.s32 $0x400;
	v6 =	vmul.f32 v10, v6;
	v2 =	vld [tilespmem:s23+$0x470];
	[tilespmem:s22+$0x5430] =	vst v7  }
.LBB2_9:
0x1ba: {  	p2 =	sne.s32 s28, $0x4E00;
	v7 =	vld [tilespmem:s23+$0x2C70]  }
0x1bb: {  	v8 =	vld [tilespmem:s23+$0x400];
	[tilespmem:s22+$0x5440] =	vst v6;
	v3 =	vmul.f32 v4, v3  }
0x1bc: {  	v4 =	vld [tilespmem:s23+$0x2C00]  }
0x1bd: {  	v6 =	vld [tilespmem:s23+$0x410];
	[tilespmem:s22+$0x5450] =	vst v3;
	v1 =	vmul.f32 v5, v1  }
0x1be: {  	v3 =	vld [tilespmem:s23+$0x2C10]  }
0x1bf: {  	v5 =	vld [tilespmem:s23+$0x420];
	v2 =	vmul.f32 v7, v2;
	[tilespmem:s22+$0x5460] =	vst v1;
	s22 =	smov.u32 s23  }
0x1c0: {  	v1 =	vld [tilespmem:s22+$0x2C20]  }
0x1c1: {  	v4 =	vmul.f32 v4, v8;
	v7 =	vld [tilespmem:s22+$0x430];
	[tilespmem:s22+$0x5470] =	vst v2  }
0x1c2: {  	v2 =	vld [tilespmem:s22+$0x2C30]  }
0x1c3: {  	[tilespmem:s22+$0x5400] =	vst v4;
	v3 =	vmul.f32 v3, v6;
	v6 =	vld [tilespmem:s22+$0x440]  }
0x1c4: {  	v8 =	vld [tilespmem:s22+$0x2C40]  }
.Ltmp3:
0x1c5: {  	[tilespmem:s22+$0x5410] =	vst v3;
	v1 =	vmul.f32 v1, v5;
	v3 =	vld [tilespmem:s22+$0x450];
	(pc) =	sbr.rel @p2 .LBB2_9-.Ltmp3, $4  }
0x1c6: {  	v4 =	vld [tilespmem:s22+$0x2C50]  }
0x1c7: {  	[tilespmem:s22+$0x5420] =	vst v1;
	v7 =	vmul.f32 v2, v7;
	v1 =	vld [tilespmem:s22+$0x460]  }
0x1c8: {  	s23 =	sshra.s32 s28, $0x2;
	v5 =	vld [tilespmem:s22+$0x2C60]  }
0x1c9: {  	s28 =	sadd.s32 $0x200, s28;
	v2 =	vld [tilespmem:s23+$0x470];
	[tilespmem:s22+$0x5430] =	vst v7;
	v6 =	vmul.f32 v8, v6  }
0x1ca: {  	v7 =	vld [tilespmem:s23+$0x2C70]  }
0x1cb: {  	v8 =	vld [tilespmem:s23+$0x400];
	[tilespmem:s22+$0x5440] =	vst v6;
	v3 =	vmul.f32 v4, v3  }
0x1cc: {  	v4 =	vld [tilespmem:s23+$0x2C00]  }
0x1cd: {  	v6 =	vld [tilespmem:s23+$0x410];
	[tilespmem:s22+$0x5450] =	vst v3;
	v1 =	vmul.f32 v5, v1  }
0x1ce: {  	v3 =	vld [tilespmem:s23+$0x2C10]  }
0x1cf: {  	v5 =	vld [tilespmem:s23+$0x420];
	[tilespmem:s22+$0x5460] =	vst v1  }
0x1d0: {  	v1 =	vmul.f32 v7, v2;
	v2 =	vld [tilespmem:s23+$0x2C20]  }
0x1d1: {  	v7 =	vld [tilespmem:s23+$0x430]  }
0x1d2: {  	v4 =	vmul.f32 v4, v8;
	[tilespmem:s23+$0x5470] =	vst v1;
	v1 =	vld [tilespmem:s23+$0x2C30]  }
0x1d3: {  	v8 =	vld [tilespmem:s23+$0x2C60]  }
0x1d4: {  	[tilespmem:s23+$0x5400] =	vst v4;
	v3 =	vmul.f32 v3, v6;
	v4 =	vld [tilespmem:s23+$0x440]  }
0x1d5: {  	v6 =	vld [tilespmem:s23+$0x2C40]  }
0x1d6: {  	[tilespmem:s23+$0x5410] =	vst v3;
	v2 =	vmul.f32 v2, v5;
	v3 =	vld [tilespmem:s23+$0x450]  }
0x1d7: {  	v5 =	vld [tilespmem:s23+$0x2C50]  }
0x1d8: {  	[tilespmem:s23+$0x5420] =	vst v2;
	v2 =	vld [tilespmem:s23+$0x460];
	_ =	sdelay $0x1  }
0x1d9: {  	v1 =	vmul.f32 v1, v7  }
0x1da: {  	v4 =	vmul.f32 v6, v4  }
0x1db: {  	[tilespmem:s23+$0x5430] =	vst v1;
	v1 =	vmul.f32 v5, v3  }
0x1dc: {  	[tilespmem:s23+$0x5440] =	vst v4;
	v2 =	vmul.f32 v8, v2  }
0x1dd: {  	[tilespmem:s23+$0x5450] =	vst v1  }
0x1de: {  	[tilespmem:s23+$0x5460] =	vst v2  }
0x1df: {  	_ =	swait.ge [sflag:s21], $0x28  }
0x1e0: {  	[sflag:s21] =	ssyncset.done $0x0  }
0x1e1: {  	s18 =	simm.s32 $0x300;
	s28 =	simm.s32 $0x5400;
	[sflag:s21] =	ssyncadd.s32 $0xFFFFFFD8  }
0x1e2: {  	[spmem:s3] =	stream.indirect.scatter.add.f32 [tilespmem:s28], [sflag:$0x5], $0x80, s18, s26, $0xb8;
	[tilespmem:$0x1C800] =	vst v63  }
0x1e3: {  	_ =	swait.ge [sflag:s31], $0x1400  }
0x1e4: {  	[sflag:s31] =	ssyncset.done $0x0  }
0x1e5: {  	s22 =	simm.s32 @!p1 $0x7;
	[sflag:s31] =	ssyncadd.s32 $0xFFFFEC00  }
0x1e6: {  	_ =	swait.ge @!p1 [sflag:s22], $0x28  }
0x1e7: {  	s23 =	simm.s32 @!p1 $0x0;
	[sflag:s22] =	ssyncset.done @!p1 $0x0  }
0x1e8: {  	s28 =	simm.s32 @!p1 $0x400;
	[sflag:s22] =	ssyncadd.s32 @!p1 $0xFFFFFFD8;
	s22 =	simm.s32 @!p1 $0x28  }
0x1e9: {  	[tilespmem:s28], [sflag:$0x1] =	stream.indirect.gather @!p1 [hbm4b:s6+s22], $0x80, s23, s22, $0xb8;
	[tilespmem:$0x1C800] =	vst v63  }
0x1ea: {  	s5 =	smul.u32 @!p1 $0x1400, s5;
	s22 =	sld [smem:$0x7FD]  }
0x1eb: {  	_ = 	snop  }
0x1ec: {  	s5 =	sadd.s32 @!p1 s10, s5  }
0x1ed: {  	s5 =	sshrl.u32 @!p1 s5, $0x3;
	s17 =	sadd.s32 @!p1 s17, s22  }
0x1ee: {  	s5 =	sadd.s32 @!p1 s7, s5;
	s22 =	simm.s32 @!p1 $0x2C00;
	s17 =	smul.u32 @!p1 $0x28, s17  }
0x1ef: {  	[tilespmem:s22], [sflag:$0x3] =	stream.linear.gather @!p1 [hbm4b:s5+s23], $0x1400, $0x38;
	[tilespmem:$0x1C800] =	vst v63  }
0x1f0: {  	s5 =	sadd.s32 @!p1 s8, s17  }
0x1f1: {  	s5 =	sshrl.u32 @!p1 s5, $0x3  }
0x1f2: {  	s22 =	simm.s32 @!p1 $0x80;
	s5 =	sadd.s32 @!p1 s1, s5  }
0x1f3: {  	[tilespmem:s22], [sflag:$0x8] =	stream.linear.gather @!p1 [hbm4b:s5+s23], $0x28, $0x38;
	[tilespmem:$0x1C800] =	vst v63  }
0x1f4: {  	s5 =	sshrl.u32 @!p1 s17, $0x3  }
0x1f5: {  	s17 =	simm.s32 @!p1 $0x280;
	s5 =	sadd.s32 @!p1 s2, s5  }
0x1f6: {  	[tilespmem:s17], [sflag:$0xC] =	stream.linear.gather @!p1 [hbm4b:s5+s23], $0x28, $0x38;
	[tilespmem:$0x1C800] =	vst v63  }
0x1f7: {  	_ =	swait.ge [sflag:s24], $0x1400  }
0x1f8: {  	[sflag:s24] =	ssyncset.done $0x0  }
0x1f9: {  	[sflag:s24] =	ssyncadd.s32 $0xFFFFEC00  }
0x1fa: {  	_ =	swait.ge [sflag:s25], $0x1400  }
0x1fb: {  	[sflag:s25] =	ssyncset.done $0x0  }
0x1fc: {  	s5 =	simm.s32 $0x0;
	[sflag:s25] =	ssyncadd.s32 $0xFFFFEC00  }
0x1fd: {  	v1 =	vld [tilespmem:s5+$0x1870]  }
0x1fe: {  	v2 =	vld [tilespmem:s5+$0x4070]  }
0x1ff: {  	v3 =	vld [tilespmem:s5+$0x1800]  }
0x200: {  	v4 =	vld [tilespmem:s5+$0x4000]  }
0x201: {  	v5 =	vld [tilespmem:s5+$0x1810]  }
0x202: {  	v6 =	vld [tilespmem:s5+$0x4010]  }
0x203: {  	v7 =	vld [tilespmem:s5+$0x1820]  }
0x204: {  	v8 =	vld [tilespmem:s5+$0x1830]  }
0x205: {  	v1 =	vmul.f32 v2, v1;
	v2 =	vld [tilespmem:s5+$0x4020]  }
0x206: {  	v9 =	vld [tilespmem:s5+$0x4030]  }
0x207: {  	v10 =	vld [tilespmem:s5+$0x4040];
	v3 =	vmul.f32 v4, v3  }
0x208: {  	[tilespmem:s5+$0x6870] =	vst v1;
	v1 =	vmul.f32 v6, v5;
	v6 =	vld [tilespmem:s5+$0x1840]  }
0x209: {  	v4 =	vld [tilespmem:s5+$0x4050];
	[tilespmem:s5+$0x6800] =	vst v3  }
0x20a: {  	v3 =	vld [tilespmem:s5+$0x1850];
	[tilespmem:s5+$0x6810] =	vst v1;
	v1 =	vmul.f32 v2, v7  }
0x20b: {  	v5 =	vld [tilespmem:s5+$0x4060];
	v7 =	vmul.f32 v9, v8  }
0x20c: {  	s17 =	simm.s32 $0x80;
	[tilespmem:s5+$0x6820] =	vst v1;
	v1 =	vld [tilespmem:s5+$0x1860]  }
0x20d: {  	s22 =	simm.s32 $0x400;
	v6 =	vmul.f32 v10, v6;
	v2 =	vld [tilespmem:s17+$0x1870];
	[tilespmem:s5+$0x6830] =	vst v7  }
.LBB2_11:
0x20e: {  	p1 =	sne.s32 s22, $0x4E00;
	v7 =	vld [tilespmem:s17+$0x4070]  }
0x20f: {  	v8 =	vld [tilespmem:s17+$0x1800];
	[tilespmem:s5+$0x6840] =	vst v6;
	v3 =	vmul.f32 v4, v3  }
0x210: {  	v4 =	vld [tilespmem:s17+$0x4000]  }
0x211: {  	v6 =	vld [tilespmem:s17+$0x1810];
	[tilespmem:s5+$0x6850] =	vst v3;
	v1 =	vmul.f32 v5, v1  }
0x212: {  	v3 =	vld [tilespmem:s17+$0x4010]  }
0x213: {  	v5 =	vld [tilespmem:s17+$0x1820];
	v2 =	vmul.f32 v7, v2;
	[tilespmem:s5+$0x6860] =	vst v1;
	s5 =	smov.u32 s17  }
0x214: {  	v1 =	vld [tilespmem:s5+$0x4020]  }
0x215: {  	v4 =	vmul.f32 v4, v8;
	v7 =	vld [tilespmem:s5+$0x1830];
	[tilespmem:s5+$0x6870] =	vst v2  }
0x216: {  	v2 =	vld [tilespmem:s5+$0x4030]  }
0x217: {  	[tilespmem:s5+$0x6800] =	vst v4;
	v3 =	vmul.f32 v3, v6;
	v6 =	vld [tilespmem:s5+$0x1840]  }
0x218: {  	v8 =	vld [tilespmem:s5+$0x4040]  }
.Ltmp4:
0x219: {  	[tilespmem:s5+$0x6810] =	vst v3;
	v1 =	vmul.f32 v1, v5;
	v3 =	vld [tilespmem:s5+$0x1850];
	(pc) =	sbr.rel @p1 .LBB2_11-.Ltmp4, $4  }
0x21a: {  	v4 =	vld [tilespmem:s5+$0x4050]  }
0x21b: {  	[tilespmem:s5+$0x6820] =	vst v1;
	v7 =	vmul.f32 v2, v7;
	v1 =	vld [tilespmem:s5+$0x1860]  }
0x21c: {  	s17 =	sshra.s32 s22, $0x2;
	v5 =	vld [tilespmem:s5+$0x4060]  }
0x21d: {  	s22 =	sadd.s32 $0x200, s22;
	v2 =	vld [tilespmem:s17+$0x1870];
	[tilespmem:s5+$0x6830] =	vst v7;
	v6 =	vmul.f32 v8, v6  }
0x21e: {  	v7 =	vld [tilespmem:s17+$0x4070]  }
0x21f: {  	v8 =	vld [tilespmem:s17+$0x1800];
	[tilespmem:s5+$0x6840] =	vst v6;
	v3 =	vmul.f32 v4, v3  }
0x220: {  	v57 =	vld [tilespmem:s17+$0x4000]  }
0x221: {  	v6 =	vld [tilespmem:s17+$0x1810];
	[tilespmem:s5+$0x6850] =	vst v3;
	v1 =	vmul.f32 v5, v1  }
0x222: {  	v3 =	vld [tilespmem:s17+$0x4010]  }
0x223: {  	v58 =	vld [tilespmem:s17+$0x1820];
	[tilespmem:s5+$0x6860] =	vst v1  }
0x224: {  	v1 =	vmul.f32 v7, v2;
	v2 =	vld [tilespmem:s17+$0x4020]  }
0x225: {  	v59 =	vld [tilespmem:s17+$0x1830]  }
0x226: {  	v60 =	vld [tilespmem:s17+$0x1840]  }
0x227: {  	v61 =	vld [tilespmem:s17+$0x4040]  }
0x228: {  	v62 =	vld [tilespmem:s17+$0x4050]  }
0x229: {  	[tilespmem:s17+$0x6870] =	vst v1;
	v1 =	vld [tilespmem:s17+$0x4030];
	v3 =	vmul.f32 v3, v6  }
0x22a: {  	v63 =	vld [tilespmem:s17+$0x4060];
	v2 =	vmul.f32 v2, v58  }
0x22b: {  	[tilespmem:s17+$0x6810] =	vst v3;
	v3 =	vld [tilespmem:s17+$0x1850]  }
0x22c: {  	[tilespmem:s17+$0x6820] =	vst v2;
	v2 =	vld [tilespmem:s17+$0x1860]  }
0x22d: {  	v4 =	vmul.f32 v57, v8  }
0x22e: {  	v1 =	vmul.f32 v1, v59  }
0x22f: {  	[tilespmem:s17+$0x6800] =	vst v4;
	v4 =	vmul.f32 v61, v60  }
0x230: {  	[tilespmem:s17+$0x6830] =	vst v1;
	v1 =	vmul.f32 v62, v3  }
0x231: {  	s11 =	sadd.s32 $0x1, s11;
	[tilespmem:s17+$0x6840] =	vst v4;
	v2 =	vmul.f32 v63, v2  }
0x232: {  	p1 =	sne.s32 s11, $0x7D;
	[tilespmem:s17+$0x6850] =	vst v1  }
.Ltmp5:
0x233: {  	[tilespmem:s17+$0x6860] =	vst v2;
	(pc) =	sbr.rel @p1 .LBB2_4-.Ltmp5, $4  }
0x234: {  	_ =	swait.ge [sflag:s0], $0x28  }
0x235: {  	s23 =	simm.s32 $0x380;
	[sflag:s0] =	ssyncset.done $0x0  }
0x236: {  	s28 =	simm.s32 $0x6800;
	s18 =	simm.s32 $0x100;
	[sflag:s0] =	ssyncadd.s32 $0xFFFFFFD8  }
0x237: {  	[spmem:s3] =	stream.indirect.scatter.add.f32 [tilespmem:s28], [sflag:$0x6], $0x80, s23, s26, $0xb8;
	[tilespmem:$0x1C800] =	vst v63  }
0x238: {  	_ =	swait.ge [sflag:s29], $0x1400  }
0x239: {  	[sflag:s29] =	ssyncset.done $0x0  }
0x23a: {  	[sflag:s29] =	ssyncadd.s32 $0xFFFFEC00  }
0x23b: {  	_ =	swait.ge [sflag:s31], $0x1400  }
0x23c: {  	[sflag:s31] =	ssyncset.done $0x0  }
0x23d: {  	[sflag:s31] =	ssyncadd.s32 $0xFFFFEC00  }
0x23e: {  	[bflag:$0x0] =	sbarrier.arrive $0xFFFF  }
0x23f: {  	s11 =	rddreg [dreg:$0x5]  }
0x240: {  	s5 =	rddreg [dreg:$0xd];
	s17 =	sshrl.u32 @p0 s11, $0x3  }
0x241: {  	s4 =	simm.s32 @p0 $0x1FCF;
	[smem:$0x7E6] =	sst s17  }
0x242: {  	[hbm:s5], [sflag:s4] =	dma.local @p0 [spmem:s17], $0x1900  }
0x243: {  	s4 =	simm.s32 @p0 $0xF  }
0x244: {  	s5 =	stileid.u32;
	s17 =	sshrl.u32 @!p0 s11, $0x3;
	_ =	swait.ge @p0 [sflag:s4], $0x1900  }
0x245: {  	s5 =	sshll.u32 @!p0 s5, $0x6;
	[sflag:s4] =	ssyncset.done @p0 $0x0;
	[smem:$0x7E8] =	sst s17  }
0x246: {  	s5 =	sor.u32 @!p0 $0x1C0F, s5;
	[sflag:s4] =	ssyncadd.s32 @p0 $0xFFFFE700;
	s4 =	rddreg [dreg:$0x9]  }
0x247: {  	[smem:$0x7E7] =	sst s5  }
0x248: {  	[hbm:s4], [sflag:s5] =	dma.local @!p0 [spmem:s17], $0x2800  }
0x249: {  	s4 =	simm.s32 @!p0 $0xF  }
0x24a: {  	_ =	swait.ge @!p0 [sflag:s4], $0x2800  }
0x24b: {  	[sflag:s4] =	ssyncset.done @!p0 $0x0  }
0x24c: {  	s5 =	simm.s32 $0x7C00;
	[sflag:s4] =	ssyncadd.s32 @!p0 $0xFFFFD800  }
0x24d: {  	[spmem:s11] =	stream.linear.scatter [tilespmem:s5], [sflag:$0xF], $0xA00, $0x38;
	[tilespmem:$0x1C800] =	vst v63  }
0x24e: {  	s11 =	simm.s32 $0xF  }
0x24f: {  	_ =	swait.ge [sflag:s11], $0xA00  }
0x250: {  	[sflag:s11] =	ssyncset.done $0x0  }
0x251: {  	s23 =	rddreg [dreg:$0x13];
	[sflag:s11] =	ssyncadd.s32 $0xFFFFF600  }
0x252: {  	[spmem:s23] =	stream.linear.scatter [tilespmem:s5], [sflag:$0xF], $0xA00, $0x38;
	[tilespmem:$0x1C800] =	vst v63  }
0x253: {  	_ =	swait.ge [sflag:s11], $0xA00  }
0x254: {  	[sflag:s11] =	ssyncset.done $0x0  }
0x255: {  	s28 =	rddreg [dreg:$0x14];
	[sflag:s11] =	ssyncadd.s32 $0xFFFFF600  }
0x256: {  	[spmem:s28] =	stream.linear.scatter [tilespmem:s5], [sflag:$0xF], $0xA00, $0x38;
	[tilespmem:$0x1C800] =	vst v63  }
0x257: {  	_ =	swait.ge [sflag:s11], $0xA00  }
0x258: {  	[sflag:s11] =	ssyncset.done $0x0  }
0x259: {  	s17 =	rddreg [dreg:$0x15];
	[sflag:s11] =	ssyncadd.s32 $0xFFFFF600  }
0x25a: {  	[spmem:s17] =	stream.linear.scatter [tilespmem:s5], [sflag:$0xF], $0xA00, $0x38;
	[tilespmem:$0x1C800] =	vst v63  }
0x25b: {  	_ =	swait.ge [sflag:s11], $0xA00  }
0x25c: {  	[sflag:s11] =	ssyncset.done $0x0  }
0x25d: {  	s22 =	rddreg [dreg:$0x16];
	[sflag:s11] =	ssyncadd.s32 $0xFFFFF600  }
0x25e: {  	[spmem:s22] =	stream.linear.scatter [tilespmem:s5], [sflag:$0xF], $0xA00, $0x38;
	[tilespmem:$0x1C800] =	vst v63  }
0x25f: {  	_ =	swait.ge [sflag:s11], $0xA00  }
0x260: {  	[sflag:s11] =	ssyncset.done $0x0  }
0x261: {  	s23 =	rddreg [dreg:$0x17];
	[sflag:s11] =	ssyncadd.s32 $0xFFFFF600  }
0x262: {  	[spmem:s23] =	stream.linear.scatter [tilespmem:s5], [sflag:$0xF], $0xA00, $0x38;
	[tilespmem:$0x1C800] =	vst v63  }
0x263: {  	_ =	swait.ge [sflag:s11], $0xA00  }
0x264: {  	[sflag:s11] =	ssyncset.done $0x0  }
0x265: {  	s28 =	rddreg [dreg:$0x18];
	[sflag:s11] =	ssyncadd.s32 $0xFFFFF600  }
0x266: {  	[spmem:s28] =	stream.linear.scatter [tilespmem:s5], [sflag:$0xF], $0xA00, $0x38;
	[tilespmem:$0x1C800] =	vst v63  }
0x267: {  	_ =	swait.ge [sflag:s11], $0xA00  }
0x268: {  	[sflag:s11] =	ssyncset.done $0x0  }
0x269: {  	s17 =	rddreg [dreg:$0x19];
	[sflag:s11] =	ssyncadd.s32 $0xFFFFF600  }
0x26a: {  	[spmem:s17] =	stream.linear.scatter [tilespmem:s5], [sflag:$0xF], $0xA00, $0x38;
	[tilespmem:$0x1C800] =	vst v63  }
0x26b: {  	_ =	swait.ge [sflag:s11], $0xA00  }
0x26c: {  	[sflag:s11] =	ssyncset.done $0x0  }
0x26d: {  	s22 =	rddreg [dreg:$0x1a];
	[sflag:s11] =	ssyncadd.s32 $0xFFFFF600  }
0x26e: {  	[spmem:s22] =	stream.linear.scatter [tilespmem:s5], [sflag:$0xF], $0xA00, $0x38;
	[tilespmem:$0x1C800] =	vst v63  }
0x26f: {  	_ =	swait.ge [sflag:s11], $0xA00  }
0x270: {  	[sflag:s11] =	ssyncset.done $0x0  }
0x271: {  	s23 =	rddreg [dreg:$0x1b];
	[sflag:s11] =	ssyncadd.s32 $0xFFFFF600  }
0x272: {  	[spmem:s23] =	stream.linear.scatter [tilespmem:s5], [sflag:$0xF], $0xA00, $0x38;
	[tilespmem:$0x1C800] =	vst v63  }
0x273: {  	_ =	swait.ge [sflag:s11], $0xA00  }
0x274: {  	[sflag:s11] =	ssyncset.done $0x0  }
0x275: {  	s28 =	rddreg [dreg:$0x1c];
	[sflag:s11] =	ssyncadd.s32 $0xFFFFF600  }
0x276: {  	[spmem:s28] =	stream.linear.scatter [tilespmem:s5], [sflag:$0xF], $0xA00, $0x38;
	[tilespmem:$0x1C800] =	vst v63  }
0x277: {  	_ =	swait.ge [sflag:s11], $0xA00  }
0x278: {  	[sflag:s11] =	ssyncset.done $0x0  }
0x279: {  	s17 =	rddreg [dreg:$0x1d];
	[sflag:s11] =	ssyncadd.s32 $0xFFFFF600  }
0x27a: {  	[spmem:s17] =	stream.linear.scatter [tilespmem:s5], [sflag:$0xF], $0xA00, $0x38;
	[tilespmem:$0x1C800] =	vst v63  }
0x27b: {  	_ =	swait.ge [sflag:s11], $0xA00  }
0x27c: {  	[sflag:s11] =	ssyncset.done $0x0  }
0x27d: {  	s22 =	rddreg [dreg:$0x1e];
	[sflag:s11] =	ssyncadd.s32 $0xFFFFF600  }
0x27e: {  	[spmem:s22] =	stream.linear.scatter [tilespmem:s5], [sflag:$0xF], $0xA00, $0x38;
	[tilespmem:$0x1C800] =	vst v63  }
0x27f: {  	_ =	swait.ge [sflag:s11], $0xA00  }
0x280: {  	[sflag:s11] =	ssyncset.done $0x0  }
0x281: {  	s23 =	rddreg [dreg:$0x1f];
	[sflag:s11] =	ssyncadd.s32 $0xFFFFF600  }
0x282: {  	[spmem:s23] =	stream.linear.scatter [tilespmem:s5], [sflag:$0xF], $0xA00, $0x38;
	[tilespmem:$0x1C800] =	vst v63  }
0x283: {  	_ =	swait.ge [sflag:s11], $0xA00  }
0x284: {  	s28 =	sld [smem:$0x7EA]  }
0x285: {  	[sflag:s11] =	ssyncset.done $0x0  }
0x286: {  	[sflag:s11] =	ssyncadd.s32 $0xFFFFF600  }
0x287: {  	[spmem:s28] =	stream.linear.scatter [tilespmem:s5], [sflag:$0xF], $0xA00, $0x38;
	[tilespmem:$0x1C800] =	vst v63  }
0x288: {  	_ =	swait.ge [sflag:s11], $0xA00  }
0x289: {  	s17 =	sld [smem:$0x7EB]  }
0x28a: {  	[sflag:s11] =	ssyncset.done $0x0  }
0x28b: {  	[sflag:s11] =	ssyncadd.s32 $0xFFFFF600  }
0x28c: {  	[spmem:s17] =	stream.linear.scatter [tilespmem:s5], [sflag:$0xF], $0xA00, $0x38;
	[tilespmem:$0x1C800] =	vst v63  }
0x28d: {  	_ =	swait.ge [sflag:s11], $0xA00  }
0x28e: {  	s22 =	sld [smem:$0x7EC]  }
0x28f: {  	[sflag:s11] =	ssyncset.done $0x0  }
0x290: {  	[sflag:s11] =	ssyncadd.s32 $0xFFFFF600  }
0x291: {  	[spmem:s22] =	stream.linear.scatter [tilespmem:s5], [sflag:$0xF], $0xA00, $0x38;
	[tilespmem:$0x1C800] =	vst v63  }
0x292: {  	_ =	swait.ge [sflag:s11], $0xA00  }
0x293: {  	s23 =	sld [smem:$0x7ED]  }
0x294: {  	[sflag:s11] =	ssyncset.done $0x0  }
0x295: {  	[sflag:s11] =	ssyncadd.s32 $0xFFFFF600  }
0x296: {  	[spmem:s23] =	stream.linear.scatter [tilespmem:s5], [sflag:$0xF], $0xA00, $0x38;
	[tilespmem:$0x1C800] =	vst v63  }
0x297: {  	_ =	swait.ge [sflag:s11], $0xA00  }
0x298: {  	s28 =	sld [smem:$0x7EE]  }
0x299: {  	[sflag:s11] =	ssyncset.done $0x0  }
0x29a: {  	[sflag:s11] =	ssyncadd.s32 $0xFFFFF600  }
0x29b: {  	[spmem:s28] =	stream.linear.scatter [tilespmem:s5], [sflag:$0xF], $0xA00, $0x38;
	[tilespmem:$0x1C800] =	vst v63  }
0x29c: {  	_ =	swait.ge [sflag:s11], $0xA00  }
0x29d: {  	s17 =	sld [smem:$0x7EF]  }
0x29e: {  	[sflag:s11] =	ssyncset.done $0x0  }
0x29f: {  	[sflag:s11] =	ssyncadd.s32 $0xFFFFF600  }
0x2a0: {  	[spmem:s17] =	stream.linear.scatter [tilespmem:s5], [sflag:$0xF], $0xA00, $0x38;
	[tilespmem:$0x1C800] =	vst v63  }
0x2a1: {  	_ =	swait.ge [sflag:s11], $0xA00  }
0x2a2: {  	s22 =	sld [smem:$0x7F0]  }
0x2a3: {  	[sflag:s11] =	ssyncset.done $0x0  }
0x2a4: {  	[sflag:s11] =	ssyncadd.s32 $0xFFFFF600  }
0x2a5: {  	[spmem:s22] =	stream.linear.scatter [tilespmem:s5], [sflag:$0xF], $0xA00, $0x38;
	[tilespmem:$0x1C800] =	vst v63  }
0x2a6: {  	_ =	swait.ge [sflag:s11], $0xA00  }
0x2a7: {  	s23 =	sld [smem:$0x7F1]  }
0x2a8: {  	[sflag:s11] =	ssyncset.done $0x0  }
0x2a9: {  	[sflag:s11] =	ssyncadd.s32 $0xFFFFF600  }
0x2aa: {  	[spmem:s23] =	stream.linear.scatter [tilespmem:s5], [sflag:$0xF], $0xA00, $0x38;
	[tilespmem:$0x1C800] =	vst v63  }
0x2ab: {  	_ =	swait.ge [sflag:s11], $0xA00  }
0x2ac: {  	s28 =	sld [smem:$0x7F2]  }
0x2ad: {  	[sflag:s11] =	ssyncset.done $0x0  }
0x2ae: {  	[sflag:s11] =	ssyncadd.s32 $0xFFFFF600  }
0x2af: {  	[spmem:s28] =	stream.linear.scatter [tilespmem:s5], [sflag:$0xF], $0xA00, $0x38;
	[tilespmem:$0x1C800] =	vst v63  }
0x2b0: {  	_ =	swait.ge [sflag:s11], $0xA00  }
0x2b1: {  	s17 =	sld [smem:$0x7F3]  }
0x2b2: {  	[sflag:s11] =	ssyncset.done $0x0  }
0x2b3: {  	[sflag:s11] =	ssyncadd.s32 $0xFFFFF600  }
0x2b4: {  	[spmem:s17] =	stream.linear.scatter [tilespmem:s5], [sflag:$0xF], $0xA00, $0x38;
	[tilespmem:$0x1C800] =	vst v63  }
0x2b5: {  	_ =	swait.ge [sflag:s11], $0xA00  }
0x2b6: {  	s22 =	sld [smem:$0x7F4]  }
0x2b7: {  	[sflag:s11] =	ssyncset.done $0x0  }
0x2b8: {  	[sflag:s11] =	ssyncadd.s32 $0xFFFFF600  }
0x2b9: {  	[spmem:s22] =	stream.linear.scatter [tilespmem:s5], [sflag:$0xF], $0xA00, $0x38;
	[tilespmem:$0x1C800] =	vst v63  }
0x2ba: {  	_ =	swait.ge [sflag:s11], $0xA00  }
0x2bb: {  	s23 =	sld [smem:$0x7F5]  }
0x2bc: {  	[sflag:s11] =	ssyncset.done $0x0  }
0x2bd: {  	[sflag:s11] =	ssyncadd.s32 $0xFFFFF600  }
0x2be: {  	[spmem:s23] =	stream.linear.scatter [tilespmem:s5], [sflag:$0xF], $0xA00, $0x38;
	[tilespmem:$0x1C800] =	vst v63  }
0x2bf: {  	_ =	swait.ge [sflag:s11], $0xA00  }
0x2c0: {  	s28 =	sld [smem:$0x7F6]  }
0x2c1: {  	[sflag:s11] =	ssyncset.done $0x0  }
0x2c2: {  	[sflag:s11] =	ssyncadd.s32 $0xFFFFF600  }
0x2c3: {  	[spmem:s28] =	stream.linear.scatter [tilespmem:s5], [sflag:$0xF], $0xA00, $0x38;
	[tilespmem:$0x1C800] =	vst v63  }
0x2c4: {  	_ =	swait.ge [sflag:s11], $0xA00  }
0x2c5: {  	s17 =	sld [smem:$0x7F7]  }
0x2c6: {  	[sflag:s11] =	ssyncset.done $0x0  }
0x2c7: {  	[sflag:s11] =	ssyncadd.s32 $0xFFFFF600  }
0x2c8: {  	[spmem:s17] =	stream.linear.scatter [tilespmem:s5], [sflag:$0xF], $0xA00, $0x38;
	[tilespmem:$0x1C800] =	vst v63  }
0x2c9: {  	_ =	swait.ge [sflag:s11], $0xA00  }
0x2ca: {  	s22 =	sld [smem:$0x7F8]  }
0x2cb: {  	[sflag:s11] =	ssyncset.done $0x0  }
0x2cc: {  	[sflag:s11] =	ssyncadd.s32 $0xFFFFF600  }
0x2cd: {  	[spmem:s22] =	stream.linear.scatter [tilespmem:s5], [sflag:$0xF], $0xA00, $0x38;
	[tilespmem:$0x1C800] =	vst v63  }
0x2ce: {  	_ =	swait.ge [sflag:s11], $0xA00  }
0x2cf: {  	s23 =	sld [smem:$0x7F9]  }
0x2d0: {  	[sflag:s11] =	ssyncset.done $0x0  }
0x2d1: {  	[sflag:s11] =	ssyncadd.s32 $0xFFFFF600  }
0x2d2: {  	[spmem:s23] =	stream.linear.scatter [tilespmem:s5], [sflag:$0xF], $0xA00, $0x38;
	[tilespmem:$0x1C800] =	vst v63  }
0x2d3: {  	_ =	swait.ge [sflag:s11], $0xA00  }
0x2d4: {  	s28 =	sld [smem:$0x7FA]  }
0x2d5: {  	[sflag:s11] =	ssyncset.done $0x0  }
0x2d6: {  	[sflag:s11] =	ssyncadd.s32 $0xFFFFF600  }
0x2d7: {  	[spmem:s28] =	stream.linear.scatter [tilespmem:s5], [sflag:$0xF], $0xA00, $0x38;
	[tilespmem:$0x1C800] =	vst v63  }
0x2d8: {  	_ =	swait.ge [sflag:s11], $0xA00  }
0x2d9: {  	s17 =	sld [smem:$0x7FB]  }
0x2da: {  	[sflag:s11] =	ssyncset.done $0x0  }
0x2db: {  	[sflag:s11] =	ssyncadd.s32 $0xFFFFF600  }
0x2dc: {  	[spmem:s17] =	stream.linear.scatter [tilespmem:s5], [sflag:$0xF], $0xA00, $0x38;
	[tilespmem:$0x1C800] =	vst v63  }
0x2dd: {  	_ =	swait.ge [sflag:s11], $0xA00  }
0x2de: {  	[sflag:s11] =	ssyncset.done $0x0  }
0x2df: {  	[sflag:s11] =	ssyncadd.s32 $0xFFFFF600  }
0x2e0: {  	[bflag:$0x0] =	sbarrier.arrive $0xFFFF  }
0x2e1: {  	s4 =	simm.s32 $0x0;
	s22 =	rddreg [dreg:$0xe]  }
0x2e2: {  	[tilespmem:s4], [sflag:$0x7] =	stream.linear.gather [hbm4b:s22+s4], $0x28, $0x38;
	[tilespmem:$0x1C800] =	vst v63  }
0x2e3: {  	s28 =	simm.s32 $0x200;
	s23 =	rddreg [dreg:$0x7]  }
0x2e4: {  	[tilespmem:s28], [sflag:$0xB] =	stream.linear.gather [hbm4b:s23+s4], $0x28, $0x38;
	[tilespmem:$0x1C800] =	vst v63  }
0x2e5: {  	s17 =	rddreg [dreg:$0xf];
	s22 =	simm.s32 $0x80  }
0x2e6: {  	[tilespmem:s22], [sflag:$0x8] =	stream.linear.gather [hbm4b:s17+s4], $0x28, $0x38;
	[tilespmem:$0x1C800] =	vst v63  }
0x2e7: {  	s23 =	rddreg [dreg:$0xb];
	s28 =	simm.s32 $0x280;
	s17 =	simm.s32 $0x7  }
0x2e8: {  	[tilespmem:s28], [sflag:$0xC] =	stream.linear.gather [hbm4b:s23+s4], $0x28, $0x38;
	[tilespmem:$0x1C800] =	vst v63  }
0x2e9: {  	_ =	swait.ge [sflag:s17], $0x28  }
0x2ea: {  	[sflag:s17] =	ssyncset.done $0x0  }
0x2eb: {  	s22 =	simm.s32 $0x400;
	[sflag:s17] =	ssyncadd.s32 $0xFFFFFFD8  }
0x2ec: {  	[tilespmem:s22], [sflag:$0x1] =	stream.indirect.gather [hbm4b:s6+s26], $0x80, s4, s26, $0xb8;
	[tilespmem:$0x1C800] =	vst v63  }
0x2ed: {  	s11 =	simm.s32 $0x0;
	s28 =	simm.s32 $0x2C00;
	s23 =	rddreg [dreg:$0x10]  }
0x2ee: {  	[tilespmem:s28], [sflag:$0x3] =	stream.linear.gather [hbm4b:s23+s4], $0x1400, $0x38;
	[tilespmem:$0x1C800] =	vst v63  }
.LBB2_14:
0x2ef: {  	p1 =	seq.s32 s11, $0x0  }
0x2f0: {  	s5 =	simm.s32 @!p1 $0x5  }
0x2f1: {  	_ =	swait.ge @!p1 [sflag:s5], $0x1400  }
0x2f2: {  	[sflag:s5] =	ssyncset.done @!p1 $0x0  }
0x2f3: {  	s22 =	simm.s32 $0x8;
	[sflag:s5] =	ssyncadd.s32 @!p1 $0xFFFFEC00  }
0x2f4: {  	_ =	swait.ge [sflag:s22], $0x28  }
0x2f5: {  	s23 =	sld [smem:$0x7FC];
	_ =	sdelay $0x1  }
0x2f6: {  	s17 =	sshll.u32 s11, $0x2  }
0x2f7: {  	[sflag:s22] =	ssyncset.done $0x0;
	s5 =	sadd.s32 s17, s23  }
0x2f8: {  	[sflag:s22] =	ssyncadd.s32 $0xFFFFFFD8;
	s23 =	simm.s32 $0x80;
	s5 =	smul.u32 $0x1400, s5  }
0x2f9: {  	[tilespmem:s30], [sflag:$0x2] =	stream.indirect.gather [hbm4b:s6+s26], $0x80, s23, s26, $0xb8;
	[tilespmem:$0x1C800] =	vst v63  }
0x2fa: {  	s23 =	sadd.s32 s19, s5;
	s5 =	sadd.s32 s17, s13  }
0x2fb: {  	s23 =	sshrl.u32 s23, $0x3;
	s22 =	sadd.s32 $0x2, s5  }
0x2fc: {  	s30 =	simm.s32 $0x4000;
	s23 =	sadd.s32 s7, s23;
	s28 =	smul.u32 $0x28, s22  }
0x2fd: {  	[tilespmem:s30], [sflag:$0x4] =	stream.linear.gather [hbm4b:s23+s4], $0x1400, $0x38;
	[tilespmem:$0x1C800] =	vst v63  }
0x2fe: {  	s23 =	sadd.s32 s16, s28  }
0x2ff: {  	s23 =	sshrl.u32 s23, $0x3  }
0x300: {  	s23 =	sadd.s32 s1, s23  }
0x301: {  	[tilespmem:s18], [sflag:$0x9] =	stream.linear.gather [hbm4b:s23+s4], $0x28, $0x38;
	[tilespmem:$0x1C800] =	vst v63  }
0x302: {  	s23 =	sshrl.u32 s28, $0x3  }
0x303: {  	s28 =	simm.s32 $0x300;
	s23 =	sadd.s32 s2, s23  }
0x304: {  	[tilespmem:s28], [sflag:$0xD] =	stream.linear.gather [hbm4b:s23+s4], $0x28, $0x38;
	[tilespmem:$0x1C800] =	vst v63  }
0x305: {  	_ =	swait.ge [sflag:s14], $0x1400  }
0x306: {  	[sflag:s14] =	ssyncset.done $0x0  }
0x307: {  	[sflag:s14] =	ssyncadd.s32 $0xFFFFEC00  }
0x308: {  	_ =	swait.ge [sflag:s15], $0x1400  }
0x309: {  	[sflag:s15] =	ssyncset.done $0x0  }
0x30a: {  	s28 =	simm.s32 $0x0;
	[sflag:s15] =	ssyncadd.s32 $0xFFFFEC00  }
0x30b: {  	v1 =	vld [tilespmem:s28+$0x470]  }
0x30c: {  	v2 =	vld [tilespmem:s28+$0x2C70]  }
0x30d: {  	v3 =	vld [tilespmem:s28+$0x400]  }
0x30e: {  	v4 =	vld [tilespmem:s28+$0x2C00]  }
0x30f: {  	v5 =	vld [tilespmem:s28+$0x410]  }
0x310: {  	v6 =	vld [tilespmem:s28+$0x2C10]  }
0x311: {  	v7 =	vld [tilespmem:s28+$0x420]  }
0x312: {  	v8 =	vld [tilespmem:s28+$0x430]  }
0x313: {  	v1 =	vmul.f32 v2, v1;
	v2 =	vld [tilespmem:s28+$0x2C20]  }
0x314: {  	v9 =	vld [tilespmem:s28+$0x2C30]  }
0x315: {  	v10 =	vld [tilespmem:s28+$0x2C40];
	v3 =	vmul.f32 v4, v3  }
0x316: {  	[tilespmem:s28+$0x5470] =	vst v1;
	v1 =	vmul.f32 v6, v5;
	v6 =	vld [tilespmem:s28+$0x440]  }
0x317: {  	v4 =	vld [tilespmem:s28+$0x2C50];
	[tilespmem:s28+$0x5400] =	vst v3  }
0x318: {  	v3 =	vld [tilespmem:s28+$0x450];
	[tilespmem:s28+$0x5410] =	vst v1;
	v1 =	vmul.f32 v2, v7  }
0x319: {  	v5 =	vld [tilespmem:s28+$0x2C60];
	v7 =	vmul.f32 v9, v8  }
0x31a: {  	s23 =	simm.s32 $0x80;
	[tilespmem:s28+$0x5420] =	vst v1;
	v1 =	vld [tilespmem:s28+$0x460]  }
0x31b: {  	s30 =	simm.s32 $0x400;
	v6 =	vmul.f32 v10, v6;
	v2 =	vld [tilespmem:s23+$0x470];
	[tilespmem:s28+$0x5430] =	vst v7  }
.LBB2_15:
0x31c: {  	p2 =	sne.s32 s30, $0x4E00;
	v7 =	vld [tilespmem:s23+$0x2C70]  }
0x31d: {  	v8 =	vld [tilespmem:s23+$0x400];
	[tilespmem:s28+$0x5440] =	vst v6;
	v3 =	vmul.f32 v4, v3  }
0x31e: {  	v4 =	vld [tilespmem:s23+$0x2C00]  }
0x31f: {  	v6 =	vld [tilespmem:s23+$0x410];
	[tilespmem:s28+$0x5450] =	vst v3;
	v1 =	vmul.f32 v5, v1  }
0x320: {  	v3 =	vld [tilespmem:s23+$0x2C10]  }
0x321: {  	v5 =	vld [tilespmem:s23+$0x420];
	v2 =	vmul.f32 v7, v2;
	[tilespmem:s28+$0x5460] =	vst v1;
	s28 =	smov.u32 s23  }
0x322: {  	v1 =	vld [tilespmem:s28+$0x2C20]  }
0x323: {  	v4 =	vmul.f32 v4, v8;
	v7 =	vld [tilespmem:s28+$0x430];
	[tilespmem:s28+$0x5470] =	vst v2  }
0x324: {  	v2 =	vld [tilespmem:s28+$0x2C30]  }
0x325: {  	[tilespmem:s28+$0x5400] =	vst v4;
	v3 =	vmul.f32 v3, v6;
	v6 =	vld [tilespmem:s28+$0x440]  }
0x326: {  	v8 =	vld [tilespmem:s28+$0x2C40]  }
.Ltmp6:
0x327: {  	[tilespmem:s28+$0x5410] =	vst v3;
	v1 =	vmul.f32 v1, v5;
	v3 =	vld [tilespmem:s28+$0x450];
	(pc) =	sbr.rel @p2 .LBB2_15-.Ltmp6, $4  }
0x328: {  	v4 =	vld [tilespmem:s28+$0x2C50]  }
0x329: {  	[tilespmem:s28+$0x5420] =	vst v1;
	v7 =	vmul.f32 v2, v7;
	v1 =	vld [tilespmem:s28+$0x460]  }
0x32a: {  	s23 =	sshra.s32 s30, $0x2;
	v5 =	vld [tilespmem:s28+$0x2C60]  }
0x32b: {  	s30 =	sadd.s32 $0x200, s30;
	v2 =	vld [tilespmem:s23+$0x470];
	[tilespmem:s28+$0x5430] =	vst v7;
	v6 =	vmul.f32 v8, v6  }
0x32c: {  	v7 =	vld [tilespmem:s23+$0x2C70]  }
0x32d: {  	v8 =	vld [tilespmem:s23+$0x400];
	[tilespmem:s28+$0x5440] =	vst v6;
	v3 =	vmul.f32 v4, v3  }
0x32e: {  	v4 =	vld [tilespmem:s23+$0x2C00]  }
0x32f: {  	v6 =	vld [tilespmem:s23+$0x410];
	[tilespmem:s28+$0x5450] =	vst v3;
	v1 =	vmul.f32 v5, v1  }
0x330: {  	v3 =	vld [tilespmem:s23+$0x2C10]  }
0x331: {  	v5 =	vld [tilespmem:s23+$0x420];
	[tilespmem:s28+$0x5460] =	vst v1  }
0x332: {  	v1 =	vmul.f32 v7, v2;
	v2 =	vld [tilespmem:s23+$0x2C20]  }
0x333: {  	v7 =	vld [tilespmem:s23+$0x430]  }
0x334: {  	v4 =	vmul.f32 v4, v8;
	[tilespmem:s23+$0x5470] =	vst v1;
	v1 =	vld [tilespmem:s23+$0x2C30]  }
0x335: {  	v8 =	vld [tilespmem:s23+$0x2C60]  }
0x336: {  	[tilespmem:s23+$0x5400] =	vst v4;
	v3 =	vmul.f32 v3, v6;
	v4 =	vld [tilespmem:s23+$0x440]  }
0x337: {  	v6 =	vld [tilespmem:s23+$0x2C40]  }
0x338: {  	[tilespmem:s23+$0x5410] =	vst v3;
	v2 =	vmul.f32 v2, v5;
	v3 =	vld [tilespmem:s23+$0x450]  }
0x339: {  	v5 =	vld [tilespmem:s23+$0x2C50]  }
0x33a: {  	[tilespmem:s23+$0x5420] =	vst v2;
	v2 =	vld [tilespmem:s23+$0x460];
	_ =	sdelay $0x1  }
0x33b: {  	v1 =	vmul.f32 v1, v7  }
0x33c: {  	v4 =	vmul.f32 v6, v4  }
0x33d: {  	[tilespmem:s23+$0x5430] =	vst v1;
	v1 =	vmul.f32 v5, v3  }
0x33e: {  	[tilespmem:s23+$0x5440] =	vst v4;
	v2 =	vmul.f32 v8, v2  }
0x33f: {  	[tilespmem:s23+$0x5450] =	vst v1  }
0x340: {  	s30 =	simm.s32 $0xB;
	[tilespmem:s23+$0x5460] =	vst v2  }
0x341: {  	_ =	swait.ge [sflag:s30], $0x28  }
0x342: {  	s28 =	simm.s32 $0x5400;
	[sflag:s30] =	ssyncset.done $0x0  }
0x343: {  	s23 =	simm.s32 @!p1 $0x6;
	[sflag:s30] =	ssyncadd.s32 $0xFFFFFFD8;
	s30 =	simm.s32 $0x200  }
0x344: {  	[spmem:s3] =	stream.indirect.scatter.add.f32 [tilespmem:s28], [sflag:$0x5], $0x80, s30, s26, $0xb8;
	[tilespmem:$0x1C800] =	vst v63  }
0x345: {  	s22 =	smul.u32 $0x1400, s22;
	_ =	swait.ge @!p1 [sflag:s23], $0x1400  }
0x346: {  	[sflag:s23] =	ssyncset.done @!p1 $0x0  }
0x347: {  	s22 =	sadd.s32 s19, s22;
	[sflag:s23] =	ssyncadd.s32 @!p1 $0xFFFFEC00  }
0x348: {  	s22 =	sshrl.u32 s22, $0x3;
	_ =	swait.ge [sflag:s9], $0x28  }
0x349: {  	s5 =	sadd.s32 $0x3, s5;
	s22 =	sadd.s32 s7, s22;
	[sflag:s9] =	ssyncset.done $0x0  }
0x34a: {  	s30 =	simm.s32 $0x400;
	s28 =	smul.u32 $0x28, s5;
	[sflag:s9] =	ssyncadd.s32 $0xFFFFFFD8  }
0x34b: {  	[tilespmem:s30], [sflag:$0x1] =	stream.indirect.gather [hbm4b:s6+s26], $0x80, s18, s26, $0xb8;
	[tilespmem:$0x1C800] =	vst v63  }
0x34c: {  	s23 =	simm.s32 $0x0;
	s30 =	simm.s32 $0x2C00;
	s18 =	sadd.s32 s16, s28  }
0x34d: {  	[tilespmem:s30], [sflag:$0x3] =	stream.linear.gather [hbm4b:s22+s23], $0x1400, $0x38;
	[tilespmem:$0x1C800] =	vst v63  }
0x34e: {  	s22 =	sshrl.u32 s18, $0x3  }
0x34f: {  	s30 =	simm.s32 $0x180;
	s18 =	sshrl.u32 s28, $0x3;
	s22 =	sadd.s32 s1, s22  }
0x350: {  	[tilespmem:s30], [sflag:$0xA] =	stream.linear.gather [hbm4b:s22+s23], $0x28, $0x38;
	[tilespmem:$0x1C800] =	vst v63  }
0x351: {  	s22 =	sadd.s32 s2, s18;
	s30 =	simm.s32 $0x380  }
0x352: {  	[tilespmem:s30], [sflag:$0xE] =	stream.linear.gather [hbm4b:s22+s23], $0x28, $0x38;
	[tilespmem:$0x1C800] =	vst v63  }
0x353: {  	_ =	swait.ge [sflag:s24], $0x1400  }
0x354: {  	[sflag:s24] =	ssyncset.done $0x0  }
0x355: {  	[sflag:s24] =	ssyncadd.s32 $0xFFFFEC00  }
0x356: {  	_ =	swait.ge [sflag:s25], $0x1400  }
0x357: {  	[sflag:s25] =	ssyncset.done $0x0  }
0x358: {  	s22 =	simm.s32 $0x0;
	[sflag:s25] =	ssyncadd.s32 $0xFFFFEC00  }
0x359: {  	v1 =	vld [tilespmem:s22+$0x1870]  }
0x35a: {  	v2 =	vld [tilespmem:s22+$0x4070]  }
0x35b: {  	v3 =	vld [tilespmem:s22+$0x1800]  }
0x35c: {  	v4 =	vld [tilespmem:s22+$0x4000]  }
0x35d: {  	v5 =	vld [tilespmem:s22+$0x1810]  }
0x35e: {  	v6 =	vld [tilespmem:s22+$0x4010]  }
0x35f: {  	v7 =	vld [tilespmem:s22+$0x1820]  }
0x360: {  	v8 =	vld [tilespmem:s22+$0x1830]  }
0x361: {  	v1 =	vmul.f32 v2, v1;
	v2 =	vld [tilespmem:s22+$0x4020]  }
0x362: {  	v9 =	vld [tilespmem:s22+$0x4030]  }
0x363: {  	v10 =	vld [tilespmem:s22+$0x4040];
	v3 =	vmul.f32 v4, v3  }
0x364: {  	[tilespmem:s22+$0x6870] =	vst v1;
	v1 =	vmul.f32 v6, v5;
	v6 =	vld [tilespmem:s22+$0x1840]  }
0x365: {  	v4 =	vld [tilespmem:s22+$0x4050];
	[tilespmem:s22+$0x6800] =	vst v3  }
0x366: {  	v3 =	vld [tilespmem:s22+$0x1850];
	[tilespmem:s22+$0x6810] =	vst v1;
	v1 =	vmul.f32 v2, v7  }
0x367: {  	v5 =	vld [tilespmem:s22+$0x4060];
	v7 =	vmul.f32 v9, v8  }
0x368: {  	s23 =	simm.s32 $0x80;
	[tilespmem:s22+$0x6820] =	vst v1;
	v1 =	vld [tilespmem:s22+$0x1860]  }
0x369: {  	s28 =	simm.s32 $0x400;
	v6 =	vmul.f32 v10, v6;
	v2 =	vld [tilespmem:s23+$0x1870];
	[tilespmem:s22+$0x6830] =	vst v7  }
.LBB2_17:
0x36a: {  	p1 =	sne.s32 s28, $0x4E00;
	v7 =	vld [tilespmem:s23+$0x4070]  }
0x36b: {  	v8 =	vld [tilespmem:s23+$0x1800];
	[tilespmem:s22+$0x6840] =	vst v6;
	v3 =	vmul.f32 v4, v3  }
0x36c: {  	v4 =	vld [tilespmem:s23+$0x4000]  }
0x36d: {  	v6 =	vld [tilespmem:s23+$0x1810];
	[tilespmem:s22+$0x6850] =	vst v3;
	v1 =	vmul.f32 v5, v1  }
0x36e: {  	v3 =	vld [tilespmem:s23+$0x4010]  }
0x36f: {  	v5 =	vld [tilespmem:s23+$0x1820];
	v2 =	vmul.f32 v7, v2;
	[tilespmem:s22+$0x6860] =	vst v1;
	s22 =	smov.u32 s23  }
0x370: {  	v1 =	vld [tilespmem:s22+$0x4020]  }
0x371: {  	v4 =	vmul.f32 v4, v8;
	v7 =	vld [tilespmem:s22+$0x1830];
	[tilespmem:s22+$0x6870] =	vst v2  }
0x372: {  	v2 =	vld [tilespmem:s22+$0x4030]  }
0x373: {  	[tilespmem:s22+$0x6800] =	vst v4;
	v3 =	vmul.f32 v3, v6;
	v6 =	vld [tilespmem:s22+$0x1840]  }
0x374: {  	v8 =	vld [tilespmem:s22+$0x4040]  }
.Ltmp7:
0x375: {  	[tilespmem:s22+$0x6810] =	vst v3;
	v1 =	vmul.f32 v1, v5;
	v3 =	vld [tilespmem:s22+$0x1850];
	(pc) =	sbr.rel @p1 .LBB2_17-.Ltmp7, $4  }
0x376: {  	v4 =	vld [tilespmem:s22+$0x4050]  }
0x377: {  	[tilespmem:s22+$0x6820] =	vst v1;
	v7 =	vmul.f32 v2, v7;
	v1 =	vld [tilespmem:s22+$0x1860]  }
0x378: {  	s23 =	sshra.s32 s28, $0x2;
	v5 =	vld [tilespmem:s22+$0x4060]  }
0x379: {  	s28 =	sadd.s32 $0x200, s28;
	v2 =	vld [tilespmem:s23+$0x1870];
	[tilespmem:s22+$0x6830] =	vst v7;
	v6 =	vmul.f32 v8, v6  }
0x37a: {  	v7 =	vld [tilespmem:s23+$0x4070]  }
0x37b: {  	v8 =	vld [tilespmem:s23+$0x1800];
	[tilespmem:s22+$0x6840] =	vst v6;
	v3 =	vmul.f32 v4, v3  }
0x37c: {  	v4 =	vld [tilespmem:s23+$0x4000]  }
0x37d: {  	v6 =	vld [tilespmem:s23+$0x1810];
	[tilespmem:s22+$0x6850] =	vst v3;
	v1 =	vmul.f32 v5, v1  }
0x37e: {  	v3 =	vld [tilespmem:s23+$0x4010]  }
0x37f: {  	v5 =	vld [tilespmem:s23+$0x1820];
	[tilespmem:s22+$0x6860] =	vst v1  }
0x380: {  	v1 =	vmul.f32 v7, v2;
	v2 =	vld [tilespmem:s23+$0x4020]  }
0x381: {  	v7 =	vld [tilespmem:s23+$0x1830]  }
0x382: {  	v4 =	vmul.f32 v4, v8;
	[tilespmem:s23+$0x6870] =	vst v1;
	v1 =	vld [tilespmem:s23+$0x4030]  }
0x383: {  	v8 =	vld [tilespmem:s23+$0x4060]  }
0x384: {  	[tilespmem:s23+$0x6800] =	vst v4;
	v3 =	vmul.f32 v3, v6;
	v4 =	vld [tilespmem:s23+$0x1840]  }
0x385: {  	v6 =	vld [tilespmem:s23+$0x4040]  }
0x386: {  	[tilespmem:s23+$0x6810] =	vst v3;
	v2 =	vmul.f32 v2, v5;
	v3 =	vld [tilespmem:s23+$0x1850]  }
0x387: {  	v5 =	vld [tilespmem:s23+$0x4050]  }
0x388: {  	[tilespmem:s23+$0x6820] =	vst v2;
	v2 =	vld [tilespmem:s23+$0x1860];
	_ =	sdelay $0x1  }
0x389: {  	v1 =	vmul.f32 v1, v7  }
0x38a: {  	v4 =	vmul.f32 v6, v4  }
0x38b: {  	[tilespmem:s23+$0x6830] =	vst v1;
	v1 =	vmul.f32 v5, v3  }
0x38c: {  	[tilespmem:s23+$0x6840] =	vst v4;
	v2 =	vmul.f32 v8, v2  }
0x38d: {  	[tilespmem:s23+$0x6850] =	vst v1  }
0x38e: {  	[tilespmem:s23+$0x6860] =	vst v2  }
0x38f: {  	_ =	swait.ge [sflag:s12], $0x28  }
0x390: {  	[sflag:s12] =	ssyncset.done $0x0  }
0x391: {  	s18 =	simm.s32 $0x6800;
	s23 =	simm.s32 $0x280;
	[sflag:s12] =	ssyncadd.s32 $0xFFFFFFD8  }
0x392: {  	[spmem:s3] =	stream.indirect.scatter.add.f32 [tilespmem:s18], [sflag:$0x6], $0x80, s23, s26, $0xb8;
	[tilespmem:$0x1C800] =	vst v63  }
0x393: {  	_ =	swait.ge [sflag:s29], $0x1400  }
0x394: {  	s5 =	smul.u32 $0x1400, s5;
	[sflag:s29] =	ssyncset.done $0x0  }
0x395: {  	s30 =	simm.s32 $0x1800;
	p1 =	seq.s32 s11, $0x7C;
	[sflag:s29] =	ssyncadd.s32 $0xFFFFEC00  }
0x396: {  	s28 =	simm.s32 $0x0;
	s5 =	sadd.s32 s19, s5;
	_ =	swait.ge [sflag:s20], $0x28  }
0x397: {  	s22 =	sadd.s32 $0x4, s17;
	s23 =	simm.s32 $0x180;
	[sflag:s20] =	ssyncset.done $0x0  }
0x398: {  	s18 =	sshrl.u32 s5, $0x3;
	s5 =	sadd.s32 @!p1 s13, s22;
	[sflag:s20] =	ssyncadd.s32 $0xFFFFFFD8  }
0x399: {  	[tilespmem:s30], [sflag:$0x2] =	stream.indirect.gather [hbm4b:s6+s26], $0x80, s23, s26, $0xb8;
	[tilespmem:$0x1C800] =	vst v63  }
0x39a: {  	s22 =	sadd.s32 s7, s18;
	s18 =	simm.s32 $0x4000;
	s23 =	smul.u32 @!p1 $0x28, s5  }
0x39b: {  	[tilespmem:s18], [sflag:$0x4] =	stream.linear.gather [hbm4b:s22+s28], $0x1400, $0x38;
	[tilespmem:$0x1C800] =	vst v63  }
0x39c: {  	s22 =	sadd.s32 @!p1 s16, s23  }
0x39d: {  	s22 =	sshrl.u32 @!p1 s22, $0x3  }
0x39e: {  	s28 =	simm.s32 @!p1 $0x0;
	s22 =	sadd.s32 @!p1 s1, s22  }
0x39f: {  	[tilespmem:s28], [sflag:$0x7] =	stream.linear.gather @!p1 [hbm4b:s22+s28], $0x28, $0x38;
	[tilespmem:$0x1C800] =	vst v63  }
0x3a0: {  	s22 =	sshrl.u32 @!p1 s23, $0x3  }
0x3a1: {  	s23 =	simm.s32 @!p1 $0x200;
	s22 =	sadd.s32 @!p1 s2, s22  }
0x3a2: {  	[tilespmem:s23], [sflag:$0xB] =	stream.linear.gather @!p1 [hbm4b:s22+s28], $0x28, $0x38;
	[tilespmem:$0x1C800] =	vst v63  }
0x3a3: {  	_ =	swait.ge [sflag:s14], $0x1400  }
0x3a4: {  	[sflag:s14] =	ssyncset.done $0x0  }
0x3a5: {  	[sflag:s14] =	ssyncadd.s32 $0xFFFFEC00  }
0x3a6: {  	_ =	swait.ge [sflag:s15], $0x1400  }
0x3a7: {  	[sflag:s15] =	ssyncset.done $0x0  }
0x3a8: {  	s22 =	simm.s32 $0x0;
	[sflag:s15] =	ssyncadd.s32 $0xFFFFEC00  }
0x3a9: {  	v1 =	vld [tilespmem:s22+$0x470]  }
0x3aa: {  	v2 =	vld [tilespmem:s22+$0x2C70]  }
0x3ab: {  	v3 =	vld [tilespmem:s22+$0x400]  }
0x3ac: {  	v4 =	vld [tilespmem:s22+$0x2C00]  }
0x3ad: {  	v5 =	vld [tilespmem:s22+$0x410]  }
0x3ae: {  	v6 =	vld [tilespmem:s22+$0x2C10]  }
0x3af: {  	v7 =	vld [tilespmem:s22+$0x420]  }
0x3b0: {  	v8 =	vld [tilespmem:s22+$0x430]  }
0x3b1: {  	v1 =	vmul.f32 v2, v1;
	v2 =	vld [tilespmem:s22+$0x2C20]  }
0x3b2: {  	v9 =	vld [tilespmem:s22+$0x2C30]  }
0x3b3: {  	v10 =	vld [tilespmem:s22+$0x2C40];
	v3 =	vmul.f32 v4, v3  }
0x3b4: {  	[tilespmem:s22+$0x5470] =	vst v1;
	v1 =	vmul.f32 v6, v5;
	v6 =	vld [tilespmem:s22+$0x440]  }
0x3b5: {  	v4 =	vld [tilespmem:s22+$0x2C50];
	[tilespmem:s22+$0x5400] =	vst v3  }
0x3b6: {  	v3 =	vld [tilespmem:s22+$0x450];
	[tilespmem:s22+$0x5410] =	vst v1;
	v1 =	vmul.f32 v2, v7  }
0x3b7: {  	v5 =	vld [tilespmem:s22+$0x2C60];
	v7 =	vmul.f32 v9, v8  }
0x3b8: {  	s23 =	simm.s32 $0x80;
	[tilespmem:s22+$0x5420] =	vst v1;
	v1 =	vld [tilespmem:s22+$0x460]  }
0x3b9: {  	s28 =	simm.s32 $0x400;
	v6 =	vmul.f32 v10, v6;
	v2 =	vld [tilespmem:s23+$0x470];
	[tilespmem:s22+$0x5430] =	vst v7  }
.LBB2_19:
0x3ba: {  	p2 =	sne.s32 s28, $0x4E00;
	v7 =	vld [tilespmem:s23+$0x2C70]  }
0x3bb: {  	v8 =	vld [tilespmem:s23+$0x400];
	[tilespmem:s22+$0x5440] =	vst v6;
	v3 =	vmul.f32 v4, v3  }
0x3bc: {  	v4 =	vld [tilespmem:s23+$0x2C00]  }
0x3bd: {  	v6 =	vld [tilespmem:s23+$0x410];
	[tilespmem:s22+$0x5450] =	vst v3;
	v1 =	vmul.f32 v5, v1  }
0x3be: {  	v3 =	vld [tilespmem:s23+$0x2C10]  }
0x3bf: {  	v5 =	vld [tilespmem:s23+$0x420];
	v2 =	vmul.f32 v7, v2;
	[tilespmem:s22+$0x5460] =	vst v1;
	s22 =	smov.u32 s23  }
0x3c0: {  	v1 =	vld [tilespmem:s22+$0x2C20]  }
0x3c1: {  	v4 =	vmul.f32 v4, v8;
	v7 =	vld [tilespmem:s22+$0x430];
	[tilespmem:s22+$0x5470] =	vst v2  }
0x3c2: {  	v2 =	vld [tilespmem:s22+$0x2C30]  }
0x3c3: {  	[tilespmem:s22+$0x5400] =	vst v4;
	v3 =	vmul.f32 v3, v6;
	v6 =	vld [tilespmem:s22+$0x440]  }
0x3c4: {  	v8 =	vld [tilespmem:s22+$0x2C40]  }
.Ltmp8:
0x3c5: {  	[tilespmem:s22+$0x5410] =	vst v3;
	v1 =	vmul.f32 v1, v5;
	v3 =	vld [tilespmem:s22+$0x450];
	(pc) =	sbr.rel @p2 .LBB2_19-.Ltmp8, $4  }
0x3c6: {  	v4 =	vld [tilespmem:s22+$0x2C50]  }
0x3c7: {  	[tilespmem:s22+$0x5420] =	vst v1;
	v7 =	vmul.f32 v2, v7;
	v1 =	vld [tilespmem:s22+$0x460]  }
0x3c8: {  	s23 =	sshra.s32 s28, $0x2;
	v5 =	vld [tilespmem:s22+$0x2C60]  }
0x3c9: {  	s28 =	sadd.s32 $0x200, s28;
	v2 =	vld [tilespmem:s23+$0x470];
	[tilespmem:s22+$0x5430] =	vst v7;
	v6 =	vmul.f32 v8, v6  }
0x3ca: {  	v7 =	vld [tilespmem:s23+$0x2C70]  }
0x3cb: {  	v8 =	vld [tilespmem:s23+$0x400];
	[tilespmem:s22+$0x5440] =	vst v6;
	v3 =	vmul.f32 v4, v3  }
0x3cc: {  	v4 =	vld [tilespmem:s23+$0x2C00]  }
0x3cd: {  	v6 =	vld [tilespmem:s23+$0x410];
	[tilespmem:s22+$0x5450] =	vst v3;
	v1 =	vmul.f32 v5, v1  }
0x3ce: {  	v3 =	vld [tilespmem:s23+$0x2C10]  }
0x3cf: {  	v5 =	vld [tilespmem:s23+$0x420];
	[tilespmem:s22+$0x5460] =	vst v1  }
0x3d0: {  	v1 =	vmul.f32 v7, v2;
	v2 =	vld [tilespmem:s23+$0x2C20]  }
0x3d1: {  	v7 =	vld [tilespmem:s23+$0x430]  }
0x3d2: {  	v4 =	vmul.f32 v4, v8;
	[tilespmem:s23+$0x5470] =	vst v1;
	v1 =	vld [tilespmem:s23+$0x2C30]  }
0x3d3: {  	v8 =	vld [tilespmem:s23+$0x2C60]  }
0x3d4: {  	[tilespmem:s23+$0x5400] =	vst v4;
	v3 =	vmul.f32 v3, v6;
	v4 =	vld [tilespmem:s23+$0x440]  }
0x3d5: {  	v6 =	vld [tilespmem:s23+$0x2C40]  }
0x3d6: {  	[tilespmem:s23+$0x5410] =	vst v3;
	v2 =	vmul.f32 v2, v5;
	v3 =	vld [tilespmem:s23+$0x450]  }
0x3d7: {  	v5 =	vld [tilespmem:s23+$0x2C50]  }
0x3d8: {  	[tilespmem:s23+$0x5420] =	vst v2;
	v2 =	vld [tilespmem:s23+$0x460];
	_ =	sdelay $0x1  }
0x3d9: {  	v1 =	vmul.f32 v1, v7  }
0x3da: {  	v4 =	vmul.f32 v6, v4  }
0x3db: {  	[tilespmem:s23+$0x5430] =	vst v1;
	v1 =	vmul.f32 v5, v3  }
0x3dc: {  	[tilespmem:s23+$0x5440] =	vst v4;
	v2 =	vmul.f32 v8, v2  }
0x3dd: {  	[tilespmem:s23+$0x5450] =	vst v1  }
0x3de: {  	[tilespmem:s23+$0x5460] =	vst v2  }
0x3df: {  	_ =	swait.ge [sflag:s21], $0x28  }
0x3e0: {  	[sflag:s21] =	ssyncset.done $0x0  }
0x3e1: {  	s18 =	simm.s32 $0x300;
	s28 =	simm.s32 $0x5400;
	[sflag:s21] =	ssyncadd.s32 $0xFFFFFFD8  }
0x3e2: {  	[spmem:s3] =	stream.indirect.scatter.add.f32 [tilespmem:s28], [sflag:$0x5], $0x80, s18, s26, $0xb8;
	[tilespmem:$0x1C800] =	vst v63  }
0x3e3: {  	_ =	swait.ge [sflag:s31], $0x1400  }
0x3e4: {  	[sflag:s31] =	ssyncset.done $0x0  }
0x3e5: {  	s22 =	simm.s32 @!p1 $0x7;
	[sflag:s31] =	ssyncadd.s32 $0xFFFFEC00  }
0x3e6: {  	_ =	swait.ge @!p1 [sflag:s22], $0x28  }
0x3e7: {  	s23 =	simm.s32 @!p1 $0x0;
	[sflag:s22] =	ssyncset.done @!p1 $0x0  }
0x3e8: {  	s28 =	simm.s32 @!p1 $0x400;
	[sflag:s22] =	ssyncadd.s32 @!p1 $0xFFFFFFD8;
	s22 =	simm.s32 @!p1 $0x28  }
0x3e9: {  	[tilespmem:s28], [sflag:$0x1] =	stream.indirect.gather @!p1 [hbm4b:s6+s22], $0x80, s23, s22, $0xb8;
	[tilespmem:$0x1C800] =	vst v63  }
0x3ea: {  	s5 =	smul.u32 @!p1 $0x1400, s5;
	s22 =	sld [smem:$0x7FD]  }
0x3eb: {  	_ = 	snop  }
0x3ec: {  	s5 =	sadd.s32 @!p1 s19, s5  }
0x3ed: {  	s5 =	sshrl.u32 @!p1 s5, $0x3;
	s17 =	sadd.s32 @!p1 s17, s22  }
0x3ee: {  	s5 =	sadd.s32 @!p1 s7, s5;
	s22 =	simm.s32 @!p1 $0x2C00;
	s17 =	smul.u32 @!p1 $0x28, s17  }
0x3ef: {  	[tilespmem:s22], [sflag:$0x3] =	stream.linear.gather @!p1 [hbm4b:s5+s23], $0x1400, $0x38;
	[tilespmem:$0x1C800] =	vst v63  }
0x3f0: {  	s5 =	sadd.s32 @!p1 s16, s17  }
0x3f1: {  	s5 =	sshrl.u32 @!p1 s5, $0x3  }
0x3f2: {  	s22 =	simm.s32 @!p1 $0x80;
	s5 =	sadd.s32 @!p1 s1, s5  }
0x3f3: {  	[tilespmem:s22], [sflag:$0x8] =	stream.linear.gather @!p1 [hbm4b:s5+s23], $0x28, $0x38;
	[tilespmem:$0x1C800] =	vst v63  }
0x3f4: {  	s5 =	sshrl.u32 @!p1 s17, $0x3  }
0x3f5: {  	s17 =	simm.s32 @!p1 $0x280;
	s5 =	sadd.s32 @!p1 s2, s5  }
0x3f6: {  	[tilespmem:s17], [sflag:$0xC] =	stream.linear.gather @!p1 [hbm4b:s5+s23], $0x28, $0x38;
	[tilespmem:$0x1C800] =	vst v63  }
0x3f7: {  	_ =	swait.ge [sflag:s24], $0x1400  }
0x3f8: {  	[sflag:s24] =	ssyncset.done $0x0  }
0x3f9: {  	[sflag:s24] =	ssyncadd.s32 $0xFFFFEC00  }
0x3fa: {  	_ =	swait.ge [sflag:s25], $0x1400  }
0x3fb: {  	[sflag:s25] =	ssyncset.done $0x0  }
0x3fc: {  	s5 =	simm.s32 $0x0;
	[sflag:s25] =	ssyncadd.s32 $0xFFFFEC00  }
0x3fd: {  	v1 =	vld [tilespmem:s5+$0x1870]  }
0x3fe: {  	v2 =	vld [tilespmem:s5+$0x4070]  }
0x3ff: {  	v3 =	vld [tilespmem:s5+$0x1800]  }
0x400: {  	v4 =	vld [tilespmem:s5+$0x4000]  }
0x401: {  	v5 =	vld [tilespmem:s5+$0x1810]  }
0x402: {  	v6 =	vld [tilespmem:s5+$0x4010]  }
0x403: {  	v7 =	vld [tilespmem:s5+$0x1820]  }
0x404: {  	v8 =	vld [tilespmem:s5+$0x1830]  }
0x405: {  	v1 =	vmul.f32 v2, v1;
	v2 =	vld [tilespmem:s5+$0x4020]  }
0x406: {  	v9 =	vld [tilespmem:s5+$0x4030]  }
0x407: {  	v10 =	vld [tilespmem:s5+$0x4040];
	v3 =	vmul.f32 v4, v3  }
0x408: {  	[tilespmem:s5+$0x6870] =	vst v1;
	v1 =	vmul.f32 v6, v5;
	v6 =	vld [tilespmem:s5+$0x1840]  }
0x409: {  	v4 =	vld [tilespmem:s5+$0x4050];
	[tilespmem:s5+$0x6800] =	vst v3  }
0x40a: {  	v3 =	vld [tilespmem:s5+$0x1850];
	[tilespmem:s5+$0x6810] =	vst v1;
	v1 =	vmul.f32 v2, v7  }
0x40b: {  	v5 =	vld [tilespmem:s5+$0x4060];
	v7 =	vmul.f32 v9, v8  }
0x40c: {  	s17 =	simm.s32 $0x80;
	[tilespmem:s5+$0x6820] =	vst v1;
	v1 =	vld [tilespmem:s5+$0x1860]  }
0x40d: {  	s22 =	simm.s32 $0x400;
	v6 =	vmul.f32 v10, v6;
	v2 =	vld [tilespmem:s17+$0x1870];
	[tilespmem:s5+$0x6830] =	vst v7  }
.LBB2_21:
0x40e: {  	p1 =	sne.s32 s22, $0x4E00;
	v7 =	vld [tilespmem:s17+$0x4070]  }
0x40f: {  	v8 =	vld [tilespmem:s17+$0x1800];
	[tilespmem:s5+$0x6840] =	vst v6;
	v3 =	vmul.f32 v4, v3  }
0x410: {  	v4 =	vld [tilespmem:s17+$0x4000]  }
0x411: {  	v6 =	vld [tilespmem:s17+$0x1810];
	[tilespmem:s5+$0x6850] =	vst v3;
	v1 =	vmul.f32 v5, v1  }
0x412: {  	v3 =	vld [tilespmem:s17+$0x4010]  }
0x413: {  	v5 =	vld [tilespmem:s17+$0x1820];
	v2 =	vmul.f32 v7, v2;
	[tilespmem:s5+$0x6860] =	vst v1;
	s5 =	smov.u32 s17  }
0x414: {  	v1 =	vld [tilespmem:s5+$0x4020]  }
0x415: {  	v4 =	vmul.f32 v4, v8;
	v7 =	vld [tilespmem:s5+$0x1830];
	[tilespmem:s5+$0x6870] =	vst v2  }
0x416: {  	v2 =	vld [tilespmem:s5+$0x4030]  }
0x417: {  	[tilespmem:s5+$0x6800] =	vst v4;
	v3 =	vmul.f32 v3, v6;
	v6 =	vld [tilespmem:s5+$0x1840]  }
0x418: {  	v8 =	vld [tilespmem:s5+$0x4040]  }
.Ltmp9:
0x419: {  	[tilespmem:s5+$0x6810] =	vst v3;
	v1 =	vmul.f32 v1, v5;
	v3 =	vld [tilespmem:s5+$0x1850];
	(pc) =	sbr.rel @p1 .LBB2_21-.Ltmp9, $4  }
0x41a: {  	v4 =	vld [tilespmem:s5+$0x4050]  }
0x41b: {  	[tilespmem:s5+$0x6820] =	vst v1;
	v7 =	vmul.f32 v2, v7;
	v1 =	vld [tilespmem:s5+$0x1860]  }
0x41c: {  	s17 =	sshra.s32 s22, $0x2;
	v5 =	vld [tilespmem:s5+$0x4060]  }
0x41d: {  	s22 =	sadd.s32 $0x200, s22;
	v2 =	vld [tilespmem:s17+$0x1870];
	[tilespmem:s5+$0x6830] =	vst v7;
	v6 =	vmul.f32 v8, v6  }
0x41e: {  	v7 =	vld [tilespmem:s17+$0x4070]  }
0x41f: {  	v8 =	vld [tilespmem:s17+$0x1800];
	[tilespmem:s5+$0x6840] =	vst v6;
	v3 =	vmul.f32 v4, v3  }
0x420: {  	v57 =	vld [tilespmem:s17+$0x4000]  }
0x421: {  	v6 =	vld [tilespmem:s17+$0x1810];
	[tilespmem:s5+$0x6850] =	vst v3;
	v1 =	vmul.f32 v5, v1  }
0x422: {  	v3 =	vld [tilespmem:s17+$0x4010]  }
0x423: {  	v58 =	vld [tilespmem:s17+$0x1820];
	[tilespmem:s5+$0x6860] =	vst v1  }
0x424: {  	v1 =	vmul.f32 v7, v2;
	v2 =	vld [tilespmem:s17+$0x4020]  }
0x425: {  	v59 =	vld [tilespmem:s17+$0x1830]  }
0x426: {  	v60 =	vld [tilespmem:s17+$0x1840]  }
0x427: {  	v61 =	vld [tilespmem:s17+$0x4040]  }
0x428: {  	v62 =	vld [tilespmem:s17+$0x4050]  }
0x429: {  	[tilespmem:s17+$0x6870] =	vst v1;
	v1 =	vld [tilespmem:s17+$0x4030];
	v3 =	vmul.f32 v3, v6  }
0x42a: {  	v63 =	vld [tilespmem:s17+$0x4060];
	v2 =	vmul.f32 v2, v58  }
0x42b: {  	[tilespmem:s17+$0x6810] =	vst v3;
	v3 =	vld [tilespmem:s17+$0x1850]  }
0x42c: {  	[tilespmem:s17+$0x6820] =	vst v2;
	v2 =	vld [tilespmem:s17+$0x1860]  }
0x42d: {  	v4 =	vmul.f32 v57, v8  }
0x42e: {  	v1 =	vmul.f32 v1, v59  }
0x42f: {  	[tilespmem:s17+$0x6800] =	vst v4;
	v4 =	vmul.f32 v61, v60  }
0x430: {  	[tilespmem:s17+$0x6830] =	vst v1;
	v1 =	vmul.f32 v62, v3  }
0x431: {  	s11 =	sadd.s32 $0x1, s11;
	[tilespmem:s17+$0x6840] =	vst v4;
	v2 =	vmul.f32 v63, v2  }
0x432: {  	p1 =	sne.s32 s11, $0x7D;
	[tilespmem:s17+$0x6850] =	vst v1  }
.Ltmp10:
0x433: {  	[tilespmem:s17+$0x6860] =	vst v2;
	(pc) =	sbr.rel @p1 .LBB2_14-.Ltmp10, $4  }
0x434: {  	_ =	swait.ge [sflag:s0], $0x28  }
0x435: {  	s23 =	simm.s32 $0x380;
	[sflag:s0] =	ssyncset.done $0x0  }
0x436: {  	s28 =	simm.s32 $0x6800;
	s18 =	simm.s32 $0x100;
	[sflag:s0] =	ssyncadd.s32 $0xFFFFFFD8  }
0x437: {  	[spmem:s3] =	stream.indirect.scatter.add.f32 [tilespmem:s28], [sflag:$0x6], $0x80, s23, s26, $0xb8;
	[tilespmem:$0x1C800] =	vst v63  }
0x438: {  	_ =	swait.ge [sflag:s29], $0x1400  }
0x439: {  	[sflag:s29] =	ssyncset.done $0x0  }
0x43a: {  	[sflag:s29] =	ssyncadd.s32 $0xFFFFEC00  }
0x43b: {  	_ =	swait.ge [sflag:s31], $0x1400  }
0x43c: {  	[sflag:s31] =	ssyncset.done $0x0  }
0x43d: {  	[sflag:s31] =	ssyncadd.s32 $0xFFFFEC00  }
0x43e: {  	[bflag:$0x0] =	sbarrier.arrive $0xFFFF  }
0x43f: {  	s11 =	sld [smem:$0x7E6];
	_ =	sdelay $0x1  }
0x440: {  	s4 =	simm.s32 @p0 $0x1FCF;
	s5 =	rddreg [dreg:$0x11]  }
0x441: {  	[hbm:s5], [sflag:s4] =	dma.local @p0 [spmem:s11], $0x1900  }
0x442: {  	s4 =	simm.s32 @p0 $0xF  }
0x443: {  	_ =	swait.ge @p0 [sflag:s4], $0x1900  }
0x444: {  	s5 =	sld [smem:$0x7E7]  }
0x445: {  	s11 =	sld [smem:$0x7E8]  }
0x446: {  	[sflag:s4] =	ssyncset.done @p0 $0x0  }
0x447: {  	[sflag:s4] =	ssyncadd.s32 @p0 $0xFFFFE700;
	s4 =	rddreg [dreg:$0xa]  }
0x448: {  	[hbm:s4], [sflag:s5] =	dma.local @!p0 [spmem:s11], $0x2800  }
0x449: {  	s4 =	simm.s32 @!p0 $0xF  }
0x44a: {  	_ =	swait.ge @!p0 [sflag:s4], $0x2800  }
0x44b: {  	s23 =	sld [smem:$0x7E9];
	_ =	sdelay $0x2  }
0x44c: {  	s28 =	rddreg [dreg:$0x12];
	s11 =	sadd.s32 $0x1, s23  }
0x44d: {  	p1 =	sne.s32 s11, s28  }
.Ltmp11:
0x44e: {  	_ = 	snop;
	(pc) =	sbr.rel @p1 .LBB2_1-.Ltmp11, $3  }
0x44f: {  	_ =	sdelay $0x1  }
0x450: {  	[sflag:s4] =	ssyncset.done @!p0 $0x0  }
0x451: {  	[sflag:s4] =	ssyncadd.s32 @!p0 $0xFFFFD800  }
0x452: {  	_ =	sfence.sel $0x180000  }
0x453: {  	[bflag:$0x0] =	sbarrier.arrive $0xFFFF  }
0x454: {  	_ =	strace $0x90000047  }
0x455: {  	s0 =	stileid.u32;
	[bflag:$0x2] =	sbarrier.arrive $0xFFFF  }
0x456: {  	p0 =	sne.s32 s0, $0x0;
	s0 =	rddreg [dreg:$0x4]  }
0x457: {  	s0 =	sadd.s32 @!p0 $0x100000, s0  }
0x458: {  	[sflag:s0] =	ssyncadd.tile.s32 @!p0 $0x1;
	_ =	shalt  }
.Lfunc_end2:
_tile_overlayer_lowered:
.L_overlay_start_2:
0x459: {  	(tag) =	ssettag $0x2  }
0x45a: {  	s0 =	rddreg [dreg:$0x0];
	s2 =	stileid.u32  }
0x45b: {  	s1 =	rddreg [dreg:$0x1];
	p0 =	sne.s32 s2, $0x0  }
0x45c: {  	s3 =	rddreg [dreg:$0x2];
	[bflag:$0x3] =	sbarrier.arrive $0xFFFF;
	s2 =	simm.s32 @!p0 $0x1C0F  }
0x45d: {  	[timem:s3], [sflag:s2] =	dma.local @!p0 [hbm:s0], s1  }
0x45e: {  	s0 =	simm.s32 @!p0 $0xF  }
0x45f: {  	_ =	swait.ge @!p0 [sflag:s0], s1  }
0x460: {  	s1 =	ssub.s32 @!p0 $0x0, s1;
	[sflag:s0] =	ssyncset.done @!p0 $0x0  }
0x461: {  	[sflag:s0] =	ssyncadd.s32 @!p0 s1  }
0x462: {  	[bflag:$0x3] =	sbarrier.arrive $0xFFFF  }
0x463: {  	_ =	shalt  }

</sc_bundles>
